<compile_context>
chip_gen: v7x
topology: tpu7x:2x2x1
jax: 0.10.2.dev20260603
libtpu: 0.0.44.dev20260713+nightly
codegen_flags: <defaults>
</compile_context>

<pallas_src>
import jax
import jax.numpy as jnp
from jax import lax
from jax.experimental import pallas as pl
from jax.experimental.pallas import tpu as pltpu
from jax.experimental.pallas import tpu_sc as plsc

_BATCH = 16384
_SEQ = 50
_DIM = 32
_CLS = 2

_NW = 32
_BPW = _BATCH // _NW
_GRP = 16
_NGRP = _BPW // _GRP
_ROWS = _GRP * _SEQ
_CHUNK = 100
_NCHUNK = _ROWS // _CHUNK


def _qnet_kernel(x_hbm, we_hbm, bb_hbm, table_hbm, out_hbm,
                 idx_v, rows_a, rows_b, we_v, bb_v, out_v, sem_a, sem_b):
    wid = lax.axis_index("s") * 2 + lax.axis_index("c")

    pltpu.sync_copy(x_hbm.at[wid], idx_v)
    pltpu.sync_copy(we_hbm, we_v)
    pltpu.sync_copy(bb_hbm, bb_v)

    w00 = we_v[0, 0:16]
    w01 = we_v[0, 16:32]
    w10 = we_v[1, 0:16]
    w11 = we_v[1, 16:32]
    bb0 = bb_v[0, :]
    bb1 = bb_v[1, :]
    lane15 = lax.iota(jnp.int32, 16) == 15

    def issue(g, rows_v, sem):
        for j in range(_NCHUNK):
            pltpu.async_copy(
                table_hbm.at[idx_v.at[g * _NCHUNK + j]],
                rows_v.at[pl.ds(j * _CHUNK, _CHUNK), :],
                sem)

    def drain(g, rows_v, sem):
        for j in range(_NCHUNK):
            pltpu.make_async_copy(
                table_hbm.at[idx_v.at[g * _NCHUNK + j]],
                rows_v.at[pl.ds(j * _CHUNK, _CHUNK), :],
                sem).wait()

    def compute(g, rows_v):
        def batch_body(bi, c2):
            r0 = bi * _SEQ
            acc0 = rows_v[r0, 0:16]
            acc1 = rows_v[r0, 16:32]
            for s in range(1, _SEQ):
                acc0 = acc0 + rows_v[r0 + s, 0:16]
                acc1 = acc1 + rows_v[r0 + s, 16:32]
            cs0 = jnp.cumsum(acc0 * w00 + acc1 * w01) + bb0
            cs1 = jnp.cumsum(acc0 * w10 + acc1 * w11) + bb1
            o = (g * _GRP + bi) * _CLS
            plsc.store_compressed(out_v.at[pl.ds(o, 16)], cs0, mask=lane15)
            plsc.store_compressed(out_v.at[pl.ds(o + 1, 16)], cs1, mask=lane15)
            return c2

        lax.fori_loop(0, _GRP, batch_body, 0)

    bufs = ((rows_a, sem_a), (rows_b, sem_b))

    issue(0, rows_a, sem_a)

    def pair_body(j, carry):
        g0 = j * 2
        for p in (0, 1):
            g = g0 + p
            rows_v, sem = bufs[p]
            nrows, nsem = bufs[1 - p]
            drain(g, rows_v, sem)
            issue(g + 1, nrows, nsem)
            compute(g, rows_v)
        return carry

    lax.fori_loop(0, _NGRP // 2 - 1, pair_body, 0)

    drain(_NGRP - 2, rows_a, sem_a)
    issue(_NGRP - 1, rows_b, sem_b)
    compute(_NGRP - 2, rows_a)
    drain(_NGRP - 1, rows_b, sem_b)
    compute(_NGRP - 1, rows_b)

    pltpu.sync_copy(out_v.at[pl.ds(0, _BPW * _CLS)],
                    out_hbm.at[pl.ds(wid * _BPW * _CLS, _BPW * _CLS)])


def kernel(x, table, W, b):
    xr = x.reshape(_NW, _NGRP * _NCHUNK, _CHUNK)
    we = W / float(_SEQ)
    bb = jnp.broadcast_to(b[:, None], (_CLS, 16))

    mesh = plsc.VectorSubcoreMesh(core_axis_name="c", subcore_axis_name="s")
    f = pl.kernel(
        _qnet_kernel,
        mesh=mesh,
        compiler_params=pltpu.CompilerParams(
            needs_layout_passes=False, use_tc_tiling_on_sc=False),
        out_type=jax.ShapeDtypeStruct((_BATCH * _CLS,), jnp.float32),
        scratch_types=[
            pltpu.VMEM((_NGRP * _NCHUNK, _CHUNK), jnp.int32),
            pltpu.VMEM((_ROWS, _DIM), jnp.float32),
            pltpu.VMEM((_ROWS, _DIM), jnp.float32),
            pltpu.VMEM((_CLS, _DIM), jnp.float32),
            pltpu.VMEM((_CLS, 16), jnp.float32),
            pltpu.VMEM((_BPW * _CLS + 16,), jnp.float32),
            pltpu.SemaphoreType.DMA,
            pltpu.SemaphoreType.DMA,
        ],
    )
    return f(xr, we, bb, table).reshape(_BATCH, _CLS)

# --- scband reference (transcript-rebuilt; emitter-appended) ---
"""Pipeline reference for scband-qnetwork-66941360276257 (READ-ONLY COPY).

The authoritative reference and input builder live on the scoring server;
editing this copy changes nothing except your own understanding.
"""

import jax, jax.numpy as jnp
import numpy as np

VOCAB = 1000000
EMBED_DIM = 32
NUM_CLASSES = 2
BATCH = 16384
SEQ = 50


def setup_inputs(seed: int = 0) -> dict:
    key = jax.random.key(seed)
    k1, k2, k3, k4 = jax.random.split(key, 4)
    x = jax.random.randint(k1, (BATCH, SEQ), 0, VOCAB, dtype=jnp.int32)
    table = jax.random.normal(k2, (VOCAB, EMBED_DIM), dtype=jnp.float32) * 0.02
    # padding_idx=1 -> that row is zero
    table = table.at[1].set(0.0)
    W = jax.random.normal(k3, (NUM_CLASSES, EMBED_DIM), dtype=jnp.float32) * 0.1
    b = jax.random.normal(k4, (NUM_CLASSES,), dtype=jnp.float32) * 0.01
    return {"x": x, "table": table, "W": W, "b": b}


def reference(x, table, W, b):
    # nn.Embedding lookup (padding row already zeroed in table)
    emb = jnp.take(table, x, axis=0)          # [B, S, D]
    pooled = emb.mean(axis=1)                  # [B, D]
    out = pooled @ W.T + b                     # [B, num_classes]
    return out

if __name__ == "__main__":
    import jax
    _d = setup_inputs()
    print(jax.jit(kernel)(*tuple(_d.values())))

</pallas_src>

<mosaic_0001>
#map = affine_map<(d0, d1) -> (0, 0, 0)>
#map1 = affine_map<(d0, d1) -> (0, 0)>
#map2 = affine_map<(d0, d1) -> (0)>
module attributes {stable_mosaic.version = 14 : i64} {
  func.func @_qnet_kernel(%arg0: i32, %arg1: i32, %arg2: memref<32x256x100xi32, #tpu.memory_space<hbm>>, %arg3: memref<2x32xf32, #tpu.memory_space<hbm>>, %arg4: memref<2x16xf32, #tpu.memory_space<hbm>>, %arg5: memref<1000000x32xf32, #tpu.memory_space<hbm>>, %arg6: memref<32768xf32, #tpu.memory_space<hbm>>, %arg7: memref<256x100xi32, #tpu.memory_space<vmem>>, %arg8: memref<800x32xf32, #tpu.memory_space<vmem>>, %arg9: memref<800x32xf32, #tpu.memory_space<vmem>>, %arg10: memref<2x32xf32, #tpu.memory_space<vmem>>, %arg11: memref<2x16xf32, #tpu.memory_space<vmem>>, %arg12: memref<1040xf32, #tpu.memory_space<vmem>>, %arg13: memref<!tpu.dma_semaphore, #tpu.memory_space<semaphore_mem>>, %arg14: memref<!tpu.dma_semaphore, #tpu.memory_space<semaphore_mem>>) attributes {dimension_semantics = [#tpu.dimension_semantics<core_parallel>, #tpu.dimension_semantics<subcore_parallel>], iteration_bounds = array<i64: 2, 16>, scalar_prefetch = 0 : i64, scratch_operands = 8 : i64, tpu.core_type = #tpu.core_type<sc_vector_subcore>, window_params = [{transform_indices = #map}, {transform_indices = #map1}, {transform_indices = #map1}, {transform_indices = #map1}, {transform_indices = #map2}]} {
    %mul3A = arith.constant 2 : i32
    %mul3A_0 = arith.muli %arg1, %mul3A : i32
    %add3A = arith.addi %mul3A_0, %arg0 : i32
    "tpu.region"() ({
      %run_scoped3A = tpu.sem_alloc : memref<!tpu.dma_semaphore, #tpu.memory_space<semaphore_mem>>
      %dma_start3A_365 = arith.constant 0 : i32
      %dma_start3A_366 = arith.constant 0 : i32
      %dma_start3A_367 = tpu.memref_slice %arg2[%add3A, %dma_start3A_365, %dma_start3A_366] : memref<32x256x100xi32, #tpu.memory_space<hbm>> -> memref<1x256x100xi32, #tpu.memory_space<hbm>>
      %dma_start3A_368 = tpu.memref_squeeze %dma_start3A_367 : memref<1x256x100xi32, #tpu.memory_space<hbm>> -> memref<256x100xi32, #tpu.memory_space<hbm>>
      %dma_start3A_369 = arith.constant 0 : i32
      %dma_start3A_370 = arith.constant 0 : i32
      %dma_start3A_371 = tpu.memref_slice %arg2[%add3A, %dma_start3A_369, %dma_start3A_370] : memref<32x256x100xi32, #tpu.memory_space<hbm>> -> memref<1x256x100xi32, #tpu.memory_space<hbm>>
      %dma_start3A_372 = tpu.memref_squeeze %dma_start3A_371 : memref<1x256x100xi32, #tpu.memory_space<hbm>> -> memref<256x100xi32, #tpu.memory_space<hbm>>
      tpu.enqueue_dma source(%dma_start3A_372 : memref<256x100xi32, #tpu.memory_space<hbm>>) target(%arg7 : memref<256x100xi32, #tpu.memory_space<vmem>>) target_semaphore(%run_scoped3A : memref<!tpu.dma_semaphore, #tpu.memory_space<semaphore_mem>>)
      %dma_wait3A_373 = arith.constant 0 : i32
      %dma_wait3A_374 = arith.constant 0 : i32
      %dma_wait3A_375 = tpu.memref_slice %arg2[%add3A, %dma_wait3A_373, %dma_wait3A_374] : memref<32x256x100xi32, #tpu.memory_space<hbm>> -> memref<1x256x100xi32, #tpu.memory_space<hbm>>
      %dma_wait3A_376 = tpu.memref_squeeze %dma_wait3A_375 : memref<1x256x100xi32, #tpu.memory_space<hbm>> -> memref<256x100xi32, #tpu.memory_space<hbm>>
      %dma_wait3A_377 = arith.constant 0 : i32
      %dma_wait3A_378 = arith.constant 0 : i32
      %dma_wait3A_379 = tpu.memref_slice %arg2[%add3A, %dma_wait3A_377, %dma_wait3A_378] : memref<32x256x100xi32, #tpu.memory_space<hbm>> -> memref<1x256x100xi32, #tpu.memory_space<hbm>>
      %dma_wait3A_380 = tpu.memref_squeeze %dma_wait3A_379 : memref<1x256x100xi32, #tpu.memory_space<hbm>> -> memref<256x100xi32, #tpu.memory_space<hbm>>
      tpu.wait_dma2 semaphore(%run_scoped3A : memref<!tpu.dma_semaphore, #tpu.memory_space<semaphore_mem>>) src(%dma_wait3A_380 : memref<256x100xi32, #tpu.memory_space<hbm>>) dst(%arg7 : memref<256x100xi32, #tpu.memory_space<vmem>>)
      tpu.yield
    }) : () -> ()
    "tpu.region"() ({
      %run_scoped3A = tpu.sem_alloc : memref<!tpu.dma_semaphore, #tpu.memory_space<semaphore_mem>>
      tpu.enqueue_dma source(%arg3 : memref<2x32xf32, #tpu.memory_space<hbm>>) target(%arg10 : memref<2x32xf32, #tpu.memory_space<vmem>>) target_semaphore(%run_scoped3A : memref<!tpu.dma_semaphore, #tpu.memory_space<semaphore_mem>>)
      tpu.wait_dma2 semaphore(%run_scoped3A : memref<!tpu.dma_semaphore, #tpu.memory_space<semaphore_mem>>) src(%arg3 : memref<2x32xf32, #tpu.memory_space<hbm>>) dst(%arg10 : memref<2x32xf32, #tpu.memory_space<vmem>>)
      tpu.yield
    }) : () -> ()
    "tpu.region"() ({
      %run_scoped3A = tpu.sem_alloc : memref<!tpu.dma_semaphore, #tpu.memory_space<semaphore_mem>>
      tpu.enqueue_dma source(%arg4 : memref<2x16xf32, #tpu.memory_space<hbm>>) target(%arg11 : memref<2x16xf32, #tpu.memory_space<vmem>>) target_semaphore(%run_scoped3A : memref<!tpu.dma_semaphore, #tpu.memory_space<semaphore_mem>>)
      tpu.wait_dma2 semaphore(%run_scoped3A : memref<!tpu.dma_semaphore, #tpu.memory_space<semaphore_mem>>) src(%arg4 : memref<2x16xf32, #tpu.memory_space<hbm>>) dst(%arg11 : memref<2x16xf32, #tpu.memory_space<vmem>>)
      tpu.yield
    }) : () -> ()
    %get3A = arith.constant 0 : i32
    %get3A_1 = arith.index_cast %get3A : i32 to index
    %get3A_2 = arith.constant 0 : index
    %get3A_3 = tpu.vector_load %arg10[%get3A_1, %get3A_2] {strides = array<i32>} : memref<2x32xf32, #tpu.memory_space<vmem>>, vector<16xf32>,
    %get3A_4 = arith.constant 0 : i32
    %get3A_5 = arith.index_cast %get3A_4 : i32 to index
    %get3A_6 = arith.constant 16 : index
    %get3A_7 = tpu.vector_load %arg10[%get3A_5, %get3A_6] {strides = array<i32>} : memref<2x32xf32, #tpu.memory_space<vmem>>, vector<16xf32>,
    %get3A_8 = arith.constant 1 : i32
    %get3A_9 = arith.index_cast %get3A_8 : i32 to index
    %get3A_10 = arith.constant 0 : index
    %get3A_11 = tpu.vector_load %arg10[%get3A_9, %get3A_10] {strides = array<i32>} : memref<2x32xf32, #tpu.memory_space<vmem>>, vector<16xf32>,
    %get3A_12 = arith.constant 1 : i32
    %get3A_13 = arith.index_cast %get3A_12 : i32 to index
    %get3A_14 = arith.constant 16 : index
    %get3A_15 = tpu.vector_load %arg10[%get3A_13, %get3A_14] {strides = array<i32>} : memref<2x32xf32, #tpu.memory_space<vmem>>, vector<16xf32>,
    %get3A_16 = arith.constant 0 : i32
    %get3A_17 = arith.index_cast %get3A_16 : i32 to index
    %get3A_18 = arith.constant 0 : index
    %get3A_19 = tpu.vector_load %arg11[%get3A_17, %get3A_18] {strides = array<i32>} : memref<2x16xf32, #tpu.memory_space<vmem>>, vector<16xf32>,
    %get3A_20 = arith.constant 1 : i32
    %get3A_21 = arith.index_cast %get3A_20 : i32 to index
    %get3A_22 = arith.constant 0 : index
    %get3A_23 = tpu.vector_load %arg11[%get3A_21, %get3A_22] {strides = array<i32>} : memref<2x16xf32, #tpu.memory_space<vmem>>, vector<16xf32>,
    %iota3A = tpu.iota {dimensions = array<i32: 0>} : vector<16xi32>
    %eq3A = arith.constant 15 : i32
    %eq3A_24 = vector.broadcast %eq3A : i32 to vector<16xi32>
    %eq3A_25 = arith.cmpi eq, %iota3A, %eq3A_24 : vector<16xi32>
    %dma_start3A = arith.constant 0 : i32
    %dma_start3A_26 = arith.constant 0 : i32
    %dma_start3A_27 = arith.constant 0 : i32
    %dma_start3A_28 = tpu.memref_slice %arg8[%dma_start3A_26, %dma_start3A_27] : memref<800x32xf32, #tpu.memory_space<vmem>> -> memref<100x32xf32, #tpu.memory_space<vmem>>
    %dma_start3A_29 = arith.constant 0 : i32
    %dma_start3A_30 = tpu.memref_slice %arg7[%dma_start3A, %dma_start3A_29] : memref<256x100xi32, #tpu.memory_space<vmem>> -> memref<1x100xi32, #tpu.memory_space<vmem>>
    %dma_start3A_31 = tpu.memref_squeeze %dma_start3A_30 : memref<1x100xi32, #tpu.memory_space<vmem>> -> memref<100xi32, #tpu.memory_space<vmem>>
    %dma_start3A_32 = arith.constant 0 : i32
    %dma_start3A_33 = arith.constant 0 : i32
    %dma_start3A_34 = tpu.memref_slice %arg5[%dma_start3A_32, %dma_start3A_33] : memref<1000000x32xf32, #tpu.memory_space<hbm>> -> memref<1000000x32xf32, #tpu.memory_space<hbm>>
    tpu.enqueue_indirect_dma source(%dma_start3A_34 : memref<1000000x32xf32, #tpu.memory_space<hbm>>) target(%dma_start3A_28 : memref<100x32xf32, #tpu.memory_space<vmem>>) offsets(%dma_start3A_31 : memref<100xi32, #tpu.memory_space<vmem>>) semaphore(%arg13 : memref<!tpu.dma_semaphore, #tpu.memory_space<semaphore_mem>>)
    %dma_start3A_35 = arith.constant 1 : i32
    %dma_start3A_36 = arith.constant 100 : i32
    %dma_start3A_37 = arith.constant 0 : i32
    %dma_start3A_38 = tpu.memref_slice %arg8[%dma_start3A_36, %dma_start3A_37] : memref<800x32xf32, #tpu.memory_space<vmem>> -> memref<100x32xf32, #tpu.memory_space<vmem>>
    %dma_start3A_39 = arith.constant 0 : i32
    %dma_start3A_40 = tpu.memref_slice %arg7[%dma_start3A_35, %dma_start3A_39] : memref<256x100xi32, #tpu.memory_space<vmem>> -> memref<1x100xi32, #tpu.memory_space<vmem>>
    %dma_start3A_41 = tpu.memref_squeeze %dma_start3A_40 : memref<1x100xi32, #tpu.memory_space<vmem>> -> memref<100xi32, #tpu.memory_space<vmem>>
    %dma_start3A_42 = arith.constant 0 : i32
    %dma_start3A_43 = arith.constant 0 : i32
    %dma_start3A_44 = tpu.memref_slice %arg5[%dma_start3A_42, %dma_start3A_43] : memref<1000000x32xf32, #tpu.memory_space<hbm>> -> memref<1000000x32xf32, #tpu.memory_space<hbm>>
    tpu.enqueue_indirect_dma source(%dma_start3A_44 : memref<1000000x32xf32, #tpu.memory_space<hbm>>) target(%dma_start3A_38 : memref<100x32xf32, #tpu.memory_space<vmem>>) offsets(%dma_start3A_41 : memref<100xi32, #tpu.memory_space<vmem>>) semaphore(%arg13 : memref<!tpu.dma_semaphore, #tpu.memory_space<semaphore_mem>>)
    %dma_start3A_45 = arith.constant 2 : i32
    %dma_start3A_46 = arith.constant 200 : i32
    %dma_start3A_47 = arith.constant 0 : i32
    %dma_start3A_48 = tpu.memref_slice %arg8[%dma_start3A_46, %dma_start3A_47] : memref<800x32xf32, #tpu.memory_space<vmem>> -> memref<100x32xf32, #tpu.memory_space<vmem>>
    %dma_start3A_49 = arith.constant 0 : i32
    %dma_start3A_50 = tpu.memref_slice %arg7[%dma_start3A_45, %dma_start3A_49] : memref<256x100xi32, #tpu.memory_space<vmem>> -> memref<1x100xi32, #tpu.memory_space<vmem>>
    %dma_start3A_51 = tpu.memref_squeeze %dma_start3A_50 : memref<1x100xi32, #tpu.memory_space<vmem>> -> memref<100xi32, #tpu.memory_space<vmem>>
    %dma_start3A_52 = arith.constant 0 : i32
    %dma_start3A_53 = arith.constant 0 : i32
    %dma_start3A_54 = tpu.memref_slice %arg5[%dma_start3A_52, %dma_start3A_53] : memref<1000000x32xf32, #tpu.memory_space<hbm>> -> memref<1000000x32xf32, #tpu.memory_space<hbm>>
    tpu.enqueue_indirect_dma source(%dma_start3A_54 : memref<1000000x32xf32, #tpu.memory_space<hbm>>) target(%dma_start3A_48 : memref<100x32xf32, #tpu.memory_space<vmem>>) offsets(%dma_start3A_51 : memref<100xi32, #tpu.memory_space<vmem>>) semaphore(%arg13 : memref<!tpu.dma_semaphore, #tpu.memory_space<semaphore_mem>>)
    %dma_start3A_55 = arith.constant 3 : i32
    %dma_start3A_56 = arith.constant 300 : i32
    %dma_start3A_57 = arith.constant 0 : i32
    %dma_start3A_58 = tpu.memref_slice %arg8[%dma_start3A_56, %dma_start3A_57] : memref<800x32xf32, #tpu.memory_space<vmem>> -> memref<100x32xf32, #tpu.memory_space<vmem>>
    %dma_start3A_59 = arith.constant 0 : i32
    %dma_start3A_60 = tpu.memref_slice %arg7[%dma_start3A_55, %dma_start3A_59] : memref<256x100xi32, #tpu.memory_space<vmem>> -> memref<1x100xi32, #tpu.memory_space<vmem>>
    %dma_start3A_61 = tpu.memref_squeeze %dma_start3A_60 : memref<1x100xi32, #tpu.memory_space<vmem>> -> memref<100xi32, #tpu.memory_space<vmem>>
    %dma_start3A_62 = arith.constant 0 : i32
    %dma_start3A_63 = arith.constant 0 : i32
    %dma_start3A_64 = tpu.memref_slice %arg5[%dma_start3A_62, %dma_start3A_63] : memref<1000000x32xf32, #tpu.memory_space<hbm>> -> memref<1000000x32xf32, #tpu.memory_space<hbm>>
    tpu.enqueue_indirect_dma source(%dma_start3A_64 : memref<1000000x32xf32, #tpu.memory_space<hbm>>) target(%dma_start3A_58 : memref<100x32xf32, #tpu.memory_space<vmem>>) offsets(%dma_start3A_61 : memref<100xi32, #tpu.memory_space<vmem>>) semaphore(%arg13 : memref<!tpu.dma_semaphore, #tpu.memory_space<semaphore_mem>>)
    %dma_start3A_65 = arith.constant 4 : i32
    %dma_start3A_66 = arith.constant 400 : i32
    %dma_start3A_67 = arith.constant 0 : i32
    %dma_start3A_68 = tpu.memref_slice %arg8[%dma_start3A_66, %dma_start3A_67] : memref<800x32xf32, #tpu.memory_space<vmem>> -> memref<100x32xf32, #tpu.memory_space<vmem>>
    %dma_start3A_69 = arith.constant 0 : i32
    %dma_start3A_70 = tpu.memref_slice %arg7[%dma_start3A_65, %dma_start3A_69] : memref<256x100xi32, #tpu.memory_space<vmem>> -> memref<1x100xi32, #tpu.memory_space<vmem>>
    %dma_start3A_71 = tpu.memref_squeeze %dma_start3A_70 : memref<1x100xi32, #tpu.memory_space<vmem>> -> memref<100xi32, #tpu.memory_space<vmem>>
    %dma_start3A_72 = arith.constant 0 : i32
    %dma_start3A_73 = arith.constant 0 : i32
    %dma_start3A_74 = tpu.memref_slice %arg5[%dma_start3A_72, %dma_start3A_73] : memref<1000000x32xf32, #tpu.memory_space<hbm>> -> memref<1000000x32xf32, #tpu.memory_space<hbm>>
    tpu.enqueue_indirect_dma source(%dma_start3A_74 : memref<1000000x32xf32, #tpu.memory_space<hbm>>) target(%dma_start3A_68 : memref<100x32xf32, #tpu.memory_space<vmem>>) offsets(%dma_start3A_71 : memref<100xi32, #tpu.memory_space<vmem>>) semaphore(%arg13 : memref<!tpu.dma_semaphore, #tpu.memory_space<semaphore_mem>>)
    %dma_start3A_75 = arith.constant 5 : i32
    %dma_start3A_76 = arith.constant 500 : i32
    %dma_start3A_77 = arith.constant 0 : i32
    %dma_start3A_78 = tpu.memref_slice %arg8[%dma_start3A_76, %dma_start3A_77] : memref<800x32xf32, #tpu.memory_space<vmem>> -> memref<100x32xf32, #tpu.memory_space<vmem>>
    %dma_start3A_79 = arith.constant 0 : i32
    %dma_start3A_80 = tpu.memref_slice %arg7[%dma_start3A_75, %dma_start3A_79] : memref<256x100xi32, #tpu.memory_space<vmem>> -> memref<1x100xi32, #tpu.memory_space<vmem>>
    %dma_start3A_81 = tpu.memref_squeeze %dma_start3A_80 : memref<1x100xi32, #tpu.memory_space<vmem>> -> memref<100xi32, #tpu.memory_space<vmem>>
    %dma_start3A_82 = arith.constant 0 : i32
    %dma_start3A_83 = arith.constant 0 : i32
    %dma_start3A_84 = tpu.memref_slice %arg5[%dma_start3A_82, %dma_start3A_83] : memref<1000000x32xf32, #tpu.memory_space<hbm>> -> memref<1000000x32xf32, #tpu.memory_space<hbm>>
    tpu.enqueue_indirect_dma source(%dma_start3A_84 : memref<1000000x32xf32, #tpu.memory_space<hbm>>) target(%dma_start3A_78 : memref<100x32xf32, #tpu.memory_space<vmem>>) offsets(%dma_start3A_81 : memref<100xi32, #tpu.memory_space<vmem>>) semaphore(%arg13 : memref<!tpu.dma_semaphore, #tpu.memory_space<semaphore_mem>>)
    %dma_start3A_85 = arith.constant 6 : i32
    %dma_start3A_86 = arith.constant 600 : i32
    %dma_start3A_87 = arith.constant 0 : i32
    %dma_start3A_88 = tpu.memref_slice %arg8[%dma_start3A_86, %dma_start3A_87] : memref<800x32xf32, #tpu.memory_space<vmem>> -> memref<100x32xf32, #tpu.memory_space<vmem>>
    %dma_start3A_89 = arith.constant 0 : i32
    %dma_start3A_90 = tpu.memref_slice %arg7[%dma_start3A_85, %dma_start3A_89] : memref<256x100xi32, #tpu.memory_space<vmem>> -> memref<1x100xi32, #tpu.memory_space<vmem>>
    %dma_start3A_91 = tpu.memref_squeeze %dma_start3A_90 : memref<1x100xi32, #tpu.memory_space<vmem>> -> memref<100xi32, #tpu.memory_space<vmem>>
    %dma_start3A_92 = arith.constant 0 : i32
    %dma_start3A_93 = arith.constant 0 : i32
    %dma_start3A_94 = tpu.memref_slice %arg5[%dma_start3A_92, %dma_start3A_93] : memref<1000000x32xf32, #tpu.memory_space<hbm>> -> memref<1000000x32xf32, #tpu.memory_space<hbm>>
    tpu.enqueue_indirect_dma source(%dma_start3A_94 : memref<1000000x32xf32, #tpu.memory_space<hbm>>) target(%dma_start3A_88 : memref<100x32xf32, #tpu.memory_space<vmem>>) offsets(%dma_start3A_91 : memref<100xi32, #tpu.memory_space<vmem>>) semaphore(%arg13 : memref<!tpu.dma_semaphore, #tpu.memory_space<semaphore_mem>>)
    %dma_start3A_95 = arith.constant 7 : i32
    %dma_start3A_96 = arith.constant 700 : i32
    %dma_start3A_97 = arith.constant 0 : i32
    %dma_start3A_98 = tpu.memref_slice %arg8[%dma_start3A_96, %dma_start3A_97] : memref<800x32xf32, #tpu.memory_space<vmem>> -> memref<100x32xf32, #tpu.memory_space<vmem>>
    %dma_start3A_99 = arith.constant 0 : i32
    %dma_start3A_100 = tpu.memref_slice %arg7[%dma_start3A_95, %dma_start3A_99] : memref<256x100xi32, #tpu.memory_space<vmem>> -> memref<1x100xi32, #tpu.memory_space<vmem>>
    %dma_start3A_101 = tpu.memref_squeeze %dma_start3A_100 : memref<1x100xi32, #tpu.memory_space<vmem>> -> memref<100xi32, #tpu.memory_space<vmem>>
    %dma_start3A_102 = arith.constant 0 : i32
    %dma_start3A_103 = arith.constant 0 : i32
    %dma_start3A_104 = tpu.memref_slice %arg5[%dma_start3A_102, %dma_start3A_103] : memref<1000000x32xf32, #tpu.memory_space<hbm>> -> memref<1000000x32xf32, #tpu.memory_space<hbm>>
    tpu.enqueue_indirect_dma source(%dma_start3A_104 : memref<1000000x32xf32, #tpu.memory_space<hbm>>) target(%dma_start3A_98 : memref<100x32xf32, #tpu.memory_space<vmem>>) offsets(%dma_start3A_101 : memref<100xi32, #tpu.memory_space<vmem>>) semaphore(%arg13 : memref<!tpu.dma_semaphore, #tpu.memory_space<semaphore_mem>>)
    %scan3A = arith.constant 0 : i32
    %scan3A_105 = arith.constant 0 : i32
    %scan3A_106 = arith.constant 15 : i32
    %scan3A_107 = arith.addi %scan3A_105, %scan3A_106 : i32
    %scan3A_108 = arith.constant 1 : i32
    scf.for %scan3A_365 = %scan3A_105 to %scan3A_107 step %scan3A_108  : i32 {
      %mul3A_366 = arith.constant 2 : i32
      %mul3A_367 = arith.muli %scan3A_365, %mul3A_366 : i32
      %add3A_368 = arith.constant 0 : i32
      %add3A_369 = arith.addi %mul3A_367, %add3A_368 : i32
      %mul3A_370 = arith.constant 8 : i32
      %mul3A_371 = arith.muli %add3A_369, %mul3A_370 : i32
      %add3A_372 = arith.constant 0 : i32
      %add3A_373 = arith.addi %mul3A_371, %add3A_372 : i32
      %dma_wait3A_374 = arith.constant 0 : i32
      %dma_wait3A_375 = arith.constant 0 : i32
      %dma_wait3A_376 = tpu.memref_slice %arg8[%dma_wait3A_374, %dma_wait3A_375] : memref<800x32xf32, #tpu.memory_space<vmem>> -> memref<100x32xf32, #tpu.memory_space<vmem>>
      %dma_wait3A_377 = arith.constant 0 : i32
      %dma_wait3A_378 = tpu.memref_slice %arg7[%add3A_373, %dma_wait3A_377] : memref<256x100xi32, #tpu.memory_space<vmem>> -> memref<1x100xi32, #tpu.memory_space<vmem>>
      %dma_wait3A_379 = tpu.memref_squeeze %dma_wait3A_378 : memref<1x100xi32, #tpu.memory_space<vmem>> -> memref<100xi32, #tpu.memory_space<vmem>>
      %dma_wait3A_380 = arith.constant 0 : i32
      %dma_wait3A_381 = arith.constant 0 : i32
      %dma_wait3A_382 = tpu.memref_slice %arg5[%dma_wait3A_380, %dma_wait3A_381] : memref<1000000x32xf32, #tpu.memory_space<hbm>> -> memref<1000000x32xf32, #tpu.memory_space<hbm>>
      tpu.wait_indirect_dma semaphore(%arg13 : memref<!tpu.dma_semaphore, #tpu.memory_space<semaphore_mem>>) src(%dma_wait3A_382 : memref<1000000x32xf32, #tpu.memory_space<hbm>>) dst(%dma_wait3A_376 : memref<100x32xf32, #tpu.memory_space<vmem>>)
      %mul3A_383 = arith.constant 8 : i32
      %mul3A_384 = arith.muli %add3A_369, %mul3A_383 : i32
      %add3A_385 = arith.constant 1 : i32
      %add3A_386 = arith.addi %mul3A_384, %add3A_385 : i32
      %dma_wait3A_387 = arith.constant 100 : i32
      %dma_wait3A_388 = arith.constant 0 : i32
      %dma_wait3A_389 = tpu.memref_slice %arg8[%dma_wait3A_387, %dma_wait3A_388] : memref<800x32xf32, #tpu.memory_space<vmem>> -> memref<100x32xf32, #tpu.memory_space<vmem>>
      %dma_wait3A_390 = arith.constant 0 : i32
      %dma_wait3A_391 = tpu.memref_slice %arg7[%add3A_386, %dma_wait3A_390] : memref<256x100xi32, #tpu.memory_space<vmem>> -> memref<1x100xi32, #tpu.memory_space<vmem>>
      %dma_wait3A_392 = tpu.memref_squeeze %dma_wait3A_391 : memref<1x100xi32, #tpu.memory_space<vmem>> -> memref<100xi32, #tpu.memory_space<vmem>>
      %dma_wait3A_393 = arith.constant 0 : i32
      %dma_wait3A_394 = arith.constant 0 : i32
      %dma_wait3A_395 = tpu.memref_slice %arg5[%dma_wait3A_393, %dma_wait3A_394] : memref<1000000x32xf32, #tpu.memory_space<hbm>> -> memref<1000000x32xf32, #tpu.memory_space<hbm>>
      tpu.wait_indirect_dma semaphore(%arg13 : memref<!tpu.dma_semaphore, #tpu.memory_space<semaphore_mem>>) src(%dma_wait3A_395 : memref<1000000x32xf32, #tpu.memory_space<hbm>>) dst(%dma_wait3A_389 : memref<100x32xf32, #tpu.memory_space<vmem>>)
      %mul3A_396 = arith.constant 8 : i32
      %mul3A_397 = arith.muli %add3A_369, %mul3A_396 : i32
      %add3A_398 = arith.constant 2 : i32
      %add3A_399 = arith.addi %mul3A_397, %add3A_398 : i32
      %dma_wait3A_400 = arith.constant 200 : i32
      %dma_wait3A_401 = arith.constant 0 : i32
      %dma_wait3A_402 = tpu.memref_slice %arg8[%dma_wait3A_400, %dma_wait3A_401] : memref<800x32xf32, #tpu.memory_space<vmem>> -> memref<100x32xf32, #tpu.memory_space<vmem>>
      %dma_wait3A_403 = arith.constant 0 : i32
      %dma_wait3A_404 = tpu.memref_slice %arg7[%add3A_399, %dma_wait3A_403] : memref<256x100xi32, #tpu.memory_space<vmem>> -> memref<1x100xi32, #tpu.memory_space<vmem>>
      %dma_wait3A_405 = tpu.memref_squeeze %dma_wait3A_404 : memref<1x100xi32, #tpu.memory_space<vmem>> -> memref<100xi32, #tpu.memory_space<vmem>>
      %dma_wait3A_406 = arith.constant 0 : i32
      %dma_wait3A_407 = arith.constant 0 : i32
      %dma_wait3A_408 = tpu.memref_slice %arg5[%dma_wait3A_406, %dma_wait3A_407] : memref<1000000x32xf32, #tpu.memory_space<hbm>> -> memref<1000000x32xf32, #tpu.memory_space<hbm>>
      tpu.wait_indirect_dma semaphore(%arg13 : memref<!tpu.dma_semaphore, #tpu.memory_space<semaphore_mem>>) src(%dma_wait3A_408 : memref<1000000x32xf32, #tpu.memory_space<hbm>>) dst(%dma_wait3A_402 : memref<100x32xf32, #tpu.memory_space<vmem>>)
      %mul3A_409 = arith.constant 8 : i32
      %mul3A_410 = arith.muli %add3A_369, %mul3A_409 : i32
      %add3A_411 = arith.constant 3 : i32
      %add3A_412 = arith.addi %mul3A_410, %add3A_411 : i32
      %dma_wait3A_413 = arith.constant 300 : i32
      %dma_wait3A_414 = arith.constant 0 : i32
      %dma_wait3A_415 = tpu.memref_slice %arg8[%dma_wait3A_413, %dma_wait3A_414] : memref<800x32xf32, #tpu.memory_space<vmem>> -> memref<100x32xf32, #tpu.memory_space<vmem>>
      %dma_wait3A_416 = arith.constant 0 : i32
      %dma_wait3A_417 = tpu.memref_slice %arg7[%add3A_412, %dma_wait3A_416] : memref<256x100xi32, #tpu.memory_space<vmem>> -> memref<1x100xi32, #tpu.memory_space<vmem>>
      %dma_wait3A_418 = tpu.memref_squeeze %dma_wait3A_417 : memref<1x100xi32, #tpu.memory_space<vmem>> -> memref<100xi32, #tpu.memory_space<vmem>>
      %dma_wait3A_419 = arith.constant 0 : i32
      %dma_wait3A_420 = arith.constant 0 : i32
      %dma_wait3A_421 = tpu.memref_slice %arg5[%dma_wait3A_419, %dma_wait3A_420] : memref<1000000x32xf32, #tpu.memory_space<hbm>> -> memref<1000000x32xf32, #tpu.memory_space<hbm>>
      tpu.wait_indirect_dma semaphore(%arg13 : memref<!tpu.dma_semaphore, #tpu.memory_space<semaphore_mem>>) src(%dma_wait3A_421 : memref<1000000x32xf32, #tpu.memory_space<hbm>>) dst(%dma_wait3A_415 : memref<100x32xf32, #tpu.memory_space<vmem>>)
      %mul3A_422 = arith.constant 8 : i32
      %mul3A_423 = arith.muli %add3A_369, %mul3A_422 : i32
      %add3A_424 = arith.constant 4 : i32
      %add3A_425 = arith.addi %mul3A_423, %add3A_424 : i32
      %dma_wait3A_426 = arith.constant 400 : i32
      %dma_wait3A_427 = arith.constant 0 : i32
      %dma_wait3A_428 = tpu.memref_slice %arg8[%dma_wait3A_426, %dma_wait3A_427] : memref<800x32xf32, #tpu.memory_space<vmem>> -> memref<100x32xf32, #tpu.memory_space<vmem>>
      %dma_wait3A_429 = arith.constant 0 : i32
      %dma_wait3A_430 = tpu.memref_slice %arg7[%add3A_425, %dma_wait3A_429] : memref<256x100xi32, #tpu.memory_space<vmem>> -> memref<1x100xi32, #tpu.memory_space<vmem>>
      %dma_wait3A_431 = tpu.memref_squeeze %dma_wait3A_430 : memref<1x100xi32, #tpu.memory_space<vmem>> -> memref<100xi32, #tpu.memory_space<vmem>>
      %dma_wait3A_432 = arith.constant 0 : i32
      %dma_wait3A_433 = arith.constant 0 : i32
      %dma_wait3A_434 = tpu.memref_slice %arg5[%dma_wait3A_432, %dma_wait3A_433] : memref<1000000x32xf32, #tpu.memory_space<hbm>> -> memref<1000000x32xf32, #tpu.memory_space<hbm>>
      tpu.wait_indirect_dma semaphore(%arg13 : memref<!tpu.dma_semaphore, #tpu.memory_space<semaphore_mem>>) src(%dma_wait3A_434 : memref<1000000x32xf32, #tpu.memory_space<hbm>>) dst(%dma_wait3A_428 : memref<100x32xf32, #tpu.memory_space<vmem>>)
      %mul3A_435 = arith.constant 8 : i32
      %mul3A_436 = arith.muli %add3A_369, %mul3A_435 : i32
      %add3A_437 = arith.constant 5 : i32
      %add3A_438 = arith.addi %mul3A_436, %add3A_437 : i32
      %dma_wait3A_439 = arith.constant 500 : i32
      %dma_wait3A_440 = arith.constant 0 : i32
      %dma_wait3A_441 = tpu.memref_slice %arg8[%dma_wait3A_439, %dma_wait3A_440] : memref<800x32xf32, #tpu.memory_space<vmem>> -> memref<100x32xf32, #tpu.memory_space<vmem>>
      %dma_wait3A_442 = arith.constant 0 : i32
      %dma_wait3A_443 = tpu.memref_slice %arg7[%add3A_438, %dma_wait3A_442] : memref<256x100xi32, #tpu.memory_space<vmem>> -> memref<1x100xi32, #tpu.memory_space<vmem>>
      %dma_wait3A_444 = tpu.memref_squeeze %dma_wait3A_443 : memref<1x100xi32, #tpu.memory_space<vmem>> -> memref<100xi32, #tpu.memory_space<vmem>>
      %dma_wait3A_445 = arith.constant 0 : i32
      %dma_wait3A_446 = arith.constant 0 : i32
      %dma_wait3A_447 = tpu.memref_slice %arg5[%dma_wait3A_445, %dma_wait3A_446] : memref<1000000x32xf32, #tpu.memory_space<hbm>> -> memref<1000000x32xf32, #tpu.memory_space<hbm>>
      tpu.wait_indirect_dma semaphore(%arg13 : memref<!tpu.dma_semaphore, #tpu.memory_space<semaphore_mem>>) src(%dma_wait3A_447 : memref<1000000x32xf32, #tpu.memory_space<hbm>>) dst(%dma_wait3A_441 : memref<100x32xf32, #tpu.memory_space<vmem>>)
      %mul3A_448 = arith.constant 8 : i32
      %mul3A_449 = arith.muli %add3A_369, %mul3A_448 : i32
      %add3A_450 = arith.constant 6 : i32
      %add3A_451 = arith.addi %mul3A_449, %add3A_450 : i32
      %dma_wait3A_452 = arith.constant 600 : i32
      %dma_wait3A_453 = arith.constant 0 : i32
      %dma_wait3A_454 = tpu.memref_slice %arg8[%dma_wait3A_452, %dma_wait3A_453] : memref<800x32xf32, #tpu.memory_space<vmem>> -> memref<100x32xf32, #tpu.memory_space<vmem>>
      %dma_wait3A_455 = arith.constant 0 : i32
      %dma_wait3A_456 = tpu.memref_slice %arg7[%add3A_451, %dma_wait3A_455] : memref<256x100xi32, #tpu.memory_space<vmem>> -> memref<1x100xi32, #tpu.memory_space<vmem>>
      %dma_wait3A_457 = tpu.memref_squeeze %dma_wait3A_456 : memref<1x100xi32, #tpu.memory_space<vmem>> -> memref<100xi32, #tpu.memory_space<vmem>>
      %dma_wait3A_458 = arith.constant 0 : i32
      %dma_wait3A_459 = arith.constant 0 : i32
      %dma_wait3A_460 = tpu.memref_slice %arg5[%dma_wait3A_458, %dma_wait3A_459] : memref<1000000x32xf32, #tpu.memory_space<hbm>> -> memref<1000000x32xf32, #tpu.memory_space<hbm>>
      tpu.wait_indirect_dma semaphore(%arg13 : memref<!tpu.dma_semaphore, #tpu.memory_space<semaphore_mem>>) src(%dma_wait3A_460 : memref<1000000x32xf32, #tpu.memory_space<hbm>>) dst(%dma_wait3A_454 : memref<100x32xf32, #tpu.memory_space<vmem>>)
      %mul3A_461 = arith.constant 8 : i32
      %mul3A_462 = arith.muli %add3A_369, %mul3A_461 : i32
      %add3A_463 = arith.constant 7 : i32
      %add3A_464 = arith.addi %mul3A_462, %add3A_463 : i32
      %dma_wait3A_465 = arith.constant 700 : i32
      %dma_wait3A_466 = arith.constant 0 : i32
      %dma_wait3A_467 = tpu.memref_slice %arg8[%dma_wait3A_465, %dma_wait3A_466] : memref<800x32xf32, #tpu.memory_space<vmem>> -> memref<100x32xf32, #tpu.memory_space<vmem>>
      %dma_wait3A_468 = arith.constant 0 : i32
      %dma_wait3A_469 = tpu.memref_slice %arg7[%add3A_464, %dma_wait3A_468] : memref<256x100xi32, #tpu.memory_space<vmem>> -> memref<1x100xi32, #tpu.memory_space<vmem>>
      %dma_wait3A_470 = tpu.memref_squeeze %dma_wait3A_469 : memref<1x100xi32, #tpu.memory_space<vmem>> -> memref<100xi32, #tpu.memory_space<vmem>>
      %dma_wait3A_471 = arith.constant 0 : i32
      %dma_wait3A_472 = arith.constant 0 : i32
      %dma_wait3A_473 = tpu.memref_slice %arg5[%dma_wait3A_471, %dma_wait3A_472] : memref<1000000x32xf32, #tpu.memory_space<hbm>> -> memref<1000000x32xf32, #tpu.memory_space<hbm>>
      tpu.wait_indirect_dma semaphore(%arg13 : memref<!tpu.dma_semaphore, #tpu.memory_space<semaphore_mem>>) src(%dma_wait3A_473 : memref<1000000x32xf32, #tpu.memory_space<hbm>>) dst(%dma_wait3A_467 : memref<100x32xf32, #tpu.memory_space<vmem>>)
      %add3A_474 = arith.constant 1 : i32
      %add3A_475 = arith.addi %add3A_369, %add3A_474 : i32
      %mul3A_476 = arith.constant 8 : i32
      %mul3A_477 = arith.muli %add3A_475, %mul3A_476 : i32
      %add3A_478 = arith.constant 0 : i32
      %add3A_479 = arith.addi %mul3A_477, %add3A_478 : i32
      %dma_start3A_480 = arith.constant 0 : i32
      %dma_start3A_481 = arith.constant 0 : i32
      %dma_start3A_482 = tpu.memref_slice %arg9[%dma_start3A_480, %dma_start3A_481] : memref<800x32xf32, #tpu.memory_space<vmem>> -> memref<100x32xf32, #tpu.memory_space<vmem>>
      %dma_start3A_483 = arith.constant 0 : i32
      %dma_start3A_484 = tpu.memref_slice %arg7[%add3A_479, %dma_start3A_483] : memref<256x100xi32, #tpu.memory_space<vmem>> -> memref<1x100xi32, #tpu.memory_space<vmem>>
      %dma_start3A_485 = tpu.memref_squeeze %dma_start3A_484 : memref<1x100xi32, #tpu.memory_space<vmem>> -> memref<100xi32, #tpu.memory_space<vmem>>
      %dma_start3A_486 = arith.constant 0 : i32
      %dma_start3A_487 = arith.constant 0 : i32
      %dma_start3A_488 = tpu.memref_slice %arg5[%dma_start3A_486, %dma_start3A_487] : memref<1000000x32xf32, #tpu.memory_space<hbm>> -> memref<1000000x32xf32, #tpu.memory_space<hbm>>
      tpu.enqueue_indirect_dma source(%dma_start3A_488 : memref<1000000x32xf32, #tpu.memory_space<hbm>>) target(%dma_start3A_482 : memref<100x32xf32, #tpu.memory_space<vmem>>) offsets(%dma_start3A_485 : memref<100xi32, #tpu.memory_space<vmem>>) semaphore(%arg14 : memref<!tpu.dma_semaphore, #tpu.memory_space<semaphore_mem>>)
      %mul3A_489 = arith.constant 8 : i32
      %mul3A_490 = arith.muli %add3A_475, %mul3A_489 : i32
      %add3A_491 = arith.constant 1 : i32
      %add3A_492 = arith.addi %mul3A_490, %add3A_491 : i32
      %dma_start3A_493 = arith.constant 100 : i32
      %dma_start3A_494 = arith.constant 0 : i32
      %dma_start3A_495 = tpu.memref_slice %arg9[%dma_start3A_493, %dma_start3A_494] : memref<800x32xf32, #tpu.memory_space<vmem>> -> memref<100x32xf32, #tpu.memory_space<vmem>>
      %dma_start3A_496 = arith.constant 0 : i32
      %dma_start3A_497 = tpu.memref_slice %arg7[%add3A_492, %dma_start3A_496] : memref<256x100xi32, #tpu.memory_space<vmem>> -> memref<1x100xi32, #tpu.memory_space<vmem>>
      %dma_start3A_498 = tpu.memref_squeeze %dma_start3A_497 : memref<1x100xi32, #tpu.memory_space<vmem>> -> memref<100xi32, #tpu.memory_space<vmem>>
      %dma_start3A_499 = arith.constant 0 : i32
      %dma_start3A_500 = arith.constant 0 : i32
      %dma_start3A_501 = tpu.memref_slice %arg5[%dma_start3A_499, %dma_start3A_500] : memref<1000000x32xf32, #tpu.memory_space<hbm>> -> memref<1000000x32xf32, #tpu.memory_space<hbm>>
      tpu.enqueue_indirect_dma source(%dma_start3A_501 : memref<1000000x32xf32, #tpu.memory_space<hbm>>) target(%dma_start3A_495 : memref<100x32xf32, #tpu.memory_space<vmem>>) offsets(%dma_start3A_498 : memref<100xi32, #tpu.memory_space<vmem>>) semaphore(%arg14 : memref<!tpu.dma_semaphore, #tpu.memory_space<semaphore_mem>>)
      %mul3A_502 = arith.constant 8 : i32
      %mul3A_503 = arith.muli %add3A_475, %mul3A_502 : i32
      %add3A_504 = arith.constant 2 : i32
      %add3A_505 = arith.addi %mul3A_503, %add3A_504 : i32
      %dma_start3A_506 = arith.constant 200 : i32
      %dma_start3A_507 = arith.constant 0 : i32
      %dma_start3A_508 = tpu.memref_slice %arg9[%dma_start3A_506, %dma_start3A_507] : memref<800x32xf32, #tpu.memory_space<vmem>> -> memref<100x32xf32, #tpu.memory_space<vmem>>
      %dma_start3A_509 = arith.constant 0 : i32
      %dma_start3A_510 = tpu.memref_slice %arg7[%add3A_505, %dma_start3A_509] : memref<256x100xi32, #tpu.memory_space<vmem>> -> memref<1x100xi32, #tpu.memory_space<vmem>>
      %dma_start3A_511 = tpu.memref_squeeze %dma_start3A_510 : memref<1x100xi32, #tpu.memory_space<vmem>> -> memref<100xi32, #tpu.memory_space<vmem>>
      %dma_start3A_512 = arith.constant 0 : i32
      %dma_start3A_513 = arith.constant 0 : i32
      %dma_start3A_514 = tpu.memref_slice %arg5[%dma_start3A_512, %dma_start3A_513] : memref<1000000x32xf32, #tpu.memory_space<hbm>> -> memref<1000000x32xf32, #tpu.memory_space<hbm>>
      tpu.enqueue_indirect_dma source(%dma_start3A_514 : memref<1000000x32xf32, #tpu.memory_space<hbm>>) target(%dma_start3A_508 : memref<100x32xf32, #tpu.memory_space<vmem>>) offsets(%dma_start3A_511 : memref<100xi32, #tpu.memory_space<vmem>>) semaphore(%arg14 : memref<!tpu.dma_semaphore, #tpu.memory_space<semaphore_mem>>)
      %mul3A_515 = arith.constant 8 : i32
      %mul3A_516 = arith.muli %add3A_475, %mul3A_515 : i32
      %add3A_517 = arith.constant 3 : i32
      %add3A_518 = arith.addi %mul3A_516, %add3A_517 : i32
      %dma_start3A_519 = arith.constant 300 : i32
      %dma_start3A_520 = arith.constant 0 : i32
      %dma_start3A_521 = tpu.memref_slice %arg9[%dma_start3A_519, %dma_start3A_520] : memref<800x32xf32, #tpu.memory_space<vmem>> -> memref<100x32xf32, #tpu.memory_space<vmem>>
      %dma_start3A_522 = arith.constant 0 : i32
      %dma_start3A_523 = tpu.memref_slice %arg7[%add3A_518, %dma_start3A_522] : memref<256x100xi32, #tpu.memory_space<vmem>> -> memref<1x100xi32, #tpu.memory_space<vmem>>
      %dma_start3A_524 = tpu.memref_squeeze %dma_start3A_523 : memref<1x100xi32, #tpu.memory_space<vmem>> -> memref<100xi32, #tpu.memory_space<vmem>>
      %dma_start3A_525 = arith.constant 0 : i32
      %dma_start3A_526 = arith.constant 0 : i32
      %dma_start3A_527 = tpu.memref_slice %arg5[%dma_start3A_525, %dma_start3A_526] : memref<1000000x32xf32, #tpu.memory_space<hbm>> -> memref<1000000x32xf32, #tpu.memory_space<hbm>>
      tpu.enqueue_indirect_dma source(%dma_start3A_527 : memref<1000000x32xf32, #tpu.memory_space<hbm>>) target(%dma_start3A_521 : memref<100x32xf32, #tpu.memory_space<vmem>>) offsets(%dma_start3A_524 : memref<100xi32, #tpu.memory_space<vmem>>) semaphore(%arg14 : memref<!tpu.dma_semaphore, #tpu.memory_space<semaphore_mem>>)
      %mul3A_528 = arith.constant 8 : i32
      %mul3A_529 = arith.muli %add3A_475, %mul3A_528 : i32
      %add3A_530 = arith.constant 4 : i32
      %add3A_531 = arith.addi %mul3A_529, %add3A_530 : i32
      %dma_start3A_532 = arith.constant 400 : i32
      %dma_start3A_533 = arith.constant 0 : i32
      %dma_start3A_534 = tpu.memref_slice %arg9[%dma_start3A_532, %dma_start3A_533] : memref<800x32xf32, #tpu.memory_space<vmem>> -> memref<100x32xf32, #tpu.memory_space<vmem>>
      %dma_start3A_535 = arith.constant 0 : i32
      %dma_start3A_536 = tpu.memref_slice %arg7[%add3A_531, %dma_start3A_535] : memref<256x100xi32, #tpu.memory_space<vmem>> -> memref<1x100xi32, #tpu.memory_space<vmem>>
      %dma_start3A_537 = tpu.memref_squeeze %dma_start3A_536 : memref<1x100xi32, #tpu.memory_space<vmem>> -> memref<100xi32, #tpu.memory_space<vmem>>
      %dma_start3A_538 = arith.constant 0 : i32
      %dma_start3A_539 = arith.constant 0 : i32
      %dma_start3A_540 = tpu.memref_slice %arg5[%dma_start3A_538, %dma_start3A_539] : memref<1000000x32xf32, #tpu.memory_space<hbm>> -> memref<1000000x32xf32, #tpu.memory_space<hbm>>
      tpu.enqueue_indirect_dma source(%dma_start3A_540 : memref<1000000x32xf32, #tpu.memory_space<hbm>>) target(%dma_start3A_534 : memref<100x32xf32, #tpu.memory_space<vmem>>) offsets(%dma_start3A_537 : memref<100xi32, #tpu.memory_space<vmem>>) semaphore(%arg14 : memref<!tpu.dma_semaphore, #tpu.memory_space<semaphore_mem>>)
      %mul3A_541 = arith.constant 8 : i32
      %mul3A_542 = arith.muli %add3A_475, %mul3A_541 : i32
      %add3A_543 = arith.constant 5 : i32
      %add3A_544 = arith.addi %mul3A_542, %add3A_543 : i32
      %dma_start3A_545 = arith.constant 500 : i32
      %dma_start3A_546 = arith.constant 0 : i32
      %dma_start3A_547 = tpu.memref_slice %arg9[%dma_start3A_545, %dma_start3A_546] : memref<800x32xf32, #tpu.memory_space<vmem>> -> memref<100x32xf32, #tpu.memory_space<vmem>>
      %dma_start3A_548 = arith.constant 0 : i32
      %dma_start3A_549 = tpu.memref_slice %arg7[%add3A_544, %dma_start3A_548] : memref<256x100xi32, #tpu.memory_space<vmem>> -> memref<1x100xi32, #tpu.memory_space<vmem>>
      %dma_start3A_550 = tpu.memref_squeeze %dma_start3A_549 : memref<1x100xi32, #tpu.memory_space<vmem>> -> memref<100xi32, #tpu.memory_space<vmem>>
      %dma_start3A_551 = arith.constant 0 : i32
      %dma_start3A_552 = arith.constant 0 : i32
      %dma_start3A_553 = tpu.memref_slice %arg5[%dma_start3A_551, %dma_start3A_552] : memref<1000000x32xf32, #tpu.memory_space<hbm>> -> memref<1000000x32xf32, #tpu.memory_space<hbm>>
      tpu.enqueue_indirect_dma source(%dma_start3A_553 : memref<1000000x32xf32, #tpu.memory_space<hbm>>) target(%dma_start3A_547 : memref<100x32xf32, #tpu.memory_space<vmem>>) offsets(%dma_start3A_550 : memref<100xi32, #tpu.memory_space<vmem>>) semaphore(%arg14 : memref<!tpu.dma_semaphore, #tpu.memory_space<semaphore_mem>>)
      %mul3A_554 = arith.constant 8 : i32
      %mul3A_555 = arith.muli %add3A_475, %mul3A_554 : i32
      %add3A_556 = arith.constant 6 : i32
      %add3A_557 = arith.addi %mul3A_555, %add3A_556 : i32
      %dma_start3A_558 = arith.constant 600 : i32
      %dma_start3A_559 = arith.constant 0 : i32
      %dma_start3A_560 = tpu.memref_slice %arg9[%dma_start3A_558, %dma_start3A_559] : memref<800x32xf32, #tpu.memory_space<vmem>> -> memref<100x32xf32, #tpu.memory_space<vmem>>
      %dma_start3A_561 = arith.constant 0 : i32
      %dma_start3A_562 = tpu.memref_slice %arg7[%add3A_557, %dma_start3A_561] : memref<256x100xi32, #tpu.memory_space<vmem>> -> memref<1x100xi32, #tpu.memory_space<vmem>>
      %dma_start3A_563 = tpu.memref_squeeze %dma_start3A_562 : memref<1x100xi32, #tpu.memory_space<vmem>> -> memref<100xi32, #tpu.memory_space<vmem>>
      %dma_start3A_564 = arith.constant 0 : i32
      %dma_start3A_565 = arith.constant 0 : i32
      %dma_start3A_566 = tpu.memref_slice %arg5[%dma_start3A_564, %dma_start3A_565] : memref<1000000x32xf32, #tpu.memory_space<hbm>> -> memref<1000000x32xf32, #tpu.memory_space<hbm>>
      tpu.enqueue_indirect_dma source(%dma_start3A_566 : memref<1000000x32xf32, #tpu.memory_space<hbm>>) target(%dma_start3A_560 : memref<100x32xf32, #tpu.memory_space<vmem>>) offsets(%dma_start3A_563 : memref<100xi32, #tpu.memory_space<vmem>>) semaphore(%arg14 : memref<!tpu.dma_semaphore, #tpu.memory_space<semaphore_mem>>)
      %mul3A_567 = arith.constant 8 : i32
      %mul3A_568 = arith.muli %add3A_475, %mul3A_567 : i32
      %add3A_569 = arith.constant 7 : i32
      %add3A_570 = arith.addi %mul3A_568, %add3A_569 : i32
      %dma_start3A_571 = arith.constant 700 : i32
      %dma_start3A_572 = arith.constant 0 : i32
      %dma_start3A_573 = tpu.memref_slice %arg9[%dma_start3A_571, %dma_start3A_572] : memref<800x32xf32, #tpu.memory_space<vmem>> -> memref<100x32xf32, #tpu.memory_space<vmem>>
      %dma_start3A_574 = arith.constant 0 : i32
      %dma_start3A_575 = tpu.memref_slice %arg7[%add3A_570, %dma_start3A_574] : memref<256x100xi32, #tpu.memory_space<vmem>> -> memref<1x100xi32, #tpu.memory_space<vmem>>
      %dma_start3A_576 = tpu.memref_squeeze %dma_start3A_575 : memref<1x100xi32, #tpu.memory_space<vmem>> -> memref<100xi32, #tpu.memory_space<vmem>>
      %dma_start3A_577 = arith.constant 0 : i32
      %dma_start3A_578 = arith.constant 0 : i32
      %dma_start3A_579 = tpu.memref_slice %arg5[%dma_start3A_577, %dma_start3A_578] : memref<1000000x32xf32, #tpu.memory_space<hbm>> -> memref<1000000x32xf32, #tpu.memory_space<hbm>>
      tpu.enqueue_indirect_dma source(%dma_start3A_579 : memref<1000000x32xf32, #tpu.memory_space<hbm>>) target(%dma_start3A_573 : memref<100x32xf32, #tpu.memory_space<vmem>>) offsets(%dma_start3A_576 : memref<100xi32, #tpu.memory_space<vmem>>) semaphore(%arg14 : memref<!tpu.dma_semaphore, #tpu.memory_space<semaphore_mem>>)
      %scan3A_580 = arith.constant 0 : i32
      %scan3A_581 = arith.constant 0 : i32
      %scan3A_582 = arith.constant 16 : i32
      %scan3A_583 = arith.addi %scan3A_581, %scan3A_582 : i32
      %scan3A_584 = arith.constant 1 : i32
      scf.for %scan3A_804 = %scan3A_581 to %scan3A_583 step %scan3A_584  : i32 {
        %mul3A_805 = arith.constant 50 : i32
        %mul3A_806 = arith.muli %scan3A_804, %mul3A_805 : i32
        %get3A_807 = arith.index_cast %mul3A_806 : i32 to index
        %get3A_808 = arith.constant 0 : index
        %get3A_809 = tpu.vector_load %arg8[%get3A_807, %get3A_808] {strides = array<i32>} : memref<800x32xf32, #tpu.memory_space<vmem>>, vector<16xf32>,
        %get3A_810 = arith.index_cast %mul3A_806 : i32 to index
        %get3A_811 = arith.constant 16 : index
        %get3A_812 = tpu.vector_load %arg8[%get3A_810, %get3A_811] {strides = array<i32>} : memref<800x32xf32, #tpu.memory_space<vmem>>, vector<16xf32>,
        %add3A_813 = arith.constant 1 : i32
        %add3A_814 = arith.addi %mul3A_806, %add3A_813 : i32
        %get3A_815 = arith.index_cast %add3A_814 : i32 to index
        %get3A_816 = arith.constant 0 : index
        %get3A_817 = tpu.vector_load %arg8[%get3A_815, %get3A_816] {strides = array<i32>} : memref<800x32xf32, #tpu.memory_space<vmem>>, vector<16xf32>,
        %add3A_818 = arith.addf %get3A_809, %get3A_817 : vector<16xf32>
        %add3A_819 = arith.constant 1 : i32
        %add3A_820 = arith.addi %mul3A_806, %add3A_819 : i32
        %get3A_821 = arith.index_cast %add3A_820 : i32 to index
        %get3A_822 = arith.constant 16 : index
        %get3A_823 = tpu.vector_load %arg8[%get3A_821, %get3A_822] {strides = array<i32>} : memref<800x32xf32, #tpu.memory_space<vmem>>, vector<16xf32>,
        %add3A_824 = arith.addf %get3A_812, %get3A_823 : vector<16xf32>
        %add3A_825 = arith.constant 2 : i32
        %add3A_826 = arith.addi %mul3A_806, %add3A_825 : i32
        %get3A_827 = arith.index_cast %add3A_826 : i32 to index
        %get3A_828 = arith.constant 0 : index
        %get3A_829 = tpu.vector_load %arg8[%get3A_827, %get3A_828] {strides = array<i32>} : memref<800x32xf32, #tpu.memory_space<vmem>>, vector<16xf32>,
        %add3A_830 = arith.addf %add3A_818, %get3A_829 : vector<16xf32>
        %add3A_831 = arith.constant 2 : i32
        %add3A_832 = arith.addi %mul3A_806, %add3A_831 : i32
        %get3A_833 = arith.index_cast %add3A_832 : i32 to index
        %get3A_834 = arith.constant 16 : index
        %get3A_835 = tpu.vector_load %arg8[%get3A_833, %get3A_834] {strides = array<i32>} : memref<800x32xf32, #tpu.memory_space<vmem>>, vector<16xf32>,
        %add3A_836 = arith.addf %add3A_824, %get3A_835 : vector<16xf32>
        %add3A_837 = arith.constant 3 : i32
        %add3A_838 = arith.addi %mul3A_806, %add3A_837 : i32
        %get3A_839 = arith.index_cast %add3A_838 : i32 to index
        %get3A_840 = arith.constant 0 : index
        %get3A_841 = tpu.vector_load %arg8[%get3A_839, %get3A_840] {strides = array<i32>} : memref<800x32xf32, #tpu.memory_space<vmem>>, vector<16xf32>,
        %add3A_842 = arith.addf %add3A_830, %get3A_841 : vector<16xf32>
        %add3A_843 = arith.constant 3 : i32
        %add3A_844 = arith.addi %mul3A_806, %add3A_843 : i32
        %get3A_845 = arith.index_cast %add3A_844 : i32 to index
        %get3A_846 = arith.constant 16 : index
        %get3A_847 = tpu.vector_load %arg8[%get3A_845, %get3A_846] {strides = array<i32>} : memref<800x32xf32, #tpu.memory_space<vmem>>, vector<16xf32>,
        %add3A_848 = arith.addf %add3A_836, %get3A_847 : vector<16xf32>
        %add3A_849 = arith.constant 4 : i32
        %add3A_850 = arith.addi %mul3A_806, %add3A_849 : i32
        %get3A_851 = arith.index_cast %add3A_850 : i32 to index
        %get3A_852 = arith.constant 0 : index
        %get3A_853 = tpu.vector_load %arg8[%get3A_851, %get3A_852] {strides = array<i32>} : memref<800x32xf32, #tpu.memory_space<vmem>>, vector<16xf32>,
        %add3A_854 = arith.addf %add3A_842, %get3A_853 : vector<16xf32>
        %add3A_855 = arith.constant 4 : i32
        %add3A_856 = arith.addi %mul3A_806, %add3A_855 : i32
        %get3A_857 = arith.index_cast %add3A_856 : i32 to index
        %get3A_858 = arith.constant 16 : index
        %get3A_859 = tpu.vector_load %arg8[%get3A_857, %get3A_858] {strides = array<i32>} : memref<800x32xf32, #tpu.memory_space<vmem>>, vector<16xf32>,
        %add3A_860 = arith.addf %add3A_848, %get3A_859 : vector<16xf32>
        %add3A_861 = arith.constant 5 : i32
        %add3A_862 = arith.addi %mul3A_806, %add3A_861 : i32
        %get3A_863 = arith.index_cast %add3A_862 : i32 to index
        %get3A_864 = arith.constant 0 : index
        %get3A_865 = tpu.vector_load %arg8[%get3A_863, %get3A_864] {strides = array<i32>} : memref<800x32xf32, #tpu.memory_space<vmem>>, vector<16xf32>,
        %add3A_866 = arith.addf %add3A_854, %get3A_865 : vector<16xf32>
        %add3A_867 = arith.constant 5 : i32
        %add3A_868 = arith.addi %mul3A_806, %add3A_867 : i32
        %get3A_869 = arith.index_cast %add3A_868 : i32 to index
        %get3A_870 = arith.constant 16 : index
        %get3A_871 = tpu.vector_load %arg8[%get3A_869, %get3A_870] {strides = array<i32>} : memref<800x32xf32, #tpu.memory_space<vmem>>, vector<16xf32>,
        %add3A_872 = arith.addf %add3A_860, %get3A_871 : vector<16xf32>
        %add3A_873 = arith.constant 6 : i32
        %add3A_874 = arith.addi %mul3A_806, %add3A_873 : i32
        %get3A_875 = arith.index_cast %add3A_874 : i32 to index
        %get3A_876 = arith.constant 0 : index
        %get3A_877 = tpu.vector_load %arg8[%get3A_875, %get3A_876] {strides = array<i32>} : memref<800x32xf32, #tpu.memory_space<vmem>>, vector<16xf32>,
        %add3A_878 = arith.addf %add3A_866, %get3A_877 : vector<16xf32>
        %add3A_879 = arith.constant 6 : i32
        %add3A_880 = arith.addi %mul3A_806, %add3A_879 : i32
        %get3A_881 = arith.index_cast %add3A_880 : i32 to index
        %get3A_882 = arith.constant 16 : index
        %get3A_883 = tpu.vector_load %arg8[%get3A_881, %get3A_882] {strides = array<i32>} : memref<800x32xf32, #tpu.memory_space<vmem>>, vector<16xf32>,
        %add3A_884 = arith.addf %add3A_872, %get3A_883 : vector<16xf32>
        %add3A_885 = arith.constant 7 : i32
        %add3A_886 = arith.addi %mul3A_806, %add3A_885 : i32
        %get3A_887 = arith.index_cast %add3A_886 : i32 to index
        %get3A_888 = arith.constant 0 : index
        %get3A_889 = tpu.vector_load %arg8[%get3A_887, %get3A_888] {strides = array<i32>} : memref<800x32xf32, #tpu.memory_space<vmem>>, vector<16xf32>,
        %add3A_890 = arith.addf %add3A_878, %get3A_889 : vector<16xf32>
        %add3A_891 = arith.constant 7 : i32
        %add3A_892 = arith.addi %mul3A_806, %add3A_891 : i32
        %get3A_893 = arith.index_cast %add3A_892 : i32 to index
        %get3A_894 = arith.constant 16 : index
        %get3A_895 = tpu.vector_load %arg8[%get3A_893, %get3A_894] {strides = array<i32>} : memref<800x32xf32, #tpu.memory_space<vmem>>, vector<16xf32>,
        %add3A_896 = arith.addf %add3A_884, %get3A_895 : vector<16xf32>
        %add3A_897 = arith.constant 8 : i32
        %add3A_898 = arith.addi %mul3A_806, %add3A_897 : i32
        %get3A_899 = arith.index_cast %add3A_898 : i32 to index
        %get3A_900 = arith.constant 0 : index
        %get3A_901 = tpu.vector_load %arg8[%get3A_899, %get3A_900] {strides = array<i32>} : memref<800x32xf32, #tpu.memory_space<vmem>>, vector<16xf32>,
        %add3A_902 = arith.addf %add3A_890, %get3A_901 : vector<16xf32>
        %add3A_903 = arith.constant 8 : i32
        %add3A_904 = arith.addi %mul3A_806, %add3A_903 : i32
        %get3A_905 = arith.index_cast %add3A_904 : i32 to index
        %get3A_906 = arith.constant 16 : index
        %get3A_907 = tpu.vector_load %arg8[%get3A_905, %get3A_906] {strides = array<i32>} : memref<800x32xf32, #tpu.memory_space<vmem>>, vector<16xf32>,
        %add3A_908 = arith.addf %add3A_896, %get3A_907 : vector<16xf32>
        %add3A_909 = arith.constant 9 : i32
        %add3A_910 = arith.addi %mul3A_806, %add3A_909 : i32
        %get3A_911 = arith.index_cast %add3A_910 : i32 to index
        %get3A_912 = arith.constant 0 : index
        %get3A_913 = tpu.vector_load %arg8[%get3A_911, %get3A_912] {strides = array<i32>} : memref<800x32xf32, #tpu.memory_space<vmem>>, vector<16xf32>,
        %add3A_914 = arith.addf %add3A_902, %get3A_913 : vector<16xf32>
        %add3A_915 = arith.constant 9 : i32
        %add3A_916 = arith.addi %mul3A_806, %add3A_915 : i32
        %get3A_917 = arith.index_cast %add3A_916 : i32 to index
        %get3A_918 = arith.constant 16 : index
        %get3A_919 = tpu.vector_load %arg8[%get3A_917, %get3A_918] {strides = array<i32>} : memref<800x32xf32, #tpu.memory_space<vmem>>, vector<16xf32>,
        %add3A_920 = arith.addf %add3A_908, %get3A_919 : vector<16xf32>
        %add3A_921 = arith.constant 10 : i32
        %add3A_922 = arith.addi %mul3A_806, %add3A_921 : i32
        %get3A_923 = arith.index_cast %add3A_922 : i32 to index
        %get3A_924 = arith.constant 0 : index
        %get3A_925 = tpu.vector_load %arg8[%get3A_923, %get3A_924] {strides = array<i32>} : memref<800x32xf32, #tpu.memory_space<vmem>>, vector<16xf32>,
        %add3A_926 = arith.addf %add3A_914, %get3A_925 : vector<16xf32>
        %add3A_927 = arith.constant 10 : i32
        %add3A_928 = arith.addi %mul3A_806, %add3A_927 : i32
        %get3A_929 = arith.index_cast %add3A_928 : i32 to index
        %get3A_930 = arith.constant 16 : index
        %get3A_931 = tpu.vector_load %arg8[%get3A_929, %get3A_930] {strides = array<i32>} : memref<800x32xf32, #tpu.memory_space<vmem>>, vector<16xf32>,
        %add3A_932 = arith.addf %add3A_920, %get3A_931 : vector<16xf32>
        %add3A_933 = arith.constant 11 : i32
        %add3A_934 = arith.addi %mul3A_806, %add3A_933 : i32
        %get3A_935 = arith.index_cast %add3A_934 : i32 to index
        %get3A_936 = arith.constant 0 : index
        %get3A_937 = tpu.vector_load %arg8[%get3A_935, %get3A_936] {strides = array<i32>} : memref<800x32xf32, #tpu.memory_space<vmem>>, vector<16xf32>,
        %add3A_938 = arith.addf %add3A_926, %get3A_937 : vector<16xf32>
        %add3A_939 = arith.constant 11 : i32
        %add3A_940 = arith.addi %mul3A_806, %add3A_939 : i32
        %get3A_941 = arith.index_cast %add3A_940 : i32 to index
        %get3A_942 = arith.constant 16 : index
        %get3A_943 = tpu.vector_load %arg8[%get3A_941, %get3A_942] {strides = array<i32>} : memref<800x32xf32, #tpu.memory_space<vmem>>, vector<16xf32>,
        %add3A_944 = arith.addf %add3A_932, %get3A_943 : vector<16xf32>
        %add3A_945 = arith.constant 12 : i32
        %add3A_946 = arith.addi %mul3A_806, %add3A_945 : i32
        %get3A_947 = arith.index_cast %add3A_946 : i32 to index
        %get3A_948 = arith.constant 0 : index
        %get3A_949 = tpu.vector_load %arg8[%get3A_947, %get3A_948] {strides = array<i32>} : memref<800x32xf32, #tpu.memory_space<vmem>>, vector<16xf32>,
        %add3A_950 = arith.addf %add3A_938, %get3A_949 : vector<16xf32>
        %add3A_951 = arith.constant 12 : i32
        %add3A_952 = arith.addi %mul3A_806, %add3A_951 : i32
        %get3A_953 = arith.index_cast %add3A_952 : i32 to index
        %get3A_954 = arith.constant 16 : index
        %get3A_955 = tpu.vector_load %arg8[%get3A_953, %get3A_954] {strides = array<i32>} : memref<800x32xf32, #tpu.memory_space<vmem>>, vector<16xf32>,
        %add3A_956 = arith.addf %add3A_944, %get3A_955 : vector<16xf32>
        %add3A_957 = arith.constant 13 : i32
        %add3A_958 = arith.addi %mul3A_806, %add3A_957 : i32
        %get3A_959 = arith.index_cast %add3A_958 : i32 to index
        %get3A_960 = arith.constant 0 : index
        %get3A_961 = tpu.vector_load %arg8[%get3A_959, %get3A_960] {strides = array<i32>} : memref<800x32xf32, #tpu.memory_space<vmem>>, vector<16xf32>,
        %add3A_962 = arith.addf %add3A_950, %get3A_961 : vector<16xf32>
        %add3A_963 = arith.constant 13 : i32
        %add3A_964 = arith.addi %mul3A_806, %add3A_963 : i32
        %get3A_965 = arith.index_cast %add3A_964 : i32 to index
        %get3A_966 = arith.constant 16 : index
        %get3A_967 = tpu.vector_load %arg8[%get3A_965, %get3A_966] {strides = array<i32>} : memref<800x32xf32, #tpu.memory_space<vmem>>, vector<16xf32>,
        %add3A_968 = arith.addf %add3A_956, %get3A_967 : vector<16xf32>
        %add3A_969 = arith.constant 14 : i32
        %add3A_970 = arith.addi %mul3A_806, %add3A_969 : i32
        %get3A_971 = arith.index_cast %add3A_970 : i32 to index
        %get3A_972 = arith.constant 0 : index
        %get3A_973 = tpu.vector_load %arg8[%get3A_971, %get3A_972] {strides = array<i32>} : memref<800x32xf32, #tpu.memory_space<vmem>>, vector<16xf32>,
        %add3A_974 = arith.addf %add3A_962, %get3A_973 : vector<16xf32>
        %add3A_975 = arith.constant 14 : i32
        %add3A_976 = arith.addi %mul3A_806, %add3A_975 : i32
        %get3A_977 = arith.index_cast %add3A_976 : i32 to index
        %get3A_978 = arith.constant 16 : index
        %get3A_979 = tpu.vector_load %arg8[%get3A_977, %get3A_978] {strides = array<i32>} : memref<800x32xf32, #tpu.memory_space<vmem>>, vector<16xf32>,
        %add3A_980 = arith.addf %add3A_968, %get3A_979 : vector<16xf32>
        %add3A_981 = arith.constant 15 : i32
        %add3A_982 = arith.addi %mul3A_806, %add3A_981 : i32
        %get3A_983 = arith.index_cast %add3A_982 : i32 to index
        %get3A_984 = arith.constant 0 : index
        %get3A_985 = tpu.vector_load %arg8[%get3A_983, %get3A_984] {strides = array<i32>} : memref<800x32xf32, #tpu.memory_space<vmem>>, vector<16xf32>,
        %add3A_986 = arith.addf %add3A_974, %get3A_985 : vector<16xf32>
        %add3A_987 = arith.constant 15 : i32
        %add3A_988 = arith.addi %mul3A_806, %add3A_987 : i32
        %get3A_989 = arith.index_cast %add3A_988 : i32 to index
        %get3A_990 = arith.constant 16 : index
        %get3A_991 = tpu.vector_load %arg8[%get3A_989, %get3A_990] {strides = array<i32>} : memref<800x32xf32, #tpu.memory_space<vmem>>, vector<16xf32>,
        %add3A_992 = arith.addf %add3A_980, %get3A_991 : vector<16xf32>
        %add3A_993 = arith.constant 16 : i32
        %add3A_994 = arith.addi %mul3A_806, %add3A_993 : i32
        %get3A_995 = arith.index_cast %add3A_994 : i32 to index
        %get3A_996 = arith.constant 0 : index
        %get3A_997 = tpu.vector_load %arg8[%get3A_995, %get3A_996] {strides = array<i32>} : memref<800x32xf32, #tpu.memory_space<vmem>>, vector<16xf32>,
        %add3A_998 = arith.addf %add3A_986, %get3A_997 : vector<16xf32>
        %add3A_999 = arith.constant 16 : i32
        %add3A_1000 = arith.addi %mul3A_806, %add3A_999 : i32
        %get3A_1001 = arith.index_cast %add3A_1000 : i32 to index
        %get3A_1002 = arith.constant 16 : index
        %get3A_1003 = tpu.vector_load %arg8[%get3A_1001, %get3A_1002] {strides = array<i32>} : memref<800x32xf32, #tpu.memory_space<vmem>>, vector<16xf32>,
        %add3A_1004 = arith.addf %add3A_992, %get3A_1003 : vector<16xf32>
        %add3A_1005 = arith.constant 17 : i32
        %add3A_1006 = arith.addi %mul3A_806, %add3A_1005 : i32
        %get3A_1007 = arith.index_cast %add3A_1006 : i32 to index
        %get3A_1008 = arith.constant 0 : index
        %get3A_1009 = tpu.vector_load %arg8[%get3A_1007, %get3A_1008] {strides = array<i32>} : memref<800x32xf32, #tpu.memory_space<vmem>>, vector<16xf32>,
        %add3A_1010 = arith.addf %add3A_998, %get3A_1009 : vector<16xf32>
        %add3A_1011 = arith.constant 17 : i32
        %add3A_1012 = arith.addi %mul3A_806, %add3A_1011 : i32
        %get3A_1013 = arith.index_cast %add3A_1012 : i32 to index
        %get3A_1014 = arith.constant 16 : index
        %get3A_1015 = tpu.vector_load %arg8[%get3A_1013, %get3A_1014] {strides = array<i32>} : memref<800x32xf32, #tpu.memory_space<vmem>>, vector<16xf32>,
        %add3A_1016 = arith.addf %add3A_1004, %get3A_1015 : vector<16xf32>
        %add3A_1017 = arith.constant 18 : i32
        %add3A_1018 = arith.addi %mul3A_806, %add3A_1017 : i32
        %get3A_1019 = arith.index_cast %add3A_1018 : i32 to index
        %get3A_1020 = arith.constant 0 : index
        %get3A_1021 = tpu.vector_load %arg8[%get3A_1019, %get3A_1020] {strides = array<i32>} : memref<800x32xf32, #tpu.memory_space<vmem>>, vector<16xf32>,
        %add3A_1022 = arith.addf %add3A_1010, %get3A_1021 : vector<16xf32>
        %add3A_1023 = arith.constant 18 : i32
        %add3A_1024 = arith.addi %mul3A_806, %add3A_1023 : i32
        %get3A_1025 = arith.index_cast %add3A_1024 : i32 to index
        %get3A_1026 = arith.constant 16 : index
        %get3A_1027 = tpu.vector_load %arg8[%get3A_1025, %get3A_1026] {strides = array<i32>} : memref<800x32xf32, #tpu.memory_space<vmem>>, vector<16xf32>,
        %add3A_1028 = arith.addf %add3A_1016, %get3A_1027 : vector<16xf32>
        %add3A_1029 = arith.constant 19 : i32
        %add3A_1030 = arith.addi %mul3A_806, %add3A_1029 : i32
        %get3A_1031 = arith.index_cast %add3A_1030 : i32 to index
        %get3A_1032 = arith.constant 0 : index
        %get3A_1033 = tpu.vector_load %arg8[%get3A_1031, %get3A_1032] {strides = array<i32>} : memref<800x32xf32, #tpu.memory_space<vmem>>, vector<16xf32>,
        %add3A_1034 = arith.addf %add3A_1022, %get3A_1033 : vector<16xf32>
        %add3A_1035 = arith.constant 19 : i32
        %add3A_1036 = arith.addi %mul3A_806, %add3A_1035 : i32
        %get3A_1037 = arith.index_cast %add3A_1036 : i32 to index
        %get3A_1038 = arith.constant 16 : index
        %get3A_1039 = tpu.vector_load %arg8[%get3A_1037, %get3A_1038] {strides = array<i32>} : memref<800x32xf32, #tpu.memory_space<vmem>>, vector<16xf32>,
        %add3A_1040 = arith.addf %add3A_1028, %get3A_1039 : vector<16xf32>
        %add3A_1041 = arith.constant 20 : i32
        %add3A_1042 = arith.addi %mul3A_806, %add3A_1041 : i32
        %get3A_1043 = arith.index_cast %add3A_1042 : i32 to index
        %get3A_1044 = arith.constant 0 : index
        %get3A_1045 = tpu.vector_load %arg8[%get3A_1043, %get3A_1044] {strides = array<i32>} : memref<800x32xf32, #tpu.memory_space<vmem>>, vector<16xf32>,
        %add3A_1046 = arith.addf %add3A_1034, %get3A_1045 : vector<16xf32>
        %add3A_1047 = arith.constant 20 : i32
        %add3A_1048 = arith.addi %mul3A_806, %add3A_1047 : i32
        %get3A_1049 = arith.index_cast %add3A_1048 : i32 to index
        %get3A_1050 = arith.constant 16 : index
        %get3A_1051 = tpu.vector_load %arg8[%get3A_1049, %get3A_1050] {strides = array<i32>} : memref<800x32xf32, #tpu.memory_space<vmem>>, vector<16xf32>,
        %add3A_1052 = arith.addf %add3A_1040, %get3A_1051 : vector<16xf32>
        %add3A_1053 = arith.constant 21 : i32
        %add3A_1054 = arith.addi %mul3A_806, %add3A_1053 : i32
        %get3A_1055 = arith.index_cast %add3A_1054 : i32 to index
        %get3A_1056 = arith.constant 0 : index
        %get3A_1057 = tpu.vector_load %arg8[%get3A_1055, %get3A_1056] {strides = array<i32>} : memref<800x32xf32, #tpu.memory_space<vmem>>, vector<16xf32>,
        %add3A_1058 = arith.addf %add3A_1046, %get3A_1057 : vector<16xf32>
        %add3A_1059 = arith.constant 21 : i32
        %add3A_1060 = arith.addi %mul3A_806, %add3A_1059 : i32
        %get3A_1061 = arith.index_cast %add3A_1060 : i32 to index
        %get3A_1062 = arith.constant 16 : index
        %get3A_1063 = tpu.vector_load %arg8[%get3A_1061, %get3A_1062] {strides = array<i32>} : memref<800x32xf32, #tpu.memory_space<vmem>>, vector<16xf32>,
        %add3A_1064 = arith.addf %add3A_1052, %get3A_1063 : vector<16xf32>
        %add3A_1065 = arith.constant 22 : i32
        %add3A_1066 = arith.addi %mul3A_806, %add3A_1065 : i32
        %get3A_1067 = arith.index_cast %add3A_1066 : i32 to index
        %get3A_1068 = arith.constant 0 : index
        %get3A_1069 = tpu.vector_load %arg8[%get3A_1067, %get3A_1068] {strides = array<i32>} : memref<800x32xf32, #tpu.memory_space<vmem>>, vector<16xf32>,
        %add3A_1070 = arith.addf %add3A_1058, %get3A_1069 : vector<16xf32>
        %add3A_1071 = arith.constant 22 : i32
        %add3A_1072 = arith.addi %mul3A_806, %add3A_1071 : i32
        %get3A_1073 = arith.index_cast %add3A_1072 : i32 to index
        %get3A_1074 = arith.constant 16 : index
        %get3A_1075 = tpu.vector_load %arg8[%get3A_1073, %get3A_1074] {strides = array<i32>} : memref<800x32xf32, #tpu.memory_space<vmem>>, vector<16xf32>,
        %add3A_1076 = arith.addf %add3A_1064, %get3A_1075 : vector<16xf32>
        %add3A_1077 = arith.constant 23 : i32
        %add3A_1078 = arith.addi %mul3A_806, %add3A_1077 : i32
        %get3A_1079 = arith.index_cast %add3A_1078 : i32 to index
        %get3A_1080 = arith.constant 0 : index
        %get3A_1081 = tpu.vector_load %arg8[%get3A_1079, %get3A_1080] {strides = array<i32>} : memref<800x32xf32, #tpu.memory_space<vmem>>, vector<16xf32>,
        %add3A_1082 = arith.addf %add3A_1070, %get3A_1081 : vector<16xf32>
        %add3A_1083 = arith.constant 23 : i32
        %add3A_1084 = arith.addi %mul3A_806, %add3A_1083 : i32
        %get3A_1085 = arith.index_cast %add3A_1084 : i32 to index
        %get3A_1086 = arith.constant 16 : index
        %get3A_1087 = tpu.vector_load %arg8[%get3A_1085, %get3A_1086] {strides = array<i32>} : memref<800x32xf32, #tpu.memory_space<vmem>>, vector<16xf32>,
        %add3A_1088 = arith.addf %add3A_1076, %get3A_1087 : vector<16xf32>
        %add3A_1089 = arith.constant 24 : i32
        %add3A_1090 = arith.addi %mul3A_806, %add3A_1089 : i32
        %get3A_1091 = arith.index_cast %add3A_1090 : i32 to index
        %get3A_1092 = arith.constant 0 : index
        %get3A_1093 = tpu.vector_load %arg8[%get3A_1091, %get3A_1092] {strides = array<i32>} : memref<800x32xf32, #tpu.memory_space<vmem>>, vector<16xf32>,
        %add3A_1094 = arith.addf %add3A_1082, %get3A_1093 : vector<16xf32>
        %add3A_1095 = arith.constant 24 : i32
        %add3A_1096 = arith.addi %mul3A_806, %add3A_1095 : i32
        %get3A_1097 = arith.index_cast %add3A_1096 : i32 to index
        %get3A_1098 = arith.constant 16 : index
        %get3A_1099 = tpu.vector_load %arg8[%get3A_1097, %get3A_1098] {strides = array<i32>} : memref<800x32xf32, #tpu.memory_space<vmem>>, vector<16xf32>,
        %add3A_1100 = arith.addf %add3A_1088, %get3A_1099 : vector<16xf32>
        %add3A_1101 = arith.constant 25 : i32
        %add3A_1102 = arith.addi %mul3A_806, %add3A_1101 : i32
        %get3A_1103 = arith.index_cast %add3A_1102 : i32 to index
        %get3A_1104 = arith.constant 0 : index
        %get3A_1105 = tpu.vector_load %arg8[%get3A_1103, %get3A_1104] {strides = array<i32>} : memref<800x32xf32, #tpu.memory_space<vmem>>, vector<16xf32>,
        %add3A_1106 = arith.addf %add3A_1094, %get3A_1105 : vector<16xf32>
        %add3A_1107 = arith.constant 25 : i32
        %add3A_1108 = arith.addi %mul3A_806, %add3A_1107 : i32
        %get3A_1109 = arith.index_cast %add3A_1108 : i32 to index
        %get3A_1110 = arith.constant 16 : index
        %get3A_1111 = tpu.vector_load %arg8[%get3A_1109, %get3A_1110] {strides = array<i32>} : memref<800x32xf32, #tpu.memory_space<vmem>>, vector<16xf32>,
        %add3A_1112 = arith.addf %add3A_1100, %get3A_1111 : vector<16xf32>
        %add3A_1113 = arith.constant 26 : i32
        %add3A_1114 = arith.addi %mul3A_806, %add3A_1113 : i32
        %get3A_1115 = arith.index_cast %add3A_1114 : i32 to index
        %get3A_1116 = arith.constant 0 : index
        %get3A_1117 = tpu.vector_load %arg8[%get3A_1115, %get3A_1116] {strides = array<i32>} : memref<800x32xf32, #tpu.memory_space<vmem>>, vector<16xf32>,
        %add3A_1118 = arith.addf %add3A_1106, %get3A_1117 : vector<16xf32>
        %add3A_1119 = arith.constant 26 : i32
        %add3A_1120 = arith.addi %mul3A_806, %add3A_1119 : i32
        %get3A_1121 = arith.index_cast %add3A_1120 : i32 to index
        %get3A_1122 = arith.constant 16 : index
        %get3A_1123 = tpu.vector_load %arg8[%get3A_1121, %get3A_1122] {strides = array<i32>} : memref<800x32xf32, #tpu.memory_space<vmem>>, vector<16xf32>,
        %add3A_1124 = arith.addf %add3A_1112, %get3A_1123 : vector<16xf32>
        %add3A_1125 = arith.constant 27 : i32
        %add3A_1126 = arith.addi %mul3A_806, %add3A_1125 : i32
        %get3A_1127 = arith.index_cast %add3A_1126 : i32 to index
        %get3A_1128 = arith.constant 0 : index
        %get3A_1129 = tpu.vector_load %arg8[%get3A_1127, %get3A_1128] {strides = array<i32>} : memref<800x32xf32, #tpu.memory_space<vmem>>, vector<16xf32>,
        %add3A_1130 = arith.addf %add3A_1118, %get3A_1129 : vector<16xf32>
        %add3A_1131 = arith.constant 27 : i32
        %add3A_1132 = arith.addi %mul3A_806, %add3A_1131 : i32
        %get3A_1133 = arith.index_cast %add3A_1132 : i32 to index
        %get3A_1134 = arith.constant 16 : index
        %get3A_1135 = tpu.vector_load %arg8[%get3A_1133, %get3A_1134] {strides = array<i32>} : memref<800x32xf32, #tpu.memory_space<vmem>>, vector<16xf32>,
        %add3A_1136 = arith.addf %add3A_1124, %get3A_1135 : vector<16xf32>
        %add3A_1137 = arith.constant 28 : i32
        %add3A_1138 = arith.addi %mul3A_806, %add3A_1137 : i32
        %get3A_1139 = arith.index_cast %add3A_1138 : i32 to index
        %get3A_1140 = arith.constant 0 : index
        %get3A_1141 = tpu.vector_load %arg8[%get3A_1139, %get3A_1140] {strides = array<i32>} : memref<800x32xf32, #tpu.memory_space<vmem>>, vector<16xf32>,
        %add3A_1142 = arith.addf %add3A_1130, %get3A_1141 : vector<16xf32>
        %add3A_1143 = arith.constant 28 : i32
        %add3A_1144 = arith.addi %mul3A_806, %add3A_1143 : i32
        %get3A_1145 = arith.index_cast %add3A_1144 : i32 to index
        %get3A_1146 = arith.constant 16 : index
        %get3A_1147 = tpu.vector_load %arg8[%get3A_1145, %get3A_1146] {strides = array<i32>} : memref<800x32xf32, #tpu.memory_space<vmem>>, vector<16xf32>,
        %add3A_1148 = arith.addf %add3A_1136, %get3A_1147 : vector<16xf32>
        %add3A_1149 = arith.constant 29 : i32
        %add3A_1150 = arith.addi %mul3A_806, %add3A_1149 : i32
        %get3A_1151 = arith.index_cast %add3A_1150 : i32 to index
        %get3A_1152 = arith.constant 0 : index
        %get3A_1153 = tpu.vector_load %arg8[%get3A_1151, %get3A_1152] {strides = array<i32>} : memref<800x32xf32, #tpu.memory_space<vmem>>, vector<16xf32>,
        %add3A_1154 = arith.addf %add3A_1142, %get3A_1153 : vector<16xf32>
        %add3A_1155 = arith.constant 29 : i32
        %add3A_1156 = arith.addi %mul3A_806, %add3A_1155 : i32
        %get3A_1157 = arith.index_cast %add3A_1156 : i32 to index
        %get3A_1158 = arith.constant 16 : index
        %get3A_1159 = tpu.vector_load %arg8[%get3A_1157, %get3A_1158] {strides = array<i32>} : memref<800x32xf32, #tpu.memory_space<vmem>>, vector<16xf32>,
        %add3A_1160 = arith.addf %add3A_1148, %get3A_1159 : vector<16xf32>
        %add3A_1161 = arith.constant 30 : i32
        %add3A_1162 = arith.addi %mul3A_806, %add3A_1161 : i32
        %get3A_1163 = arith.index_cast %add3A_1162 : i32 to index
        %get3A_1164 = arith.constant 0 : index
        %get3A_1165 = tpu.vector_load %arg8[%get3A_1163, %get3A_1164] {strides = array<i32>} : memref<800x32xf32, #tpu.memory_space<vmem>>, vector<16xf32>,
        %add3A_1166 = arith.addf %add3A_1154, %get3A_1165 : vector<16xf32>
        %add3A_1167 = arith.constant 30 : i32
        %add3A_1168 = arith.addi %mul3A_806, %add3A_1167 : i32
        %get3A_1169 = arith.index_cast %add3A_1168 : i32 to index
        %get3A_1170 = arith.constant 16 : index
        %get3A_1171 = tpu.vector_load %arg8[%get3A_1169, %get3A_1170] {strides = array<i32>} : memref<800x32xf32, #tpu.memory_space<vmem>>, vector<16xf32>,
        %add3A_1172 = arith.addf %add3A_1160, %get3A_1171 : vector<16xf32>
        %add3A_1173 = arith.constant 31 : i32
        %add3A_1174 = arith.addi %mul3A_806, %add3A_1173 : i32
        %get3A_1175 = arith.index_cast %add3A_1174 : i32 to index
        %get3A_1176 = arith.constant 0 : index
        %get3A_1177 = tpu.vector_load %arg8[%get3A_1175, %get3A_1176] {strides = array<i32>} : memref<800x32xf32, #tpu.memory_space<vmem>>, vector<16xf32>,
        %add3A_1178 = arith.addf %add3A_1166, %get3A_1177 : vector<16xf32>
        %add3A_1179 = arith.constant 31 : i32
        %add3A_1180 = arith.addi %mul3A_806, %add3A_1179 : i32
        %get3A_1181 = arith.index_cast %add3A_1180 : i32 to index
        %get3A_1182 = arith.constant 16 : index
        %get3A_1183 = tpu.vector_load %arg8[%get3A_1181, %get3A_1182] {strides = array<i32>} : memref<800x32xf32, #tpu.memory_space<vmem>>, vector<16xf32>,
        %add3A_1184 = arith.addf %add3A_1172, %get3A_1183 : vector<16xf32>
        %add3A_1185 = arith.constant 32 : i32
        %add3A_1186 = arith.addi %mul3A_806, %add3A_1185 : i32
        %get3A_1187 = arith.index_cast %add3A_1186 : i32 to index
        %get3A_1188 = arith.constant 0 : index
        %get3A_1189 = tpu.vector_load %arg8[%get3A_1187, %get3A_1188] {strides = array<i32>} : memref<800x32xf32, #tpu.memory_space<vmem>>, vector<16xf32>,
        %add3A_1190 = arith.addf %add3A_1178, %get3A_1189 : vector<16xf32>
        %add3A_1191 = arith.constant 32 : i32
        %add3A_1192 = arith.addi %mul3A_806, %add3A_1191 : i32
        %get3A_1193 = arith.index_cast %add3A_1192 : i32 to index
        %get3A_1194 = arith.constant 16 : index
        %get3A_1195 = tpu.vector_load %arg8[%get3A_1193, %get3A_1194] {strides = array<i32>} : memref<800x32xf32, #tpu.memory_space<vmem>>, vector<16xf32>,
        %add3A_1196 = arith.addf %add3A_1184, %get3A_1195 : vector<16xf32>
        %add3A_1197 = arith.constant 33 : i32
        %add3A_1198 = arith.addi %mul3A_806, %add3A_1197 : i32
        %get3A_1199 = arith.index_cast %add3A_1198 : i32 to index
        %get3A_1200 = arith.constant 0 : index
        %get3A_1201 = tpu.vector_load %arg8[%get3A_1199, %get3A_1200] {strides = array<i32>} : memref<800x32xf32, #tpu.memory_space<vmem>>, vector<16xf32>,
        %add3A_1202 = arith.addf %add3A_1190, %get3A_1201 : vector<16xf32>
        %add3A_1203 = arith.constant 33 : i32
        %add3A_1204 = arith.addi %mul3A_806, %add3A_1203 : i32
        %get3A_1205 = arith.index_cast %add3A_1204 : i32 to index
        %get3A_1206 = arith.constant 16 : index
        %get3A_1207 = tpu.vector_load %arg8[%get3A_1205, %get3A_1206] {strides = array<i32>} : memref<800x32xf32, #tpu.memory_space<vmem>>, vector<16xf32>,
        %add3A_1208 = arith.addf %add3A_1196, %get3A_1207 : vector<16xf32>
        %add3A_1209 = arith.constant 34 : i32
        %add3A_1210 = arith.addi %mul3A_806, %add3A_1209 : i32
        %get3A_1211 = arith.index_cast %add3A_1210 : i32 to index
        %get3A_1212 = arith.constant 0 : index
        %get3A_1213 = tpu.vector_load %arg8[%get3A_1211, %get3A_1212] {strides = array<i32>} : memref<800x32xf32, #tpu.memory_space<vmem>>, vector<16xf32>,
        %add3A_1214 = arith.addf %add3A_1202, %get3A_1213 : vector<16xf32>
        %add3A_1215 = arith.constant 34 : i32
        %add3A_1216 = arith.addi %mul3A_806, %add3A_1215 : i32
        %get3A_1217 = arith.index_cast %add3A_1216 : i32 to index
        %get3A_1218 = arith.constant 16 : index
        %get3A_1219 = tpu.vector_load %arg8[%get3A_1217, %get3A_1218] {strides = array<i32>} : memref<800x32xf32, #tpu.memory_space<vmem>>, vector<16xf32>,
        %add3A_1220 = arith.addf %add3A_1208, %get3A_1219 : vector<16xf32>
        %add3A_1221 = arith.constant 35 : i32
        %add3A_1222 = arith.addi %mul3A_806, %add3A_1221 : i32
        %get3A_1223 = arith.index_cast %add3A_1222 : i32 to index
        %get3A_1224 = arith.constant 0 : index
        %get3A_1225 = tpu.vector_load %arg8[%get3A_1223, %get3A_1224] {strides = array<i32>} : memref<800x32xf32, #tpu.memory_space<vmem>>, vector<16xf32>,
        %add3A_1226 = arith.addf %add3A_1214, %get3A_1225 : vector<16xf32>
        %add3A_1227 = arith.constant 35 : i32
        %add3A_1228 = arith.addi %mul3A_806, %add3A_1227 : i32
        %get3A_1229 = arith.index_cast %add3A_1228 : i32 to index
        %get3A_1230 = arith.constant 16 : index
        %get3A_1231 = tpu.vector_load %arg8[%get3A_1229, %get3A_1230] {strides = array<i32>} : memref<800x32xf32, #tpu.memory_space<vmem>>, vector<16xf32>,
        %add3A_1232 = arith.addf %add3A_1220, %get3A_1231 : vector<16xf32>
        %add3A_1233 = arith.constant 36 : i32
        %add3A_1234 = arith.addi %mul3A_806, %add3A_1233 : i32
        %get3A_1235 = arith.index_cast %add3A_1234 : i32 to index
        %get3A_1236 = arith.constant 0 : index
        %get3A_1237 = tpu.vector_load %arg8[%get3A_1235, %get3A_1236] {strides = array<i32>} : memref<800x32xf32, #tpu.memory_space<vmem>>, vector<16xf32>,
        %add3A_1238 = arith.addf %add3A_1226, %get3A_1237 : vector<16xf32>
        %add3A_1239 = arith.constant 36 : i32
        %add3A_1240 = arith.addi %mul3A_806, %add3A_1239 : i32
        %get3A_1241 = arith.index_cast %add3A_1240 : i32 to index
        %get3A_1242 = arith.constant 16 : index
        %get3A_1243 = tpu.vector_load %arg8[%get3A_1241, %get3A_1242] {strides = array<i32>} : memref<800x32xf32, #tpu.memory_space<vmem>>, vector<16xf32>,
        %add3A_1244 = arith.addf %add3A_1232, %get3A_1243 : vector<16xf32>
        %add3A_1245 = arith.constant 37 : i32
        %add3A_1246 = arith.addi %mul3A_806, %add3A_1245 : i32
        %get3A_1247 = arith.index_cast %add3A_1246 : i32 to index
        %get3A_1248 = arith.constant 0 : index
        %get3A_1249 = tpu.vector_load %arg8[%get3A_1247, %get3A_1248] {strides = array<i32>} : memref<800x32xf32, #tpu.memory_space<vmem>>, vector<16xf32>,
        %add3A_1250 = arith.addf %add3A_1238, %get3A_1249 : vector<16xf32>
        %add3A_1251 = arith.constant 37 : i32
        %add3A_1252 = arith.addi %mul3A_806, %add3A_1251 : i32
        %get3A_1253 = arith.index_cast %add3A_1252 : i32 to index
        %get3A_1254 = arith.constant 16 : index
        %get3A_1255 = tpu.vector_load %arg8[%get3A_1253, %get3A_1254] {strides = array<i32>} : memref<800x32xf32, #tpu.memory_space<vmem>>, vector<16xf32>,
        %add3A_1256 = arith.addf %add3A_1244, %get3A_1255 : vector<16xf32>
        %add3A_1257 = arith.constant 38 : i32
        %add3A_1258 = arith.addi %mul3A_806, %add3A_1257 : i32
        %get3A_1259 = arith.index_cast %add3A_1258 : i32 to index
        %get3A_1260 = arith.constant 0 : index
        %get3A_1261 = tpu.vector_load %arg8[%get3A_1259, %get3A_1260] {strides = array<i32>} : memref<800x32xf32, #tpu.memory_space<vmem>>, vector<16xf32>,
        %add3A_1262 = arith.addf %add3A_1250, %get3A_1261 : vector<16xf32>
        %add3A_1263 = arith.constant 38 : i32
        %add3A_1264 = arith.addi %mul3A_806, %add3A_1263 : i32
        %get3A_1265 = arith.index_cast %add3A_1264 : i32 to index
        %get3A_1266 = arith.constant 16 : index
        %get3A_1267 = tpu.vector_load %arg8[%get3A_1265, %get3A_1266] {strides = array<i32>} : memref<800x32xf32, #tpu.memory_space<vmem>>, vector<16xf32>,
        %add3A_1268 = arith.addf %add3A_1256, %get3A_1267 : vector<16xf32>
        %add3A_1269 = arith.constant 39 : i32
        %add3A_1270 = arith.addi %mul3A_806, %add3A_1269 : i32
        %get3A_1271 = arith.index_cast %add3A_1270 : i32 to index
        %get3A_1272 = arith.constant 0 : index
        %get3A_1273 = tpu.vector_load %arg8[%get3A_1271, %get3A_1272] {strides = array<i32>} : memref<800x32xf32, #tpu.memory_space<vmem>>, vector<16xf32>,
        %add3A_1274 = arith.addf %add3A_1262, %get3A_1273 : vector<16xf32>
        %add3A_1275 = arith.constant 39 : i32
        %add3A_1276 = arith.addi %mul3A_806, %add3A_1275 : i32
        %get3A_1277 = arith.index_cast %add3A_1276 : i32 to index
        %get3A_1278 = arith.constant 16 : index
        %get3A_1279 = tpu.vector_load %arg8[%get3A_1277, %get3A_1278] {strides = array<i32>} : memref<800x32xf32, #tpu.memory_space<vmem>>, vector<16xf32>,
        %add3A_1280 = arith.addf %add3A_1268, %get3A_1279 : vector<16xf32>
        %add3A_1281 = arith.constant 40 : i32
        %add3A_1282 = arith.addi %mul3A_806, %add3A_1281 : i32
        %get3A_1283 = arith.index_cast %add3A_1282 : i32 to index
        %get3A_1284 = arith.constant 0 : index
        %get3A_1285 = tpu.vector_load %arg8[%get3A_1283, %get3A_1284] {strides = array<i32>} : memref<800x32xf32, #tpu.memory_space<vmem>>, vector<16xf32>,
        %add3A_1286 = arith.addf %add3A_1274, %get3A_1285 : vector<16xf32>
        %add3A_1287 = arith.constant 40 : i32
        %add3A_1288 = arith.addi %mul3A_806, %add3A_1287 : i32
        %get3A_1289 = arith.index_cast %add3A_1288 : i32 to index
        %get3A_1290 = arith.constant 16 : index
        %get3A_1291 = tpu.vector_load %arg8[%get3A_1289, %get3A_1290] {strides = array<i32>} : memref<800x32xf32, #tpu.memory_space<vmem>>, vector<16xf32>,
        %add3A_1292 = arith.addf %add3A_1280, %get3A_1291 : vector<16xf32>
        %add3A_1293 = arith.constant 41 : i32
        %add3A_1294 = arith.addi %mul3A_806, %add3A_1293 : i32
        %get3A_1295 = arith.index_cast %add3A_1294 : i32 to index
        %get3A_1296 = arith.constant 0 : index
        %get3A_1297 = tpu.vector_load %arg8[%get3A_1295, %get3A_1296] {strides = array<i32>} : memref<800x32xf32, #tpu.memory_space<vmem>>, vector<16xf32>,
        %add3A_1298 = arith.addf %add3A_1286, %get3A_1297 : vector<16xf32>
        %add3A_1299 = arith.constant 41 : i32
        %add3A_1300 = arith.addi %mul3A_806, %add3A_1299 : i32
        %get3A_1301 = arith.index_cast %add3A_1300 : i32 to index
        %get3A_1302 = arith.constant 16 : index
        %get3A_1303 = tpu.vector_load %arg8[%get3A_1301, %get3A_1302] {strides = array<i32>} : memref<800x32xf32, #tpu.memory_space<vmem>>, vector<16xf32>,
        %add3A_1304 = arith.addf %add3A_1292, %get3A_1303 : vector<16xf32>
        %add3A_1305 = arith.constant 42 : i32
        %add3A_1306 = arith.addi %mul3A_806, %add3A_1305 : i32
        %get3A_1307 = arith.index_cast %add3A_1306 : i32 to index
        %get3A_1308 = arith.constant 0 : index
        %get3A_1309 = tpu.vector_load %arg8[%get3A_1307, %get3A_1308] {strides = array<i32>} : memref<800x32xf32, #tpu.memory_space<vmem>>, vector<16xf32>,
        %add3A_1310 = arith.addf %add3A_1298, %get3A_1309 : vector<16xf32>
        %add3A_1311 = arith.constant 42 : i32
        %add3A_1312 = arith.addi %mul3A_806, %add3A_1311 : i32
        %get3A_1313 = arith.index_cast %add3A_1312 : i32 to index
        %get3A_1314 = arith.constant 16 : index
        %get3A_1315 = tpu.vector_load %arg8[%get3A_1313, %get3A_1314] {strides = array<i32>} : memref<800x32xf32, #tpu.memory_space<vmem>>, vector<16xf32>,
        %add3A_1316 = arith.addf %add3A_1304, %get3A_1315 : vector<16xf32>
        %add3A_1317 = arith.constant 43 : i32
        %add3A_1318 = arith.addi %mul3A_806, %add3A_1317 : i32
        %get3A_1319 = arith.index_cast %add3A_1318 : i32 to index
        %get3A_1320 = arith.constant 0 : index
        %get3A_1321 = tpu.vector_load %arg8[%get3A_1319, %get3A_1320] {strides = array<i32>} : memref<800x32xf32, #tpu.memory_space<vmem>>, vector<16xf32>,
        %add3A_1322 = arith.addf %add3A_1310, %get3A_1321 : vector<16xf32>
        %add3A_1323 = arith.constant 43 : i32
        %add3A_1324 = arith.addi %mul3A_806, %add3A_1323 : i32
        %get3A_1325 = arith.index_cast %add3A_1324 : i32 to index
        %get3A_1326 = arith.constant 16 : index
        %get3A_1327 = tpu.vector_load %arg8[%get3A_1325, %get3A_1326] {strides = array<i32>} : memref<800x32xf32, #tpu.memory_space<vmem>>, vector<16xf32>,
        %add3A_1328 = arith.addf %add3A_1316, %get3A_1327 : vector<16xf32>
        %add3A_1329 = arith.constant 44 : i32
        %add3A_1330 = arith.addi %mul3A_806, %add3A_1329 : i32
        %get3A_1331 = arith.index_cast %add3A_1330 : i32 to index
        %get3A_1332 = arith.constant 0 : index
        %get3A_1333 = tpu.vector_load %arg8[%get3A_1331, %get3A_1332] {strides = array<i32>} : memref<800x32xf32, #tpu.memory_space<vmem>>, vector<16xf32>,
        %add3A_1334 = arith.addf %add3A_1322, %get3A_1333 : vector<16xf32>
        %add3A_1335 = arith.constant 44 : i32
        %add3A_1336 = arith.addi %mul3A_806, %add3A_1335 : i32
        %get3A_1337 = arith.index_cast %add3A_1336 : i32 to index
        %get3A_1338 = arith.constant 16 : index
        %get3A_1339 = tpu.vector_load %arg8[%get3A_1337, %get3A_1338] {strides = array<i32>} : memref<800x32xf32, #tpu.memory_space<vmem>>, vector<16xf32>,
        %add3A_1340 = arith.addf %add3A_1328, %get3A_1339 : vector<16xf32>
        %add3A_1341 = arith.constant 45 : i32
        %add3A_1342 = arith.addi %mul3A_806, %add3A_1341 : i32
        %get3A_1343 = arith.index_cast %add3A_1342 : i32 to index
        %get3A_1344 = arith.constant 0 : index
        %get3A_1345 = tpu.vector_load %arg8[%get3A_1343, %get3A_1344] {strides = array<i32>} : memref<800x32xf32, #tpu.memory_space<vmem>>, vector<16xf32>,
        %add3A_1346 = arith.addf %add3A_1334, %get3A_1345 : vector<16xf32>
        %add3A_1347 = arith.constant 45 : i32
        %add3A_1348 = arith.addi %mul3A_806, %add3A_1347 : i32
        %get3A_1349 = arith.index_cast %add3A_1348 : i32 to index
        %get3A_1350 = arith.constant 16 : index
        %get3A_1351 = tpu.vector_load %arg8[%get3A_1349, %get3A_1350] {strides = array<i32>} : memref<800x32xf32, #tpu.memory_space<vmem>>, vector<16xf32>,
        %add3A_1352 = arith.addf %add3A_1340, %get3A_1351 : vector<16xf32>
        %add3A_1353 = arith.constant 46 : i32
        %add3A_1354 = arith.addi %mul3A_806, %add3A_1353 : i32
        %get3A_1355 = arith.index_cast %add3A_1354 : i32 to index
        %get3A_1356 = arith.constant 0 : index
        %get3A_1357 = tpu.vector_load %arg8[%get3A_1355, %get3A_1356] {strides = array<i32>} : memref<800x32xf32, #tpu.memory_space<vmem>>, vector<16xf32>,
        %add3A_1358 = arith.addf %add3A_1346, %get3A_1357 : vector<16xf32>
        %add3A_1359 = arith.constant 46 : i32
        %add3A_1360 = arith.addi %mul3A_806, %add3A_1359 : i32
        %get3A_1361 = arith.index_cast %add3A_1360 : i32 to index
        %get3A_1362 = arith.constant 16 : index
        %get3A_1363 = tpu.vector_load %arg8[%get3A_1361, %get3A_1362] {strides = array<i32>} : memref<800x32xf32, #tpu.memory_space<vmem>>, vector<16xf32>,
        %add3A_1364 = arith.addf %add3A_1352, %get3A_1363 : vector<16xf32>
        %add3A_1365 = arith.constant 47 : i32
        %add3A_1366 = arith.addi %mul3A_806, %add3A_1365 : i32
        %get3A_1367 = arith.index_cast %add3A_1366 : i32 to index
        %get3A_1368 = arith.constant 0 : index
        %get3A_1369 = tpu.vector_load %arg8[%get3A_1367, %get3A_1368] {strides = array<i32>} : memref<800x32xf32, #tpu.memory_space<vmem>>, vector<16xf32>,
        %add3A_1370 = arith.addf %add3A_1358, %get3A_1369 : vector<16xf32>
        %add3A_1371 = arith.constant 47 : i32
        %add3A_1372 = arith.addi %mul3A_806, %add3A_1371 : i32
        %get3A_1373 = arith.index_cast %add3A_1372 : i32 to index
        %get3A_1374 = arith.constant 16 : index
        %get3A_1375 = tpu.vector_load %arg8[%get3A_1373, %get3A_1374] {strides = array<i32>} : memref<800x32xf32, #tpu.memory_space<vmem>>, vector<16xf32>,
        %add3A_1376 = arith.addf %add3A_1364, %get3A_1375 : vector<16xf32>
        %add3A_1377 = arith.constant 48 : i32
        %add3A_1378 = arith.addi %mul3A_806, %add3A_1377 : i32
        %get3A_1379 = arith.index_cast %add3A_1378 : i32 to index
        %get3A_1380 = arith.constant 0 : index
        %get3A_1381 = tpu.vector_load %arg8[%get3A_1379, %get3A_1380] {strides = array<i32>} : memref<800x32xf32, #tpu.memory_space<vmem>>, vector<16xf32>,
        %add3A_1382 = arith.addf %add3A_1370, %get3A_1381 : vector<16xf32>
        %add3A_1383 = arith.constant 48 : i32
        %add3A_1384 = arith.addi %mul3A_806, %add3A_1383 : i32
        %get3A_1385 = arith.index_cast %add3A_1384 : i32 to index
        %get3A_1386 = arith.constant 16 : index
        %get3A_1387 = tpu.vector_load %arg8[%get3A_1385, %get3A_1386] {strides = array<i32>} : memref<800x32xf32, #tpu.memory_space<vmem>>, vector<16xf32>,
        %add3A_1388 = arith.addf %add3A_1376, %get3A_1387 : vector<16xf32>
        %add3A_1389 = arith.constant 49 : i32
        %add3A_1390 = arith.addi %mul3A_806, %add3A_1389 : i32
        %get3A_1391 = arith.index_cast %add3A_1390 : i32 to index
        %get3A_1392 = arith.constant 0 : index
        %get3A_1393 = tpu.vector_load %arg8[%get3A_1391, %get3A_1392] {strides = array<i32>} : memref<800x32xf32, #tpu.memory_space<vmem>>, vector<16xf32>,
        %add3A_1394 = arith.addf %add3A_1382, %get3A_1393 : vector<16xf32>
        %add3A_1395 = arith.constant 49 : i32
        %add3A_1396 = arith.addi %mul3A_806, %add3A_1395 : i32
        %get3A_1397 = arith.index_cast %add3A_1396 : i32 to index
        %get3A_1398 = arith.constant 16 : index
        %get3A_1399 = tpu.vector_load %arg8[%get3A_1397, %get3A_1398] {strides = array<i32>} : memref<800x32xf32, #tpu.memory_space<vmem>>, vector<16xf32>,
        %add3A_1400 = arith.addf %add3A_1388, %get3A_1399 : vector<16xf32>
        %mul3A_1401 = arith.mulf %add3A_1394, %get3A_3 : vector<16xf32>
        %mul3A_1402 = arith.mulf %add3A_1400, %get3A_7 : vector<16xf32>
        %add3A_1403 = arith.addf %mul3A_1401, %mul3A_1402 : vector<16xf32>
        %cumsum3A = arith.constant true
        %cumsum3A_1404 = vector.broadcast %cumsum3A : i1 to vector<16xi1>
        %cumsum3A_1405 = tpu.scan <sum>, %add3A_1403 masked %cumsum3A_1404 : vector<16xf32>, vector<16xi1> -> vector<16xf32>
        %add3A_1406 = arith.addf %cumsum3A_1405, %get3A_19 : vector<16xf32>
        %mul3A_1407 = arith.mulf %add3A_1394, %get3A_11 : vector<16xf32>
        %mul3A_1408 = arith.mulf %add3A_1400, %get3A_15 : vector<16xf32>
        %add3A_1409 = arith.addf %mul3A_1407, %mul3A_1408 : vector<16xf32>
        %cumsum3A_1410 = arith.constant true
        %cumsum3A_1411 = vector.broadcast %cumsum3A_1410 : i1 to vector<16xi1>
        %cumsum3A_1412 = tpu.scan <sum>, %add3A_1409 masked %cumsum3A_1411 : vector<16xf32>, vector<16xi1> -> vector<16xf32>
        %add3A_1413 = arith.addf %cumsum3A_1412, %get3A_23 : vector<16xf32>
        %mul3A_1414 = arith.constant 16 : i32
        %mul3A_1415 = arith.muli %add3A_369, %mul3A_1414 : i32
        %add3A_1416 = arith.addi %mul3A_1415, %scan3A_804 : i32
        %mul3A_1417 = arith.constant 2 : i32
        %mul3A_1418 = arith.muli %add3A_1416, %mul3A_1417 : i32
        %swap3A = arith.index_cast %mul3A_1418 : i32 to index
        %swap3A_1419 = tpu.vector_load %arg12[%swap3A] masked %eq3A_25 {strides = array<i32>} : memref<1040xf32, #tpu.memory_space<vmem>>, vector<16xf32>, vector<16xi1>
        tpu.vector_store %arg12[%swap3A], %add3A_1406 masked %eq3A_25 {strides = array<i32>} : memref<1040xf32, #tpu.memory_space<vmem>>, vector<16xf32>, vector<16xi1>
        %add3A_1420 = arith.constant 1 : i32
        %add3A_1421 = arith.addi %mul3A_1418, %add3A_1420 : i32
        %swap3A_1422 = arith.index_cast %add3A_1421 : i32 to index
        %swap3A_1423 = tpu.vector_load %arg12[%swap3A_1422] masked %eq3A_25 {strides = array<i32>} : memref<1040xf32, #tpu.memory_space<vmem>>, vector<16xf32>, vector<16xi1>
        tpu.vector_store %arg12[%swap3A_1422], %add3A_1413 masked %eq3A_25 {strides = array<i32>} : memref<1040xf32, #tpu.memory_space<vmem>>, vector<16xf32>, vector<16xi1>
      }
      %scan3A_585 = arith.constant 16 : i32
      %add3A_586 = arith.constant 1 : i32
      %add3A_587 = arith.addi %mul3A_367, %add3A_586 : i32
      %mul3A_588 = arith.constant 8 : i32
      %mul3A_589 = arith.muli %add3A_587, %mul3A_588 : i32
      %add3A_590 = arith.constant 0 : i32
      %add3A_591 = arith.addi %mul3A_589, %add3A_590 : i32
      %dma_wait3A_592 = arith.constant 0 : i32
      %dma_wait3A_593 = arith.constant 0 : i32
      %dma_wait3A_594 = tpu.memref_slice %arg9[%dma_wait3A_592, %dma_wait3A_593] : memref<800x32xf32, #tpu.memory_space<vmem>> -> memref<100x32xf32, #tpu.memory_space<vmem>>
      %dma_wait3A_595 = arith.constant 0 : i32
      %dma_wait3A_596 = tpu.memref_slice %arg7[%add3A_591, %dma_wait3A_595] : memref<256x100xi32, #tpu.memory_space<vmem>> -> memref<1x100xi32, #tpu.memory_space<vmem>>
      %dma_wait3A_597 = tpu.memref_squeeze %dma_wait3A_596 : memref<1x100xi32, #tpu.memory_space<vmem>> -> memref<100xi32, #tpu.memory_space<vmem>>
      %dma_wait3A_598 = arith.constant 0 : i32
      %dma_wait3A_599 = arith.constant 0 : i32
      %dma_wait3A_600 = tpu.memref_slice %arg5[%dma_wait3A_598, %dma_wait3A_599] : memref<1000000x32xf32, #tpu.memory_space<hbm>> -> memref<1000000x32xf32, #tpu.memory_space<hbm>>
      tpu.wait_indirect_dma semaphore(%arg14 : memref<!tpu.dma_semaphore, #tpu.memory_space<semaphore_mem>>) src(%dma_wait3A_600 : memref<1000000x32xf32, #tpu.memory_space<hbm>>) dst(%dma_wait3A_594 : memref<100x32xf32, #tpu.memory_space<vmem>>)
      %mul3A_601 = arith.constant 8 : i32
      %mul3A_602 = arith.muli %add3A_587, %mul3A_601 : i32
      %add3A_603 = arith.constant 1 : i32
      %add3A_604 = arith.addi %mul3A_602, %add3A_603 : i32
      %dma_wait3A_605 = arith.constant 100 : i32
      %dma_wait3A_606 = arith.constant 0 : i32
      %dma_wait3A_607 = tpu.memref_slice %arg9[%dma_wait3A_605, %dma_wait3A_606] : memref<800x32xf32, #tpu.memory_space<vmem>> -> memref<100x32xf32, #tpu.memory_space<vmem>>
      %dma_wait3A_608 = arith.constant 0 : i32
      %dma_wait3A_609 = tpu.memref_slice %arg7[%add3A_604, %dma_wait3A_608] : memref<256x100xi32, #tpu.memory_space<vmem>> -> memref<1x100xi32, #tpu.memory_space<vmem>>
      %dma_wait3A_610 = tpu.memref_squeeze %dma_wait3A_609 : memref<1x100xi32, #tpu.memory_space<vmem>> -> memref<100xi32, #tpu.memory_space<vmem>>
      %dma_wait3A_611 = arith.constant 0 : i32
      %dma_wait3A_612 = arith.constant 0 : i32
      %dma_wait3A_613 = tpu.memref_slice %arg5[%dma_wait3A_611, %dma_wait3A_612] : memref<1000000x32xf32, #tpu.memory_space<hbm>> -> memref<1000000x32xf32, #tpu.memory_space<hbm>>
      tpu.wait_indirect_dma semaphore(%arg14 : memref<!tpu.dma_semaphore, #tpu.memory_space<semaphore_mem>>) src(%dma_wait3A_613 : memref<1000000x32xf32, #tpu.memory_space<hbm>>) dst(%dma_wait3A_607 : memref<100x32xf32, #tpu.memory_space<vmem>>)
      %mul3A_614 = arith.constant 8 : i32
      %mul3A_615 = arith.muli %add3A_587, %mul3A_614 : i32
      %add3A_616 = arith.constant 2 : i32
      %add3A_617 = arith.addi %mul3A_615, %add3A_616 : i32
      %dma_wait3A_618 = arith.constant 200 : i32
      %dma_wait3A_619 = arith.constant 0 : i32
      %dma_wait3A_620 = tpu.memref_slice %arg9[%dma_wait3A_618, %dma_wait3A_619] : memref<800x32xf32, #tpu.memory_space<vmem>> -> memref<100x32xf32, #tpu.memory_space<vmem>>
      %dma_wait3A_621 = arith.constant 0 : i32
      %dma_wait3A_622 = tpu.memref_slice %arg7[%add3A_617, %dma_wait3A_621] : memref<256x100xi32, #tpu.memory_space<vmem>> -> memref<1x100xi32, #tpu.memory_space<vmem>>
      %dma_wait3A_623 = tpu.memref_squeeze %dma_wait3A_622 : memref<1x100xi32, #tpu.memory_space<vmem>> -> memref<100xi32, #tpu.memory_space<vmem>>
      %dma_wait3A_624 = arith.constant 0 : i32
      %dma_wait3A_625 = arith.constant 0 : i32
      %dma_wait3A_626 = tpu.memref_slice %arg5[%dma_wait3A_624, %dma_wait3A_625] : memref<1000000x32xf32, #tpu.memory_space<hbm>> -> memref<1000000x32xf32, #tpu.memory_space<hbm>>
      tpu.wait_indirect_dma semaphore(%arg14 : memref<!tpu.dma_semaphore, #tpu.memory_space<semaphore_mem>>) src(%dma_wait3A_626 : memref<1000000x32xf32, #tpu.memory_space<hbm>>) dst(%dma_wait3A_620 : memref<100x32xf32, #tpu.memory_space<vmem>>)
      %mul3A_627 = arith.constant 8 : i32
      %mul3A_628 = arith.muli %add3A_587, %mul3A_627 : i32
      %add3A_629 = arith.constant 3 : i32
      %add3A_630 = arith.addi %mul3A_628, %add3A_629 : i32
      %dma_wait3A_631 = arith.constant 300 : i32
      %dma_wait3A_632 = arith.constant 0 : i32
      %dma_wait3A_633 = tpu.memref_slice %arg9[%dma_wait3A_631, %dma_wait3A_632] : memref<800x32xf32, #tpu.memory_space<vmem>> -> memref<100x32xf32, #tpu.memory_space<vmem>>
      %dma_wait3A_634 = arith.constant 0 : i32
      %dma_wait3A_635 = tpu.memref_slice %arg7[%add3A_630, %dma_wait3A_634] : memref<256x100xi32, #tpu.memory_space<vmem>> -> memref<1x100xi32, #tpu.memory_space<vmem>>
      %dma_wait3A_636 = tpu.memref_squeeze %dma_wait3A_635 : memref<1x100xi32, #tpu.memory_space<vmem>> -> memref<100xi32, #tpu.memory_space<vmem>>
      %dma_wait3A_637 = arith.constant 0 : i32
      %dma_wait3A_638 = arith.constant 0 : i32
      %dma_wait3A_639 = tpu.memref_slice %arg5[%dma_wait3A_637, %dma_wait3A_638] : memref<1000000x32xf32, #tpu.memory_space<hbm>> -> memref<1000000x32xf32, #tpu.memory_space<hbm>>
      tpu.wait_indirect_dma semaphore(%arg14 : memref<!tpu.dma_semaphore, #tpu.memory_space<semaphore_mem>>) src(%dma_wait3A_639 : memref<1000000x32xf32, #tpu.memory_space<hbm>>) dst(%dma_wait3A_633 : memref<100x32xf32, #tpu.memory_space<vmem>>)
      %mul3A_640 = arith.constant 8 : i32
      %mul3A_641 = arith.muli %add3A_587, %mul3A_640 : i32
      %add3A_642 = arith.constant 4 : i32
      %add3A_643 = arith.addi %mul3A_641, %add3A_642 : i32
      %dma_wait3A_644 = arith.constant 400 : i32
      %dma_wait3A_645 = arith.constant 0 : i32
      %dma_wait3A_646 = tpu.memref_slice %arg9[%dma_wait3A_644, %dma_wait3A_645] : memref<800x32xf32, #tpu.memory_space<vmem>> -> memref<100x32xf32, #tpu.memory_space<vmem>>
      %dma_wait3A_647 = arith.constant 0 : i32
      %dma_wait3A_648 = tpu.memref_slice %arg7[%add3A_643, %dma_wait3A_647] : memref<256x100xi32, #tpu.memory_space<vmem>> -> memref<1x100xi32, #tpu.memory_space<vmem>>
      %dma_wait3A_649 = tpu.memref_squeeze %dma_wait3A_648 : memref<1x100xi32, #tpu.memory_space<vmem>> -> memref<100xi32, #tpu.memory_space<vmem>>
      %dma_wait3A_650 = arith.constant 0 : i32
      %dma_wait3A_651 = arith.constant 0 : i32
      %dma_wait3A_652 = tpu.memref_slice %arg5[%dma_wait3A_650, %dma_wait3A_651] : memref<1000000x32xf32, #tpu.memory_space<hbm>> -> memref<1000000x32xf32, #tpu.memory_space<hbm>>
      tpu.wait_indirect_dma semaphore(%arg14 : memref<!tpu.dma_semaphore, #tpu.memory_space<semaphore_mem>>) src(%dma_wait3A_652 : memref<1000000x32xf32, #tpu.memory_space<hbm>>) dst(%dma_wait3A_646 : memref<100x32xf32, #tpu.memory_space<vmem>>)
      %mul3A_653 = arith.constant 8 : i32
      %mul3A_654 = arith.muli %add3A_587, %mul3A_653 : i32
      %add3A_655 = arith.constant 5 : i32
      %add3A_656 = arith.addi %mul3A_654, %add3A_655 : i32
      %dma_wait3A_657 = arith.constant 500 : i32
      %dma_wait3A_658 = arith.constant 0 : i32
      %dma_wait3A_659 = tpu.memref_slice %arg9[%dma_wait3A_657, %dma_wait3A_658] : memref<800x32xf32, #tpu.memory_space<vmem>> -> memref<100x32xf32, #tpu.memory_space<vmem>>
      %dma_wait3A_660 = arith.constant 0 : i32
      %dma_wait3A_661 = tpu.memref_slice %arg7[%add3A_656, %dma_wait3A_660] : memref<256x100xi32, #tpu.memory_space<vmem>> -> memref<1x100xi32, #tpu.memory_space<vmem>>
      %dma_wait3A_662 = tpu.memref_squeeze %dma_wait3A_661 : memref<1x100xi32, #tpu.memory_space<vmem>> -> memref<100xi32, #tpu.memory_space<vmem>>
      %dma_wait3A_663 = arith.constant 0 : i32
      %dma_wait3A_664 = arith.constant 0 : i32
      %dma_wait3A_665 = tpu.memref_slice %arg5[%dma_wait3A_663, %dma_wait3A_664] : memref<1000000x32xf32, #tpu.memory_space<hbm>> -> memref<1000000x32xf32, #tpu.memory_space<hbm>>
      tpu.wait_indirect_dma semaphore(%arg14 : memref<!tpu.dma_semaphore, #tpu.memory_space<semaphore_mem>>) src(%dma_wait3A_665 : memref<1000000x32xf32, #tpu.memory_space<hbm>>) dst(%dma_wait3A_659 : memref<100x32xf32, #tpu.memory_space<vmem>>)
      %mul3A_666 = arith.constant 8 : i32
      %mul3A_667 = arith.muli %add3A_587, %mul3A_666 : i32
      %add3A_668 = arith.constant 6 : i32
      %add3A_669 = arith.addi %mul3A_667, %add3A_668 : i32
      %dma_wait3A_670 = arith.constant 600 : i32
      %dma_wait3A_671 = arith.constant 0 : i32
      %dma_wait3A_672 = tpu.memref_slice %arg9[%dma_wait3A_670, %dma_wait3A_671] : memref<800x32xf32, #tpu.memory_space<vmem>> -> memref<100x32xf32, #tpu.memory_space<vmem>>
      %dma_wait3A_673 = arith.constant 0 : i32
      %dma_wait3A_674 = tpu.memref_slice %arg7[%add3A_669, %dma_wait3A_673] : memref<256x100xi32, #tpu.memory_space<vmem>> -> memref<1x100xi32, #tpu.memory_space<vmem>>
      %dma_wait3A_675 = tpu.memref_squeeze %dma_wait3A_674 : memref<1x100xi32, #tpu.memory_space<vmem>> -> memref<100xi32, #tpu.memory_space<vmem>>
      %dma_wait3A_676 = arith.constant 0 : i32
      %dma_wait3A_677 = arith.constant 0 : i32
      %dma_wait3A_678 = tpu.memref_slice %arg5[%dma_wait3A_676, %dma_wait3A_677] : memref<1000000x32xf32, #tpu.memory_space<hbm>> -> memref<1000000x32xf32, #tpu.memory_space<hbm>>
      tpu.wait_indirect_dma semaphore(%arg14 : memref<!tpu.dma_semaphore, #tpu.memory_space<semaphore_mem>>) src(%dma_wait3A_678 : memref<1000000x32xf32, #tpu.memory_space<hbm>>) dst(%dma_wait3A_672 : memref<100x32xf32, #tpu.memory_space<vmem>>)
      %mul3A_679 = arith.constant 8 : i32
      %mul3A_680 = arith.muli %add3A_587, %mul3A_679 : i32
      %add3A_681 = arith.constant 7 : i32
      %add3A_682 = arith.addi %mul3A_680, %add3A_681 : i32
      %dma_wait3A_683 = arith.constant 700 : i32
      %dma_wait3A_684 = arith.constant 0 : i32
      %dma_wait3A_685 = tpu.memref_slice %arg9[%dma_wait3A_683, %dma_wait3A_684] : memref<800x32xf32, #tpu.memory_space<vmem>> -> memref<100x32xf32, #tpu.memory_space<vmem>>
      %dma_wait3A_686 = arith.constant 0 : i32
      %dma_wait3A_687 = tpu.memref_slice %arg7[%add3A_682, %dma_wait3A_686] : memref<256x100xi32, #tpu.memory_space<vmem>> -> memref<1x100xi32, #tpu.memory_space<vmem>>
      %dma_wait3A_688 = tpu.memref_squeeze %dma_wait3A_687 : memref<1x100xi32, #tpu.memory_space<vmem>> -> memref<100xi32, #tpu.memory_space<vmem>>
      %dma_wait3A_689 = arith.constant 0 : i32
      %dma_wait3A_690 = arith.constant 0 : i32
      %dma_wait3A_691 = tpu.memref_slice %arg5[%dma_wait3A_689, %dma_wait3A_690] : memref<1000000x32xf32, #tpu.memory_space<hbm>> -> memref<1000000x32xf32, #tpu.memory_space<hbm>>
      tpu.wait_indirect_dma semaphore(%arg14 : memref<!tpu.dma_semaphore, #tpu.memory_space<semaphore_mem>>) src(%dma_wait3A_691 : memref<1000000x32xf32, #tpu.memory_space<hbm>>) dst(%dma_wait3A_685 : memref<100x32xf32, #tpu.memory_space<vmem>>)
      %add3A_692 = arith.constant 1 : i32
      %add3A_693 = arith.addi %add3A_587, %add3A_692 : i32
      %mul3A_694 = arith.constant 8 : i32
      %mul3A_695 = arith.muli %add3A_693, %mul3A_694 : i32
      %add3A_696 = arith.constant 0 : i32
      %add3A_697 = arith.addi %mul3A_695, %add3A_696 : i32
      %dma_start3A_698 = arith.constant 0 : i32
      %dma_start3A_699 = arith.constant 0 : i32
      %dma_start3A_700 = tpu.memref_slice %arg8[%dma_start3A_698, %dma_start3A_699] : memref<800x32xf32, #tpu.memory_space<vmem>> -> memref<100x32xf32, #tpu.memory_space<vmem>>
      %dma_start3A_701 = arith.constant 0 : i32
      %dma_start3A_702 = tpu.memref_slice %arg7[%add3A_697, %dma_start3A_701] : memref<256x100xi32, #tpu.memory_space<vmem>> -> memref<1x100xi32, #tpu.memory_space<vmem>>
      %dma_start3A_703 = tpu.memref_squeeze %dma_start3A_702 : memref<1x100xi32, #tpu.memory_space<vmem>> -> memref<100xi32, #tpu.memory_space<vmem>>
      %dma_start3A_704 = arith.constant 0 : i32
      %dma_start3A_705 = arith.constant 0 : i32
      %dma_start3A_706 = tpu.memref_slice %arg5[%dma_start3A_704, %dma_start3A_705] : memref<1000000x32xf32, #tpu.memory_space<hbm>> -> memref<1000000x32xf32, #tpu.memory_space<hbm>>
      tpu.enqueue_indirect_dma source(%dma_start3A_706 : memref<1000000x32xf32, #tpu.memory_space<hbm>>) target(%dma_start3A_700 : memref<100x32xf32, #tpu.memory_space<vmem>>) offsets(%dma_start3A_703 : memref<100xi32, #tpu.memory_space<vmem>>) semaphore(%arg13 : memref<!tpu.dma_semaphore, #tpu.memory_space<semaphore_mem>>)
      %mul3A_707 = arith.constant 8 : i32
      %mul3A_708 = arith.muli %add3A_693, %mul3A_707 : i32
      %add3A_709 = arith.constant 1 : i32
      %add3A_710 = arith.addi %mul3A_708, %add3A_709 : i32
      %dma_start3A_711 = arith.constant 100 : i32
      %dma_start3A_712 = arith.constant 0 : i32
      %dma_start3A_713 = tpu.memref_slice %arg8[%dma_start3A_711, %dma_start3A_712] : memref<800x32xf32, #tpu.memory_space<vmem>> -> memref<100x32xf32, #tpu.memory_space<vmem>>
      %dma_start3A_714 = arith.constant 0 : i32
      %dma_start3A_715 = tpu.memref_slice %arg7[%add3A_710, %dma_start3A_714] : memref<256x100xi32, #tpu.memory_space<vmem>> -> memref<1x100xi32, #tpu.memory_space<vmem>>
      %dma_start3A_716 = tpu.memref_squeeze %dma_start3A_715 : memref<1x100xi32, #tpu.memory_space<vmem>> -> memref<100xi32, #tpu.memory_space<vmem>>
      %dma_start3A_717 = arith.constant 0 : i32
      %dma_start3A_718 = arith.constant 0 : i32
      %dma_start3A_719 = tpu.memref_slice %arg5[%dma_start3A_717, %dma_start3A_718] : memref<1000000x32xf32, #tpu.memory_space<hbm>> -> memref<1000000x32xf32, #tpu.memory_space<hbm>>
      tpu.enqueue_indirect_dma source(%dma_start3A_719 : memref<1000000x32xf32, #tpu.memory_space<hbm>>) target(%dma_start3A_713 : memref<100x32xf32, #tpu.memory_space<vmem>>) offsets(%dma_start3A_716 : memref<100xi32, #tpu.memory_space<vmem>>) semaphore(%arg13 : memref<!tpu.dma_semaphore, #tpu.memory_space<semaphore_mem>>)
      %mul3A_720 = arith.constant 8 : i32
      %mul3A_721 = arith.muli %add3A_693, %mul3A_720 : i32
      %add3A_722 = arith.constant 2 : i32
      %add3A_723 = arith.addi %mul3A_721, %add3A_722 : i32
      %dma_start3A_724 = arith.constant 200 : i32
      %dma_start3A_725 = arith.constant 0 : i32
      %dma_start3A_726 = tpu.memref_slice %arg8[%dma_start3A_724, %dma_start3A_725] : memref<800x32xf32, #tpu.memory_space<vmem>> -> memref<100x32xf32, #tpu.memory_space<vmem>>
      %dma_start3A_727 = arith.constant 0 : i32
      %dma_start3A_728 = tpu.memref_slice %arg7[%add3A_723, %dma_start3A_727] : memref<256x100xi32, #tpu.memory_space<vmem>> -> memref<1x100xi32, #tpu.memory_space<vmem>>
      %dma_start3A_729 = tpu.memref_squeeze %dma_start3A_728 : memref<1x100xi32, #tpu.memory_space<vmem>> -> memref<100xi32, #tpu.memory_space<vmem>>
      %dma_start3A_730 = arith.constant 0 : i32
      %dma_start3A_731 = arith.constant 0 : i32
      %dma_start3A_732 = tpu.memref_slice %arg5[%dma_start3A_730, %dma_start3A_731] : memref<1000000x32xf32, #tpu.memory_space<hbm>> -> memref<1000000x32xf32, #tpu.memory_space<hbm>>
      tpu.enqueue_indirect_dma source(%dma_start3A_732 : memref<1000000x32xf32, #tpu.memory_space<hbm>>) target(%dma_start3A_726 : memref<100x32xf32, #tpu.memory_space<vmem>>) offsets(%dma_start3A_729 : memref<100xi32, #tpu.memory_space<vmem>>) semaphore(%arg13 : memref<!tpu.dma_semaphore, #tpu.memory_space<semaphore_mem>>)
      %mul3A_733 = arith.constant 8 : i32
      %mul3A_734 = arith.muli %add3A_693, %mul3A_733 : i32
      %add3A_735 = arith.constant 3 : i32
      %add3A_736 = arith.addi %mul3A_734, %add3A_735 : i32
      %dma_start3A_737 = arith.constant 300 : i32
      %dma_start3A_738 = arith.constant 0 : i32
      %dma_start3A_739 = tpu.memref_slice %arg8[%dma_start3A_737, %dma_start3A_738] : memref<800x32xf32, #tpu.memory_space<vmem>> -> memref<100x32xf32, #tpu.memory_space<vmem>>
      %dma_start3A_740 = arith.constant 0 : i32
      %dma_start3A_741 = tpu.memref_slice %arg7[%add3A_736, %dma_start3A_740] : memref<256x100xi32, #tpu.memory_space<vmem>> -> memref<1x100xi32, #tpu.memory_space<vmem>>
      %dma_start3A_742 = tpu.memref_squeeze %dma_start3A_741 : memref<1x100xi32, #tpu.memory_space<vmem>> -> memref<100xi32, #tpu.memory_space<vmem>>
      %dma_start3A_743 = arith.constant 0 : i32
      %dma_start3A_744 = arith.constant 0 : i32
      %dma_start3A_745 = tpu.memref_slice %arg5[%dma_start3A_743, %dma_start3A_744] : memref<1000000x32xf32, #tpu.memory_space<hbm>> -> memref<1000000x32xf32, #tpu.memory_space<hbm>>
      tpu.enqueue_indirect_dma source(%dma_start3A_745 : memref<1000000x32xf32, #tpu.memory_space<hbm>>) target(%dma_start3A_739 : memref<100x32xf32, #tpu.memory_space<vmem>>) offsets(%dma_start3A_742 : memref<100xi32, #tpu.memory_space<vmem>>) semaphore(%arg13 : memref<!tpu.dma_semaphore, #tpu.memory_space<semaphore_mem>>)
      %mul3A_746 = arith.constant 8 : i32
      %mul3A_747 = arith.muli %add3A_693, %mul3A_746 : i32
      %add3A_748 = arith.constant 4 : i32
      %add3A_749 = arith.addi %mul3A_747, %add3A_748 : i32
      %dma_start3A_750 = arith.constant 400 : i32
      %dma_start3A_751 = arith.constant 0 : i32
      %dma_start3A_752 = tpu.memref_slice %arg8[%dma_start3A_750, %dma_start3A_751] : memref<800x32xf32, #tpu.memory_space<vmem>> -> memref<100x32xf32, #tpu.memory_space<vmem>>
      %dma_start3A_753 = arith.constant 0 : i32
      %dma_start3A_754 = tpu.memref_slice %arg7[%add3A_749, %dma_start3A_753] : memref<256x100xi32, #tpu.memory_space<vmem>> -> memref<1x100xi32, #tpu.memory_space<vmem>>
      %dma_start3A_755 = tpu.memref_squeeze %dma_start3A_754 : memref<1x100xi32, #tpu.memory_space<vmem>> -> memref<100xi32, #tpu.memory_space<vmem>>
      %dma_start3A_756 = arith.constant 0 : i32
      %dma_start3A_757 = arith.constant 0 : i32
      %dma_start3A_758 = tpu.memref_slice %arg5[%dma_start3A_756, %dma_start3A_757] : memref<1000000x32xf32, #tpu.memory_space<hbm>> -> memref<1000000x32xf32, #tpu.memory_space<hbm>>
      tpu.enqueue_indirect_dma source(%dma_start3A_758 : memref<1000000x32xf32, #tpu.memory_space<hbm>>) target(%dma_start3A_752 : memref<100x32xf32, #tpu.memory_space<vmem>>) offsets(%dma_start3A_755 : memref<100xi32, #tpu.memory_space<vmem>>) semaphore(%arg13 : memref<!tpu.dma_semaphore, #tpu.memory_space<semaphore_mem>>)
      %mul3A_759 = arith.constant 8 : i32
      %mul3A_760 = arith.muli %add3A_693, %mul3A_759 : i32
      %add3A_761 = arith.constant 5 : i32
      %add3A_762 = arith.addi %mul3A_760, %add3A_761 : i32
      %dma_start3A_763 = arith.constant 500 : i32
      %dma_start3A_764 = arith.constant 0 : i32
      %dma_start3A_765 = tpu.memref_slice %arg8[%dma_start3A_763, %dma_start3A_764] : memref<800x32xf32, #tpu.memory_space<vmem>> -> memref<100x32xf32, #tpu.memory_space<vmem>>
      %dma_start3A_766 = arith.constant 0 : i32
      %dma_start3A_767 = tpu.memref_slice %arg7[%add3A_762, %dma_start3A_766] : memref<256x100xi32, #tpu.memory_space<vmem>> -> memref<1x100xi32, #tpu.memory_space<vmem>>
      %dma_start3A_768 = tpu.memref_squeeze %dma_start3A_767 : memref<1x100xi32, #tpu.memory_space<vmem>> -> memref<100xi32, #tpu.memory_space<vmem>>
      %dma_start3A_769 = arith.constant 0 : i32
      %dma_start3A_770 = arith.constant 0 : i32
      %dma_start3A_771 = tpu.memref_slice %arg5[%dma_start3A_769, %dma_start3A_770] : memref<1000000x32xf32, #tpu.memory_space<hbm>> -> memref<1000000x32xf32, #tpu.memory_space<hbm>>
      tpu.enqueue_indirect_dma source(%dma_start3A_771 : memref<1000000x32xf32, #tpu.memory_space<hbm>>) target(%dma_start3A_765 : memref<100x32xf32, #tpu.memory_space<vmem>>) offsets(%dma_start3A_768 : memref<100xi32, #tpu.memory_space<vmem>>) semaphore(%arg13 : memref<!tpu.dma_semaphore, #tpu.memory_space<semaphore_mem>>)
      %mul3A_772 = arith.constant 8 : i32
      %mul3A_773 = arith.muli %add3A_693, %mul3A_772 : i32
      %add3A_774 = arith.constant 6 : i32
      %add3A_775 = arith.addi %mul3A_773, %add3A_774 : i32
      %dma_start3A_776 = arith.constant 600 : i32
      %dma_start3A_777 = arith.constant 0 : i32
      %dma_start3A_778 = tpu.memref_slice %arg8[%dma_start3A_776, %dma_start3A_777] : memref<800x32xf32, #tpu.memory_space<vmem>> -> memref<100x32xf32, #tpu.memory_space<vmem>>
      %dma_start3A_779 = arith.constant 0 : i32
      %dma_start3A_780 = tpu.memref_slice %arg7[%add3A_775, %dma_start3A_779] : memref<256x100xi32, #tpu.memory_space<vmem>> -> memref<1x100xi32, #tpu.memory_space<vmem>>
      %dma_start3A_781 = tpu.memref_squeeze %dma_start3A_780 : memref<1x100xi32, #tpu.memory_space<vmem>> -> memref<100xi32, #tpu.memory_space<vmem>>
      %dma_start3A_782 = arith.constant 0 : i32
      %dma_start3A_783 = arith.constant 0 : i32
      %dma_start3A_784 = tpu.memref_slice %arg5[%dma_start3A_782, %dma_start3A_783] : memref<1000000x32xf32, #tpu.memory_space<hbm>> -> memref<1000000x32xf32, #tpu.memory_space<hbm>>
      tpu.enqueue_indirect_dma source(%dma_start3A_784 : memref<1000000x32xf32, #tpu.memory_space<hbm>>) target(%dma_start3A_778 : memref<100x32xf32, #tpu.memory_space<vmem>>) offsets(%dma_start3A_781 : memref<100xi32, #tpu.memory_space<vmem>>) semaphore(%arg13 : memref<!tpu.dma_semaphore, #tpu.memory_space<semaphore_mem>>)
      %mul3A_785 = arith.constant 8 : i32
      %mul3A_786 = arith.muli %add3A_693, %mul3A_785 : i32
      %add3A_787 = arith.constant 7 : i32
      %add3A_788 = arith.addi %mul3A_786, %add3A_787 : i32
      %dma_start3A_789 = arith.constant 700 : i32
      %dma_start3A_790 = arith.constant 0 : i32
      %dma_start3A_791 = tpu.memref_slice %arg8[%dma_start3A_789, %dma_start3A_790] : memref<800x32xf32, #tpu.memory_space<vmem>> -> memref<100x32xf32, #tpu.memory_space<vmem>>
      %dma_start3A_792 = arith.constant 0 : i32
      %dma_start3A_793 = tpu.memref_slice %arg7[%add3A_788, %dma_start3A_792] : memref<256x100xi32, #tpu.memory_space<vmem>> -> memref<1x100xi32, #tpu.memory_space<vmem>>
      %dma_start3A_794 = tpu.memref_squeeze %dma_start3A_793 : memref<1x100xi32, #tpu.memory_space<vmem>> -> memref<100xi32, #tpu.memory_space<vmem>>
      %dma_start3A_795 = arith.constant 0 : i32
      %dma_start3A_796 = arith.constant 0 : i32
      %dma_start3A_797 = tpu.memref_slice %arg5[%dma_start3A_795, %dma_start3A_796] : memref<1000000x32xf32, #tpu.memory_space<hbm>> -> memref<1000000x32xf32, #tpu.memory_space<hbm>>
      tpu.enqueue_indirect_dma source(%dma_start3A_797 : memref<1000000x32xf32, #tpu.memory_space<hbm>>) target(%dma_start3A_791 : memref<100x32xf32, #tpu.memory_space<vmem>>) offsets(%dma_start3A_794 : memref<100xi32, #tpu.memory_space<vmem>>) semaphore(%arg13 : memref<!tpu.dma_semaphore, #tpu.memory_space<semaphore_mem>>)
      %scan3A_798 = arith.constant 0 : i32
      %scan3A_799 = arith.constant 0 : i32
      %scan3A_800 = arith.constant 16 : i32
      %scan3A_801 = arith.addi %scan3A_799, %scan3A_800 : i32
      %scan3A_802 = arith.constant 1 : i32
      scf.for %scan3A_804 = %scan3A_799 to %scan3A_801 step %scan3A_802  : i32 {
        %mul3A_805 = arith.constant 50 : i32
        %mul3A_806 = arith.muli %scan3A_804, %mul3A_805 : i32
        %get3A_807 = arith.index_cast %mul3A_806 : i32 to index
        %get3A_808 = arith.constant 0 : index
        %get3A_809 = tpu.vector_load %arg9[%get3A_807, %get3A_808] {strides = array<i32>} : memref<800x32xf32, #tpu.memory_space<vmem>>, vector<16xf32>,
        %get3A_810 = arith.index_cast %mul3A_806 : i32 to index
        %get3A_811 = arith.constant 16 : index
        %get3A_812 = tpu.vector_load %arg9[%get3A_810, %get3A_811] {strides = array<i32>} : memref<800x32xf32, #tpu.memory_space<vmem>>, vector<16xf32>,
        %add3A_813 = arith.constant 1 : i32
        %add3A_814 = arith.addi %mul3A_806, %add3A_813 : i32
        %get3A_815 = arith.index_cast %add3A_814 : i32 to index
        %get3A_816 = arith.constant 0 : index
        %get3A_817 = tpu.vector_load %arg9[%get3A_815, %get3A_816] {strides = array<i32>} : memref<800x32xf32, #tpu.memory_space<vmem>>, vector<16xf32>,
        %add3A_818 = arith.addf %get3A_809, %get3A_817 : vector<16xf32>
        %add3A_819 = arith.constant 1 : i32
        %add3A_820 = arith.addi %mul3A_806, %add3A_819 : i32
        %get3A_821 = arith.index_cast %add3A_820 : i32 to index
        %get3A_822 = arith.constant 16 : index
        %get3A_823 = tpu.vector_load %arg9[%get3A_821, %get3A_822] {strides = array<i32>} : memref<800x32xf32, #tpu.memory_space<vmem>>, vector<16xf32>,
        %add3A_824 = arith.addf %get3A_812, %get3A_823 : vector<16xf32>
        %add3A_825 = arith.constant 2 : i32
        %add3A_826 = arith.addi %mul3A_806, %add3A_825 : i32
        %get3A_827 = arith.index_cast %add3A_826 : i32 to index
        %get3A_828 = arith.constant 0 : index
        %get3A_829 = tpu.vector_load %arg9[%get3A_827, %get3A_828] {strides = array<i32>} : memref<800x32xf32, #tpu.memory_space<vmem>>, vector<16xf32>,
        %add3A_830 = arith.addf %add3A_818, %get3A_829 : vector<16xf32>
        %add3A_831 = arith.constant 2 : i32
        %add3A_832 = arith.addi %mul3A_806, %add3A_831 : i32
        %get3A_833 = arith.index_cast %add3A_832 : i32 to index
        %get3A_834 = arith.constant 16 : index
        %get3A_835 = tpu.vector_load %arg9[%get3A_833, %get3A_834] {strides = array<i32>} : memref<800x32xf32, #tpu.memory_space<vmem>>, vector<16xf32>,
        %add3A_836 = arith.addf %add3A_824, %get3A_835 : vector<16xf32>
        %add3A_837 = arith.constant 3 : i32
        %add3A_838 = arith.addi %mul3A_806, %add3A_837 : i32
        %get3A_839 = arith.index_cast %add3A_838 : i32 to index
        %get3A_840 = arith.constant 0 : index
        %get3A_841 = tpu.vector_load %arg9[%get3A_839, %get3A_840] {strides = array<i32>} : memref<800x32xf32, #tpu.memory_space<vmem>>, vector<16xf32>,
        %add3A_842 = arith.addf %add3A_830, %get3A_841 : vector<16xf32>
        %add3A_843 = arith.constant 3 : i32
        %add3A_844 = arith.addi %mul3A_806, %add3A_843 : i32
        %get3A_845 = arith.index_cast %add3A_844 : i32 to index
        %get3A_846 = arith.constant 16 : index
        %get3A_847 = tpu.vector_load %arg9[%get3A_845, %get3A_846] {strides = array<i32>} : memref<800x32xf32, #tpu.memory_space<vmem>>, vector<16xf32>,
        %add3A_848 = arith.addf %add3A_836, %get3A_847 : vector<16xf32>
        %add3A_849 = arith.constant 4 : i32
        %add3A_850 = arith.addi %mul3A_806, %add3A_849 : i32
        %get3A_851 = arith.index_cast %add3A_850 : i32 to index
        %get3A_852 = arith.constant 0 : index
        %get3A_853 = tpu.vector_load %arg9[%get3A_851, %get3A_852] {strides = array<i32>} : memref<800x32xf32, #tpu.memory_space<vmem>>, vector<16xf32>,
        %add3A_854 = arith.addf %add3A_842, %get3A_853 : vector<16xf32>
        %add3A_855 = arith.constant 4 : i32
        %add3A_856 = arith.addi %mul3A_806, %add3A_855 : i32
        %get3A_857 = arith.index_cast %add3A_856 : i32 to index
        %get3A_858 = arith.constant 16 : index
        %get3A_859 = tpu.vector_load %arg9[%get3A_857, %get3A_858] {strides = array<i32>} : memref<800x32xf32, #tpu.memory_space<vmem>>, vector<16xf32>,
        %add3A_860 = arith.addf %add3A_848, %get3A_859 : vector<16xf32>
        %add3A_861 = arith.constant 5 : i32
        %add3A_862 = arith.addi %mul3A_806, %add3A_861 : i32
        %get3A_863 = arith.index_cast %add3A_862 : i32 to index
        %get3A_864 = arith.constant 0 : index
        %get3A_865 = tpu.vector_load %arg9[%get3A_863, %get3A_864] {strides = array<i32>} : memref<800x32xf32, #tpu.memory_space<vmem>>, vector<16xf32>,
        %add3A_866 = arith.addf %add3A_854, %get3A_865 : vector<16xf32>
        %add3A_867 = arith.constant 5 : i32
        %add3A_868 = arith.addi %mul3A_806, %add3A_867 : i32
        %get3A_869 = arith.index_cast %add3A_868 : i32 to index
        %get3A_870 = arith.constant 16 : index
        %get3A_871 = tpu.vector_load %arg9[%get3A_869, %get3A_870] {strides = array<i32>} : memref<800x32xf32, #tpu.memory_space<vmem>>, vector<16xf32>,
        %add3A_872 = arith.addf %add3A_860, %get3A_871 : vector<16xf32>
        %add3A_873 = arith.constant 6 : i32
        %add3A_874 = arith.addi %mul3A_806, %add3A_873 : i32
        %get3A_875 = arith.index_cast %add3A_874 : i32 to index
        %get3A_876 = arith.constant 0 : index
        %get3A_877 = tpu.vector_load %arg9[%get3A_875, %get3A_876] {strides = array<i32>} : memref<800x32xf32, #tpu.memory_space<vmem>>, vector<16xf32>,
        %add3A_878 = arith.addf %add3A_866, %get3A_877 : vector<16xf32>
        %add3A_879 = arith.constant 6 : i32
        %add3A_880 = arith.addi %mul3A_806, %add3A_879 : i32
        %get3A_881 = arith.index_cast %add3A_880 : i32 to index
        %get3A_882 = arith.constant 16 : index
        %get3A_883 = tpu.vector_load %arg9[%get3A_881, %get3A_882] {strides = array<i32>} : memref<800x32xf32, #tpu.memory_space<vmem>>, vector<16xf32>,
        %add3A_884 = arith.addf %add3A_872, %get3A_883 : vector<16xf32>
        %add3A_885 = arith.constant 7 : i32
        %add3A_886 = arith.addi %mul3A_806, %add3A_885 : i32
        %get3A_887 = arith.index_cast %add3A_886 : i32 to index
        %get3A_888 = arith.constant 0 : index
        %get3A_889 = tpu.vector_load %arg9[%get3A_887, %get3A_888] {strides = array<i32>} : memref<800x32xf32, #tpu.memory_space<vmem>>, vector<16xf32>,
        %add3A_890 = arith.addf %add3A_878, %get3A_889 : vector<16xf32>
        %add3A_891 = arith.constant 7 : i32
        %add3A_892 = arith.addi %mul3A_806, %add3A_891 : i32
        %get3A_893 = arith.index_cast %add3A_892 : i32 to index
        %get3A_894 = arith.constant 16 : index
        %get3A_895 = tpu.vector_load %arg9[%get3A_893, %get3A_894] {strides = array<i32>} : memref<800x32xf32, #tpu.memory_space<vmem>>, vector<16xf32>,
        %add3A_896 = arith.addf %add3A_884, %get3A_895 : vector<16xf32>
        %add3A_897 = arith.constant 8 : i32
        %add3A_898 = arith.addi %mul3A_806, %add3A_897 : i32
        %get3A_899 = arith.index_cast %add3A_898 : i32 to index
        %get3A_900 = arith.constant 0 : index
        %get3A_901 = tpu.vector_load %arg9[%get3A_899, %get3A_900] {strides = array<i32>} : memref<800x32xf32, #tpu.memory_space<vmem>>, vector<16xf32>,
        %add3A_902 = arith.addf %add3A_890, %get3A_901 : vector<16xf32>
        %add3A_903 = arith.constant 8 : i32
        %add3A_904 = arith.addi %mul3A_806, %add3A_903 : i32
        %get3A_905 = arith.index_cast %add3A_904 : i32 to index
        %get3A_906 = arith.constant 16 : index
        %get3A_907 = tpu.vector_load %arg9[%get3A_905, %get3A_906] {strides = array<i32>} : memref<800x32xf32, #tpu.memory_space<vmem>>, vector<16xf32>,
        %add3A_908 = arith.addf %add3A_896, %get3A_907 : vector<16xf32>
        %add3A_909 = arith.constant 9 : i32
        %add3A_910 = arith.addi %mul3A_806, %add3A_909 : i32
        %get3A_911 = arith.index_cast %add3A_910 : i32 to index
        %get3A_912 = arith.constant 0 : index
        %get3A_913 = tpu.vector_load %arg9[%get3A_911, %get3A_912] {strides = array<i32>} : memref<800x32xf32, #tpu.memory_space<vmem>>, vector<16xf32>,
        %add3A_914 = arith.addf %add3A_902, %get3A_913 : vector<16xf32>
        %add3A_915 = arith.constant 9 : i32
        %add3A_916 = arith.addi %mul3A_806, %add3A_915 : i32
        %get3A_917 = arith.index_cast %add3A_916 : i32 to index
        %get3A_918 = arith.constant 16 : index
        %get3A_919 = tpu.vector_load %arg9[%get3A_917, %get3A_918] {strides = array<i32>} : memref<800x32xf32, #tpu.memory_space<vmem>>, vector<16xf32>,
        %add3A_920 = arith.addf %add3A_908, %get3A_919 : vector<16xf32>
        %add3A_921 = arith.constant 10 : i32
        %add3A_922 = arith.addi %mul3A_806, %add3A_921 : i32
        %get3A_923 = arith.index_cast %add3A_922 : i32 to index
        %get3A_924 = arith.constant 0 : index
        %get3A_925 = tpu.vector_load %arg9[%get3A_923, %get3A_924] {strides = array<i32>} : memref<800x32xf32, #tpu.memory_space<vmem>>, vector<16xf32>,
        %add3A_926 = arith.addf %add3A_914, %get3A_925 : vector<16xf32>
        %add3A_927 = arith.constant 10 : i32
        %add3A_928 = arith.addi %mul3A_806, %add3A_927 : i32
        %get3A_929 = arith.index_cast %add3A_928 : i32 to index
        %get3A_930 = arith.constant 16 : index
        %get3A_931 = tpu.vector_load %arg9[%get3A_929, %get3A_930] {strides = array<i32>} : memref<800x32xf32, #tpu.memory_space<vmem>>, vector<16xf32>,
        %add3A_932 = arith.addf %add3A_920, %get3A_931 : vector<16xf32>
        %add3A_933 = arith.constant 11 : i32
        %add3A_934 = arith.addi %mul3A_806, %add3A_933 : i32
        %get3A_935 = arith.index_cast %add3A_934 : i32 to index
        %get3A_936 = arith.constant 0 : index
        %get3A_937 = tpu.vector_load %arg9[%get3A_935, %get3A_936] {strides = array<i32>} : memref<800x32xf32, #tpu.memory_space<vmem>>, vector<16xf32>,
        %add3A_938 = arith.addf %add3A_926, %get3A_937 : vector<16xf32>
        %add3A_939 = arith.constant 11 : i32
        %add3A_940 = arith.addi %mul3A_806, %add3A_939 : i32
        %get3A_941 = arith.index_cast %add3A_940 : i32 to index
        %get3A_942 = arith.constant 16 : index
        %get3A_943 = tpu.vector_load %arg9[%get3A_941, %get3A_942] {strides = array<i32>} : memref<800x32xf32, #tpu.memory_space<vmem>>, vector<16xf32>,
        %add3A_944 = arith.addf %add3A_932, %get3A_943 : vector<16xf32>
        %add3A_945 = arith.constant 12 : i32
        %add3A_946 = arith.addi %mul3A_806, %add3A_945 : i32
        %get3A_947 = arith.index_cast %add3A_946 : i32 to index
        %get3A_948 = arith.constant 0 : index
        %get3A_949 = tpu.vector_load %arg9[%get3A_947, %get3A_948] {strides = array<i32>} : memref<800x32xf32, #tpu.memory_space<vmem>>, vector<16xf32>,
        %add3A_950 = arith.addf %add3A_938, %get3A_949 : vector<16xf32>
        %add3A_951 = arith.constant 12 : i32
        %add3A_952 = arith.addi %mul3A_806, %add3A_951 : i32
        %get3A_953 = arith.index_cast %add3A_952 : i32 to index
        %get3A_954 = arith.constant 16 : index
        %get3A_955 = tpu.vector_load %arg9[%get3A_953, %get3A_954] {strides = array<i32>} : memref<800x32xf32, #tpu.memory_space<vmem>>, vector<16xf32>,
        %add3A_956 = arith.addf %add3A_944, %get3A_955 : vector<16xf32>
        %add3A_957 = arith.constant 13 : i32
        %add3A_958 = arith.addi %mul3A_806, %add3A_957 : i32
        %get3A_959 = arith.index_cast %add3A_958 : i32 to index
        %get3A_960 = arith.constant 0 : index
        %get3A_961 = tpu.vector_load %arg9[%get3A_959, %get3A_960] {strides = array<i32>} : memref<800x32xf32, #tpu.memory_space<vmem>>, vector<16xf32>,
        %add3A_962 = arith.addf %add3A_950, %get3A_961 : vector<16xf32>
        %add3A_963 = arith.constant 13 : i32
        %add3A_964 = arith.addi %mul3A_806, %add3A_963 : i32
        %get3A_965 = arith.index_cast %add3A_964 : i32 to index
        %get3A_966 = arith.constant 16 : index
        %get3A_967 = tpu.vector_load %arg9[%get3A_965, %get3A_966] {strides = array<i32>} : memref<800x32xf32, #tpu.memory_space<vmem>>, vector<16xf32>,
        %add3A_968 = arith.addf %add3A_956, %get3A_967 : vector<16xf32>
        %add3A_969 = arith.constant 14 : i32
        %add3A_970 = arith.addi %mul3A_806, %add3A_969 : i32
        %get3A_971 = arith.index_cast %add3A_970 : i32 to index
        %get3A_972 = arith.constant 0 : index
        %get3A_973 = tpu.vector_load %arg9[%get3A_971, %get3A_972] {strides = array<i32>} : memref<800x32xf32, #tpu.memory_space<vmem>>, vector<16xf32>,
        %add3A_974 = arith.addf %add3A_962, %get3A_973 : vector<16xf32>
        %add3A_975 = arith.constant 14 : i32
        %add3A_976 = arith.addi %mul3A_806, %add3A_975 : i32
        %get3A_977 = arith.index_cast %add3A_976 : i32 to index
        %get3A_978 = arith.constant 16 : index
        %get3A_979 = tpu.vector_load %arg9[%get3A_977, %get3A_978] {strides = array<i32>} : memref<800x32xf32, #tpu.memory_space<vmem>>, vector<16xf32>,
        %add3A_980 = arith.addf %add3A_968, %get3A_979 : vector<16xf32>
        %add3A_981 = arith.constant 15 : i32
        %add3A_982 = arith.addi %mul3A_806, %add3A_981 : i32
        %get3A_983 = arith.index_cast %add3A_982 : i32 to index
        %get3A_984 = arith.constant 0 : index
        %get3A_985 = tpu.vector_load %arg9[%get3A_983, %get3A_984] {strides = array<i32>} : memref<800x32xf32, #tpu.memory_space<vmem>>, vector<16xf32>,
        %add3A_986 = arith.addf %add3A_974, %get3A_985 : vector<16xf32>
        %add3A_987 = arith.constant 15 : i32
        %add3A_988 = arith.addi %mul3A_806, %add3A_987 : i32
        %get3A_989 = arith.index_cast %add3A_988 : i32 to index
        %get3A_990 = arith.constant 16 : index
        %get3A_991 = tpu.vector_load %arg9[%get3A_989, %get3A_990] {strides = array<i32>} : memref<800x32xf32, #tpu.memory_space<vmem>>, vector<16xf32>,
        %add3A_992 = arith.addf %add3A_980, %get3A_991 : vector<16xf32>
        %add3A_993 = arith.constant 16 : i32
        %add3A_994 = arith.addi %mul3A_806, %add3A_993 : i32
        %get3A_995 = arith.index_cast %add3A_994 : i32 to index
        %get3A_996 = arith.constant 0 : index
        %get3A_997 = tpu.vector_load %arg9[%get3A_995, %get3A_996] {strides = array<i32>} : memref<800x32xf32, #tpu.memory_space<vmem>>, vector<16xf32>,
        %add3A_998 = arith.addf %add3A_986, %get3A_997 : vector<16xf32>
        %add3A_999 = arith.constant 16 : i32
        %add3A_1000 = arith.addi %mul3A_806, %add3A_999 : i32
        %get3A_1001 = arith.index_cast %add3A_1000 : i32 to index
        %get3A_1002 = arith.constant 16 : index
        %get3A_1003 = tpu.vector_load %arg9[%get3A_1001, %get3A_1002] {strides = array<i32>} : memref<800x32xf32, #tpu.memory_space<vmem>>, vector<16xf32>,
        %add3A_1004 = arith.addf %add3A_992, %get3A_1003 : vector<16xf32>
        %add3A_1005 = arith.constant 17 : i32
        %add3A_1006 = arith.addi %mul3A_806, %add3A_1005 : i32
        %get3A_1007 = arith.index_cast %add3A_1006 : i32 to index
        %get3A_1008 = arith.constant 0 : index
        %get3A_1009 = tpu.vector_load %arg9[%get3A_1007, %get3A_1008] {strides = array<i32>} : memref<800x32xf32, #tpu.memory_space<vmem>>, vector<16xf32>,
        %add3A_1010 = arith.addf %add3A_998, %get3A_1009 : vector<16xf32>
        %add3A_1011 = arith.constant 17 : i32
        %add3A_1012 = arith.addi %mul3A_806, %add3A_1011 : i32
        %get3A_1013 = arith.index_cast %add3A_1012 : i32 to index
        %get3A_1014 = arith.constant 16 : index
        %get3A_1015 = tpu.vector_load %arg9[%get3A_1013, %get3A_1014] {strides = array<i32>} : memref<800x32xf32, #tpu.memory_space<vmem>>, vector<16xf32>,
        %add3A_1016 = arith.addf %add3A_1004, %get3A_1015 : vector<16xf32>
        %add3A_1017 = arith.constant 18 : i32
        %add3A_1018 = arith.addi %mul3A_806, %add3A_1017 : i32
        %get3A_1019 = arith.index_cast %add3A_1018 : i32 to index
        %get3A_1020 = arith.constant 0 : index
        %get3A_1021 = tpu.vector_load %arg9[%get3A_1019, %get3A_1020] {strides = array<i32>} : memref<800x32xf32, #tpu.memory_space<vmem>>, vector<16xf32>,
        %add3A_1022 = arith.addf %add3A_1010, %get3A_1021 : vector<16xf32>
        %add3A_1023 = arith.constant 18 : i32
        %add3A_1024 = arith.addi %mul3A_806, %add3A_1023 : i32
        %get3A_1025 = arith.index_cast %add3A_1024 : i32 to index
        %get3A_1026 = arith.constant 16 : index
        %get3A_1027 = tpu.vector_load %arg9[%get3A_1025, %get3A_1026] {strides = array<i32>} : memref<800x32xf32, #tpu.memory_space<vmem>>, vector<16xf32>,
        %add3A_1028 = arith.addf %add3A_1016, %get3A_1027 : vector<16xf32>
        %add3A_1029 = arith.constant 19 : i32
        %add3A_1030 = arith.addi %mul3A_806, %add3A_1029 : i32
        %get3A_1031 = arith.index_cast %add3A_1030 : i32 to index
        %get3A_1032 = arith.constant 0 : index
        %get3A_1033 = tpu.vector_load %arg9[%get3A_1031, %get3A_1032] {strides = array<i32>} : memref<800x32xf32, #tpu.memory_space<vmem>>, vector<16xf32>,
        %add3A_1034 = arith.addf %add3A_1022, %get3A_1033 : vector<16xf32>
        %add3A_1035 = arith.constant 19 : i32
        %add3A_1036 = arith.addi %mul3A_806, %add3A_1035 : i32
        %get3A_1037 = arith.index_cast %add3A_1036 : i32 to index
        %get3A_1038 = arith.constant 16 : index
        %get3A_1039 = tpu.vector_load %arg9[%get3A_1037, %get3A_1038] {strides = array<i32>} : memref<800x32xf32, #tpu.memory_space<vmem>>, vector<16xf32>,
        %add3A_1040 = arith.addf %add3A_1028, %get3A_1039 : vector<16xf32>
        %add3A_1041 = arith.constant 20 : i32
        %add3A_1042 = arith.addi %mul3A_806, %add3A_1041 : i32
        %get3A_1043 = arith.index_cast %add3A_1042 : i32 to index
        %get3A_1044 = arith.constant 0 : index
        %get3A_1045 = tpu.vector_load %arg9[%get3A_1043, %get3A_1044] {strides = array<i32>} : memref<800x32xf32, #tpu.memory_space<vmem>>, vector<16xf32>,
        %add3A_1046 = arith.addf %add3A_1034, %get3A_1045 : vector<16xf32>
        %add3A_1047 = arith.constant 20 : i32
        %add3A_1048 = arith.addi %mul3A_806, %add3A_1047 : i32
        %get3A_1049 = arith.index_cast %add3A_1048 : i32 to index
        %get3A_1050 = arith.constant 16 : index
        %get3A_1051 = tpu.vector_load %arg9[%get3A_1049, %get3A_1050] {strides = array<i32>} : memref<800x32xf32, #tpu.memory_space<vmem>>, vector<16xf32>,
        %add3A_1052 = arith.addf %add3A_1040, %get3A_1051 : vector<16xf32>
        %add3A_1053 = arith.constant 21 : i32
        %add3A_1054 = arith.addi %mul3A_806, %add3A_1053 : i32
        %get3A_1055 = arith.index_cast %add3A_1054 : i32 to index
        %get3A_1056 = arith.constant 0 : index
        %get3A_1057 = tpu.vector_load %arg9[%get3A_1055, %get3A_1056] {strides = array<i32>} : memref<800x32xf32, #tpu.memory_space<vmem>>, vector<16xf32>,
        %add3A_1058 = arith.addf %add3A_1046, %get3A_1057 : vector<16xf32>
        %add3A_1059 = arith.constant 21 : i32
        %add3A_1060 = arith.addi %mul3A_806, %add3A_1059 : i32
        %get3A_1061 = arith.index_cast %add3A_1060 : i32 to index
        %get3A_1062 = arith.constant 16 : index
        %get3A_1063 = tpu.vector_load %arg9[%get3A_1061, %get3A_1062] {strides = array<i32>} : memref<800x32xf32, #tpu.memory_space<vmem>>, vector<16xf32>,
        %add3A_1064 = arith.addf %add3A_1052, %get3A_1063 : vector<16xf32>
        %add3A_1065 = arith.constant 22 : i32
        %add3A_1066 = arith.addi %mul3A_806, %add3A_1065 : i32
        %get3A_1067 = arith.index_cast %add3A_1066 : i32 to index
        %get3A_1068 = arith.constant 0 : index
        %get3A_1069 = tpu.vector_load %arg9[%get3A_1067, %get3A_1068] {strides = array<i32>} : memref<800x32xf32, #tpu.memory_space<vmem>>, vector<16xf32>,
        %add3A_1070 = arith.addf %add3A_1058, %get3A_1069 : vector<16xf32>
        %add3A_1071 = arith.constant 22 : i32
        %add3A_1072 = arith.addi %mul3A_806, %add3A_1071 : i32
        %get3A_1073 = arith.index_cast %add3A_1072 : i32 to index
        %get3A_1074 = arith.constant 16 : index
        %get3A_1075 = tpu.vector_load %arg9[%get3A_1073, %get3A_1074] {strides = array<i32>} : memref<800x32xf32, #tpu.memory_space<vmem>>, vector<16xf32>,
        %add3A_1076 = arith.addf %add3A_1064, %get3A_1075 : vector<16xf32>
        %add3A_1077 = arith.constant 23 : i32
        %add3A_1078 = arith.addi %mul3A_806, %add3A_1077 : i32
        %get3A_1079 = arith.index_cast %add3A_1078 : i32 to index
        %get3A_1080 = arith.constant 0 : index
        %get3A_1081 = tpu.vector_load %arg9[%get3A_1079, %get3A_1080] {strides = array<i32>} : memref<800x32xf32, #tpu.memory_space<vmem>>, vector<16xf32>,
        %add3A_1082 = arith.addf %add3A_1070, %get3A_1081 : vector<16xf32>
        %add3A_1083 = arith.constant 23 : i32
        %add3A_1084 = arith.addi %mul3A_806, %add3A_1083 : i32
        %get3A_1085 = arith.index_cast %add3A_1084 : i32 to index
        %get3A_1086 = arith.constant 16 : index
        %get3A_1087 = tpu.vector_load %arg9[%get3A_1085, %get3A_1086] {strides = array<i32>} : memref<800x32xf32, #tpu.memory_space<vmem>>, vector<16xf32>,
        %add3A_1088 = arith.addf %add3A_1076, %get3A_1087 : vector<16xf32>
        %add3A_1089 = arith.constant 24 : i32
        %add3A_1090 = arith.addi %mul3A_806, %add3A_1089 : i32
        %get3A_1091 = arith.index_cast %add3A_1090 : i32 to index
        %get3A_1092 = arith.constant 0 : index
        %get3A_1093 = tpu.vector_load %arg9[%get3A_1091, %get3A_1092] {strides = array<i32>} : memref<800x32xf32, #tpu.memory_space<vmem>>, vector<16xf32>,
        %add3A_1094 = arith.addf %add3A_1082, %get3A_1093 : vector<16xf32>
        %add3A_1095 = arith.constant 24 : i32
        %add3A_1096 = arith.addi %mul3A_806, %add3A_1095 : i32
        %get3A_1097 = arith.index_cast %add3A_1096 : i32 to index
        %get3A_1098 = arith.constant 16 : index
        %get3A_1099 = tpu.vector_load %arg9[%get3A_1097, %get3A_1098] {strides = array<i32>} : memref<800x32xf32, #tpu.memory_space<vmem>>, vector<16xf32>,
        %add3A_1100 = arith.addf %add3A_1088, %get3A_1099 : vector<16xf32>
        %add3A_1101 = arith.constant 25 : i32
        %add3A_1102 = arith.addi %mul3A_806, %add3A_1101 : i32
        %get3A_1103 = arith.index_cast %add3A_1102 : i32 to index
        %get3A_1104 = arith.constant 0 : index
        %get3A_1105 = tpu.vector_load %arg9[%get3A_1103, %get3A_1104] {strides = array<i32>} : memref<800x32xf32, #tpu.memory_space<vmem>>, vector<16xf32>,
        %add3A_1106 = arith.addf %add3A_1094, %get3A_1105 : vector<16xf32>
        %add3A_1107 = arith.constant 25 : i32
        %add3A_1108 = arith.addi %mul3A_806, %add3A_1107 : i32
        %get3A_1109 = arith.index_cast %add3A_1108 : i32 to index
        %get3A_1110 = arith.constant 16 : index
        %get3A_1111 = tpu.vector_load %arg9[%get3A_1109, %get3A_1110] {strides = array<i32>} : memref<800x32xf32, #tpu.memory_space<vmem>>, vector<16xf32>,
        %add3A_1112 = arith.addf %add3A_1100, %get3A_1111 : vector<16xf32>
        %add3A_1113 = arith.constant 26 : i32
        %add3A_1114 = arith.addi %mul3A_806, %add3A_1113 : i32
        %get3A_1115 = arith.index_cast %add3A_1114 : i32 to index
        %get3A_1116 = arith.constant 0 : index
        %get3A_1117 = tpu.vector_load %arg9[%get3A_1115, %get3A_1116] {strides = array<i32>} : memref<800x32xf32, #tpu.memory_space<vmem>>, vector<16xf32>,
        %add3A_1118 = arith.addf %add3A_1106, %get3A_1117 : vector<16xf32>
        %add3A_1119 = arith.constant 26 : i32
        %add3A_1120 = arith.addi %mul3A_806, %add3A_1119 : i32
        %get3A_1121 = arith.index_cast %add3A_1120 : i32 to index
        %get3A_1122 = arith.constant 16 : index
        %get3A_1123 = tpu.vector_load %arg9[%get3A_1121, %get3A_1122] {strides = array<i32>} : memref<800x32xf32, #tpu.memory_space<vmem>>, vector<16xf32>,
        %add3A_1124 = arith.addf %add3A_1112, %get3A_1123 : vector<16xf32>
        %add3A_1125 = arith.constant 27 : i32
        %add3A_1126 = arith.addi %mul3A_806, %add3A_1125 : i32
        %get3A_1127 = arith.index_cast %add3A_1126 : i32 to index
        %get3A_1128 = arith.constant 0 : index
        %get3A_1129 = tpu.vector_load %arg9[%get3A_1127, %get3A_1128] {strides = array<i32>} : memref<800x32xf32, #tpu.memory_space<vmem>>, vector<16xf32>,
        %add3A_1130 = arith.addf %add3A_1118, %get3A_1129 : vector<16xf32>
        %add3A_1131 = arith.constant 27 : i32
        %add3A_1132 = arith.addi %mul3A_806, %add3A_1131 : i32
        %get3A_1133 = arith.index_cast %add3A_1132 : i32 to index
        %get3A_1134 = arith.constant 16 : index
        %get3A_1135 = tpu.vector_load %arg9[%get3A_1133, %get3A_1134] {strides = array<i32>} : memref<800x32xf32, #tpu.memory_space<vmem>>, vector<16xf32>,
        %add3A_1136 = arith.addf %add3A_1124, %get3A_1135 : vector<16xf32>
        %add3A_1137 = arith.constant 28 : i32
        %add3A_1138 = arith.addi %mul3A_806, %add3A_1137 : i32
        %get3A_1139 = arith.index_cast %add3A_1138 : i32 to index
        %get3A_1140 = arith.constant 0 : index
        %get3A_1141 = tpu.vector_load %arg9[%get3A_1139, %get3A_1140] {strides = array<i32>} : memref<800x32xf32, #tpu.memory_space<vmem>>, vector<16xf32>,
        %add3A_1142 = arith.addf %add3A_1130, %get3A_1141 : vector<16xf32>
        %add3A_1143 = arith.constant 28 : i32
        %add3A_1144 = arith.addi %mul3A_806, %add3A_1143 : i32
        %get3A_1145 = arith.index_cast %add3A_1144 : i32 to index
        %get3A_1146 = arith.constant 16 : index
        %get3A_1147 = tpu.vector_load %arg9[%get3A_1145, %get3A_1146] {strides = array<i32>} : memref<800x32xf32, #tpu.memory_space<vmem>>, vector<16xf32>,
        %add3A_1148 = arith.addf %add3A_1136, %get3A_1147 : vector<16xf32>
        %add3A_1149 = arith.constant 29 : i32
        %add3A_1150 = arith.addi %mul3A_806, %add3A_1149 : i32
        %get3A_1151 = arith.index_cast %add3A_1150 : i32 to index
        %get3A_1152 = arith.constant 0 : index
        %get3A_1153 = tpu.vector_load %arg9[%get3A_1151, %get3A_1152] {strides = array<i32>} : memref<800x32xf32, #tpu.memory_space<vmem>>, vector<16xf32>,
        %add3A_1154 = arith.addf %add3A_1142, %get3A_1153 : vector<16xf32>
        %add3A_1155 = arith.constant 29 : i32
        %add3A_1156 = arith.addi %mul3A_806, %add3A_1155 : i32
        %get3A_1157 = arith.index_cast %add3A_1156 : i32 to index
        %get3A_1158 = arith.constant 16 : index
        %get3A_1159 = tpu.vector_load %arg9[%get3A_1157, %get3A_1158] {strides = array<i32>} : memref<800x32xf32, #tpu.memory_space<vmem>>, vector<16xf32>,
        %add3A_1160 = arith.addf %add3A_1148, %get3A_1159 : vector<16xf32>
        %add3A_1161 = arith.constant 30 : i32
        %add3A_1162 = arith.addi %mul3A_806, %add3A_1161 : i32
        %get3A_1163 = arith.index_cast %add3A_1162 : i32 to index
        %get3A_1164 = arith.constant 0 : index
        %get3A_1165 = tpu.vector_load %arg9[%get3A_1163, %get3A_1164] {strides = array<i32>} : memref<800x32xf32, #tpu.memory_space<vmem>>, vector<16xf32>,
        %add3A_1166 = arith.addf %add3A_1154, %get3A_1165 : vector<16xf32>
        %add3A_1167 = arith.constant 30 : i32
        %add3A_1168 = arith.addi %mul3A_806, %add3A_1167 : i32
        %get3A_1169 = arith.index_cast %add3A_1168 : i32 to index
        %get3A_1170 = arith.constant 16 : index
        %get3A_1171 = tpu.vector_load %arg9[%get3A_1169, %get3A_1170] {strides = array<i32>} : memref<800x32xf32, #tpu.memory_space<vmem>>, vector<16xf32>,
        %add3A_1172 = arith.addf %add3A_1160, %get3A_1171 : vector<16xf32>
        %add3A_1173 = arith.constant 31 : i32
        %add3A_1174 = arith.addi %mul3A_806, %add3A_1173 : i32
        %get3A_1175 = arith.index_cast %add3A_1174 : i32 to index
        %get3A_1176 = arith.constant 0 : index
        %get3A_1177 = tpu.vector_load %arg9[%get3A_1175, %get3A_1176] {strides = array<i32>} : memref<800x32xf32, #tpu.memory_space<vmem>>, vector<16xf32>,
        %add3A_1178 = arith.addf %add3A_1166, %get3A_1177 : vector<16xf32>
        %add3A_1179 = arith.constant 31 : i32
        %add3A_1180 = arith.addi %mul3A_806, %add3A_1179 : i32
        %get3A_1181 = arith.index_cast %add3A_1180 : i32 to index
        %get3A_1182 = arith.constant 16 : index
        %get3A_1183 = tpu.vector_load %arg9[%get3A_1181, %get3A_1182] {strides = array<i32>} : memref<800x32xf32, #tpu.memory_space<vmem>>, vector<16xf32>,
        %add3A_1184 = arith.addf %add3A_1172, %get3A_1183 : vector<16xf32>
        %add3A_1185 = arith.constant 32 : i32
        %add3A_1186 = arith.addi %mul3A_806, %add3A_1185 : i32
        %get3A_1187 = arith.index_cast %add3A_1186 : i32 to index
        %get3A_1188 = arith.constant 0 : index
        %get3A_1189 = tpu.vector_load %arg9[%get3A_1187, %get3A_1188] {strides = array<i32>} : memref<800x32xf32, #tpu.memory_space<vmem>>, vector<16xf32>,
        %add3A_1190 = arith.addf %add3A_1178, %get3A_1189 : vector<16xf32>
        %add3A_1191 = arith.constant 32 : i32
        %add3A_1192 = arith.addi %mul3A_806, %add3A_1191 : i32
        %get3A_1193 = arith.index_cast %add3A_1192 : i32 to index
        %get3A_1194 = arith.constant 16 : index
        %get3A_1195 = tpu.vector_load %arg9[%get3A_1193, %get3A_1194] {strides = array<i32>} : memref<800x32xf32, #tpu.memory_space<vmem>>, vector<16xf32>,
        %add3A_1196 = arith.addf %add3A_1184, %get3A_1195 : vector<16xf32>
        %add3A_1197 = arith.constant 33 : i32
        %add3A_1198 = arith.addi %mul3A_806, %add3A_1197 : i32
        %get3A_1199 = arith.index_cast %add3A_1198 : i32 to index
        %get3A_1200 = arith.constant 0 : index
        %get3A_1201 = tpu.vector_load %arg9[%get3A_1199, %get3A_1200] {strides = array<i32>} : memref<800x32xf32, #tpu.memory_space<vmem>>, vector<16xf32>,
        %add3A_1202 = arith.addf %add3A_1190, %get3A_1201 : vector<16xf32>
        %add3A_1203 = arith.constant 33 : i32
        %add3A_1204 = arith.addi %mul3A_806, %add3A_1203 : i32
        %get3A_1205 = arith.index_cast %add3A_1204 : i32 to index
        %get3A_1206 = arith.constant 16 : index
        %get3A_1207 = tpu.vector_load %arg9[%get3A_1205, %get3A_1206] {strides = array<i32>} : memref<800x32xf32, #tpu.memory_space<vmem>>, vector<16xf32>,
        %add3A_1208 = arith.addf %add3A_1196, %get3A_1207 : vector<16xf32>
        %add3A_1209 = arith.constant 34 : i32
        %add3A_1210 = arith.addi %mul3A_806, %add3A_1209 : i32
        %get3A_1211 = arith.index_cast %add3A_1210 : i32 to index
        %get3A_1212 = arith.constant 0 : index
        %get3A_1213 = tpu.vector_load %arg9[%get3A_1211, %get3A_1212] {strides = array<i32>} : memref<800x32xf32, #tpu.memory_space<vmem>>, vector<16xf32>,
        %add3A_1214 = arith.addf %add3A_1202, %get3A_1213 : vector<16xf32>
        %add3A_1215 = arith.constant 34 : i32
        %add3A_1216 = arith.addi %mul3A_806, %add3A_1215 : i32
        %get3A_1217 = arith.index_cast %add3A_1216 : i32 to index
        %get3A_1218 = arith.constant 16 : index
        %get3A_1219 = tpu.vector_load %arg9[%get3A_1217, %get3A_1218] {strides = array<i32>} : memref<800x32xf32, #tpu.memory_space<vmem>>, vector<16xf32>,
        %add3A_1220 = arith.addf %add3A_1208, %get3A_1219 : vector<16xf32>
        %add3A_1221 = arith.constant 35 : i32
        %add3A_1222 = arith.addi %mul3A_806, %add3A_1221 : i32
        %get3A_1223 = arith.index_cast %add3A_1222 : i32 to index
        %get3A_1224 = arith.constant 0 : index
        %get3A_1225 = tpu.vector_load %arg9[%get3A_1223, %get3A_1224] {strides = array<i32>} : memref<800x32xf32, #tpu.memory_space<vmem>>, vector<16xf32>,
        %add3A_1226 = arith.addf %add3A_1214, %get3A_1225 : vector<16xf32>
        %add3A_1227 = arith.constant 35 : i32
        %add3A_1228 = arith.addi %mul3A_806, %add3A_1227 : i32
        %get3A_1229 = arith.index_cast %add3A_1228 : i32 to index
        %get3A_1230 = arith.constant 16 : index
        %get3A_1231 = tpu.vector_load %arg9[%get3A_1229, %get3A_1230] {strides = array<i32>} : memref<800x32xf32, #tpu.memory_space<vmem>>, vector<16xf32>,
        %add3A_1232 = arith.addf %add3A_1220, %get3A_1231 : vector<16xf32>
        %add3A_1233 = arith.constant 36 : i32
        %add3A_1234 = arith.addi %mul3A_806, %add3A_1233 : i32
        %get3A_1235 = arith.index_cast %add3A_1234 : i32 to index
        %get3A_1236 = arith.constant 0 : index
        %get3A_1237 = tpu.vector_load %arg9[%get3A_1235, %get3A_1236] {strides = array<i32>} : memref<800x32xf32, #tpu.memory_space<vmem>>, vector<16xf32>,
        %add3A_1238 = arith.addf %add3A_1226, %get3A_1237 : vector<16xf32>
        %add3A_1239 = arith.constant 36 : i32
        %add3A_1240 = arith.addi %mul3A_806, %add3A_1239 : i32
        %get3A_1241 = arith.index_cast %add3A_1240 : i32 to index
        %get3A_1242 = arith.constant 16 : index
        %get3A_1243 = tpu.vector_load %arg9[%get3A_1241, %get3A_1242] {strides = array<i32>} : memref<800x32xf32, #tpu.memory_space<vmem>>, vector<16xf32>,
        %add3A_1244 = arith.addf %add3A_1232, %get3A_1243 : vector<16xf32>
        %add3A_1245 = arith.constant 37 : i32
        %add3A_1246 = arith.addi %mul3A_806, %add3A_1245 : i32
        %get3A_1247 = arith.index_cast %add3A_1246 : i32 to index
        %get3A_1248 = arith.constant 0 : index
        %get3A_1249 = tpu.vector_load %arg9[%get3A_1247, %get3A_1248] {strides = array<i32>} : memref<800x32xf32, #tpu.memory_space<vmem>>, vector<16xf32>,
        %add3A_1250 = arith.addf %add3A_1238, %get3A_1249 : vector<16xf32>
        %add3A_1251 = arith.constant 37 : i32
        %add3A_1252 = arith.addi %mul3A_806, %add3A_1251 : i32
        %get3A_1253 = arith.index_cast %add3A_1252 : i32 to index
        %get3A_1254 = arith.constant 16 : index
        %get3A_1255 = tpu.vector_load %arg9[%get3A_1253, %get3A_1254] {strides = array<i32>} : memref<800x32xf32, #tpu.memory_space<vmem>>, vector<16xf32>,
        %add3A_1256 = arith.addf %add3A_1244, %get3A_1255 : vector<16xf32>
        %add3A_1257 = arith.constant 38 : i32
        %add3A_1258 = arith.addi %mul3A_806, %add3A_1257 : i32
        %get3A_1259 = arith.index_cast %add3A_1258 : i32 to index
        %get3A_1260 = arith.constant 0 : index
        %get3A_1261 = tpu.vector_load %arg9[%get3A_1259, %get3A_1260] {strides = array<i32>} : memref<800x32xf32, #tpu.memory_space<vmem>>, vector<16xf32>,
        %add3A_1262 = arith.addf %add3A_1250, %get3A_1261 : vector<16xf32>
        %add3A_1263 = arith.constant 38 : i32
        %add3A_1264 = arith.addi %mul3A_806, %add3A_1263 : i32
        %get3A_1265 = arith.index_cast %add3A_1264 : i32 to index
        %get3A_1266 = arith.constant 16 : index
        %get3A_1267 = tpu.vector_load %arg9[%get3A_1265, %get3A_1266] {strides = array<i32>} : memref<800x32xf32, #tpu.memory_space<vmem>>, vector<16xf32>,
        %add3A_1268 = arith.addf %add3A_1256, %get3A_1267 : vector<16xf32>
        %add3A_1269 = arith.constant 39 : i32
        %add3A_1270 = arith.addi %mul3A_806, %add3A_1269 : i32
        %get3A_1271 = arith.index_cast %add3A_1270 : i32 to index
        %get3A_1272 = arith.constant 0 : index
        %get3A_1273 = tpu.vector_load %arg9[%get3A_1271, %get3A_1272] {strides = array<i32>} : memref<800x32xf32, #tpu.memory_space<vmem>>, vector<16xf32>,
        %add3A_1274 = arith.addf %add3A_1262, %get3A_1273 : vector<16xf32>
        %add3A_1275 = arith.constant 39 : i32
        %add3A_1276 = arith.addi %mul3A_806, %add3A_1275 : i32
        %get3A_1277 = arith.index_cast %add3A_1276 : i32 to index
        %get3A_1278 = arith.constant 16 : index
        %get3A_1279 = tpu.vector_load %arg9[%get3A_1277, %get3A_1278] {strides = array<i32>} : memref<800x32xf32, #tpu.memory_space<vmem>>, vector<16xf32>,
        %add3A_1280 = arith.addf %add3A_1268, %get3A_1279 : vector<16xf32>
        %add3A_1281 = arith.constant 40 : i32
        %add3A_1282 = arith.addi %mul3A_806, %add3A_1281 : i32
        %get3A_1283 = arith.index_cast %add3A_1282 : i32 to index
        %get3A_1284 = arith.constant 0 : index
        %get3A_1285 = tpu.vector_load %arg9[%get3A_1283, %get3A_1284] {strides = array<i32>} : memref<800x32xf32, #tpu.memory_space<vmem>>, vector<16xf32>,
        %add3A_1286 = arith.addf %add3A_1274, %get3A_1285 : vector<16xf32>
        %add3A_1287 = arith.constant 40 : i32
        %add3A_1288 = arith.addi %mul3A_806, %add3A_1287 : i32
        %get3A_1289 = arith.index_cast %add3A_1288 : i32 to index
        %get3A_1290 = arith.constant 16 : index
        %get3A_1291 = tpu.vector_load %arg9[%get3A_1289, %get3A_1290] {strides = array<i32>} : memref<800x32xf32, #tpu.memory_space<vmem>>, vector<16xf32>,
        %add3A_1292 = arith.addf %add3A_1280, %get3A_1291 : vector<16xf32>
        %add3A_1293 = arith.constant 41 : i32
        %add3A_1294 = arith.addi %mul3A_806, %add3A_1293 : i32
        %get3A_1295 = arith.index_cast %add3A_1294 : i32 to index
        %get3A_1296 = arith.constant 0 : index
        %get3A_1297 = tpu.vector_load %arg9[%get3A_1295, %get3A_1296] {strides = array<i32>} : memref<800x32xf32, #tpu.memory_space<vmem>>, vector<16xf32>,
        %add3A_1298 = arith.addf %add3A_1286, %get3A_1297 : vector<16xf32>
        %add3A_1299 = arith.constant 41 : i32
        %add3A_1300 = arith.addi %mul3A_806, %add3A_1299 : i32
        %get3A_1301 = arith.index_cast %add3A_1300 : i32 to index
        %get3A_1302 = arith.constant 16 : index
        %get3A_1303 = tpu.vector_load %arg9[%get3A_1301, %get3A_1302] {strides = array<i32>} : memref<800x32xf32, #tpu.memory_space<vmem>>, vector<16xf32>,
        %add3A_1304 = arith.addf %add3A_1292, %get3A_1303 : vector<16xf32>
        %add3A_1305 = arith.constant 42 : i32
        %add3A_1306 = arith.addi %mul3A_806, %add3A_1305 : i32
        %get3A_1307 = arith.index_cast %add3A_1306 : i32 to index
        %get3A_1308 = arith.constant 0 : index
        %get3A_1309 = tpu.vector_load %arg9[%get3A_1307, %get3A_1308] {strides = array<i32>} : memref<800x32xf32, #tpu.memory_space<vmem>>, vector<16xf32>,
        %add3A_1310 = arith.addf %add3A_1298, %get3A_1309 : vector<16xf32>
        %add3A_1311 = arith.constant 42 : i32
        %add3A_1312 = arith.addi %mul3A_806, %add3A_1311 : i32
        %get3A_1313 = arith.index_cast %add3A_1312 : i32 to index
        %get3A_1314 = arith.constant 16 : index
        %get3A_1315 = tpu.vector_load %arg9[%get3A_1313, %get3A_1314] {strides = array<i32>} : memref<800x32xf32, #tpu.memory_space<vmem>>, vector<16xf32>,
        %add3A_1316 = arith.addf %add3A_1304, %get3A_1315 : vector<16xf32>
        %add3A_1317 = arith.constant 43 : i32
        %add3A_1318 = arith.addi %mul3A_806, %add3A_1317 : i32
        %get3A_1319 = arith.index_cast %add3A_1318 : i32 to index
        %get3A_1320 = arith.constant 0 : index
        %get3A_1321 = tpu.vector_load %arg9[%get3A_1319, %get3A_1320] {strides = array<i32>} : memref<800x32xf32, #tpu.memory_space<vmem>>, vector<16xf32>,
        %add3A_1322 = arith.addf %add3A_1310, %get3A_1321 : vector<16xf32>
        %add3A_1323 = arith.constant 43 : i32
        %add3A_1324 = arith.addi %mul3A_806, %add3A_1323 : i32
        %get3A_1325 = arith.index_cast %add3A_1324 : i32 to index
        %get3A_1326 = arith.constant 16 : index
        %get3A_1327 = tpu.vector_load %arg9[%get3A_1325, %get3A_1326] {strides = array<i32>} : memref<800x32xf32, #tpu.memory_space<vmem>>, vector<16xf32>,
        %add3A_1328 = arith.addf %add3A_1316, %get3A_1327 : vector<16xf32>
        %add3A_1329 = arith.constant 44 : i32
        %add3A_1330 = arith.addi %mul3A_806, %add3A_1329 : i32
        %get3A_1331 = arith.index_cast %add3A_1330 : i32 to index
        %get3A_1332 = arith.constant 0 : index
        %get3A_1333 = tpu.vector_load %arg9[%get3A_1331, %get3A_1332] {strides = array<i32>} : memref<800x32xf32, #tpu.memory_space<vmem>>, vector<16xf32>,
        %add3A_1334 = arith.addf %add3A_1322, %get3A_1333 : vector<16xf32>
        %add3A_1335 = arith.constant 44 : i32
        %add3A_1336 = arith.addi %mul3A_806, %add3A_1335 : i32
        %get3A_1337 = arith.index_cast %add3A_1336 : i32 to index
        %get3A_1338 = arith.constant 16 : index
        %get3A_1339 = tpu.vector_load %arg9[%get3A_1337, %get3A_1338] {strides = array<i32>} : memref<800x32xf32, #tpu.memory_space<vmem>>, vector<16xf32>,
        %add3A_1340 = arith.addf %add3A_1328, %get3A_1339 : vector<16xf32>
        %add3A_1341 = arith.constant 45 : i32
        %add3A_1342 = arith.addi %mul3A_806, %add3A_1341 : i32
        %get3A_1343 = arith.index_cast %add3A_1342 : i32 to index
        %get3A_1344 = arith.constant 0 : index
        %get3A_1345 = tpu.vector_load %arg9[%get3A_1343, %get3A_1344] {strides = array<i32>} : memref<800x32xf32, #tpu.memory_space<vmem>>, vector<16xf32>,
        %add3A_1346 = arith.addf %add3A_1334, %get3A_1345 : vector<16xf32>
        %add3A_1347 = arith.constant 45 : i32
        %add3A_1348 = arith.addi %mul3A_806, %add3A_1347 : i32
        %get3A_1349 = arith.index_cast %add3A_1348 : i32 to index
        %get3A_1350 = arith.constant 16 : index
        %get3A_1351 = tpu.vector_load %arg9[%get3A_1349, %get3A_1350] {strides = array<i32>} : memref<800x32xf32, #tpu.memory_space<vmem>>, vector<16xf32>,
        %add3A_1352 = arith.addf %add3A_1340, %get3A_1351 : vector<16xf32>
        %add3A_1353 = arith.constant 46 : i32
        %add3A_1354 = arith.addi %mul3A_806, %add3A_1353 : i32
        %get3A_1355 = arith.index_cast %add3A_1354 : i32 to index
        %get3A_1356 = arith.constant 0 : index
        %get3A_1357 = tpu.vector_load %arg9[%get3A_1355, %get3A_1356] {strides = array<i32>} : memref<800x32xf32, #tpu.memory_space<vmem>>, vector<16xf32>,
        %add3A_1358 = arith.addf %add3A_1346, %get3A_1357 : vector<16xf32>
        %add3A_1359 = arith.constant 46 : i32
        %add3A_1360 = arith.addi %mul3A_806, %add3A_1359 : i32
        %get3A_1361 = arith.index_cast %add3A_1360 : i32 to index
        %get3A_1362 = arith.constant 16 : index
        %get3A_1363 = tpu.vector_load %arg9[%get3A_1361, %get3A_1362] {strides = array<i32>} : memref<800x32xf32, #tpu.memory_space<vmem>>, vector<16xf32>,
        %add3A_1364 = arith.addf %add3A_1352, %get3A_1363 : vector<16xf32>
        %add3A_1365 = arith.constant 47 : i32
        %add3A_1366 = arith.addi %mul3A_806, %add3A_1365 : i32
        %get3A_1367 = arith.index_cast %add3A_1366 : i32 to index
        %get3A_1368 = arith.constant 0 : index
        %get3A_1369 = tpu.vector_load %arg9[%get3A_1367, %get3A_1368] {strides = array<i32>} : memref<800x32xf32, #tpu.memory_space<vmem>>, vector<16xf32>,
        %add3A_1370 = arith.addf %add3A_1358, %get3A_1369 : vector<16xf32>
        %add3A_1371 = arith.constant 47 : i32
        %add3A_1372 = arith.addi %mul3A_806, %add3A_1371 : i32
        %get3A_1373 = arith.index_cast %add3A_1372 : i32 to index
        %get3A_1374 = arith.constant 16 : index
        %get3A_1375 = tpu.vector_load %arg9[%get3A_1373, %get3A_1374] {strides = array<i32>} : memref<800x32xf32, #tpu.memory_space<vmem>>, vector<16xf32>,
        %add3A_1376 = arith.addf %add3A_1364, %get3A_1375 : vector<16xf32>
        %add3A_1377 = arith.constant 48 : i32
        %add3A_1378 = arith.addi %mul3A_806, %add3A_1377 : i32
        %get3A_1379 = arith.index_cast %add3A_1378 : i32 to index
        %get3A_1380 = arith.constant 0 : index
        %get3A_1381 = tpu.vector_load %arg9[%get3A_1379, %get3A_1380] {strides = array<i32>} : memref<800x32xf32, #tpu.memory_space<vmem>>, vector<16xf32>,
        %add3A_1382 = arith.addf %add3A_1370, %get3A_1381 : vector<16xf32>
        %add3A_1383 = arith.constant 48 : i32
        %add3A_1384 = arith.addi %mul3A_806, %add3A_1383 : i32
        %get3A_1385 = arith.index_cast %add3A_1384 : i32 to index
        %get3A_1386 = arith.constant 16 : index
        %get3A_1387 = tpu.vector_load %arg9[%get3A_1385, %get3A_1386] {strides = array<i32>} : memref<800x32xf32, #tpu.memory_space<vmem>>, vector<16xf32>,
        %add3A_1388 = arith.addf %add3A_1376, %get3A_1387 : vector<16xf32>
        %add3A_1389 = arith.constant 49 : i32
        %add3A_1390 = arith.addi %mul3A_806, %add3A_1389 : i32
        %get3A_1391 = arith.index_cast %add3A_1390 : i32 to index
        %get3A_1392 = arith.constant 0 : index
        %get3A_1393 = tpu.vector_load %arg9[%get3A_1391, %get3A_1392] {strides = array<i32>} : memref<800x32xf32, #tpu.memory_space<vmem>>, vector<16xf32>,
        %add3A_1394 = arith.addf %add3A_1382, %get3A_1393 : vector<16xf32>
        %add3A_1395 = arith.constant 49 : i32
        %add3A_1396 = arith.addi %mul3A_806, %add3A_1395 : i32
        %get3A_1397 = arith.index_cast %add3A_1396 : i32 to index
        %get3A_1398 = arith.constant 16 : index
        %get3A_1399 = tpu.vector_load %arg9[%get3A_1397, %get3A_1398] {strides = array<i32>} : memref<800x32xf32, #tpu.memory_space<vmem>>, vector<16xf32>,
        %add3A_1400 = arith.addf %add3A_1388, %get3A_1399 : vector<16xf32>
        %mul3A_1401 = arith.mulf %add3A_1394, %get3A_3 : vector<16xf32>
        %mul3A_1402 = arith.mulf %add3A_1400, %get3A_7 : vector<16xf32>
        %add3A_1403 = arith.addf %mul3A_1401, %mul3A_1402 : vector<16xf32>
        %cumsum3A = arith.constant true
        %cumsum3A_1404 = vector.broadcast %cumsum3A : i1 to vector<16xi1>
        %cumsum3A_1405 = tpu.scan <sum>, %add3A_1403 masked %cumsum3A_1404 : vector<16xf32>, vector<16xi1> -> vector<16xf32>
        %add3A_1406 = arith.addf %cumsum3A_1405, %get3A_19 : vector<16xf32>
        %mul3A_1407 = arith.mulf %add3A_1394, %get3A_11 : vector<16xf32>
        %mul3A_1408 = arith.mulf %add3A_1400, %get3A_15 : vector<16xf32>
        %add3A_1409 = arith.addf %mul3A_1407, %mul3A_1408 : vector<16xf32>
        %cumsum3A_1410 = arith.constant true
        %cumsum3A_1411 = vector.broadcast %cumsum3A_1410 : i1 to vector<16xi1>
        %cumsum3A_1412 = tpu.scan <sum>, %add3A_1409 masked %cumsum3A_1411 : vector<16xf32>, vector<16xi1> -> vector<16xf32>
        %add3A_1413 = arith.addf %cumsum3A_1412, %get3A_23 : vector<16xf32>
        %mul3A_1414 = arith.constant 16 : i32
        %mul3A_1415 = arith.muli %add3A_587, %mul3A_1414 : i32
        %add3A_1416 = arith.addi %mul3A_1415, %scan3A_804 : i32
        %mul3A_1417 = arith.constant 2 : i32
        %mul3A_1418 = arith.muli %add3A_1416, %mul3A_1417 : i32
        %swap3A = arith.index_cast %mul3A_1418 : i32 to index
        %swap3A_1419 = tpu.vector_load %arg12[%swap3A] masked %eq3A_25 {strides = array<i32>} : memref<1040xf32, #tpu.memory_space<vmem>>, vector<16xf32>, vector<16xi1>
        tpu.vector_store %arg12[%swap3A], %add3A_1406 masked %eq3A_25 {strides = array<i32>} : memref<1040xf32, #tpu.memory_space<vmem>>, vector<16xf32>, vector<16xi1>
        %add3A_1420 = arith.constant 1 : i32
        %add3A_1421 = arith.addi %mul3A_1418, %add3A_1420 : i32
        %swap3A_1422 = arith.index_cast %add3A_1421 : i32 to index
        %swap3A_1423 = tpu.vector_load %arg12[%swap3A_1422] masked %eq3A_25 {strides = array<i32>} : memref<1040xf32, #tpu.memory_space<vmem>>, vector<16xf32>, vector<16xi1>
        tpu.vector_store %arg12[%swap3A_1422], %add3A_1413 masked %eq3A_25 {strides = array<i32>} : memref<1040xf32, #tpu.memory_space<vmem>>, vector<16xf32>, vector<16xi1>
      }
      %scan3A_803 = arith.constant 16 : i32
    }
    %scan3A_109 = arith.constant 15 : i32
    %dma_wait3A = arith.constant 240 : i32
    %dma_wait3A_110 = arith.constant 0 : i32
    %dma_wait3A_111 = arith.constant 0 : i32
    %dma_wait3A_112 = tpu.memref_slice %arg8[%dma_wait3A_110, %dma_wait3A_111] : memref<800x32xf32, #tpu.memory_space<vmem>> -> memref<100x32xf32, #tpu.memory_space<vmem>>
    %dma_wait3A_113 = arith.constant 0 : i32
    %dma_wait3A_114 = tpu.memref_slice %arg7[%dma_wait3A, %dma_wait3A_113] : memref<256x100xi32, #tpu.memory_space<vmem>> -> memref<1x100xi32, #tpu.memory_space<vmem>>
    %dma_wait3A_115 = tpu.memref_squeeze %dma_wait3A_114 : memref<1x100xi32, #tpu.memory_space<vmem>> -> memref<100xi32, #tpu.memory_space<vmem>>
    %dma_wait3A_116 = arith.constant 0 : i32
    %dma_wait3A_117 = arith.constant 0 : i32
    %dma_wait3A_118 = tpu.memref_slice %arg5[%dma_wait3A_116, %dma_wait3A_117] : memref<1000000x32xf32, #tpu.memory_space<hbm>> -> memref<1000000x32xf32, #tpu.memory_space<hbm>>
    tpu.wait_indirect_dma semaphore(%arg13 : memref<!tpu.dma_semaphore, #tpu.memory_space<semaphore_mem>>) src(%dma_wait3A_118 : memref<1000000x32xf32, #tpu.memory_space<hbm>>) dst(%dma_wait3A_112 : memref<100x32xf32, #tpu.memory_space<vmem>>)
    %dma_wait3A_119 = arith.constant 241 : i32
    %dma_wait3A_120 = arith.constant 100 : i32
    %dma_wait3A_121 = arith.constant 0 : i32
    %dma_wait3A_122 = tpu.memref_slice %arg8[%dma_wait3A_120, %dma_wait3A_121] : memref<800x32xf32, #tpu.memory_space<vmem>> -> memref<100x32xf32, #tpu.memory_space<vmem>>
    %dma_wait3A_123 = arith.constant 0 : i32
    %dma_wait3A_124 = tpu.memref_slice %arg7[%dma_wait3A_119, %dma_wait3A_123] : memref<256x100xi32, #tpu.memory_space<vmem>> -> memref<1x100xi32, #tpu.memory_space<vmem>>
    %dma_wait3A_125 = tpu.memref_squeeze %dma_wait3A_124 : memref<1x100xi32, #tpu.memory_space<vmem>> -> memref<100xi32, #tpu.memory_space<vmem>>
    %dma_wait3A_126 = arith.constant 0 : i32
    %dma_wait3A_127 = arith.constant 0 : i32
    %dma_wait3A_128 = tpu.memref_slice %arg5[%dma_wait3A_126, %dma_wait3A_127] : memref<1000000x32xf32, #tpu.memory_space<hbm>> -> memref<1000000x32xf32, #tpu.memory_space<hbm>>
    tpu.wait_indirect_dma semaphore(%arg13 : memref<!tpu.dma_semaphore, #tpu.memory_space<semaphore_mem>>) src(%dma_wait3A_128 : memref<1000000x32xf32, #tpu.memory_space<hbm>>) dst(%dma_wait3A_122 : memref<100x32xf32, #tpu.memory_space<vmem>>)
    %dma_wait3A_129 = arith.constant 242 : i32
    %dma_wait3A_130 = arith.constant 200 : i32
    %dma_wait3A_131 = arith.constant 0 : i32
    %dma_wait3A_132 = tpu.memref_slice %arg8[%dma_wait3A_130, %dma_wait3A_131] : memref<800x32xf32, #tpu.memory_space<vmem>> -> memref<100x32xf32, #tpu.memory_space<vmem>>
    %dma_wait3A_133 = arith.constant 0 : i32
    %dma_wait3A_134 = tpu.memref_slice %arg7[%dma_wait3A_129, %dma_wait3A_133] : memref<256x100xi32, #tpu.memory_space<vmem>> -> memref<1x100xi32, #tpu.memory_space<vmem>>
    %dma_wait3A_135 = tpu.memref_squeeze %dma_wait3A_134 : memref<1x100xi32, #tpu.memory_space<vmem>> -> memref<100xi32, #tpu.memory_space<vmem>>
    %dma_wait3A_136 = arith.constant 0 : i32
    %dma_wait3A_137 = arith.constant 0 : i32
    %dma_wait3A_138 = tpu.memref_slice %arg5[%dma_wait3A_136, %dma_wait3A_137] : memref<1000000x32xf32, #tpu.memory_space<hbm>> -> memref<1000000x32xf32, #tpu.memory_space<hbm>>
    tpu.wait_indirect_dma semaphore(%arg13 : memref<!tpu.dma_semaphore, #tpu.memory_space<semaphore_mem>>) src(%dma_wait3A_138 : memref<1000000x32xf32, #tpu.memory_space<hbm>>) dst(%dma_wait3A_132 : memref<100x32xf32, #tpu.memory_space<vmem>>)
    %dma_wait3A_139 = arith.constant 243 : i32
    %dma_wait3A_140 = arith.constant 300 : i32
    %dma_wait3A_141 = arith.constant 0 : i32
    %dma_wait3A_142 = tpu.memref_slice %arg8[%dma_wait3A_140, %dma_wait3A_141] : memref<800x32xf32, #tpu.memory_space<vmem>> -> memref<100x32xf32, #tpu.memory_space<vmem>>
    %dma_wait3A_143 = arith.constant 0 : i32
    %dma_wait3A_144 = tpu.memref_slice %arg7[%dma_wait3A_139, %dma_wait3A_143] : memref<256x100xi32, #tpu.memory_space<vmem>> -> memref<1x100xi32, #tpu.memory_space<vmem>>
    %dma_wait3A_145 = tpu.memref_squeeze %dma_wait3A_144 : memref<1x100xi32, #tpu.memory_space<vmem>> -> memref<100xi32, #tpu.memory_space<vmem>>
    %dma_wait3A_146 = arith.constant 0 : i32
    %dma_wait3A_147 = arith.constant 0 : i32
    %dma_wait3A_148 = tpu.memref_slice %arg5[%dma_wait3A_146, %dma_wait3A_147] : memref<1000000x32xf32, #tpu.memory_space<hbm>> -> memref<1000000x32xf32, #tpu.memory_space<hbm>>
    tpu.wait_indirect_dma semaphore(%arg13 : memref<!tpu.dma_semaphore, #tpu.memory_space<semaphore_mem>>) src(%dma_wait3A_148 : memref<1000000x32xf32, #tpu.memory_space<hbm>>) dst(%dma_wait3A_142 : memref<100x32xf32, #tpu.memory_space<vmem>>)
    %dma_wait3A_149 = arith.constant 244 : i32
    %dma_wait3A_150 = arith.constant 400 : i32
    %dma_wait3A_151 = arith.constant 0 : i32
    %dma_wait3A_152 = tpu.memref_slice %arg8[%dma_wait3A_150, %dma_wait3A_151] : memref<800x32xf32, #tpu.memory_space<vmem>> -> memref<100x32xf32, #tpu.memory_space<vmem>>
    %dma_wait3A_153 = arith.constant 0 : i32
    %dma_wait3A_154 = tpu.memref_slice %arg7[%dma_wait3A_149, %dma_wait3A_153] : memref<256x100xi32, #tpu.memory_space<vmem>> -> memref<1x100xi32, #tpu.memory_space<vmem>>
    %dma_wait3A_155 = tpu.memref_squeeze %dma_wait3A_154 : memref<1x100xi32, #tpu.memory_space<vmem>> -> memref<100xi32, #tpu.memory_space<vmem>>
    %dma_wait3A_156 = arith.constant 0 : i32
    %dma_wait3A_157 = arith.constant 0 : i32
    %dma_wait3A_158 = tpu.memref_slice %arg5[%dma_wait3A_156, %dma_wait3A_157] : memref<1000000x32xf32, #tpu.memory_space<hbm>> -> memref<1000000x32xf32, #tpu.memory_space<hbm>>
    tpu.wait_indirect_dma semaphore(%arg13 : memref<!tpu.dma_semaphore, #tpu.memory_space<semaphore_mem>>) src(%dma_wait3A_158 : memref<1000000x32xf32, #tpu.memory_space<hbm>>) dst(%dma_wait3A_152 : memref<100x32xf32, #tpu.memory_space<vmem>>)
    %dma_wait3A_159 = arith.constant 245 : i32
    %dma_wait3A_160 = arith.constant 500 : i32
    %dma_wait3A_161 = arith.constant 0 : i32
    %dma_wait3A_162 = tpu.memref_slice %arg8[%dma_wait3A_160, %dma_wait3A_161] : memref<800x32xf32, #tpu.memory_space<vmem>> -> memref<100x32xf32, #tpu.memory_space<vmem>>
    %dma_wait3A_163 = arith.constant 0 : i32
    %dma_wait3A_164 = tpu.memref_slice %arg7[%dma_wait3A_159, %dma_wait3A_163] : memref<256x100xi32, #tpu.memory_space<vmem>> -> memref<1x100xi32, #tpu.memory_space<vmem>>
    %dma_wait3A_165 = tpu.memref_squeeze %dma_wait3A_164 : memref<1x100xi32, #tpu.memory_space<vmem>> -> memref<100xi32, #tpu.memory_space<vmem>>
    %dma_wait3A_166 = arith.constant 0 : i32
    %dma_wait3A_167 = arith.constant 0 : i32
    %dma_wait3A_168 = tpu.memref_slice %arg5[%dma_wait3A_166, %dma_wait3A_167] : memref<1000000x32xf32, #tpu.memory_space<hbm>> -> memref<1000000x32xf32, #tpu.memory_space<hbm>>
    tpu.wait_indirect_dma semaphore(%arg13 : memref<!tpu.dma_semaphore, #tpu.memory_space<semaphore_mem>>) src(%dma_wait3A_168 : memref<1000000x32xf32, #tpu.memory_space<hbm>>) dst(%dma_wait3A_162 : memref<100x32xf32, #tpu.memory_space<vmem>>)
    %dma_wait3A_169 = arith.constant 246 : i32
    %dma_wait3A_170 = arith.constant 600 : i32
    %dma_wait3A_171 = arith.constant 0 : i32
    %dma_wait3A_172 = tpu.memref_slice %arg8[%dma_wait3A_170, %dma_wait3A_171] : memref<800x32xf32, #tpu.memory_space<vmem>> -> memref<100x32xf32, #tpu.memory_space<vmem>>
    %dma_wait3A_173 = arith.constant 0 : i32
    %dma_wait3A_174 = tpu.memref_slice %arg7[%dma_wait3A_169, %dma_wait3A_173] : memref<256x100xi32, #tpu.memory_space<vmem>> -> memref<1x100xi32, #tpu.memory_space<vmem>>
    %dma_wait3A_175 = tpu.memref_squeeze %dma_wait3A_174 : memref<1x100xi32, #tpu.memory_space<vmem>> -> memref<100xi32, #tpu.memory_space<vmem>>
    %dma_wait3A_176 = arith.constant 0 : i32
    %dma_wait3A_177 = arith.constant 0 : i32
    %dma_wait3A_178 = tpu.memref_slice %arg5[%dma_wait3A_176, %dma_wait3A_177] : memref<1000000x32xf32, #tpu.memory_space<hbm>> -> memref<1000000x32xf32, #tpu.memory_space<hbm>>
    tpu.wait_indirect_dma semaphore(%arg13 : memref<!tpu.dma_semaphore, #tpu.memory_space<semaphore_mem>>) src(%dma_wait3A_178 : memref<1000000x32xf32, #tpu.memory_space<hbm>>) dst(%dma_wait3A_172 : memref<100x32xf32, #tpu.memory_space<vmem>>)
    %dma_wait3A_179 = arith.constant 247 : i32
    %dma_wait3A_180 = arith.constant 700 : i32
    %dma_wait3A_181 = arith.constant 0 : i32
    %dma_wait3A_182 = tpu.memref_slice %arg8[%dma_wait3A_180, %dma_wait3A_181] : memref<800x32xf32, #tpu.memory_space<vmem>> -> memref<100x32xf32, #tpu.memory_space<vmem>>
    %dma_wait3A_183 = arith.constant 0 : i32
    %dma_wait3A_184 = tpu.memref_slice %arg7[%dma_wait3A_179, %dma_wait3A_183] : memref<256x100xi32, #tpu.memory_space<vmem>> -> memref<1x100xi32, #tpu.memory_space<vmem>>
    %dma_wait3A_185 = tpu.memref_squeeze %dma_wait3A_184 : memref<1x100xi32, #tpu.memory_space<vmem>> -> memref<100xi32, #tpu.memory_space<vmem>>
    %dma_wait3A_186 = arith.constant 0 : i32
    %dma_wait3A_187 = arith.constant 0 : i32
    %dma_wait3A_188 = tpu.memref_slice %arg5[%dma_wait3A_186, %dma_wait3A_187] : memref<1000000x32xf32, #tpu.memory_space<hbm>> -> memref<1000000x32xf32, #tpu.memory_space<hbm>>
    tpu.wait_indirect_dma semaphore(%arg13 : memref<!tpu.dma_semaphore, #tpu.memory_space<semaphore_mem>>) src(%dma_wait3A_188 : memref<1000000x32xf32, #tpu.memory_space<hbm>>) dst(%dma_wait3A_182 : memref<100x32xf32, #tpu.memory_space<vmem>>)
    %dma_start3A_189 = arith.constant 248 : i32
    %dma_start3A_190 = arith.constant 0 : i32
    %dma_start3A_191 = arith.constant 0 : i32
    %dma_start3A_192 = tpu.memref_slice %arg9[%dma_start3A_190, %dma_start3A_191] : memref<800x32xf32, #tpu.memory_space<vmem>> -> memref<100x32xf32, #tpu.memory_space<vmem>>
    %dma_start3A_193 = arith.constant 0 : i32
    %dma_start3A_194 = tpu.memref_slice %arg7[%dma_start3A_189, %dma_start3A_193] : memref<256x100xi32, #tpu.memory_space<vmem>> -> memref<1x100xi32, #tpu.memory_space<vmem>>
    %dma_start3A_195 = tpu.memref_squeeze %dma_start3A_194 : memref<1x100xi32, #tpu.memory_space<vmem>> -> memref<100xi32, #tpu.memory_space<vmem>>
    %dma_start3A_196 = arith.constant 0 : i32
    %dma_start3A_197 = arith.constant 0 : i32
    %dma_start3A_198 = tpu.memref_slice %arg5[%dma_start3A_196, %dma_start3A_197] : memref<1000000x32xf32, #tpu.memory_space<hbm>> -> memref<1000000x32xf32, #tpu.memory_space<hbm>>
    tpu.enqueue_indirect_dma source(%dma_start3A_198 : memref<1000000x32xf32, #tpu.memory_space<hbm>>) target(%dma_start3A_192 : memref<100x32xf32, #tpu.memory_space<vmem>>) offsets(%dma_start3A_195 : memref<100xi32, #tpu.memory_space<vmem>>) semaphore(%arg14 : memref<!tpu.dma_semaphore, #tpu.memory_space<semaphore_mem>>)
    %dma_start3A_199 = arith.constant 249 : i32
    %dma_start3A_200 = arith.constant 100 : i32
    %dma_start3A_201 = arith.constant 0 : i32
    %dma_start3A_202 = tpu.memref_slice %arg9[%dma_start3A_200, %dma_start3A_201] : memref<800x32xf32, #tpu.memory_space<vmem>> -> memref<100x32xf32, #tpu.memory_space<vmem>>
    %dma_start3A_203 = arith.constant 0 : i32
    %dma_start3A_204 = tpu.memref_slice %arg7[%dma_start3A_199, %dma_start3A_203] : memref<256x100xi32, #tpu.memory_space<vmem>> -> memref<1x100xi32, #tpu.memory_space<vmem>>
    %dma_start3A_205 = tpu.memref_squeeze %dma_start3A_204 : memref<1x100xi32, #tpu.memory_space<vmem>> -> memref<100xi32, #tpu.memory_space<vmem>>
    %dma_start3A_206 = arith.constant 0 : i32
    %dma_start3A_207 = arith.constant 0 : i32
    %dma_start3A_208 = tpu.memref_slice %arg5[%dma_start3A_206, %dma_start3A_207] : memref<1000000x32xf32, #tpu.memory_space<hbm>> -> memref<1000000x32xf32, #tpu.memory_space<hbm>>
    tpu.enqueue_indirect_dma source(%dma_start3A_208 : memref<1000000x32xf32, #tpu.memory_space<hbm>>) target(%dma_start3A_202 : memref<100x32xf32, #tpu.memory_space<vmem>>) offsets(%dma_start3A_205 : memref<100xi32, #tpu.memory_space<vmem>>) semaphore(%arg14 : memref<!tpu.dma_semaphore, #tpu.memory_space<semaphore_mem>>)
    %dma_start3A_209 = arith.constant 250 : i32
    %dma_start3A_210 = arith.constant 200 : i32
    %dma_start3A_211 = arith.constant 0 : i32
    %dma_start3A_212 = tpu.memref_slice %arg9[%dma_start3A_210, %dma_start3A_211] : memref<800x32xf32, #tpu.memory_space<vmem>> -> memref<100x32xf32, #tpu.memory_space<vmem>>
    %dma_start3A_213 = arith.constant 0 : i32
    %dma_start3A_214 = tpu.memref_slice %arg7[%dma_start3A_209, %dma_start3A_213] : memref<256x100xi32, #tpu.memory_space<vmem>> -> memref<1x100xi32, #tpu.memory_space<vmem>>
    %dma_start3A_215 = tpu.memref_squeeze %dma_start3A_214 : memref<1x100xi32, #tpu.memory_space<vmem>> -> memref<100xi32, #tpu.memory_space<vmem>>
    %dma_start3A_216 = arith.constant 0 : i32
    %dma_start3A_217 = arith.constant 0 : i32
    %dma_start3A_218 = tpu.memref_slice %arg5[%dma_start3A_216, %dma_start3A_217] : memref<1000000x32xf32, #tpu.memory_space<hbm>> -> memref<1000000x32xf32, #tpu.memory_space<hbm>>
    tpu.enqueue_indirect_dma source(%dma_start3A_218 : memref<1000000x32xf32, #tpu.memory_space<hbm>>) target(%dma_start3A_212 : memref<100x32xf32, #tpu.memory_space<vmem>>) offsets(%dma_start3A_215 : memref<100xi32, #tpu.memory_space<vmem>>) semaphore(%arg14 : memref<!tpu.dma_semaphore, #tpu.memory_space<semaphore_mem>>)
    %dma_start3A_219 = arith.constant 251 : i32
    %dma_start3A_220 = arith.constant 300 : i32
    %dma_start3A_221 = arith.constant 0 : i32
    %dma_start3A_222 = tpu.memref_slice %arg9[%dma_start3A_220, %dma_start3A_221] : memref<800x32xf32, #tpu.memory_space<vmem>> -> memref<100x32xf32, #tpu.memory_space<vmem>>
    %dma_start3A_223 = arith.constant 0 : i32
    %dma_start3A_224 = tpu.memref_slice %arg7[%dma_start3A_219, %dma_start3A_223] : memref<256x100xi32, #tpu.memory_space<vmem>> -> memref<1x100xi32, #tpu.memory_space<vmem>>
    %dma_start3A_225 = tpu.memref_squeeze %dma_start3A_224 : memref<1x100xi32, #tpu.memory_space<vmem>> -> memref<100xi32, #tpu.memory_space<vmem>>
    %dma_start3A_226 = arith.constant 0 : i32
    %dma_start3A_227 = arith.constant 0 : i32
    %dma_start3A_228 = tpu.memref_slice %arg5[%dma_start3A_226, %dma_start3A_227] : memref<1000000x32xf32, #tpu.memory_space<hbm>> -> memref<1000000x32xf32, #tpu.memory_space<hbm>>
    tpu.enqueue_indirect_dma source(%dma_start3A_228 : memref<1000000x32xf32, #tpu.memory_space<hbm>>) target(%dma_start3A_222 : memref<100x32xf32, #tpu.memory_space<vmem>>) offsets(%dma_start3A_225 : memref<100xi32, #tpu.memory_space<vmem>>) semaphore(%arg14 : memref<!tpu.dma_semaphore, #tpu.memory_space<semaphore_mem>>)
    %dma_start3A_229 = arith.constant 252 : i32
    %dma_start3A_230 = arith.constant 400 : i32
    %dma_start3A_231 = arith.constant 0 : i32
    %dma_start3A_232 = tpu.memref_slice %arg9[%dma_start3A_230, %dma_start3A_231] : memref<800x32xf32, #tpu.memory_space<vmem>> -> memref<100x32xf32, #tpu.memory_space<vmem>>
    %dma_start3A_233 = arith.constant 0 : i32
    %dma_start3A_234 = tpu.memref_slice %arg7[%dma_start3A_229, %dma_start3A_233] : memref<256x100xi32, #tpu.memory_space<vmem>> -> memref<1x100xi32, #tpu.memory_space<vmem>>
    %dma_start3A_235 = tpu.memref_squeeze %dma_start3A_234 : memref<1x100xi32, #tpu.memory_space<vmem>> -> memref<100xi32, #tpu.memory_space<vmem>>
    %dma_start3A_236 = arith.constant 0 : i32
    %dma_start3A_237 = arith.constant 0 : i32
    %dma_start3A_238 = tpu.memref_slice %arg5[%dma_start3A_236, %dma_start3A_237] : memref<1000000x32xf32, #tpu.memory_space<hbm>> -> memref<1000000x32xf32, #tpu.memory_space<hbm>>
    tpu.enqueue_indirect_dma source(%dma_start3A_238 : memref<1000000x32xf32, #tpu.memory_space<hbm>>) target(%dma_start3A_232 : memref<100x32xf32, #tpu.memory_space<vmem>>) offsets(%dma_start3A_235 : memref<100xi32, #tpu.memory_space<vmem>>) semaphore(%arg14 : memref<!tpu.dma_semaphore, #tpu.memory_space<semaphore_mem>>)
    %dma_start3A_239 = arith.constant 253 : i32
    %dma_start3A_240 = arith.constant 500 : i32
    %dma_start3A_241 = arith.constant 0 : i32
    %dma_start3A_242 = tpu.memref_slice %arg9[%dma_start3A_240, %dma_start3A_241] : memref<800x32xf32, #tpu.memory_space<vmem>> -> memref<100x32xf32, #tpu.memory_space<vmem>>
    %dma_start3A_243 = arith.constant 0 : i32
    %dma_start3A_244 = tpu.memref_slice %arg7[%dma_start3A_239, %dma_start3A_243] : memref<256x100xi32, #tpu.memory_space<vmem>> -> memref<1x100xi32, #tpu.memory_space<vmem>>
    %dma_start3A_245 = tpu.memref_squeeze %dma_start3A_244 : memref<1x100xi32, #tpu.memory_space<vmem>> -> memref<100xi32, #tpu.memory_space<vmem>>
    %dma_start3A_246 = arith.constant 0 : i32
    %dma_start3A_247 = arith.constant 0 : i32
    %dma_start3A_248 = tpu.memref_slice %arg5[%dma_start3A_246, %dma_start3A_247] : memref<1000000x32xf32, #tpu.memory_space<hbm>> -> memref<1000000x32xf32, #tpu.memory_space<hbm>>
    tpu.enqueue_indirect_dma source(%dma_start3A_248 : memref<1000000x32xf32, #tpu.memory_space<hbm>>) target(%dma_start3A_242 : memref<100x32xf32, #tpu.memory_space<vmem>>) offsets(%dma_start3A_245 : memref<100xi32, #tpu.memory_space<vmem>>) semaphore(%arg14 : memref<!tpu.dma_semaphore, #tpu.memory_space<semaphore_mem>>)
    %dma_start3A_249 = arith.constant 254 : i32
    %dma_start3A_250 = arith.constant 600 : i32
    %dma_start3A_251 = arith.constant 0 : i32
    %dma_start3A_252 = tpu.memref_slice %arg9[%dma_start3A_250, %dma_start3A_251] : memref<800x32xf32, #tpu.memory_space<vmem>> -> memref<100x32xf32, #tpu.memory_space<vmem>>
    %dma_start3A_253 = arith.constant 0 : i32
    %dma_start3A_254 = tpu.memref_slice %arg7[%dma_start3A_249, %dma_start3A_253] : memref<256x100xi32, #tpu.memory_space<vmem>> -> memref<1x100xi32, #tpu.memory_space<vmem>>
    %dma_start3A_255 = tpu.memref_squeeze %dma_start3A_254 : memref<1x100xi32, #tpu.memory_space<vmem>> -> memref<100xi32, #tpu.memory_space<vmem>>
    %dma_start3A_256 = arith.constant 0 : i32
    %dma_start3A_257 = arith.constant 0 : i32
    %dma_start3A_258 = tpu.memref_slice %arg5[%dma_start3A_256, %dma_start3A_257] : memref<1000000x32xf32, #tpu.memory_space<hbm>> -> memref<1000000x32xf32, #tpu.memory_space<hbm>>
    tpu.enqueue_indirect_dma source(%dma_start3A_258 : memref<1000000x32xf32, #tpu.memory_space<hbm>>) target(%dma_start3A_252 : memref<100x32xf32, #tpu.memory_space<vmem>>) offsets(%dma_start3A_255 : memref<100xi32, #tpu.memory_space<vmem>>) semaphore(%arg14 : memref<!tpu.dma_semaphore, #tpu.memory_space<semaphore_mem>>)
    %dma_start3A_259 = arith.constant 255 : i32
    %dma_start3A_260 = arith.constant 700 : i32
    %dma_start3A_261 = arith.constant 0 : i32
    %dma_start3A_262 = tpu.memref_slice %arg9[%dma_start3A_260, %dma_start3A_261] : memref<800x32xf32, #tpu.memory_space<vmem>> -> memref<100x32xf32, #tpu.memory_space<vmem>>
    %dma_start3A_263 = arith.constant 0 : i32
    %dma_start3A_264 = tpu.memref_slice %arg7[%dma_start3A_259, %dma_start3A_263] : memref<256x100xi32, #tpu.memory_space<vmem>> -> memref<1x100xi32, #tpu.memory_space<vmem>>
    %dma_start3A_265 = tpu.memref_squeeze %dma_start3A_264 : memref<1x100xi32, #tpu.memory_space<vmem>> -> memref<100xi32, #tpu.memory_space<vmem>>
    %dma_start3A_266 = arith.constant 0 : i32
    %dma_start3A_267 = arith.constant 0 : i32
    %dma_start3A_268 = tpu.memref_slice %arg5[%dma_start3A_266, %dma_start3A_267] : memref<1000000x32xf32, #tpu.memory_space<hbm>> -> memref<1000000x32xf32, #tpu.memory_space<hbm>>
    tpu.enqueue_indirect_dma source(%dma_start3A_268 : memref<1000000x32xf32, #tpu.memory_space<hbm>>) target(%dma_start3A_262 : memref<100x32xf32, #tpu.memory_space<vmem>>) offsets(%dma_start3A_265 : memref<100xi32, #tpu.memory_space<vmem>>) semaphore(%arg14 : memref<!tpu.dma_semaphore, #tpu.memory_space<semaphore_mem>>)
    %scan3A_269 = arith.constant 0 : i32
    %scan3A_270 = arith.constant 0 : i32
    %scan3A_271 = arith.constant 16 : i32
    %scan3A_272 = arith.addi %scan3A_270, %scan3A_271 : i32
    %scan3A_273 = arith.constant 1 : i32
    scf.for %scan3A_365 = %scan3A_270 to %scan3A_272 step %scan3A_273  : i32 {
      %mul3A_366 = arith.constant 50 : i32
      %mul3A_367 = arith.muli %scan3A_365, %mul3A_366 : i32
      %get3A_368 = arith.index_cast %mul3A_367 : i32 to index
      %get3A_369 = arith.constant 0 : index
      %get3A_370 = tpu.vector_load %arg8[%get3A_368, %get3A_369] {strides = array<i32>} : memref<800x32xf32, #tpu.memory_space<vmem>>, vector<16xf32>,
      %get3A_371 = arith.index_cast %mul3A_367 : i32 to index
      %get3A_372 = arith.constant 16 : index
      %get3A_373 = tpu.vector_load %arg8[%get3A_371, %get3A_372] {strides = array<i32>} : memref<800x32xf32, #tpu.memory_space<vmem>>, vector<16xf32>,
      %add3A_374 = arith.constant 1 : i32
      %add3A_375 = arith.addi %mul3A_367, %add3A_374 : i32
      %get3A_376 = arith.index_cast %add3A_375 : i32 to index
      %get3A_377 = arith.constant 0 : index
      %get3A_378 = tpu.vector_load %arg8[%get3A_376, %get3A_377] {strides = array<i32>} : memref<800x32xf32, #tpu.memory_space<vmem>>, vector<16xf32>,
      %add3A_379 = arith.addf %get3A_370, %get3A_378 : vector<16xf32>
      %add3A_380 = arith.constant 1 : i32
      %add3A_381 = arith.addi %mul3A_367, %add3A_380 : i32
      %get3A_382 = arith.index_cast %add3A_381 : i32 to index
      %get3A_383 = arith.constant 16 : index
      %get3A_384 = tpu.vector_load %arg8[%get3A_382, %get3A_383] {strides = array<i32>} : memref<800x32xf32, #tpu.memory_space<vmem>>, vector<16xf32>,
      %add3A_385 = arith.addf %get3A_373, %get3A_384 : vector<16xf32>
      %add3A_386 = arith.constant 2 : i32
      %add3A_387 = arith.addi %mul3A_367, %add3A_386 : i32
      %get3A_388 = arith.index_cast %add3A_387 : i32 to index
      %get3A_389 = arith.constant 0 : index
      %get3A_390 = tpu.vector_load %arg8[%get3A_388, %get3A_389] {strides = array<i32>} : memref<800x32xf32, #tpu.memory_space<vmem>>, vector<16xf32>,
      %add3A_391 = arith.addf %add3A_379, %get3A_390 : vector<16xf32>
      %add3A_392 = arith.constant 2 : i32
      %add3A_393 = arith.addi %mul3A_367, %add3A_392 : i32
      %get3A_394 = arith.index_cast %add3A_393 : i32 to index
      %get3A_395 = arith.constant 16 : index
      %get3A_396 = tpu.vector_load %arg8[%get3A_394, %get3A_395] {strides = array<i32>} : memref<800x32xf32, #tpu.memory_space<vmem>>, vector<16xf32>,
      %add3A_397 = arith.addf %add3A_385, %get3A_396 : vector<16xf32>
      %add3A_398 = arith.constant 3 : i32
      %add3A_399 = arith.addi %mul3A_367, %add3A_398 : i32
      %get3A_400 = arith.index_cast %add3A_399 : i32 to index
      %get3A_401 = arith.constant 0 : index
      %get3A_402 = tpu.vector_load %arg8[%get3A_400, %get3A_401] {strides = array<i32>} : memref<800x32xf32, #tpu.memory_space<vmem>>, vector<16xf32>,
      %add3A_403 = arith.addf %add3A_391, %get3A_402 : vector<16xf32>
      %add3A_404 = arith.constant 3 : i32
      %add3A_405 = arith.addi %mul3A_367, %add3A_404 : i32
      %get3A_406 = arith.index_cast %add3A_405 : i32 to index
      %get3A_407 = arith.constant 16 : index
      %get3A_408 = tpu.vector_load %arg8[%get3A_406, %get3A_407] {strides = array<i32>} : memref<800x32xf32, #tpu.memory_space<vmem>>, vector<16xf32>,
      %add3A_409 = arith.addf %add3A_397, %get3A_408 : vector<16xf32>
      %add3A_410 = arith.constant 4 : i32
      %add3A_411 = arith.addi %mul3A_367, %add3A_410 : i32
      %get3A_412 = arith.index_cast %add3A_411 : i32 to index
      %get3A_413 = arith.constant 0 : index
      %get3A_414 = tpu.vector_load %arg8[%get3A_412, %get3A_413] {strides = array<i32>} : memref<800x32xf32, #tpu.memory_space<vmem>>, vector<16xf32>,
      %add3A_415 = arith.addf %add3A_403, %get3A_414 : vector<16xf32>
      %add3A_416 = arith.constant 4 : i32
      %add3A_417 = arith.addi %mul3A_367, %add3A_416 : i32
      %get3A_418 = arith.index_cast %add3A_417 : i32 to index
      %get3A_419 = arith.constant 16 : index
      %get3A_420 = tpu.vector_load %arg8[%get3A_418, %get3A_419] {strides = array<i32>} : memref<800x32xf32, #tpu.memory_space<vmem>>, vector<16xf32>,
      %add3A_421 = arith.addf %add3A_409, %get3A_420 : vector<16xf32>
      %add3A_422 = arith.constant 5 : i32
      %add3A_423 = arith.addi %mul3A_367, %add3A_422 : i32
      %get3A_424 = arith.index_cast %add3A_423 : i32 to index
      %get3A_425 = arith.constant 0 : index
      %get3A_426 = tpu.vector_load %arg8[%get3A_424, %get3A_425] {strides = array<i32>} : memref<800x32xf32, #tpu.memory_space<vmem>>, vector<16xf32>,
      %add3A_427 = arith.addf %add3A_415, %get3A_426 : vector<16xf32>
      %add3A_428 = arith.constant 5 : i32
      %add3A_429 = arith.addi %mul3A_367, %add3A_428 : i32
      %get3A_430 = arith.index_cast %add3A_429 : i32 to index
      %get3A_431 = arith.constant 16 : index
      %get3A_432 = tpu.vector_load %arg8[%get3A_430, %get3A_431] {strides = array<i32>} : memref<800x32xf32, #tpu.memory_space<vmem>>, vector<16xf32>,
      %add3A_433 = arith.addf %add3A_421, %get3A_432 : vector<16xf32>
      %add3A_434 = arith.constant 6 : i32
      %add3A_435 = arith.addi %mul3A_367, %add3A_434 : i32
      %get3A_436 = arith.index_cast %add3A_435 : i32 to index
      %get3A_437 = arith.constant 0 : index
      %get3A_438 = tpu.vector_load %arg8[%get3A_436, %get3A_437] {strides = array<i32>} : memref<800x32xf32, #tpu.memory_space<vmem>>, vector<16xf32>,
      %add3A_439 = arith.addf %add3A_427, %get3A_438 : vector<16xf32>
      %add3A_440 = arith.constant 6 : i32
      %add3A_441 = arith.addi %mul3A_367, %add3A_440 : i32
      %get3A_442 = arith.index_cast %add3A_441 : i32 to index
      %get3A_443 = arith.constant 16 : index
      %get3A_444 = tpu.vector_load %arg8[%get3A_442, %get3A_443] {strides = array<i32>} : memref<800x32xf32, #tpu.memory_space<vmem>>, vector<16xf32>,
      %add3A_445 = arith.addf %add3A_433, %get3A_444 : vector<16xf32>
      %add3A_446 = arith.constant 7 : i32
      %add3A_447 = arith.addi %mul3A_367, %add3A_446 : i32
      %get3A_448 = arith.index_cast %add3A_447 : i32 to index
      %get3A_449 = arith.constant 0 : index
      %get3A_450 = tpu.vector_load %arg8[%get3A_448, %get3A_449] {strides = array<i32>} : memref<800x32xf32, #tpu.memory_space<vmem>>, vector<16xf32>,
      %add3A_451 = arith.addf %add3A_439, %get3A_450 : vector<16xf32>
      %add3A_452 = arith.constant 7 : i32
      %add3A_453 = arith.addi %mul3A_367, %add3A_452 : i32
      %get3A_454 = arith.index_cast %add3A_453 : i32 to index
      %get3A_455 = arith.constant 16 : index
      %get3A_456 = tpu.vector_load %arg8[%get3A_454, %get3A_455] {strides = array<i32>} : memref<800x32xf32, #tpu.memory_space<vmem>>, vector<16xf32>,
      %add3A_457 = arith.addf %add3A_445, %get3A_456 : vector<16xf32>
      %add3A_458 = arith.constant 8 : i32
      %add3A_459 = arith.addi %mul3A_367, %add3A_458 : i32
      %get3A_460 = arith.index_cast %add3A_459 : i32 to index
      %get3A_461 = arith.constant 0 : index
      %get3A_462 = tpu.vector_load %arg8[%get3A_460, %get3A_461] {strides = array<i32>} : memref<800x32xf32, #tpu.memory_space<vmem>>, vector<16xf32>,
      %add3A_463 = arith.addf %add3A_451, %get3A_462 : vector<16xf32>
      %add3A_464 = arith.constant 8 : i32
      %add3A_465 = arith.addi %mul3A_367, %add3A_464 : i32
      %get3A_466 = arith.index_cast %add3A_465 : i32 to index
      %get3A_467 = arith.constant 16 : index
      %get3A_468 = tpu.vector_load %arg8[%get3A_466, %get3A_467] {strides = array<i32>} : memref<800x32xf32, #tpu.memory_space<vmem>>, vector<16xf32>,
      %add3A_469 = arith.addf %add3A_457, %get3A_468 : vector<16xf32>
      %add3A_470 = arith.constant 9 : i32
      %add3A_471 = arith.addi %mul3A_367, %add3A_470 : i32
      %get3A_472 = arith.index_cast %add3A_471 : i32 to index
      %get3A_473 = arith.constant 0 : index
      %get3A_474 = tpu.vector_load %arg8[%get3A_472, %get3A_473] {strides = array<i32>} : memref<800x32xf32, #tpu.memory_space<vmem>>, vector<16xf32>,
      %add3A_475 = arith.addf %add3A_463, %get3A_474 : vector<16xf32>
      %add3A_476 = arith.constant 9 : i32
      %add3A_477 = arith.addi %mul3A_367, %add3A_476 : i32
      %get3A_478 = arith.index_cast %add3A_477 : i32 to index
      %get3A_479 = arith.constant 16 : index
      %get3A_480 = tpu.vector_load %arg8[%get3A_478, %get3A_479] {strides = array<i32>} : memref<800x32xf32, #tpu.memory_space<vmem>>, vector<16xf32>,
      %add3A_481 = arith.addf %add3A_469, %get3A_480 : vector<16xf32>
      %add3A_482 = arith.constant 10 : i32
      %add3A_483 = arith.addi %mul3A_367, %add3A_482 : i32
      %get3A_484 = arith.index_cast %add3A_483 : i32 to index
      %get3A_485 = arith.constant 0 : index
      %get3A_486 = tpu.vector_load %arg8[%get3A_484, %get3A_485] {strides = array<i32>} : memref<800x32xf32, #tpu.memory_space<vmem>>, vector<16xf32>,
      %add3A_487 = arith.addf %add3A_475, %get3A_486 : vector<16xf32>
      %add3A_488 = arith.constant 10 : i32
      %add3A_489 = arith.addi %mul3A_367, %add3A_488 : i32
      %get3A_490 = arith.index_cast %add3A_489 : i32 to index
      %get3A_491 = arith.constant 16 : index
      %get3A_492 = tpu.vector_load %arg8[%get3A_490, %get3A_491] {strides = array<i32>} : memref<800x32xf32, #tpu.memory_space<vmem>>, vector<16xf32>,
      %add3A_493 = arith.addf %add3A_481, %get3A_492 : vector<16xf32>
      %add3A_494 = arith.constant 11 : i32
      %add3A_495 = arith.addi %mul3A_367, %add3A_494 : i32
      %get3A_496 = arith.index_cast %add3A_495 : i32 to index
      %get3A_497 = arith.constant 0 : index
      %get3A_498 = tpu.vector_load %arg8[%get3A_496, %get3A_497] {strides = array<i32>} : memref<800x32xf32, #tpu.memory_space<vmem>>, vector<16xf32>,
      %add3A_499 = arith.addf %add3A_487, %get3A_498 : vector<16xf32>
      %add3A_500 = arith.constant 11 : i32
      %add3A_501 = arith.addi %mul3A_367, %add3A_500 : i32
      %get3A_502 = arith.index_cast %add3A_501 : i32 to index
      %get3A_503 = arith.constant 16 : index
      %get3A_504 = tpu.vector_load %arg8[%get3A_502, %get3A_503] {strides = array<i32>} : memref<800x32xf32, #tpu.memory_space<vmem>>, vector<16xf32>,
      %add3A_505 = arith.addf %add3A_493, %get3A_504 : vector<16xf32>
      %add3A_506 = arith.constant 12 : i32
      %add3A_507 = arith.addi %mul3A_367, %add3A_506 : i32
      %get3A_508 = arith.index_cast %add3A_507 : i32 to index
      %get3A_509 = arith.constant 0 : index
      %get3A_510 = tpu.vector_load %arg8[%get3A_508, %get3A_509] {strides = array<i32>} : memref<800x32xf32, #tpu.memory_space<vmem>>, vector<16xf32>,
      %add3A_511 = arith.addf %add3A_499, %get3A_510 : vector<16xf32>
      %add3A_512 = arith.constant 12 : i32
      %add3A_513 = arith.addi %mul3A_367, %add3A_512 : i32
      %get3A_514 = arith.index_cast %add3A_513 : i32 to index
      %get3A_515 = arith.constant 16 : index
      %get3A_516 = tpu.vector_load %arg8[%get3A_514, %get3A_515] {strides = array<i32>} : memref<800x32xf32, #tpu.memory_space<vmem>>, vector<16xf32>,
      %add3A_517 = arith.addf %add3A_505, %get3A_516 : vector<16xf32>
      %add3A_518 = arith.constant 13 : i32
      %add3A_519 = arith.addi %mul3A_367, %add3A_518 : i32
      %get3A_520 = arith.index_cast %add3A_519 : i32 to index
      %get3A_521 = arith.constant 0 : index
      %get3A_522 = tpu.vector_load %arg8[%get3A_520, %get3A_521] {strides = array<i32>} : memref<800x32xf32, #tpu.memory_space<vmem>>, vector<16xf32>,
      %add3A_523 = arith.addf %add3A_511, %get3A_522 : vector<16xf32>
      %add3A_524 = arith.constant 13 : i32
      %add3A_525 = arith.addi %mul3A_367, %add3A_524 : i32
      %get3A_526 = arith.index_cast %add3A_525 : i32 to index
      %get3A_527 = arith.constant 16 : index
      %get3A_528 = tpu.vector_load %arg8[%get3A_526, %get3A_527] {strides = array<i32>} : memref<800x32xf32, #tpu.memory_space<vmem>>, vector<16xf32>,
      %add3A_529 = arith.addf %add3A_517, %get3A_528 : vector<16xf32>
      %add3A_530 = arith.constant 14 : i32
      %add3A_531 = arith.addi %mul3A_367, %add3A_530 : i32
      %get3A_532 = arith.index_cast %add3A_531 : i32 to index
      %get3A_533 = arith.constant 0 : index
      %get3A_534 = tpu.vector_load %arg8[%get3A_532, %get3A_533] {strides = array<i32>} : memref<800x32xf32, #tpu.memory_space<vmem>>, vector<16xf32>,
      %add3A_535 = arith.addf %add3A_523, %get3A_534 : vector<16xf32>
      %add3A_536 = arith.constant 14 : i32
      %add3A_537 = arith.addi %mul3A_367, %add3A_536 : i32
      %get3A_538 = arith.index_cast %add3A_537 : i32 to index
      %get3A_539 = arith.constant 16 : index
      %get3A_540 = tpu.vector_load %arg8[%get3A_538, %get3A_539] {strides = array<i32>} : memref<800x32xf32, #tpu.memory_space<vmem>>, vector<16xf32>,
      %add3A_541 = arith.addf %add3A_529, %get3A_540 : vector<16xf32>
      %add3A_542 = arith.constant 15 : i32
      %add3A_543 = arith.addi %mul3A_367, %add3A_542 : i32
      %get3A_544 = arith.index_cast %add3A_543 : i32 to index
      %get3A_545 = arith.constant 0 : index
      %get3A_546 = tpu.vector_load %arg8[%get3A_544, %get3A_545] {strides = array<i32>} : memref<800x32xf32, #tpu.memory_space<vmem>>, vector<16xf32>,
      %add3A_547 = arith.addf %add3A_535, %get3A_546 : vector<16xf32>
      %add3A_548 = arith.constant 15 : i32
      %add3A_549 = arith.addi %mul3A_367, %add3A_548 : i32
      %get3A_550 = arith.index_cast %add3A_549 : i32 to index
      %get3A_551 = arith.constant 16 : index
      %get3A_552 = tpu.vector_load %arg8[%get3A_550, %get3A_551] {strides = array<i32>} : memref<800x32xf32, #tpu.memory_space<vmem>>, vector<16xf32>,
      %add3A_553 = arith.addf %add3A_541, %get3A_552 : vector<16xf32>
      %add3A_554 = arith.constant 16 : i32
      %add3A_555 = arith.addi %mul3A_367, %add3A_554 : i32
      %get3A_556 = arith.index_cast %add3A_555 : i32 to index
      %get3A_557 = arith.constant 0 : index
      %get3A_558 = tpu.vector_load %arg8[%get3A_556, %get3A_557] {strides = array<i32>} : memref<800x32xf32, #tpu.memory_space<vmem>>, vector<16xf32>,
      %add3A_559 = arith.addf %add3A_547, %get3A_558 : vector<16xf32>
      %add3A_560 = arith.constant 16 : i32
      %add3A_561 = arith.addi %mul3A_367, %add3A_560 : i32
      %get3A_562 = arith.index_cast %add3A_561 : i32 to index
      %get3A_563 = arith.constant 16 : index
      %get3A_564 = tpu.vector_load %arg8[%get3A_562, %get3A_563] {strides = array<i32>} : memref<800x32xf32, #tpu.memory_space<vmem>>, vector<16xf32>,
      %add3A_565 = arith.addf %add3A_553, %get3A_564 : vector<16xf32>
      %add3A_566 = arith.constant 17 : i32
      %add3A_567 = arith.addi %mul3A_367, %add3A_566 : i32
      %get3A_568 = arith.index_cast %add3A_567 : i32 to index
      %get3A_569 = arith.constant 0 : index
      %get3A_570 = tpu.vector_load %arg8[%get3A_568, %get3A_569] {strides = array<i32>} : memref<800x32xf32, #tpu.memory_space<vmem>>, vector<16xf32>,
      %add3A_571 = arith.addf %add3A_559, %get3A_570 : vector<16xf32>
      %add3A_572 = arith.constant 17 : i32
      %add3A_573 = arith.addi %mul3A_367, %add3A_572 : i32
      %get3A_574 = arith.index_cast %add3A_573 : i32 to index
      %get3A_575 = arith.constant 16 : index
      %get3A_576 = tpu.vector_load %arg8[%get3A_574, %get3A_575] {strides = array<i32>} : memref<800x32xf32, #tpu.memory_space<vmem>>, vector<16xf32>,
      %add3A_577 = arith.addf %add3A_565, %get3A_576 : vector<16xf32>
      %add3A_578 = arith.constant 18 : i32
      %add3A_579 = arith.addi %mul3A_367, %add3A_578 : i32
      %get3A_580 = arith.index_cast %add3A_579 : i32 to index
      %get3A_581 = arith.constant 0 : index
      %get3A_582 = tpu.vector_load %arg8[%get3A_580, %get3A_581] {strides = array<i32>} : memref<800x32xf32, #tpu.memory_space<vmem>>, vector<16xf32>,
      %add3A_583 = arith.addf %add3A_571, %get3A_582 : vector<16xf32>
      %add3A_584 = arith.constant 18 : i32
      %add3A_585 = arith.addi %mul3A_367, %add3A_584 : i32
      %get3A_586 = arith.index_cast %add3A_585 : i32 to index
      %get3A_587 = arith.constant 16 : index
      %get3A_588 = tpu.vector_load %arg8[%get3A_586, %get3A_587] {strides = array<i32>} : memref<800x32xf32, #tpu.memory_space<vmem>>, vector<16xf32>,
      %add3A_589 = arith.addf %add3A_577, %get3A_588 : vector<16xf32>
      %add3A_590 = arith.constant 19 : i32
      %add3A_591 = arith.addi %mul3A_367, %add3A_590 : i32
      %get3A_592 = arith.index_cast %add3A_591 : i32 to index
      %get3A_593 = arith.constant 0 : index
      %get3A_594 = tpu.vector_load %arg8[%get3A_592, %get3A_593] {strides = array<i32>} : memref<800x32xf32, #tpu.memory_space<vmem>>, vector<16xf32>,
      %add3A_595 = arith.addf %add3A_583, %get3A_594 : vector<16xf32>
      %add3A_596 = arith.constant 19 : i32
      %add3A_597 = arith.addi %mul3A_367, %add3A_596 : i32
      %get3A_598 = arith.index_cast %add3A_597 : i32 to index
      %get3A_599 = arith.constant 16 : index
      %get3A_600 = tpu.vector_load %arg8[%get3A_598, %get3A_599] {strides = array<i32>} : memref<800x32xf32, #tpu.memory_space<vmem>>, vector<16xf32>,
      %add3A_601 = arith.addf %add3A_589, %get3A_600 : vector<16xf32>
      %add3A_602 = arith.constant 20 : i32
      %add3A_603 = arith.addi %mul3A_367, %add3A_602 : i32
      %get3A_604 = arith.index_cast %add3A_603 : i32 to index
      %get3A_605 = arith.constant 0 : index
      %get3A_606 = tpu.vector_load %arg8[%get3A_604, %get3A_605] {strides = array<i32>} : memref<800x32xf32, #tpu.memory_space<vmem>>, vector<16xf32>,
      %add3A_607 = arith.addf %add3A_595, %get3A_606 : vector<16xf32>
      %add3A_608 = arith.constant 20 : i32
      %add3A_609 = arith.addi %mul3A_367, %add3A_608 : i32
      %get3A_610 = arith.index_cast %add3A_609 : i32 to index
      %get3A_611 = arith.constant 16 : index
      %get3A_612 = tpu.vector_load %arg8[%get3A_610, %get3A_611] {strides = array<i32>} : memref<800x32xf32, #tpu.memory_space<vmem>>, vector<16xf32>,
      %add3A_613 = arith.addf %add3A_601, %get3A_612 : vector<16xf32>
      %add3A_614 = arith.constant 21 : i32
      %add3A_615 = arith.addi %mul3A_367, %add3A_614 : i32
      %get3A_616 = arith.index_cast %add3A_615 : i32 to index
      %get3A_617 = arith.constant 0 : index
      %get3A_618 = tpu.vector_load %arg8[%get3A_616, %get3A_617] {strides = array<i32>} : memref<800x32xf32, #tpu.memory_space<vmem>>, vector<16xf32>,
      %add3A_619 = arith.addf %add3A_607, %get3A_618 : vector<16xf32>
      %add3A_620 = arith.constant 21 : i32
      %add3A_621 = arith.addi %mul3A_367, %add3A_620 : i32
      %get3A_622 = arith.index_cast %add3A_621 : i32 to index
      %get3A_623 = arith.constant 16 : index
      %get3A_624 = tpu.vector_load %arg8[%get3A_622, %get3A_623] {strides = array<i32>} : memref<800x32xf32, #tpu.memory_space<vmem>>, vector<16xf32>,
      %add3A_625 = arith.addf %add3A_613, %get3A_624 : vector<16xf32>
      %add3A_626 = arith.constant 22 : i32
      %add3A_627 = arith.addi %mul3A_367, %add3A_626 : i32
      %get3A_628 = arith.index_cast %add3A_627 : i32 to index
      %get3A_629 = arith.constant 0 : index
      %get3A_630 = tpu.vector_load %arg8[%get3A_628, %get3A_629] {strides = array<i32>} : memref<800x32xf32, #tpu.memory_space<vmem>>, vector<16xf32>,
      %add3A_631 = arith.addf %add3A_619, %get3A_630 : vector<16xf32>
      %add3A_632 = arith.constant 22 : i32
      %add3A_633 = arith.addi %mul3A_367, %add3A_632 : i32
      %get3A_634 = arith.index_cast %add3A_633 : i32 to index
      %get3A_635 = arith.constant 16 : index
      %get3A_636 = tpu.vector_load %arg8[%get3A_634, %get3A_635] {strides = array<i32>} : memref<800x32xf32, #tpu.memory_space<vmem>>, vector<16xf32>,
      %add3A_637 = arith.addf %add3A_625, %get3A_636 : vector<16xf32>
      %add3A_638 = arith.constant 23 : i32
      %add3A_639 = arith.addi %mul3A_367, %add3A_638 : i32
      %get3A_640 = arith.index_cast %add3A_639 : i32 to index
      %get3A_641 = arith.constant 0 : index
      %get3A_642 = tpu.vector_load %arg8[%get3A_640, %get3A_641] {strides = array<i32>} : memref<800x32xf32, #tpu.memory_space<vmem>>, vector<16xf32>,
      %add3A_643 = arith.addf %add3A_631, %get3A_642 : vector<16xf32>
      %add3A_644 = arith.constant 23 : i32
      %add3A_645 = arith.addi %mul3A_367, %add3A_644 : i32
      %get3A_646 = arith.index_cast %add3A_645 : i32 to index
      %get3A_647 = arith.constant 16 : index
      %get3A_648 = tpu.vector_load %arg8[%get3A_646, %get3A_647] {strides = array<i32>} : memref<800x32xf32, #tpu.memory_space<vmem>>, vector<16xf32>,
      %add3A_649 = arith.addf %add3A_637, %get3A_648 : vector<16xf32>
      %add3A_650 = arith.constant 24 : i32
      %add3A_651 = arith.addi %mul3A_367, %add3A_650 : i32
      %get3A_652 = arith.index_cast %add3A_651 : i32 to index
      %get3A_653 = arith.constant 0 : index
      %get3A_654 = tpu.vector_load %arg8[%get3A_652, %get3A_653] {strides = array<i32>} : memref<800x32xf32, #tpu.memory_space<vmem>>, vector<16xf32>,
      %add3A_655 = arith.addf %add3A_643, %get3A_654 : vector<16xf32>
      %add3A_656 = arith.constant 24 : i32
      %add3A_657 = arith.addi %mul3A_367, %add3A_656 : i32
      %get3A_658 = arith.index_cast %add3A_657 : i32 to index
      %get3A_659 = arith.constant 16 : index
      %get3A_660 = tpu.vector_load %arg8[%get3A_658, %get3A_659] {strides = array<i32>} : memref<800x32xf32, #tpu.memory_space<vmem>>, vector<16xf32>,
      %add3A_661 = arith.addf %add3A_649, %get3A_660 : vector<16xf32>
      %add3A_662 = arith.constant 25 : i32
      %add3A_663 = arith.addi %mul3A_367, %add3A_662 : i32
      %get3A_664 = arith.index_cast %add3A_663 : i32 to index
      %get3A_665 = arith.constant 0 : index
      %get3A_666 = tpu.vector_load %arg8[%get3A_664, %get3A_665] {strides = array<i32>} : memref<800x32xf32, #tpu.memory_space<vmem>>, vector<16xf32>,
      %add3A_667 = arith.addf %add3A_655, %get3A_666 : vector<16xf32>
      %add3A_668 = arith.constant 25 : i32
      %add3A_669 = arith.addi %mul3A_367, %add3A_668 : i32
      %get3A_670 = arith.index_cast %add3A_669 : i32 to index
      %get3A_671 = arith.constant 16 : index
      %get3A_672 = tpu.vector_load %arg8[%get3A_670, %get3A_671] {strides = array<i32>} : memref<800x32xf32, #tpu.memory_space<vmem>>, vector<16xf32>,
      %add3A_673 = arith.addf %add3A_661, %get3A_672 : vector<16xf32>
      %add3A_674 = arith.constant 26 : i32
      %add3A_675 = arith.addi %mul3A_367, %add3A_674 : i32
      %get3A_676 = arith.index_cast %add3A_675 : i32 to index
      %get3A_677 = arith.constant 0 : index
      %get3A_678 = tpu.vector_load %arg8[%get3A_676, %get3A_677] {strides = array<i32>} : memref<800x32xf32, #tpu.memory_space<vmem>>, vector<16xf32>,
      %add3A_679 = arith.addf %add3A_667, %get3A_678 : vector<16xf32>
      %add3A_680 = arith.constant 26 : i32
      %add3A_681 = arith.addi %mul3A_367, %add3A_680 : i32
      %get3A_682 = arith.index_cast %add3A_681 : i32 to index
      %get3A_683 = arith.constant 16 : index
      %get3A_684 = tpu.vector_load %arg8[%get3A_682, %get3A_683] {strides = array<i32>} : memref<800x32xf32, #tpu.memory_space<vmem>>, vector<16xf32>,
      %add3A_685 = arith.addf %add3A_673, %get3A_684 : vector<16xf32>
      %add3A_686 = arith.constant 27 : i32
      %add3A_687 = arith.addi %mul3A_367, %add3A_686 : i32
      %get3A_688 = arith.index_cast %add3A_687 : i32 to index
      %get3A_689 = arith.constant 0 : index
      %get3A_690 = tpu.vector_load %arg8[%get3A_688, %get3A_689] {strides = array<i32>} : memref<800x32xf32, #tpu.memory_space<vmem>>, vector<16xf32>,
      %add3A_691 = arith.addf %add3A_679, %get3A_690 : vector<16xf32>
      %add3A_692 = arith.constant 27 : i32
      %add3A_693 = arith.addi %mul3A_367, %add3A_692 : i32
      %get3A_694 = arith.index_cast %add3A_693 : i32 to index
      %get3A_695 = arith.constant 16 : index
      %get3A_696 = tpu.vector_load %arg8[%get3A_694, %get3A_695] {strides = array<i32>} : memref<800x32xf32, #tpu.memory_space<vmem>>, vector<16xf32>,
      %add3A_697 = arith.addf %add3A_685, %get3A_696 : vector<16xf32>
      %add3A_698 = arith.constant 28 : i32
      %add3A_699 = arith.addi %mul3A_367, %add3A_698 : i32
      %get3A_700 = arith.index_cast %add3A_699 : i32 to index
      %get3A_701 = arith.constant 0 : index
      %get3A_702 = tpu.vector_load %arg8[%get3A_700, %get3A_701] {strides = array<i32>} : memref<800x32xf32, #tpu.memory_space<vmem>>, vector<16xf32>,
      %add3A_703 = arith.addf %add3A_691, %get3A_702 : vector<16xf32>
      %add3A_704 = arith.constant 28 : i32
      %add3A_705 = arith.addi %mul3A_367, %add3A_704 : i32
      %get3A_706 = arith.index_cast %add3A_705 : i32 to index
      %get3A_707 = arith.constant 16 : index
      %get3A_708 = tpu.vector_load %arg8[%get3A_706, %get3A_707] {strides = array<i32>} : memref<800x32xf32, #tpu.memory_space<vmem>>, vector<16xf32>,
      %add3A_709 = arith.addf %add3A_697, %get3A_708 : vector<16xf32>
      %add3A_710 = arith.constant 29 : i32
      %add3A_711 = arith.addi %mul3A_367, %add3A_710 : i32
      %get3A_712 = arith.index_cast %add3A_711 : i32 to index
      %get3A_713 = arith.constant 0 : index
      %get3A_714 = tpu.vector_load %arg8[%get3A_712, %get3A_713] {strides = array<i32>} : memref<800x32xf32, #tpu.memory_space<vmem>>, vector<16xf32>,
      %add3A_715 = arith.addf %add3A_703, %get3A_714 : vector<16xf32>
      %add3A_716 = arith.constant 29 : i32
      %add3A_717 = arith.addi %mul3A_367, %add3A_716 : i32
      %get3A_718 = arith.index_cast %add3A_717 : i32 to index
      %get3A_719 = arith.constant 16 : index
      %get3A_720 = tpu.vector_load %arg8[%get3A_718, %get3A_719] {strides = array<i32>} : memref<800x32xf32, #tpu.memory_space<vmem>>, vector<16xf32>,
      %add3A_721 = arith.addf %add3A_709, %get3A_720 : vector<16xf32>
      %add3A_722 = arith.constant 30 : i32
      %add3A_723 = arith.addi %mul3A_367, %add3A_722 : i32
      %get3A_724 = arith.index_cast %add3A_723 : i32 to index
      %get3A_725 = arith.constant 0 : index
      %get3A_726 = tpu.vector_load %arg8[%get3A_724, %get3A_725] {strides = array<i32>} : memref<800x32xf32, #tpu.memory_space<vmem>>, vector<16xf32>,
      %add3A_727 = arith.addf %add3A_715, %get3A_726 : vector<16xf32>
      %add3A_728 = arith.constant 30 : i32
      %add3A_729 = arith.addi %mul3A_367, %add3A_728 : i32
      %get3A_730 = arith.index_cast %add3A_729 : i32 to index
      %get3A_731 = arith.constant 16 : index
      %get3A_732 = tpu.vector_load %arg8[%get3A_730, %get3A_731] {strides = array<i32>} : memref<800x32xf32, #tpu.memory_space<vmem>>, vector<16xf32>,
      %add3A_733 = arith.addf %add3A_721, %get3A_732 : vector<16xf32>
      %add3A_734 = arith.constant 31 : i32
      %add3A_735 = arith.addi %mul3A_367, %add3A_734 : i32
      %get3A_736 = arith.index_cast %add3A_735 : i32 to index
      %get3A_737 = arith.constant 0 : index
      %get3A_738 = tpu.vector_load %arg8[%get3A_736, %get3A_737] {strides = array<i32>} : memref<800x32xf32, #tpu.memory_space<vmem>>, vector<16xf32>,
      %add3A_739 = arith.addf %add3A_727, %get3A_738 : vector<16xf32>
      %add3A_740 = arith.constant 31 : i32
      %add3A_741 = arith.addi %mul3A_367, %add3A_740 : i32
      %get3A_742 = arith.index_cast %add3A_741 : i32 to index
      %get3A_743 = arith.constant 16 : index
      %get3A_744 = tpu.vector_load %arg8[%get3A_742, %get3A_743] {strides = array<i32>} : memref<800x32xf32, #tpu.memory_space<vmem>>, vector<16xf32>,
      %add3A_745 = arith.addf %add3A_733, %get3A_744 : vector<16xf32>
      %add3A_746 = arith.constant 32 : i32
      %add3A_747 = arith.addi %mul3A_367, %add3A_746 : i32
      %get3A_748 = arith.index_cast %add3A_747 : i32 to index
      %get3A_749 = arith.constant 0 : index
      %get3A_750 = tpu.vector_load %arg8[%get3A_748, %get3A_749] {strides = array<i32>} : memref<800x32xf32, #tpu.memory_space<vmem>>, vector<16xf32>,
      %add3A_751 = arith.addf %add3A_739, %get3A_750 : vector<16xf32>
      %add3A_752 = arith.constant 32 : i32
      %add3A_753 = arith.addi %mul3A_367, %add3A_752 : i32
      %get3A_754 = arith.index_cast %add3A_753 : i32 to index
      %get3A_755 = arith.constant 16 : index
      %get3A_756 = tpu.vector_load %arg8[%get3A_754, %get3A_755] {strides = array<i32>} : memref<800x32xf32, #tpu.memory_space<vmem>>, vector<16xf32>,
      %add3A_757 = arith.addf %add3A_745, %get3A_756 : vector<16xf32>
      %add3A_758 = arith.constant 33 : i32
      %add3A_759 = arith.addi %mul3A_367, %add3A_758 : i32
      %get3A_760 = arith.index_cast %add3A_759 : i32 to index
      %get3A_761 = arith.constant 0 : index
      %get3A_762 = tpu.vector_load %arg8[%get3A_760, %get3A_761] {strides = array<i32>} : memref<800x32xf32, #tpu.memory_space<vmem>>, vector<16xf32>,
      %add3A_763 = arith.addf %add3A_751, %get3A_762 : vector<16xf32>
      %add3A_764 = arith.constant 33 : i32
      %add3A_765 = arith.addi %mul3A_367, %add3A_764 : i32
      %get3A_766 = arith.index_cast %add3A_765 : i32 to index
      %get3A_767 = arith.constant 16 : index
      %get3A_768 = tpu.vector_load %arg8[%get3A_766, %get3A_767] {strides = array<i32>} : memref<800x32xf32, #tpu.memory_space<vmem>>, vector<16xf32>,
      %add3A_769 = arith.addf %add3A_757, %get3A_768 : vector<16xf32>
      %add3A_770 = arith.constant 34 : i32
      %add3A_771 = arith.addi %mul3A_367, %add3A_770 : i32
      %get3A_772 = arith.index_cast %add3A_771 : i32 to index
      %get3A_773 = arith.constant 0 : index
      %get3A_774 = tpu.vector_load %arg8[%get3A_772, %get3A_773] {strides = array<i32>} : memref<800x32xf32, #tpu.memory_space<vmem>>, vector<16xf32>,
      %add3A_775 = arith.addf %add3A_763, %get3A_774 : vector<16xf32>
      %add3A_776 = arith.constant 34 : i32
      %add3A_777 = arith.addi %mul3A_367, %add3A_776 : i32
      %get3A_778 = arith.index_cast %add3A_777 : i32 to index
      %get3A_779 = arith.constant 16 : index
      %get3A_780 = tpu.vector_load %arg8[%get3A_778, %get3A_779] {strides = array<i32>} : memref<800x32xf32, #tpu.memory_space<vmem>>, vector<16xf32>,
      %add3A_781 = arith.addf %add3A_769, %get3A_780 : vector<16xf32>
      %add3A_782 = arith.constant 35 : i32
      %add3A_783 = arith.addi %mul3A_367, %add3A_782 : i32
      %get3A_784 = arith.index_cast %add3A_783 : i32 to index
      %get3A_785 = arith.constant 0 : index
      %get3A_786 = tpu.vector_load %arg8[%get3A_784, %get3A_785] {strides = array<i32>} : memref<800x32xf32, #tpu.memory_space<vmem>>, vector<16xf32>,
      %add3A_787 = arith.addf %add3A_775, %get3A_786 : vector<16xf32>
      %add3A_788 = arith.constant 35 : i32
      %add3A_789 = arith.addi %mul3A_367, %add3A_788 : i32
      %get3A_790 = arith.index_cast %add3A_789 : i32 to index
      %get3A_791 = arith.constant 16 : index
      %get3A_792 = tpu.vector_load %arg8[%get3A_790, %get3A_791] {strides = array<i32>} : memref<800x32xf32, #tpu.memory_space<vmem>>, vector<16xf32>,
      %add3A_793 = arith.addf %add3A_781, %get3A_792 : vector<16xf32>
      %add3A_794 = arith.constant 36 : i32
      %add3A_795 = arith.addi %mul3A_367, %add3A_794 : i32
      %get3A_796 = arith.index_cast %add3A_795 : i32 to index
      %get3A_797 = arith.constant 0 : index
      %get3A_798 = tpu.vector_load %arg8[%get3A_796, %get3A_797] {strides = array<i32>} : memref<800x32xf32, #tpu.memory_space<vmem>>, vector<16xf32>,
      %add3A_799 = arith.addf %add3A_787, %get3A_798 : vector<16xf32>
      %add3A_800 = arith.constant 36 : i32
      %add3A_801 = arith.addi %mul3A_367, %add3A_800 : i32
      %get3A_802 = arith.index_cast %add3A_801 : i32 to index
      %get3A_803 = arith.constant 16 : index
      %get3A_804 = tpu.vector_load %arg8[%get3A_802, %get3A_803] {strides = array<i32>} : memref<800x32xf32, #tpu.memory_space<vmem>>, vector<16xf32>,
      %add3A_805 = arith.addf %add3A_793, %get3A_804 : vector<16xf32>
      %add3A_806 = arith.constant 37 : i32
      %add3A_807 = arith.addi %mul3A_367, %add3A_806 : i32
      %get3A_808 = arith.index_cast %add3A_807 : i32 to index
      %get3A_809 = arith.constant 0 : index
      %get3A_810 = tpu.vector_load %arg8[%get3A_808, %get3A_809] {strides = array<i32>} : memref<800x32xf32, #tpu.memory_space<vmem>>, vector<16xf32>,
      %add3A_811 = arith.addf %add3A_799, %get3A_810 : vector<16xf32>
      %add3A_812 = arith.constant 37 : i32
      %add3A_813 = arith.addi %mul3A_367, %add3A_812 : i32
      %get3A_814 = arith.index_cast %add3A_813 : i32 to index
      %get3A_815 = arith.constant 16 : index
      %get3A_816 = tpu.vector_load %arg8[%get3A_814, %get3A_815] {strides = array<i32>} : memref<800x32xf32, #tpu.memory_space<vmem>>, vector<16xf32>,
      %add3A_817 = arith.addf %add3A_805, %get3A_816 : vector<16xf32>
      %add3A_818 = arith.constant 38 : i32
      %add3A_819 = arith.addi %mul3A_367, %add3A_818 : i32
      %get3A_820 = arith.index_cast %add3A_819 : i32 to index
      %get3A_821 = arith.constant 0 : index
      %get3A_822 = tpu.vector_load %arg8[%get3A_820, %get3A_821] {strides = array<i32>} : memref<800x32xf32, #tpu.memory_space<vmem>>, vector<16xf32>,
      %add3A_823 = arith.addf %add3A_811, %get3A_822 : vector<16xf32>
      %add3A_824 = arith.constant 38 : i32
      %add3A_825 = arith.addi %mul3A_367, %add3A_824 : i32
      %get3A_826 = arith.index_cast %add3A_825 : i32 to index
      %get3A_827 = arith.constant 16 : index
      %get3A_828 = tpu.vector_load %arg8[%get3A_826, %get3A_827] {strides = array<i32>} : memref<800x32xf32, #tpu.memory_space<vmem>>, vector<16xf32>,
      %add3A_829 = arith.addf %add3A_817, %get3A_828 : vector<16xf32>
      %add3A_830 = arith.constant 39 : i32
      %add3A_831 = arith.addi %mul3A_367, %add3A_830 : i32
      %get3A_832 = arith.index_cast %add3A_831 : i32 to index
      %get3A_833 = arith.constant 0 : index
      %get3A_834 = tpu.vector_load %arg8[%get3A_832, %get3A_833] {strides = array<i32>} : memref<800x32xf32, #tpu.memory_space<vmem>>, vector<16xf32>,
      %add3A_835 = arith.addf %add3A_823, %get3A_834 : vector<16xf32>
      %add3A_836 = arith.constant 39 : i32
      %add3A_837 = arith.addi %mul3A_367, %add3A_836 : i32
      %get3A_838 = arith.index_cast %add3A_837 : i32 to index
      %get3A_839 = arith.constant 16 : index
      %get3A_840 = tpu.vector_load %arg8[%get3A_838, %get3A_839] {strides = array<i32>} : memref<800x32xf32, #tpu.memory_space<vmem>>, vector<16xf32>,
      %add3A_841 = arith.addf %add3A_829, %get3A_840 : vector<16xf32>
      %add3A_842 = arith.constant 40 : i32
      %add3A_843 = arith.addi %mul3A_367, %add3A_842 : i32
      %get3A_844 = arith.index_cast %add3A_843 : i32 to index
      %get3A_845 = arith.constant 0 : index
      %get3A_846 = tpu.vector_load %arg8[%get3A_844, %get3A_845] {strides = array<i32>} : memref<800x32xf32, #tpu.memory_space<vmem>>, vector<16xf32>,
      %add3A_847 = arith.addf %add3A_835, %get3A_846 : vector<16xf32>
      %add3A_848 = arith.constant 40 : i32
      %add3A_849 = arith.addi %mul3A_367, %add3A_848 : i32
      %get3A_850 = arith.index_cast %add3A_849 : i32 to index
      %get3A_851 = arith.constant 16 : index
      %get3A_852 = tpu.vector_load %arg8[%get3A_850, %get3A_851] {strides = array<i32>} : memref<800x32xf32, #tpu.memory_space<vmem>>, vector<16xf32>,
      %add3A_853 = arith.addf %add3A_841, %get3A_852 : vector<16xf32>
      %add3A_854 = arith.constant 41 : i32
      %add3A_855 = arith.addi %mul3A_367, %add3A_854 : i32
      %get3A_856 = arith.index_cast %add3A_855 : i32 to index
      %get3A_857 = arith.constant 0 : index
      %get3A_858 = tpu.vector_load %arg8[%get3A_856, %get3A_857] {strides = array<i32>} : memref<800x32xf32, #tpu.memory_space<vmem>>, vector<16xf32>,
      %add3A_859 = arith.addf %add3A_847, %get3A_858 : vector<16xf32>
      %add3A_860 = arith.constant 41 : i32
      %add3A_861 = arith.addi %mul3A_367, %add3A_860 : i32
      %get3A_862 = arith.index_cast %add3A_861 : i32 to index
      %get3A_863 = arith.constant 16 : index
      %get3A_864 = tpu.vector_load %arg8[%get3A_862, %get3A_863] {strides = array<i32>} : memref<800x32xf32, #tpu.memory_space<vmem>>, vector<16xf32>,
      %add3A_865 = arith.addf %add3A_853, %get3A_864 : vector<16xf32>
      %add3A_866 = arith.constant 42 : i32
      %add3A_867 = arith.addi %mul3A_367, %add3A_866 : i32
      %get3A_868 = arith.index_cast %add3A_867 : i32 to index
      %get3A_869 = arith.constant 0 : index
      %get3A_870 = tpu.vector_load %arg8[%get3A_868, %get3A_869] {strides = array<i32>} : memref<800x32xf32, #tpu.memory_space<vmem>>, vector<16xf32>,
      %add3A_871 = arith.addf %add3A_859, %get3A_870 : vector<16xf32>
      %add3A_872 = arith.constant 42 : i32
      %add3A_873 = arith.addi %mul3A_367, %add3A_872 : i32
      %get3A_874 = arith.index_cast %add3A_873 : i32 to index
      %get3A_875 = arith.constant 16 : index
      %get3A_876 = tpu.vector_load %arg8[%get3A_874, %get3A_875] {strides = array<i32>} : memref<800x32xf32, #tpu.memory_space<vmem>>, vector<16xf32>,
      %add3A_877 = arith.addf %add3A_865, %get3A_876 : vector<16xf32>
      %add3A_878 = arith.constant 43 : i32
      %add3A_879 = arith.addi %mul3A_367, %add3A_878 : i32
      %get3A_880 = arith.index_cast %add3A_879 : i32 to index
      %get3A_881 = arith.constant 0 : index
      %get3A_882 = tpu.vector_load %arg8[%get3A_880, %get3A_881] {strides = array<i32>} : memref<800x32xf32, #tpu.memory_space<vmem>>, vector<16xf32>,
      %add3A_883 = arith.addf %add3A_871, %get3A_882 : vector<16xf32>
      %add3A_884 = arith.constant 43 : i32
      %add3A_885 = arith.addi %mul3A_367, %add3A_884 : i32
      %get3A_886 = arith.index_cast %add3A_885 : i32 to index
      %get3A_887 = arith.constant 16 : index
      %get3A_888 = tpu.vector_load %arg8[%get3A_886, %get3A_887] {strides = array<i32>} : memref<800x32xf32, #tpu.memory_space<vmem>>, vector<16xf32>,
      %add3A_889 = arith.addf %add3A_877, %get3A_888 : vector<16xf32>
      %add3A_890 = arith.constant 44 : i32
      %add3A_891 = arith.addi %mul3A_367, %add3A_890 : i32
      %get3A_892 = arith.index_cast %add3A_891 : i32 to index
      %get3A_893 = arith.constant 0 : index
      %get3A_894 = tpu.vector_load %arg8[%get3A_892, %get3A_893] {strides = array<i32>} : memref<800x32xf32, #tpu.memory_space<vmem>>, vector<16xf32>,
      %add3A_895 = arith.addf %add3A_883, %get3A_894 : vector<16xf32>
      %add3A_896 = arith.constant 44 : i32
      %add3A_897 = arith.addi %mul3A_367, %add3A_896 : i32
      %get3A_898 = arith.index_cast %add3A_897 : i32 to index
      %get3A_899 = arith.constant 16 : index
      %get3A_900 = tpu.vector_load %arg8[%get3A_898, %get3A_899] {strides = array<i32>} : memref<800x32xf32, #tpu.memory_space<vmem>>, vector<16xf32>,
      %add3A_901 = arith.addf %add3A_889, %get3A_900 : vector<16xf32>
      %add3A_902 = arith.constant 45 : i32
      %add3A_903 = arith.addi %mul3A_367, %add3A_902 : i32
      %get3A_904 = arith.index_cast %add3A_903 : i32 to index
      %get3A_905 = arith.constant 0 : index
      %get3A_906 = tpu.vector_load %arg8[%get3A_904, %get3A_905] {strides = array<i32>} : memref<800x32xf32, #tpu.memory_space<vmem>>, vector<16xf32>,
      %add3A_907 = arith.addf %add3A_895, %get3A_906 : vector<16xf32>
      %add3A_908 = arith.constant 45 : i32
      %add3A_909 = arith.addi %mul3A_367, %add3A_908 : i32
      %get3A_910 = arith.index_cast %add3A_909 : i32 to index
      %get3A_911 = arith.constant 16 : index
      %get3A_912 = tpu.vector_load %arg8[%get3A_910, %get3A_911] {strides = array<i32>} : memref<800x32xf32, #tpu.memory_space<vmem>>, vector<16xf32>,
      %add3A_913 = arith.addf %add3A_901, %get3A_912 : vector<16xf32>
      %add3A_914 = arith.constant 46 : i32
      %add3A_915 = arith.addi %mul3A_367, %add3A_914 : i32
      %get3A_916 = arith.index_cast %add3A_915 : i32 to index
      %get3A_917 = arith.constant 0 : index
      %get3A_918 = tpu.vector_load %arg8[%get3A_916, %get3A_917] {strides = array<i32>} : memref<800x32xf32, #tpu.memory_space<vmem>>, vector<16xf32>,
      %add3A_919 = arith.addf %add3A_907, %get3A_918 : vector<16xf32>
      %add3A_920 = arith.constant 46 : i32
      %add3A_921 = arith.addi %mul3A_367, %add3A_920 : i32
      %get3A_922 = arith.index_cast %add3A_921 : i32 to index
      %get3A_923 = arith.constant 16 : index
      %get3A_924 = tpu.vector_load %arg8[%get3A_922, %get3A_923] {strides = array<i32>} : memref<800x32xf32, #tpu.memory_space<vmem>>, vector<16xf32>,
      %add3A_925 = arith.addf %add3A_913, %get3A_924 : vector<16xf32>
      %add3A_926 = arith.constant 47 : i32
      %add3A_927 = arith.addi %mul3A_367, %add3A_926 : i32
      %get3A_928 = arith.index_cast %add3A_927 : i32 to index
      %get3A_929 = arith.constant 0 : index
      %get3A_930 = tpu.vector_load %arg8[%get3A_928, %get3A_929] {strides = array<i32>} : memref<800x32xf32, #tpu.memory_space<vmem>>, vector<16xf32>,
      %add3A_931 = arith.addf %add3A_919, %get3A_930 : vector<16xf32>
      %add3A_932 = arith.constant 47 : i32
      %add3A_933 = arith.addi %mul3A_367, %add3A_932 : i32
      %get3A_934 = arith.index_cast %add3A_933 : i32 to index
      %get3A_935 = arith.constant 16 : index
      %get3A_936 = tpu.vector_load %arg8[%get3A_934, %get3A_935] {strides = array<i32>} : memref<800x32xf32, #tpu.memory_space<vmem>>, vector<16xf32>,
      %add3A_937 = arith.addf %add3A_925, %get3A_936 : vector<16xf32>
      %add3A_938 = arith.constant 48 : i32
      %add3A_939 = arith.addi %mul3A_367, %add3A_938 : i32
      %get3A_940 = arith.index_cast %add3A_939 : i32 to index
      %get3A_941 = arith.constant 0 : index
      %get3A_942 = tpu.vector_load %arg8[%get3A_940, %get3A_941] {strides = array<i32>} : memref<800x32xf32, #tpu.memory_space<vmem>>, vector<16xf32>,
      %add3A_943 = arith.addf %add3A_931, %get3A_942 : vector<16xf32>
      %add3A_944 = arith.constant 48 : i32
      %add3A_945 = arith.addi %mul3A_367, %add3A_944 : i32
      %get3A_946 = arith.index_cast %add3A_945 : i32 to index
      %get3A_947 = arith.constant 16 : index
      %get3A_948 = tpu.vector_load %arg8[%get3A_946, %get3A_947] {strides = array<i32>} : memref<800x32xf32, #tpu.memory_space<vmem>>, vector<16xf32>,
      %add3A_949 = arith.addf %add3A_937, %get3A_948 : vector<16xf32>
      %add3A_950 = arith.constant 49 : i32
      %add3A_951 = arith.addi %mul3A_367, %add3A_950 : i32
      %get3A_952 = arith.index_cast %add3A_951 : i32 to index
      %get3A_953 = arith.constant 0 : index
      %get3A_954 = tpu.vector_load %arg8[%get3A_952, %get3A_953] {strides = array<i32>} : memref<800x32xf32, #tpu.memory_space<vmem>>, vector<16xf32>,
      %add3A_955 = arith.addf %add3A_943, %get3A_954 : vector<16xf32>
      %add3A_956 = arith.constant 49 : i32
      %add3A_957 = arith.addi %mul3A_367, %add3A_956 : i32
      %get3A_958 = arith.index_cast %add3A_957 : i32 to index
      %get3A_959 = arith.constant 16 : index
      %get3A_960 = tpu.vector_load %arg8[%get3A_958, %get3A_959] {strides = array<i32>} : memref<800x32xf32, #tpu.memory_space<vmem>>, vector<16xf32>,
      %add3A_961 = arith.addf %add3A_949, %get3A_960 : vector<16xf32>
      %mul3A_962 = arith.mulf %add3A_955, %get3A_3 : vector<16xf32>
      %mul3A_963 = arith.mulf %add3A_961, %get3A_7 : vector<16xf32>
      %add3A_964 = arith.addf %mul3A_962, %mul3A_963 : vector<16xf32>
      %cumsum3A = arith.constant true
      %cumsum3A_965 = vector.broadcast %cumsum3A : i1 to vector<16xi1>
      %cumsum3A_966 = tpu.scan <sum>, %add3A_964 masked %cumsum3A_965 : vector<16xf32>, vector<16xi1> -> vector<16xf32>
      %add3A_967 = arith.addf %cumsum3A_966, %get3A_19 : vector<16xf32>
      %mul3A_968 = arith.mulf %add3A_955, %get3A_11 : vector<16xf32>
      %mul3A_969 = arith.mulf %add3A_961, %get3A_15 : vector<16xf32>
      %add3A_970 = arith.addf %mul3A_968, %mul3A_969 : vector<16xf32>
      %cumsum3A_971 = arith.constant true
      %cumsum3A_972 = vector.broadcast %cumsum3A_971 : i1 to vector<16xi1>
      %cumsum3A_973 = tpu.scan <sum>, %add3A_970 masked %cumsum3A_972 : vector<16xf32>, vector<16xi1> -> vector<16xf32>
      %add3A_974 = arith.addf %cumsum3A_973, %get3A_23 : vector<16xf32>
      %add3A_975 = arith.constant 480 : i32
      %add3A_976 = arith.addi %add3A_975, %scan3A_365 : i32
      %mul3A_977 = arith.constant 2 : i32
      %mul3A_978 = arith.muli %add3A_976, %mul3A_977 : i32
      %swap3A = arith.index_cast %mul3A_978 : i32 to index
      %swap3A_979 = tpu.vector_load %arg12[%swap3A] masked %eq3A_25 {strides = array<i32>} : memref<1040xf32, #tpu.memory_space<vmem>>, vector<16xf32>, vector<16xi1>
      tpu.vector_store %arg12[%swap3A], %add3A_967 masked %eq3A_25 {strides = array<i32>} : memref<1040xf32, #tpu.memory_space<vmem>>, vector<16xf32>, vector<16xi1>
      %add3A_980 = arith.constant 1 : i32
      %add3A_981 = arith.addi %mul3A_978, %add3A_980 : i32
      %swap3A_982 = arith.index_cast %add3A_981 : i32 to index
      %swap3A_983 = tpu.vector_load %arg12[%swap3A_982] masked %eq3A_25 {strides = array<i32>} : memref<1040xf32, #tpu.memory_space<vmem>>, vector<16xf32>, vector<16xi1>
      tpu.vector_store %arg12[%swap3A_982], %add3A_974 masked %eq3A_25 {strides = array<i32>} : memref<1040xf32, #tpu.memory_space<vmem>>, vector<16xf32>, vector<16xi1>
    }
    %scan3A_274 = arith.constant 16 : i32
    %dma_wait3A_275 = arith.constant 248 : i32
    %dma_wait3A_276 = arith.constant 0 : i32
    %dma_wait3A_277 = arith.constant 0 : i32
    %dma_wait3A_278 = tpu.memref_slice %arg9[%dma_wait3A_276, %dma_wait3A_277] : memref<800x32xf32, #tpu.memory_space<vmem>> -> memref<100x32xf32, #tpu.memory_space<vmem>>
    %dma_wait3A_279 = arith.constant 0 : i32
    %dma_wait3A_280 = tpu.memref_slice %arg7[%dma_wait3A_275, %dma_wait3A_279] : memref<256x100xi32, #tpu.memory_space<vmem>> -> memref<1x100xi32, #tpu.memory_space<vmem>>
    %dma_wait3A_281 = tpu.memref_squeeze %dma_wait3A_280 : memref<1x100xi32, #tpu.memory_space<vmem>> -> memref<100xi32, #tpu.memory_space<vmem>>
    %dma_wait3A_282 = arith.constant 0 : i32
    %dma_wait3A_283 = arith.constant 0 : i32
    %dma_wait3A_284 = tpu.memref_slice %arg5[%dma_wait3A_282, %dma_wait3A_283] : memref<1000000x32xf32, #tpu.memory_space<hbm>> -> memref<1000000x32xf32, #tpu.memory_space<hbm>>
    tpu.wait_indirect_dma semaphore(%arg14 : memref<!tpu.dma_semaphore, #tpu.memory_space<semaphore_mem>>) src(%dma_wait3A_284 : memref<1000000x32xf32, #tpu.memory_space<hbm>>) dst(%dma_wait3A_278 : memref<100x32xf32, #tpu.memory_space<vmem>>)
    %dma_wait3A_285 = arith.constant 249 : i32
    %dma_wait3A_286 = arith.constant 100 : i32
    %dma_wait3A_287 = arith.constant 0 : i32
    %dma_wait3A_288 = tpu.memref_slice %arg9[%dma_wait3A_286, %dma_wait3A_287] : memref<800x32xf32, #tpu.memory_space<vmem>> -> memref<100x32xf32, #tpu.memory_space<vmem>>
    %dma_wait3A_289 = arith.constant 0 : i32
    %dma_wait3A_290 = tpu.memref_slice %arg7[%dma_wait3A_285, %dma_wait3A_289] : memref<256x100xi32, #tpu.memory_space<vmem>> -> memref<1x100xi32, #tpu.memory_space<vmem>>
    %dma_wait3A_291 = tpu.memref_squeeze %dma_wait3A_290 : memref<1x100xi32, #tpu.memory_space<vmem>> -> memref<100xi32, #tpu.memory_space<vmem>>
    %dma_wait3A_292 = arith.constant 0 : i32
    %dma_wait3A_293 = arith.constant 0 : i32
    %dma_wait3A_294 = tpu.memref_slice %arg5[%dma_wait3A_292, %dma_wait3A_293] : memref<1000000x32xf32, #tpu.memory_space<hbm>> -> memref<1000000x32xf32, #tpu.memory_space<hbm>>
    tpu.wait_indirect_dma semaphore(%arg14 : memref<!tpu.dma_semaphore, #tpu.memory_space<semaphore_mem>>) src(%dma_wait3A_294 : memref<1000000x32xf32, #tpu.memory_space<hbm>>) dst(%dma_wait3A_288 : memref<100x32xf32, #tpu.memory_space<vmem>>)
    %dma_wait3A_295 = arith.constant 250 : i32
    %dma_wait3A_296 = arith.constant 200 : i32
    %dma_wait3A_297 = arith.constant 0 : i32
    %dma_wait3A_298 = tpu.memref_slice %arg9[%dma_wait3A_296, %dma_wait3A_297] : memref<800x32xf32, #tpu.memory_space<vmem>> -> memref<100x32xf32, #tpu.memory_space<vmem>>
    %dma_wait3A_299 = arith.constant 0 : i32
    %dma_wait3A_300 = tpu.memref_slice %arg7[%dma_wait3A_295, %dma_wait3A_299] : memref<256x100xi32, #tpu.memory_space<vmem>> -> memref<1x100xi32, #tpu.memory_space<vmem>>
    %dma_wait3A_301 = tpu.memref_squeeze %dma_wait3A_300 : memref<1x100xi32, #tpu.memory_space<vmem>> -> memref<100xi32, #tpu.memory_space<vmem>>
    %dma_wait3A_302 = arith.constant 0 : i32
    %dma_wait3A_303 = arith.constant 0 : i32
    %dma_wait3A_304 = tpu.memref_slice %arg5[%dma_wait3A_302, %dma_wait3A_303] : memref<1000000x32xf32, #tpu.memory_space<hbm>> -> memref<1000000x32xf32, #tpu.memory_space<hbm>>
    tpu.wait_indirect_dma semaphore(%arg14 : memref<!tpu.dma_semaphore, #tpu.memory_space<semaphore_mem>>) src(%dma_wait3A_304 : memref<1000000x32xf32, #tpu.memory_space<hbm>>) dst(%dma_wait3A_298 : memref<100x32xf32, #tpu.memory_space<vmem>>)
    %dma_wait3A_305 = arith.constant 251 : i32
    %dma_wait3A_306 = arith.constant 300 : i32
    %dma_wait3A_307 = arith.constant 0 : i32
    %dma_wait3A_308 = tpu.memref_slice %arg9[%dma_wait3A_306, %dma_wait3A_307] : memref<800x32xf32, #tpu.memory_space<vmem>> -> memref<100x32xf32, #tpu.memory_space<vmem>>
    %dma_wait3A_309 = arith.constant 0 : i32
    %dma_wait3A_310 = tpu.memref_slice %arg7[%dma_wait3A_305, %dma_wait3A_309] : memref<256x100xi32, #tpu.memory_space<vmem>> -> memref<1x100xi32, #tpu.memory_space<vmem>>
    %dma_wait3A_311 = tpu.memref_squeeze %dma_wait3A_310 : memref<1x100xi32, #tpu.memory_space<vmem>> -> memref<100xi32, #tpu.memory_space<vmem>>
    %dma_wait3A_312 = arith.constant 0 : i32
    %dma_wait3A_313 = arith.constant 0 : i32
    %dma_wait3A_314 = tpu.memref_slice %arg5[%dma_wait3A_312, %dma_wait3A_313] : memref<1000000x32xf32, #tpu.memory_space<hbm>> -> memref<1000000x32xf32, #tpu.memory_space<hbm>>
    tpu.wait_indirect_dma semaphore(%arg14 : memref<!tpu.dma_semaphore, #tpu.memory_space<semaphore_mem>>) src(%dma_wait3A_314 : memref<1000000x32xf32, #tpu.memory_space<hbm>>) dst(%dma_wait3A_308 : memref<100x32xf32, #tpu.memory_space<vmem>>)
    %dma_wait3A_315 = arith.constant 252 : i32
    %dma_wait3A_316 = arith.constant 400 : i32
    %dma_wait3A_317 = arith.constant 0 : i32
    %dma_wait3A_318 = tpu.memref_slice %arg9[%dma_wait3A_316, %dma_wait3A_317] : memref<800x32xf32, #tpu.memory_space<vmem>> -> memref<100x32xf32, #tpu.memory_space<vmem>>
    %dma_wait3A_319 = arith.constant 0 : i32
    %dma_wait3A_320 = tpu.memref_slice %arg7[%dma_wait3A_315, %dma_wait3A_319] : memref<256x100xi32, #tpu.memory_space<vmem>> -> memref<1x100xi32, #tpu.memory_space<vmem>>
    %dma_wait3A_321 = tpu.memref_squeeze %dma_wait3A_320 : memref<1x100xi32, #tpu.memory_space<vmem>> -> memref<100xi32, #tpu.memory_space<vmem>>
    %dma_wait3A_322 = arith.constant 0 : i32
    %dma_wait3A_323 = arith.constant 0 : i32
    %dma_wait3A_324 = tpu.memref_slice %arg5[%dma_wait3A_322, %dma_wait3A_323] : memref<1000000x32xf32, #tpu.memory_space<hbm>> -> memref<1000000x32xf32, #tpu.memory_space<hbm>>
    tpu.wait_indirect_dma semaphore(%arg14 : memref<!tpu.dma_semaphore, #tpu.memory_space<semaphore_mem>>) src(%dma_wait3A_324 : memref<1000000x32xf32, #tpu.memory_space<hbm>>) dst(%dma_wait3A_318 : memref<100x32xf32, #tpu.memory_space<vmem>>)
    %dma_wait3A_325 = arith.constant 253 : i32
    %dma_wait3A_326 = arith.constant 500 : i32
    %dma_wait3A_327 = arith.constant 0 : i32
    %dma_wait3A_328 = tpu.memref_slice %arg9[%dma_wait3A_326, %dma_wait3A_327] : memref<800x32xf32, #tpu.memory_space<vmem>> -> memref<100x32xf32, #tpu.memory_space<vmem>>
    %dma_wait3A_329 = arith.constant 0 : i32
    %dma_wait3A_330 = tpu.memref_slice %arg7[%dma_wait3A_325, %dma_wait3A_329] : memref<256x100xi32, #tpu.memory_space<vmem>> -> memref<1x100xi32, #tpu.memory_space<vmem>>
    %dma_wait3A_331 = tpu.memref_squeeze %dma_wait3A_330 : memref<1x100xi32, #tpu.memory_space<vmem>> -> memref<100xi32, #tpu.memory_space<vmem>>
    %dma_wait3A_332 = arith.constant 0 : i32
    %dma_wait3A_333 = arith.constant 0 : i32
    %dma_wait3A_334 = tpu.memref_slice %arg5[%dma_wait3A_332, %dma_wait3A_333] : memref<1000000x32xf32, #tpu.memory_space<hbm>> -> memref<1000000x32xf32, #tpu.memory_space<hbm>>
    tpu.wait_indirect_dma semaphore(%arg14 : memref<!tpu.dma_semaphore, #tpu.memory_space<semaphore_mem>>) src(%dma_wait3A_334 : memref<1000000x32xf32, #tpu.memory_space<hbm>>) dst(%dma_wait3A_328 : memref<100x32xf32, #tpu.memory_space<vmem>>)
    %dma_wait3A_335 = arith.constant 254 : i32
    %dma_wait3A_336 = arith.constant 600 : i32
    %dma_wait3A_337 = arith.constant 0 : i32
    %dma_wait3A_338 = tpu.memref_slice %arg9[%dma_wait3A_336, %dma_wait3A_337] : memref<800x32xf32, #tpu.memory_space<vmem>> -> memref<100x32xf32, #tpu.memory_space<vmem>>
    %dma_wait3A_339 = arith.constant 0 : i32
    %dma_wait3A_340 = tpu.memref_slice %arg7[%dma_wait3A_335, %dma_wait3A_339] : memref<256x100xi32, #tpu.memory_space<vmem>> -> memref<1x100xi32, #tpu.memory_space<vmem>>
    %dma_wait3A_341 = tpu.memref_squeeze %dma_wait3A_340 : memref<1x100xi32, #tpu.memory_space<vmem>> -> memref<100xi32, #tpu.memory_space<vmem>>
    %dma_wait3A_342 = arith.constant 0 : i32
    %dma_wait3A_343 = arith.constant 0 : i32
    %dma_wait3A_344 = tpu.memref_slice %arg5[%dma_wait3A_342, %dma_wait3A_343] : memref<1000000x32xf32, #tpu.memory_space<hbm>> -> memref<1000000x32xf32, #tpu.memory_space<hbm>>
    tpu.wait_indirect_dma semaphore(%arg14 : memref<!tpu.dma_semaphore, #tpu.memory_space<semaphore_mem>>) src(%dma_wait3A_344 : memref<1000000x32xf32, #tpu.memory_space<hbm>>) dst(%dma_wait3A_338 : memref<100x32xf32, #tpu.memory_space<vmem>>)
    %dma_wait3A_345 = arith.constant 255 : i32
    %dma_wait3A_346 = arith.constant 700 : i32
    %dma_wait3A_347 = arith.constant 0 : i32
    %dma_wait3A_348 = tpu.memref_slice %arg9[%dma_wait3A_346, %dma_wait3A_347] : memref<800x32xf32, #tpu.memory_space<vmem>> -> memref<100x32xf32, #tpu.memory_space<vmem>>
    %dma_wait3A_349 = arith.constant 0 : i32
    %dma_wait3A_350 = tpu.memref_slice %arg7[%dma_wait3A_345, %dma_wait3A_349] : memref<256x100xi32, #tpu.memory_space<vmem>> -> memref<1x100xi32, #tpu.memory_space<vmem>>
    %dma_wait3A_351 = tpu.memref_squeeze %dma_wait3A_350 : memref<1x100xi32, #tpu.memory_space<vmem>> -> memref<100xi32, #tpu.memory_space<vmem>>
    %dma_wait3A_352 = arith.constant 0 : i32
    %dma_wait3A_353 = arith.constant 0 : i32
    %dma_wait3A_354 = tpu.memref_slice %arg5[%dma_wait3A_352, %dma_wait3A_353] : memref<1000000x32xf32, #tpu.memory_space<hbm>> -> memref<1000000x32xf32, #tpu.memory_space<hbm>>
    tpu.wait_indirect_dma semaphore(%arg14 : memref<!tpu.dma_semaphore, #tpu.memory_space<semaphore_mem>>) src(%dma_wait3A_354 : memref<1000000x32xf32, #tpu.memory_space<hbm>>) dst(%dma_wait3A_348 : memref<100x32xf32, #tpu.memory_space<vmem>>)
    %scan3A_355 = arith.constant 0 : i32
    %scan3A_356 = arith.constant 0 : i32
    %scan3A_357 = arith.constant 16 : i32
    %scan3A_358 = arith.addi %scan3A_356, %scan3A_357 : i32
    %scan3A_359 = arith.constant 1 : i32
    scf.for %scan3A_365 = %scan3A_356 to %scan3A_358 step %scan3A_359  : i32 {
      %mul3A_366 = arith.constant 50 : i32
      %mul3A_367 = arith.muli %scan3A_365, %mul3A_366 : i32
      %get3A_368 = arith.index_cast %mul3A_367 : i32 to index
      %get3A_369 = arith.constant 0 : index
      %get3A_370 = tpu.vector_load %arg9[%get3A_368, %get3A_369] {strides = array<i32>} : memref<800x32xf32, #tpu.memory_space<vmem>>, vector<16xf32>,
      %get3A_371 = arith.index_cast %mul3A_367 : i32 to index
      %get3A_372 = arith.constant 16 : index
      %get3A_373 = tpu.vector_load %arg9[%get3A_371, %get3A_372] {strides = array<i32>} : memref<800x32xf32, #tpu.memory_space<vmem>>, vector<16xf32>,
      %add3A_374 = arith.constant 1 : i32
      %add3A_375 = arith.addi %mul3A_367, %add3A_374 : i32
      %get3A_376 = arith.index_cast %add3A_375 : i32 to index
      %get3A_377 = arith.constant 0 : index
      %get3A_378 = tpu.vector_load %arg9[%get3A_376, %get3A_377] {strides = array<i32>} : memref<800x32xf32, #tpu.memory_space<vmem>>, vector<16xf32>,
      %add3A_379 = arith.addf %get3A_370, %get3A_378 : vector<16xf32>
      %add3A_380 = arith.constant 1 : i32
      %add3A_381 = arith.addi %mul3A_367, %add3A_380 : i32
      %get3A_382 = arith.index_cast %add3A_381 : i32 to index
      %get3A_383 = arith.constant 16 : index
      %get3A_384 = tpu.vector_load %arg9[%get3A_382, %get3A_383] {strides = array<i32>} : memref<800x32xf32, #tpu.memory_space<vmem>>, vector<16xf32>,
      %add3A_385 = arith.addf %get3A_373, %get3A_384 : vector<16xf32>
      %add3A_386 = arith.constant 2 : i32
      %add3A_387 = arith.addi %mul3A_367, %add3A_386 : i32
      %get3A_388 = arith.index_cast %add3A_387 : i32 to index
      %get3A_389 = arith.constant 0 : index
      %get3A_390 = tpu.vector_load %arg9[%get3A_388, %get3A_389] {strides = array<i32>} : memref<800x32xf32, #tpu.memory_space<vmem>>, vector<16xf32>,
      %add3A_391 = arith.addf %add3A_379, %get3A_390 : vector<16xf32>
      %add3A_392 = arith.constant 2 : i32
      %add3A_393 = arith.addi %mul3A_367, %add3A_392 : i32
      %get3A_394 = arith.index_cast %add3A_393 : i32 to index
      %get3A_395 = arith.constant 16 : index
      %get3A_396 = tpu.vector_load %arg9[%get3A_394, %get3A_395] {strides = array<i32>} : memref<800x32xf32, #tpu.memory_space<vmem>>, vector<16xf32>,
      %add3A_397 = arith.addf %add3A_385, %get3A_396 : vector<16xf32>
      %add3A_398 = arith.constant 3 : i32
      %add3A_399 = arith.addi %mul3A_367, %add3A_398 : i32
      %get3A_400 = arith.index_cast %add3A_399 : i32 to index
      %get3A_401 = arith.constant 0 : index
      %get3A_402 = tpu.vector_load %arg9[%get3A_400, %get3A_401] {strides = array<i32>} : memref<800x32xf32, #tpu.memory_space<vmem>>, vector<16xf32>,
      %add3A_403 = arith.addf %add3A_391, %get3A_402 : vector<16xf32>
      %add3A_404 = arith.constant 3 : i32
      %add3A_405 = arith.addi %mul3A_367, %add3A_404 : i32
      %get3A_406 = arith.index_cast %add3A_405 : i32 to index
      %get3A_407 = arith.constant 16 : index
      %get3A_408 = tpu.vector_load %arg9[%get3A_406, %get3A_407] {strides = array<i32>} : memref<800x32xf32, #tpu.memory_space<vmem>>, vector<16xf32>,
      %add3A_409 = arith.addf %add3A_397, %get3A_408 : vector<16xf32>
      %add3A_410 = arith.constant 4 : i32
      %add3A_411 = arith.addi %mul3A_367, %add3A_410 : i32
      %get3A_412 = arith.index_cast %add3A_411 : i32 to index
      %get3A_413 = arith.constant 0 : index
      %get3A_414 = tpu.vector_load %arg9[%get3A_412, %get3A_413] {strides = array<i32>} : memref<800x32xf32, #tpu.memory_space<vmem>>, vector<16xf32>,
      %add3A_415 = arith.addf %add3A_403, %get3A_414 : vector<16xf32>
      %add3A_416 = arith.constant 4 : i32
      %add3A_417 = arith.addi %mul3A_367, %add3A_416 : i32
      %get3A_418 = arith.index_cast %add3A_417 : i32 to index
      %get3A_419 = arith.constant 16 : index
      %get3A_420 = tpu.vector_load %arg9[%get3A_418, %get3A_419] {strides = array<i32>} : memref<800x32xf32, #tpu.memory_space<vmem>>, vector<16xf32>,
      %add3A_421 = arith.addf %add3A_409, %get3A_420 : vector<16xf32>
      %add3A_422 = arith.constant 5 : i32
      %add3A_423 = arith.addi %mul3A_367, %add3A_422 : i32
      %get3A_424 = arith.index_cast %add3A_423 : i32 to index
      %get3A_425 = arith.constant 0 : index
      %get3A_426 = tpu.vector_load %arg9[%get3A_424, %get3A_425] {strides = array<i32>} : memref<800x32xf32, #tpu.memory_space<vmem>>, vector<16xf32>,
      %add3A_427 = arith.addf %add3A_415, %get3A_426 : vector<16xf32>
      %add3A_428 = arith.constant 5 : i32
      %add3A_429 = arith.addi %mul3A_367, %add3A_428 : i32
      %get3A_430 = arith.index_cast %add3A_429 : i32 to index
      %get3A_431 = arith.constant 16 : index
      %get3A_432 = tpu.vector_load %arg9[%get3A_430, %get3A_431] {strides = array<i32>} : memref<800x32xf32, #tpu.memory_space<vmem>>, vector<16xf32>,
      %add3A_433 = arith.addf %add3A_421, %get3A_432 : vector<16xf32>
      %add3A_434 = arith.constant 6 : i32
      %add3A_435 = arith.addi %mul3A_367, %add3A_434 : i32
      %get3A_436 = arith.index_cast %add3A_435 : i32 to index
      %get3A_437 = arith.constant 0 : index
      %get3A_438 = tpu.vector_load %arg9[%get3A_436, %get3A_437] {strides = array<i32>} : memref<800x32xf32, #tpu.memory_space<vmem>>, vector<16xf32>,
      %add3A_439 = arith.addf %add3A_427, %get3A_438 : vector<16xf32>
      %add3A_440 = arith.constant 6 : i32
      %add3A_441 = arith.addi %mul3A_367, %add3A_440 : i32
      %get3A_442 = arith.index_cast %add3A_441 : i32 to index
      %get3A_443 = arith.constant 16 : index
      %get3A_444 = tpu.vector_load %arg9[%get3A_442, %get3A_443] {strides = array<i32>} : memref<800x32xf32, #tpu.memory_space<vmem>>, vector<16xf32>,
      %add3A_445 = arith.addf %add3A_433, %get3A_444 : vector<16xf32>
      %add3A_446 = arith.constant 7 : i32
      %add3A_447 = arith.addi %mul3A_367, %add3A_446 : i32
      %get3A_448 = arith.index_cast %add3A_447 : i32 to index
      %get3A_449 = arith.constant 0 : index
      %get3A_450 = tpu.vector_load %arg9[%get3A_448, %get3A_449] {strides = array<i32>} : memref<800x32xf32, #tpu.memory_space<vmem>>, vector<16xf32>,
      %add3A_451 = arith.addf %add3A_439, %get3A_450 : vector<16xf32>
      %add3A_452 = arith.constant 7 : i32
      %add3A_453 = arith.addi %mul3A_367, %add3A_452 : i32
      %get3A_454 = arith.index_cast %add3A_453 : i32 to index
      %get3A_455 = arith.constant 16 : index
      %get3A_456 = tpu.vector_load %arg9[%get3A_454, %get3A_455] {strides = array<i32>} : memref<800x32xf32, #tpu.memory_space<vmem>>, vector<16xf32>,
      %add3A_457 = arith.addf %add3A_445, %get3A_456 : vector<16xf32>
      %add3A_458 = arith.constant 8 : i32
      %add3A_459 = arith.addi %mul3A_367, %add3A_458 : i32
      %get3A_460 = arith.index_cast %add3A_459 : i32 to index
      %get3A_461 = arith.constant 0 : index
      %get3A_462 = tpu.vector_load %arg9[%get3A_460, %get3A_461] {strides = array<i32>} : memref<800x32xf32, #tpu.memory_space<vmem>>, vector<16xf32>,
      %add3A_463 = arith.addf %add3A_451, %get3A_462 : vector<16xf32>
      %add3A_464 = arith.constant 8 : i32
      %add3A_465 = arith.addi %mul3A_367, %add3A_464 : i32
      %get3A_466 = arith.index_cast %add3A_465 : i32 to index
      %get3A_467 = arith.constant 16 : index
      %get3A_468 = tpu.vector_load %arg9[%get3A_466, %get3A_467] {strides = array<i32>} : memref<800x32xf32, #tpu.memory_space<vmem>>, vector<16xf32>,
      %add3A_469 = arith.addf %add3A_457, %get3A_468 : vector<16xf32>
      %add3A_470 = arith.constant 9 : i32
      %add3A_471 = arith.addi %mul3A_367, %add3A_470 : i32
      %get3A_472 = arith.index_cast %add3A_471 : i32 to index
      %get3A_473 = arith.constant 0 : index
      %get3A_474 = tpu.vector_load %arg9[%get3A_472, %get3A_473] {strides = array<i32>} : memref<800x32xf32, #tpu.memory_space<vmem>>, vector<16xf32>,
      %add3A_475 = arith.addf %add3A_463, %get3A_474 : vector<16xf32>
      %add3A_476 = arith.constant 9 : i32
      %add3A_477 = arith.addi %mul3A_367, %add3A_476 : i32
      %get3A_478 = arith.index_cast %add3A_477 : i32 to index
      %get3A_479 = arith.constant 16 : index
      %get3A_480 = tpu.vector_load %arg9[%get3A_478, %get3A_479] {strides = array<i32>} : memref<800x32xf32, #tpu.memory_space<vmem>>, vector<16xf32>,
      %add3A_481 = arith.addf %add3A_469, %get3A_480 : vector<16xf32>
      %add3A_482 = arith.constant 10 : i32
      %add3A_483 = arith.addi %mul3A_367, %add3A_482 : i32
      %get3A_484 = arith.index_cast %add3A_483 : i32 to index
      %get3A_485 = arith.constant 0 : index
      %get3A_486 = tpu.vector_load %arg9[%get3A_484, %get3A_485] {strides = array<i32>} : memref<800x32xf32, #tpu.memory_space<vmem>>, vector<16xf32>,
      %add3A_487 = arith.addf %add3A_475, %get3A_486 : vector<16xf32>
      %add3A_488 = arith.constant 10 : i32
      %add3A_489 = arith.addi %mul3A_367, %add3A_488 : i32
      %get3A_490 = arith.index_cast %add3A_489 : i32 to index
      %get3A_491 = arith.constant 16 : index
      %get3A_492 = tpu.vector_load %arg9[%get3A_490, %get3A_491] {strides = array<i32>} : memref<800x32xf32, #tpu.memory_space<vmem>>, vector<16xf32>,
      %add3A_493 = arith.addf %add3A_481, %get3A_492 : vector<16xf32>
      %add3A_494 = arith.constant 11 : i32
      %add3A_495 = arith.addi %mul3A_367, %add3A_494 : i32
      %get3A_496 = arith.index_cast %add3A_495 : i32 to index
      %get3A_497 = arith.constant 0 : index
      %get3A_498 = tpu.vector_load %arg9[%get3A_496, %get3A_497] {strides = array<i32>} : memref<800x32xf32, #tpu.memory_space<vmem>>, vector<16xf32>,
      %add3A_499 = arith.addf %add3A_487, %get3A_498 : vector<16xf32>
      %add3A_500 = arith.constant 11 : i32
      %add3A_501 = arith.addi %mul3A_367, %add3A_500 : i32
      %get3A_502 = arith.index_cast %add3A_501 : i32 to index
      %get3A_503 = arith.constant 16 : index
      %get3A_504 = tpu.vector_load %arg9[%get3A_502, %get3A_503] {strides = array<i32>} : memref<800x32xf32, #tpu.memory_space<vmem>>, vector<16xf32>,
      %add3A_505 = arith.addf %add3A_493, %get3A_504 : vector<16xf32>
      %add3A_506 = arith.constant 12 : i32
      %add3A_507 = arith.addi %mul3A_367, %add3A_506 : i32
      %get3A_508 = arith.index_cast %add3A_507 : i32 to index
      %get3A_509 = arith.constant 0 : index
      %get3A_510 = tpu.vector_load %arg9[%get3A_508, %get3A_509] {strides = array<i32>} : memref<800x32xf32, #tpu.memory_space<vmem>>, vector<16xf32>,
      %add3A_511 = arith.addf %add3A_499, %get3A_510 : vector<16xf32>
      %add3A_512 = arith.constant 12 : i32
      %add3A_513 = arith.addi %mul3A_367, %add3A_512 : i32
      %get3A_514 = arith.index_cast %add3A_513 : i32 to index
      %get3A_515 = arith.constant 16 : index
      %get3A_516 = tpu.vector_load %arg9[%get3A_514, %get3A_515] {strides = array<i32>} : memref<800x32xf32, #tpu.memory_space<vmem>>, vector<16xf32>,
      %add3A_517 = arith.addf %add3A_505, %get3A_516 : vector<16xf32>
      %add3A_518 = arith.constant 13 : i32
      %add3A_519 = arith.addi %mul3A_367, %add3A_518 : i32
      %get3A_520 = arith.index_cast %add3A_519 : i32 to index
      %get3A_521 = arith.constant 0 : index
      %get3A_522 = tpu.vector_load %arg9[%get3A_520, %get3A_521] {strides = array<i32>} : memref<800x32xf32, #tpu.memory_space<vmem>>, vector<16xf32>,
      %add3A_523 = arith.addf %add3A_511, %get3A_522 : vector<16xf32>
      %add3A_524 = arith.constant 13 : i32
      %add3A_525 = arith.addi %mul3A_367, %add3A_524 : i32
      %get3A_526 = arith.index_cast %add3A_525 : i32 to index
      %get3A_527 = arith.constant 16 : index
      %get3A_528 = tpu.vector_load %arg9[%get3A_526, %get3A_527] {strides = array<i32>} : memref<800x32xf32, #tpu.memory_space<vmem>>, vector<16xf32>,
      %add3A_529 = arith.addf %add3A_517, %get3A_528 : vector<16xf32>
      %add3A_530 = arith.constant 14 : i32
      %add3A_531 = arith.addi %mul3A_367, %add3A_530 : i32
      %get3A_532 = arith.index_cast %add3A_531 : i32 to index
      %get3A_533 = arith.constant 0 : index
      %get3A_534 = tpu.vector_load %arg9[%get3A_532, %get3A_533] {strides = array<i32>} : memref<800x32xf32, #tpu.memory_space<vmem>>, vector<16xf32>,
      %add3A_535 = arith.addf %add3A_523, %get3A_534 : vector<16xf32>
      %add3A_536 = arith.constant 14 : i32
      %add3A_537 = arith.addi %mul3A_367, %add3A_536 : i32
      %get3A_538 = arith.index_cast %add3A_537 : i32 to index
      %get3A_539 = arith.constant 16 : index
      %get3A_540 = tpu.vector_load %arg9[%get3A_538, %get3A_539] {strides = array<i32>} : memref<800x32xf32, #tpu.memory_space<vmem>>, vector<16xf32>,
      %add3A_541 = arith.addf %add3A_529, %get3A_540 : vector<16xf32>
      %add3A_542 = arith.constant 15 : i32
      %add3A_543 = arith.addi %mul3A_367, %add3A_542 : i32
      %get3A_544 = arith.index_cast %add3A_543 : i32 to index
      %get3A_545 = arith.constant 0 : index
      %get3A_546 = tpu.vector_load %arg9[%get3A_544, %get3A_545] {strides = array<i32>} : memref<800x32xf32, #tpu.memory_space<vmem>>, vector<16xf32>,
      %add3A_547 = arith.addf %add3A_535, %get3A_546 : vector<16xf32>
      %add3A_548 = arith.constant 15 : i32
      %add3A_549 = arith.addi %mul3A_367, %add3A_548 : i32
      %get3A_550 = arith.index_cast %add3A_549 : i32 to index
      %get3A_551 = arith.constant 16 : index
      %get3A_552 = tpu.vector_load %arg9[%get3A_550, %get3A_551] {strides = array<i32>} : memref<800x32xf32, #tpu.memory_space<vmem>>, vector<16xf32>,
      %add3A_553 = arith.addf %add3A_541, %get3A_552 : vector<16xf32>
      %add3A_554 = arith.constant 16 : i32
      %add3A_555 = arith.addi %mul3A_367, %add3A_554 : i32
      %get3A_556 = arith.index_cast %add3A_555 : i32 to index
      %get3A_557 = arith.constant 0 : index
      %get3A_558 = tpu.vector_load %arg9[%get3A_556, %get3A_557] {strides = array<i32>} : memref<800x32xf32, #tpu.memory_space<vmem>>, vector<16xf32>,
      %add3A_559 = arith.addf %add3A_547, %get3A_558 : vector<16xf32>
      %add3A_560 = arith.constant 16 : i32
      %add3A_561 = arith.addi %mul3A_367, %add3A_560 : i32
      %get3A_562 = arith.index_cast %add3A_561 : i32 to index
      %get3A_563 = arith.constant 16 : index
      %get3A_564 = tpu.vector_load %arg9[%get3A_562, %get3A_563] {strides = array<i32>} : memref<800x32xf32, #tpu.memory_space<vmem>>, vector<16xf32>,
      %add3A_565 = arith.addf %add3A_553, %get3A_564 : vector<16xf32>
      %add3A_566 = arith.constant 17 : i32
      %add3A_567 = arith.addi %mul3A_367, %add3A_566 : i32
      %get3A_568 = arith.index_cast %add3A_567 : i32 to index
      %get3A_569 = arith.constant 0 : index
      %get3A_570 = tpu.vector_load %arg9[%get3A_568, %get3A_569] {strides = array<i32>} : memref<800x32xf32, #tpu.memory_space<vmem>>, vector<16xf32>,
      %add3A_571 = arith.addf %add3A_559, %get3A_570 : vector<16xf32>
      %add3A_572 = arith.constant 17 : i32
      %add3A_573 = arith.addi %mul3A_367, %add3A_572 : i32
      %get3A_574 = arith.index_cast %add3A_573 : i32 to index
      %get3A_575 = arith.constant 16 : index
      %get3A_576 = tpu.vector_load %arg9[%get3A_574, %get3A_575] {strides = array<i32>} : memref<800x32xf32, #tpu.memory_space<vmem>>, vector<16xf32>,
      %add3A_577 = arith.addf %add3A_565, %get3A_576 : vector<16xf32>
      %add3A_578 = arith.constant 18 : i32
      %add3A_579 = arith.addi %mul3A_367, %add3A_578 : i32
      %get3A_580 = arith.index_cast %add3A_579 : i32 to index
      %get3A_581 = arith.constant 0 : index
      %get3A_582 = tpu.vector_load %arg9[%get3A_580, %get3A_581] {strides = array<i32>} : memref<800x32xf32, #tpu.memory_space<vmem>>, vector<16xf32>,
      %add3A_583 = arith.addf %add3A_571, %get3A_582 : vector<16xf32>
      %add3A_584 = arith.constant 18 : i32
      %add3A_585 = arith.addi %mul3A_367, %add3A_584 : i32
      %get3A_586 = arith.index_cast %add3A_585 : i32 to index
      %get3A_587 = arith.constant 16 : index
      %get3A_588 = tpu.vector_load %arg9[%get3A_586, %get3A_587] {strides = array<i32>} : memref<800x32xf32, #tpu.memory_space<vmem>>, vector<16xf32>,
      %add3A_589 = arith.addf %add3A_577, %get3A_588 : vector<16xf32>
      %add3A_590 = arith.constant 19 : i32
      %add3A_591 = arith.addi %mul3A_367, %add3A_590 : i32
      %get3A_592 = arith.index_cast %add3A_591 : i32 to index
      %get3A_593 = arith.constant 0 : index
      %get3A_594 = tpu.vector_load %arg9[%get3A_592, %get3A_593] {strides = array<i32>} : memref<800x32xf32, #tpu.memory_space<vmem>>, vector<16xf32>,
      %add3A_595 = arith.addf %add3A_583, %get3A_594 : vector<16xf32>
      %add3A_596 = arith.constant 19 : i32
      %add3A_597 = arith.addi %mul3A_367, %add3A_596 : i32
      %get3A_598 = arith.index_cast %add3A_597 : i32 to index
      %get3A_599 = arith.constant 16 : index
      %get3A_600 = tpu.vector_load %arg9[%get3A_598, %get3A_599] {strides = array<i32>} : memref<800x32xf32, #tpu.memory_space<vmem>>, vector<16xf32>,
      %add3A_601 = arith.addf %add3A_589, %get3A_600 : vector<16xf32>
      %add3A_602 = arith.constant 20 : i32
      %add3A_603 = arith.addi %mul3A_367, %add3A_602 : i32
      %get3A_604 = arith.index_cast %add3A_603 : i32 to index
      %get3A_605 = arith.constant 0 : index
      %get3A_606 = tpu.vector_load %arg9[%get3A_604, %get3A_605] {strides = array<i32>} : memref<800x32xf32, #tpu.memory_space<vmem>>, vector<16xf32>,
      %add3A_607 = arith.addf %add3A_595, %get3A_606 : vector<16xf32>
      %add3A_608 = arith.constant 20 : i32
      %add3A_609 = arith.addi %mul3A_367, %add3A_608 : i32
      %get3A_610 = arith.index_cast %add3A_609 : i32 to index
      %get3A_611 = arith.constant 16 : index
      %get3A_612 = tpu.vector_load %arg9[%get3A_610, %get3A_611] {strides = array<i32>} : memref<800x32xf32, #tpu.memory_space<vmem>>, vector<16xf32>,
      %add3A_613 = arith.addf %add3A_601, %get3A_612 : vector<16xf32>
      %add3A_614 = arith.constant 21 : i32
      %add3A_615 = arith.addi %mul3A_367, %add3A_614 : i32
      %get3A_616 = arith.index_cast %add3A_615 : i32 to index
      %get3A_617 = arith.constant 0 : index
      %get3A_618 = tpu.vector_load %arg9[%get3A_616, %get3A_617] {strides = array<i32>} : memref<800x32xf32, #tpu.memory_space<vmem>>, vector<16xf32>,
      %add3A_619 = arith.addf %add3A_607, %get3A_618 : vector<16xf32>
      %add3A_620 = arith.constant 21 : i32
      %add3A_621 = arith.addi %mul3A_367, %add3A_620 : i32
      %get3A_622 = arith.index_cast %add3A_621 : i32 to index
      %get3A_623 = arith.constant 16 : index
      %get3A_624 = tpu.vector_load %arg9[%get3A_622, %get3A_623] {strides = array<i32>} : memref<800x32xf32, #tpu.memory_space<vmem>>, vector<16xf32>,
      %add3A_625 = arith.addf %add3A_613, %get3A_624 : vector<16xf32>
      %add3A_626 = arith.constant 22 : i32
      %add3A_627 = arith.addi %mul3A_367, %add3A_626 : i32
      %get3A_628 = arith.index_cast %add3A_627 : i32 to index
      %get3A_629 = arith.constant 0 : index
      %get3A_630 = tpu.vector_load %arg9[%get3A_628, %get3A_629] {strides = array<i32>} : memref<800x32xf32, #tpu.memory_space<vmem>>, vector<16xf32>,
      %add3A_631 = arith.addf %add3A_619, %get3A_630 : vector<16xf32>
      %add3A_632 = arith.constant 22 : i32
      %add3A_633 = arith.addi %mul3A_367, %add3A_632 : i32
      %get3A_634 = arith.index_cast %add3A_633 : i32 to index
      %get3A_635 = arith.constant 16 : index
      %get3A_636 = tpu.vector_load %arg9[%get3A_634, %get3A_635] {strides = array<i32>} : memref<800x32xf32, #tpu.memory_space<vmem>>, vector<16xf32>,
      %add3A_637 = arith.addf %add3A_625, %get3A_636 : vector<16xf32>
      %add3A_638 = arith.constant 23 : i32
      %add3A_639 = arith.addi %mul3A_367, %add3A_638 : i32
      %get3A_640 = arith.index_cast %add3A_639 : i32 to index
      %get3A_641 = arith.constant 0 : index
      %get3A_642 = tpu.vector_load %arg9[%get3A_640, %get3A_641] {strides = array<i32>} : memref<800x32xf32, #tpu.memory_space<vmem>>, vector<16xf32>,
      %add3A_643 = arith.addf %add3A_631, %get3A_642 : vector<16xf32>
      %add3A_644 = arith.constant 23 : i32
      %add3A_645 = arith.addi %mul3A_367, %add3A_644 : i32
      %get3A_646 = arith.index_cast %add3A_645 : i32 to index
      %get3A_647 = arith.constant 16 : index
      %get3A_648 = tpu.vector_load %arg9[%get3A_646, %get3A_647] {strides = array<i32>} : memref<800x32xf32, #tpu.memory_space<vmem>>, vector<16xf32>,
      %add3A_649 = arith.addf %add3A_637, %get3A_648 : vector<16xf32>
      %add3A_650 = arith.constant 24 : i32
      %add3A_651 = arith.addi %mul3A_367, %add3A_650 : i32
      %get3A_652 = arith.index_cast %add3A_651 : i32 to index
      %get3A_653 = arith.constant 0 : index
      %get3A_654 = tpu.vector_load %arg9[%get3A_652, %get3A_653] {strides = array<i32>} : memref<800x32xf32, #tpu.memory_space<vmem>>, vector<16xf32>,
      %add3A_655 = arith.addf %add3A_643, %get3A_654 : vector<16xf32>
      %add3A_656 = arith.constant 24 : i32
      %add3A_657 = arith.addi %mul3A_367, %add3A_656 : i32
      %get3A_658 = arith.index_cast %add3A_657 : i32 to index
      %get3A_659 = arith.constant 16 : index
      %get3A_660 = tpu.vector_load %arg9[%get3A_658, %get3A_659] {strides = array<i32>} : memref<800x32xf32, #tpu.memory_space<vmem>>, vector<16xf32>,
      %add3A_661 = arith.addf %add3A_649, %get3A_660 : vector<16xf32>
      %add3A_662 = arith.constant 25 : i32
      %add3A_663 = arith.addi %mul3A_367, %add3A_662 : i32
      %get3A_664 = arith.index_cast %add3A_663 : i32 to index
      %get3A_665 = arith.constant 0 : index
      %get3A_666 = tpu.vector_load %arg9[%get3A_664, %get3A_665] {strides = array<i32>} : memref<800x32xf32, #tpu.memory_space<vmem>>, vector<16xf32>,
      %add3A_667 = arith.addf %add3A_655, %get3A_666 : vector<16xf32>
      %add3A_668 = arith.constant 25 : i32
      %add3A_669 = arith.addi %mul3A_367, %add3A_668 : i32
      %get3A_670 = arith.index_cast %add3A_669 : i32 to index
      %get3A_671 = arith.constant 16 : index
      %get3A_672 = tpu.vector_load %arg9[%get3A_670, %get3A_671] {strides = array<i32>} : memref<800x32xf32, #tpu.memory_space<vmem>>, vector<16xf32>,
      %add3A_673 = arith.addf %add3A_661, %get3A_672 : vector<16xf32>
      %add3A_674 = arith.constant 26 : i32
      %add3A_675 = arith.addi %mul3A_367, %add3A_674 : i32
      %get3A_676 = arith.index_cast %add3A_675 : i32 to index
      %get3A_677 = arith.constant 0 : index
      %get3A_678 = tpu.vector_load %arg9[%get3A_676, %get3A_677] {strides = array<i32>} : memref<800x32xf32, #tpu.memory_space<vmem>>, vector<16xf32>,
      %add3A_679 = arith.addf %add3A_667, %get3A_678 : vector<16xf32>
      %add3A_680 = arith.constant 26 : i32
      %add3A_681 = arith.addi %mul3A_367, %add3A_680 : i32
      %get3A_682 = arith.index_cast %add3A_681 : i32 to index
      %get3A_683 = arith.constant 16 : index
      %get3A_684 = tpu.vector_load %arg9[%get3A_682, %get3A_683] {strides = array<i32>} : memref<800x32xf32, #tpu.memory_space<vmem>>, vector<16xf32>,
      %add3A_685 = arith.addf %add3A_673, %get3A_684 : vector<16xf32>
      %add3A_686 = arith.constant 27 : i32
      %add3A_687 = arith.addi %mul3A_367, %add3A_686 : i32
      %get3A_688 = arith.index_cast %add3A_687 : i32 to index
      %get3A_689 = arith.constant 0 : index
      %get3A_690 = tpu.vector_load %arg9[%get3A_688, %get3A_689] {strides = array<i32>} : memref<800x32xf32, #tpu.memory_space<vmem>>, vector<16xf32>,
      %add3A_691 = arith.addf %add3A_679, %get3A_690 : vector<16xf32>
      %add3A_692 = arith.constant 27 : i32
      %add3A_693 = arith.addi %mul3A_367, %add3A_692 : i32
      %get3A_694 = arith.index_cast %add3A_693 : i32 to index
      %get3A_695 = arith.constant 16 : index
      %get3A_696 = tpu.vector_load %arg9[%get3A_694, %get3A_695] {strides = array<i32>} : memref<800x32xf32, #tpu.memory_space<vmem>>, vector<16xf32>,
      %add3A_697 = arith.addf %add3A_685, %get3A_696 : vector<16xf32>
      %add3A_698 = arith.constant 28 : i32
      %add3A_699 = arith.addi %mul3A_367, %add3A_698 : i32
      %get3A_700 = arith.index_cast %add3A_699 : i32 to index
      %get3A_701 = arith.constant 0 : index
      %get3A_702 = tpu.vector_load %arg9[%get3A_700, %get3A_701] {strides = array<i32>} : memref<800x32xf32, #tpu.memory_space<vmem>>, vector<16xf32>,
      %add3A_703 = arith.addf %add3A_691, %get3A_702 : vector<16xf32>
      %add3A_704 = arith.constant 28 : i32
      %add3A_705 = arith.addi %mul3A_367, %add3A_704 : i32
      %get3A_706 = arith.index_cast %add3A_705 : i32 to index
      %get3A_707 = arith.constant 16 : index
      %get3A_708 = tpu.vector_load %arg9[%get3A_706, %get3A_707] {strides = array<i32>} : memref<800x32xf32, #tpu.memory_space<vmem>>, vector<16xf32>,
      %add3A_709 = arith.addf %add3A_697, %get3A_708 : vector<16xf32>
      %add3A_710 = arith.constant 29 : i32
      %add3A_711 = arith.addi %mul3A_367, %add3A_710 : i32
      %get3A_712 = arith.index_cast %add3A_711 : i32 to index
      %get3A_713 = arith.constant 0 : index
      %get3A_714 = tpu.vector_load %arg9[%get3A_712, %get3A_713] {strides = array<i32>} : memref<800x32xf32, #tpu.memory_space<vmem>>, vector<16xf32>,
      %add3A_715 = arith.addf %add3A_703, %get3A_714 : vector<16xf32>
      %add3A_716 = arith.constant 29 : i32
      %add3A_717 = arith.addi %mul3A_367, %add3A_716 : i32
      %get3A_718 = arith.index_cast %add3A_717 : i32 to index
      %get3A_719 = arith.constant 16 : index
      %get3A_720 = tpu.vector_load %arg9[%get3A_718, %get3A_719] {strides = array<i32>} : memref<800x32xf32, #tpu.memory_space<vmem>>, vector<16xf32>,
      %add3A_721 = arith.addf %add3A_709, %get3A_720 : vector<16xf32>
      %add3A_722 = arith.constant 30 : i32
      %add3A_723 = arith.addi %mul3A_367, %add3A_722 : i32
      %get3A_724 = arith.index_cast %add3A_723 : i32 to index
      %get3A_725 = arith.constant 0 : index
      %get3A_726 = tpu.vector_load %arg9[%get3A_724, %get3A_725] {strides = array<i32>} : memref<800x32xf32, #tpu.memory_space<vmem>>, vector<16xf32>,
      %add3A_727 = arith.addf %add3A_715, %get3A_726 : vector<16xf32>
      %add3A_728 = arith.constant 30 : i32
      %add3A_729 = arith.addi %mul3A_367, %add3A_728 : i32
      %get3A_730 = arith.index_cast %add3A_729 : i32 to index
      %get3A_731 = arith.constant 16 : index
      %get3A_732 = tpu.vector_load %arg9[%get3A_730, %get3A_731] {strides = array<i32>} : memref<800x32xf32, #tpu.memory_space<vmem>>, vector<16xf32>,
      %add3A_733 = arith.addf %add3A_721, %get3A_732 : vector<16xf32>
      %add3A_734 = arith.constant 31 : i32
      %add3A_735 = arith.addi %mul3A_367, %add3A_734 : i32
      %get3A_736 = arith.index_cast %add3A_735 : i32 to index
      %get3A_737 = arith.constant 0 : index
      %get3A_738 = tpu.vector_load %arg9[%get3A_736, %get3A_737] {strides = array<i32>} : memref<800x32xf32, #tpu.memory_space<vmem>>, vector<16xf32>,
      %add3A_739 = arith.addf %add3A_727, %get3A_738 : vector<16xf32>
      %add3A_740 = arith.constant 31 : i32
      %add3A_741 = arith.addi %mul3A_367, %add3A_740 : i32
      %get3A_742 = arith.index_cast %add3A_741 : i32 to index
      %get3A_743 = arith.constant 16 : index
      %get3A_744 = tpu.vector_load %arg9[%get3A_742, %get3A_743] {strides = array<i32>} : memref<800x32xf32, #tpu.memory_space<vmem>>, vector<16xf32>,
      %add3A_745 = arith.addf %add3A_733, %get3A_744 : vector<16xf32>
      %add3A_746 = arith.constant 32 : i32
      %add3A_747 = arith.addi %mul3A_367, %add3A_746 : i32
      %get3A_748 = arith.index_cast %add3A_747 : i32 to index
      %get3A_749 = arith.constant 0 : index
      %get3A_750 = tpu.vector_load %arg9[%get3A_748, %get3A_749] {strides = array<i32>} : memref<800x32xf32, #tpu.memory_space<vmem>>, vector<16xf32>,
      %add3A_751 = arith.addf %add3A_739, %get3A_750 : vector<16xf32>
      %add3A_752 = arith.constant 32 : i32
      %add3A_753 = arith.addi %mul3A_367, %add3A_752 : i32
      %get3A_754 = arith.index_cast %add3A_753 : i32 to index
      %get3A_755 = arith.constant 16 : index
      %get3A_756 = tpu.vector_load %arg9[%get3A_754, %get3A_755] {strides = array<i32>} : memref<800x32xf32, #tpu.memory_space<vmem>>, vector<16xf32>,
      %add3A_757 = arith.addf %add3A_745, %get3A_756 : vector<16xf32>
      %add3A_758 = arith.constant 33 : i32
      %add3A_759 = arith.addi %mul3A_367, %add3A_758 : i32
      %get3A_760 = arith.index_cast %add3A_759 : i32 to index
      %get3A_761 = arith.constant 0 : index
      %get3A_762 = tpu.vector_load %arg9[%get3A_760, %get3A_761] {strides = array<i32>} : memref<800x32xf32, #tpu.memory_space<vmem>>, vector<16xf32>,
      %add3A_763 = arith.addf %add3A_751, %get3A_762 : vector<16xf32>
      %add3A_764 = arith.constant 33 : i32
      %add3A_765 = arith.addi %mul3A_367, %add3A_764 : i32
      %get3A_766 = arith.index_cast %add3A_765 : i32 to index
      %get3A_767 = arith.constant 16 : index
      %get3A_768 = tpu.vector_load %arg9[%get3A_766, %get3A_767] {strides = array<i32>} : memref<800x32xf32, #tpu.memory_space<vmem>>, vector<16xf32>,
      %add3A_769 = arith.addf %add3A_757, %get3A_768 : vector<16xf32>
      %add3A_770 = arith.constant 34 : i32
      %add3A_771 = arith.addi %mul3A_367, %add3A_770 : i32
      %get3A_772 = arith.index_cast %add3A_771 : i32 to index
      %get3A_773 = arith.constant 0 : index
      %get3A_774 = tpu.vector_load %arg9[%get3A_772, %get3A_773] {strides = array<i32>} : memref<800x32xf32, #tpu.memory_space<vmem>>, vector<16xf32>,
      %add3A_775 = arith.addf %add3A_763, %get3A_774 : vector<16xf32>
      %add3A_776 = arith.constant 34 : i32
      %add3A_777 = arith.addi %mul3A_367, %add3A_776 : i32
      %get3A_778 = arith.index_cast %add3A_777 : i32 to index
      %get3A_779 = arith.constant 16 : index
      %get3A_780 = tpu.vector_load %arg9[%get3A_778, %get3A_779] {strides = array<i32>} : memref<800x32xf32, #tpu.memory_space<vmem>>, vector<16xf32>,
      %add3A_781 = arith.addf %add3A_769, %get3A_780 : vector<16xf32>
      %add3A_782 = arith.constant 35 : i32
      %add3A_783 = arith.addi %mul3A_367, %add3A_782 : i32
      %get3A_784 = arith.index_cast %add3A_783 : i32 to index
      %get3A_785 = arith.constant 0 : index
      %get3A_786 = tpu.vector_load %arg9[%get3A_784, %get3A_785] {strides = array<i32>} : memref<800x32xf32, #tpu.memory_space<vmem>>, vector<16xf32>,
      %add3A_787 = arith.addf %add3A_775, %get3A_786 : vector<16xf32>
      %add3A_788 = arith.constant 35 : i32
      %add3A_789 = arith.addi %mul3A_367, %add3A_788 : i32
      %get3A_790 = arith.index_cast %add3A_789 : i32 to index
      %get3A_791 = arith.constant 16 : index
      %get3A_792 = tpu.vector_load %arg9[%get3A_790, %get3A_791] {strides = array<i32>} : memref<800x32xf32, #tpu.memory_space<vmem>>, vector<16xf32>,
      %add3A_793 = arith.addf %add3A_781, %get3A_792 : vector<16xf32>
      %add3A_794 = arith.constant 36 : i32
      %add3A_795 = arith.addi %mul3A_367, %add3A_794 : i32
      %get3A_796 = arith.index_cast %add3A_795 : i32 to index
      %get3A_797 = arith.constant 0 : index
      %get3A_798 = tpu.vector_load %arg9[%get3A_796, %get3A_797] {strides = array<i32>} : memref<800x32xf32, #tpu.memory_space<vmem>>, vector<16xf32>,
      %add3A_799 = arith.addf %add3A_787, %get3A_798 : vector<16xf32>
      %add3A_800 = arith.constant 36 : i32
      %add3A_801 = arith.addi %mul3A_367, %add3A_800 : i32
      %get3A_802 = arith.index_cast %add3A_801 : i32 to index
      %get3A_803 = arith.constant 16 : index
      %get3A_804 = tpu.vector_load %arg9[%get3A_802, %get3A_803] {strides = array<i32>} : memref<800x32xf32, #tpu.memory_space<vmem>>, vector<16xf32>,
      %add3A_805 = arith.addf %add3A_793, %get3A_804 : vector<16xf32>
      %add3A_806 = arith.constant 37 : i32
      %add3A_807 = arith.addi %mul3A_367, %add3A_806 : i32
      %get3A_808 = arith.index_cast %add3A_807 : i32 to index
      %get3A_809 = arith.constant 0 : index
      %get3A_810 = tpu.vector_load %arg9[%get3A_808, %get3A_809] {strides = array<i32>} : memref<800x32xf32, #tpu.memory_space<vmem>>, vector<16xf32>,
      %add3A_811 = arith.addf %add3A_799, %get3A_810 : vector<16xf32>
      %add3A_812 = arith.constant 37 : i32
      %add3A_813 = arith.addi %mul3A_367, %add3A_812 : i32
      %get3A_814 = arith.index_cast %add3A_813 : i32 to index
      %get3A_815 = arith.constant 16 : index
      %get3A_816 = tpu.vector_load %arg9[%get3A_814, %get3A_815] {strides = array<i32>} : memref<800x32xf32, #tpu.memory_space<vmem>>, vector<16xf32>,
      %add3A_817 = arith.addf %add3A_805, %get3A_816 : vector<16xf32>
      %add3A_818 = arith.constant 38 : i32
      %add3A_819 = arith.addi %mul3A_367, %add3A_818 : i32
      %get3A_820 = arith.index_cast %add3A_819 : i32 to index
      %get3A_821 = arith.constant 0 : index
      %get3A_822 = tpu.vector_load %arg9[%get3A_820, %get3A_821] {strides = array<i32>} : memref<800x32xf32, #tpu.memory_space<vmem>>, vector<16xf32>,
      %add3A_823 = arith.addf %add3A_811, %get3A_822 : vector<16xf32>
      %add3A_824 = arith.constant 38 : i32
      %add3A_825 = arith.addi %mul3A_367, %add3A_824 : i32
      %get3A_826 = arith.index_cast %add3A_825 : i32 to index
      %get3A_827 = arith.constant 16 : index
      %get3A_828 = tpu.vector_load %arg9[%get3A_826, %get3A_827] {strides = array<i32>} : memref<800x32xf32, #tpu.memory_space<vmem>>, vector<16xf32>,
      %add3A_829 = arith.addf %add3A_817, %get3A_828 : vector<16xf32>
      %add3A_830 = arith.constant 39 : i32
      %add3A_831 = arith.addi %mul3A_367, %add3A_830 : i32
      %get3A_832 = arith.index_cast %add3A_831 : i32 to index
      %get3A_833 = arith.constant 0 : index
      %get3A_834 = tpu.vector_load %arg9[%get3A_832, %get3A_833] {strides = array<i32>} : memref<800x32xf32, #tpu.memory_space<vmem>>, vector<16xf32>,
      %add3A_835 = arith.addf %add3A_823, %get3A_834 : vector<16xf32>
      %add3A_836 = arith.constant 39 : i32
      %add3A_837 = arith.addi %mul3A_367, %add3A_836 : i32
      %get3A_838 = arith.index_cast %add3A_837 : i32 to index
      %get3A_839 = arith.constant 16 : index
      %get3A_840 = tpu.vector_load %arg9[%get3A_838, %get3A_839] {strides = array<i32>} : memref<800x32xf32, #tpu.memory_space<vmem>>, vector<16xf32>,
      %add3A_841 = arith.addf %add3A_829, %get3A_840 : vector<16xf32>
      %add3A_842 = arith.constant 40 : i32
      %add3A_843 = arith.addi %mul3A_367, %add3A_842 : i32
      %get3A_844 = arith.index_cast %add3A_843 : i32 to index
      %get3A_845 = arith.constant 0 : index
      %get3A_846 = tpu.vector_load %arg9[%get3A_844, %get3A_845] {strides = array<i32>} : memref<800x32xf32, #tpu.memory_space<vmem>>, vector<16xf32>,
      %add3A_847 = arith.addf %add3A_835, %get3A_846 : vector<16xf32>
      %add3A_848 = arith.constant 40 : i32
      %add3A_849 = arith.addi %mul3A_367, %add3A_848 : i32
      %get3A_850 = arith.index_cast %add3A_849 : i32 to index
      %get3A_851 = arith.constant 16 : index
      %get3A_852 = tpu.vector_load %arg9[%get3A_850, %get3A_851] {strides = array<i32>} : memref<800x32xf32, #tpu.memory_space<vmem>>, vector<16xf32>,
      %add3A_853 = arith.addf %add3A_841, %get3A_852 : vector<16xf32>
      %add3A_854 = arith.constant 41 : i32
      %add3A_855 = arith.addi %mul3A_367, %add3A_854 : i32
      %get3A_856 = arith.index_cast %add3A_855 : i32 to index
      %get3A_857 = arith.constant 0 : index
      %get3A_858 = tpu.vector_load %arg9[%get3A_856, %get3A_857] {strides = array<i32>} : memref<800x32xf32, #tpu.memory_space<vmem>>, vector<16xf32>,
      %add3A_859 = arith.addf %add3A_847, %get3A_858 : vector<16xf32>
      %add3A_860 = arith.constant 41 : i32
      %add3A_861 = arith.addi %mul3A_367, %add3A_860 : i32
      %get3A_862 = arith.index_cast %add3A_861 : i32 to index
      %get3A_863 = arith.constant 16 : index
      %get3A_864 = tpu.vector_load %arg9[%get3A_862, %get3A_863] {strides = array<i32>} : memref<800x32xf32, #tpu.memory_space<vmem>>, vector<16xf32>,
      %add3A_865 = arith.addf %add3A_853, %get3A_864 : vector<16xf32>
      %add3A_866 = arith.constant 42 : i32
      %add3A_867 = arith.addi %mul3A_367, %add3A_866 : i32
      %get3A_868 = arith.index_cast %add3A_867 : i32 to index
      %get3A_869 = arith.constant 0 : index
      %get3A_870 = tpu.vector_load %arg9[%get3A_868, %get3A_869] {strides = array<i32>} : memref<800x32xf32, #tpu.memory_space<vmem>>, vector<16xf32>,
      %add3A_871 = arith.addf %add3A_859, %get3A_870 : vector<16xf32>
      %add3A_872 = arith.constant 42 : i32
      %add3A_873 = arith.addi %mul3A_367, %add3A_872 : i32
      %get3A_874 = arith.index_cast %add3A_873 : i32 to index
      %get3A_875 = arith.constant 16 : index
      %get3A_876 = tpu.vector_load %arg9[%get3A_874, %get3A_875] {strides = array<i32>} : memref<800x32xf32, #tpu.memory_space<vmem>>, vector<16xf32>,
      %add3A_877 = arith.addf %add3A_865, %get3A_876 : vector<16xf32>
      %add3A_878 = arith.constant 43 : i32
      %add3A_879 = arith.addi %mul3A_367, %add3A_878 : i32
      %get3A_880 = arith.index_cast %add3A_879 : i32 to index
      %get3A_881 = arith.constant 0 : index
      %get3A_882 = tpu.vector_load %arg9[%get3A_880, %get3A_881] {strides = array<i32>} : memref<800x32xf32, #tpu.memory_space<vmem>>, vector<16xf32>,
      %add3A_883 = arith.addf %add3A_871, %get3A_882 : vector<16xf32>
      %add3A_884 = arith.constant 43 : i32
      %add3A_885 = arith.addi %mul3A_367, %add3A_884 : i32
      %get3A_886 = arith.index_cast %add3A_885 : i32 to index
      %get3A_887 = arith.constant 16 : index
      %get3A_888 = tpu.vector_load %arg9[%get3A_886, %get3A_887] {strides = array<i32>} : memref<800x32xf32, #tpu.memory_space<vmem>>, vector<16xf32>,
      %add3A_889 = arith.addf %add3A_877, %get3A_888 : vector<16xf32>
      %add3A_890 = arith.constant 44 : i32
      %add3A_891 = arith.addi %mul3A_367, %add3A_890 : i32
      %get3A_892 = arith.index_cast %add3A_891 : i32 to index
      %get3A_893 = arith.constant 0 : index
      %get3A_894 = tpu.vector_load %arg9[%get3A_892, %get3A_893] {strides = array<i32>} : memref<800x32xf32, #tpu.memory_space<vmem>>, vector<16xf32>,
      %add3A_895 = arith.addf %add3A_883, %get3A_894 : vector<16xf32>
      %add3A_896 = arith.constant 44 : i32
      %add3A_897 = arith.addi %mul3A_367, %add3A_896 : i32
      %get3A_898 = arith.index_cast %add3A_897 : i32 to index
      %get3A_899 = arith.constant 16 : index
      %get3A_900 = tpu.vector_load %arg9[%get3A_898, %get3A_899] {strides = array<i32>} : memref<800x32xf32, #tpu.memory_space<vmem>>, vector<16xf32>,
      %add3A_901 = arith.addf %add3A_889, %get3A_900 : vector<16xf32>
      %add3A_902 = arith.constant 45 : i32
      %add3A_903 = arith.addi %mul3A_367, %add3A_902 : i32
      %get3A_904 = arith.index_cast %add3A_903 : i32 to index
      %get3A_905 = arith.constant 0 : index
      %get3A_906 = tpu.vector_load %arg9[%get3A_904, %get3A_905] {strides = array<i32>} : memref<800x32xf32, #tpu.memory_space<vmem>>, vector<16xf32>,
      %add3A_907 = arith.addf %add3A_895, %get3A_906 : vector<16xf32>
      %add3A_908 = arith.constant 45 : i32
      %add3A_909 = arith.addi %mul3A_367, %add3A_908 : i32
      %get3A_910 = arith.index_cast %add3A_909 : i32 to index
      %get3A_911 = arith.constant 16 : index
      %get3A_912 = tpu.vector_load %arg9[%get3A_910, %get3A_911] {strides = array<i32>} : memref<800x32xf32, #tpu.memory_space<vmem>>, vector<16xf32>,
      %add3A_913 = arith.addf %add3A_901, %get3A_912 : vector<16xf32>
      %add3A_914 = arith.constant 46 : i32
      %add3A_915 = arith.addi %mul3A_367, %add3A_914 : i32
      %get3A_916 = arith.index_cast %add3A_915 : i32 to index
      %get3A_917 = arith.constant 0 : index
      %get3A_918 = tpu.vector_load %arg9[%get3A_916, %get3A_917] {strides = array<i32>} : memref<800x32xf32, #tpu.memory_space<vmem>>, vector<16xf32>,
      %add3A_919 = arith.addf %add3A_907, %get3A_918 : vector<16xf32>
      %add3A_920 = arith.constant 46 : i32
      %add3A_921 = arith.addi %mul3A_367, %add3A_920 : i32
      %get3A_922 = arith.index_cast %add3A_921 : i32 to index
      %get3A_923 = arith.constant 16 : index
      %get3A_924 = tpu.vector_load %arg9[%get3A_922, %get3A_923] {strides = array<i32>} : memref<800x32xf32, #tpu.memory_space<vmem>>, vector<16xf32>,
      %add3A_925 = arith.addf %add3A_913, %get3A_924 : vector<16xf32>
      %add3A_926 = arith.constant 47 : i32
      %add3A_927 = arith.addi %mul3A_367, %add3A_926 : i32
      %get3A_928 = arith.index_cast %add3A_927 : i32 to index
      %get3A_929 = arith.constant 0 : index
      %get3A_930 = tpu.vector_load %arg9[%get3A_928, %get3A_929] {strides = array<i32>} : memref<800x32xf32, #tpu.memory_space<vmem>>, vector<16xf32>,
      %add3A_931 = arith.addf %add3A_919, %get3A_930 : vector<16xf32>
      %add3A_932 = arith.constant 47 : i32
      %add3A_933 = arith.addi %mul3A_367, %add3A_932 : i32
      %get3A_934 = arith.index_cast %add3A_933 : i32 to index
      %get3A_935 = arith.constant 16 : index
      %get3A_936 = tpu.vector_load %arg9[%get3A_934, %get3A_935] {strides = array<i32>} : memref<800x32xf32, #tpu.memory_space<vmem>>, vector<16xf32>,
      %add3A_937 = arith.addf %add3A_925, %get3A_936 : vector<16xf32>
      %add3A_938 = arith.constant 48 : i32
      %add3A_939 = arith.addi %mul3A_367, %add3A_938 : i32
      %get3A_940 = arith.index_cast %add3A_939 : i32 to index
      %get3A_941 = arith.constant 0 : index
      %get3A_942 = tpu.vector_load %arg9[%get3A_940, %get3A_941] {strides = array<i32>} : memref<800x32xf32, #tpu.memory_space<vmem>>, vector<16xf32>,
      %add3A_943 = arith.addf %add3A_931, %get3A_942 : vector<16xf32>
      %add3A_944 = arith.constant 48 : i32
      %add3A_945 = arith.addi %mul3A_367, %add3A_944 : i32
      %get3A_946 = arith.index_cast %add3A_945 : i32 to index
      %get3A_947 = arith.constant 16 : index
      %get3A_948 = tpu.vector_load %arg9[%get3A_946, %get3A_947] {strides = array<i32>} : memref<800x32xf32, #tpu.memory_space<vmem>>, vector<16xf32>,
      %add3A_949 = arith.addf %add3A_937, %get3A_948 : vector<16xf32>
      %add3A_950 = arith.constant 49 : i32
      %add3A_951 = arith.addi %mul3A_367, %add3A_950 : i32
      %get3A_952 = arith.index_cast %add3A_951 : i32 to index
      %get3A_953 = arith.constant 0 : index
      %get3A_954 = tpu.vector_load %arg9[%get3A_952, %get3A_953] {strides = array<i32>} : memref<800x32xf32, #tpu.memory_space<vmem>>, vector<16xf32>,
      %add3A_955 = arith.addf %add3A_943, %get3A_954 : vector<16xf32>
      %add3A_956 = arith.constant 49 : i32
      %add3A_957 = arith.addi %mul3A_367, %add3A_956 : i32
      %get3A_958 = arith.index_cast %add3A_957 : i32 to index
      %get3A_959 = arith.constant 16 : index
      %get3A_960 = tpu.vector_load %arg9[%get3A_958, %get3A_959] {strides = array<i32>} : memref<800x32xf32, #tpu.memory_space<vmem>>, vector<16xf32>,
      %add3A_961 = arith.addf %add3A_949, %get3A_960 : vector<16xf32>
      %mul3A_962 = arith.mulf %add3A_955, %get3A_3 : vector<16xf32>
      %mul3A_963 = arith.mulf %add3A_961, %get3A_7 : vector<16xf32>
      %add3A_964 = arith.addf %mul3A_962, %mul3A_963 : vector<16xf32>
      %cumsum3A = arith.constant true
      %cumsum3A_965 = vector.broadcast %cumsum3A : i1 to vector<16xi1>
      %cumsum3A_966 = tpu.scan <sum>, %add3A_964 masked %cumsum3A_965 : vector<16xf32>, vector<16xi1> -> vector<16xf32>
      %add3A_967 = arith.addf %cumsum3A_966, %get3A_19 : vector<16xf32>
      %mul3A_968 = arith.mulf %add3A_955, %get3A_11 : vector<16xf32>
      %mul3A_969 = arith.mulf %add3A_961, %get3A_15 : vector<16xf32>
      %add3A_970 = arith.addf %mul3A_968, %mul3A_969 : vector<16xf32>
      %cumsum3A_971 = arith.constant true
      %cumsum3A_972 = vector.broadcast %cumsum3A_971 : i1 to vector<16xi1>
      %cumsum3A_973 = tpu.scan <sum>, %add3A_970 masked %cumsum3A_972 : vector<16xf32>, vector<16xi1> -> vector<16xf32>
      %add3A_974 = arith.addf %cumsum3A_973, %get3A_23 : vector<16xf32>
      %add3A_975 = arith.constant 496 : i32
      %add3A_976 = arith.addi %add3A_975, %scan3A_365 : i32
      %mul3A_977 = arith.constant 2 : i32
      %mul3A_978 = arith.muli %add3A_976, %mul3A_977 : i32
      %swap3A = arith.index_cast %mul3A_978 : i32 to index
      %swap3A_979 = tpu.vector_load %arg12[%swap3A] masked %eq3A_25 {strides = array<i32>} : memref<1040xf32, #tpu.memory_space<vmem>>, vector<16xf32>, vector<16xi1>
      tpu.vector_store %arg12[%swap3A], %add3A_967 masked %eq3A_25 {strides = array<i32>} : memref<1040xf32, #tpu.memory_space<vmem>>, vector<16xf32>, vector<16xi1>
      %add3A_980 = arith.constant 1 : i32
      %add3A_981 = arith.addi %mul3A_978, %add3A_980 : i32
      %swap3A_982 = arith.index_cast %add3A_981 : i32 to index
      %swap3A_983 = tpu.vector_load %arg12[%swap3A_982] masked %eq3A_25 {strides = array<i32>} : memref<1040xf32, #tpu.memory_space<vmem>>, vector<16xf32>, vector<16xi1>
      tpu.vector_store %arg12[%swap3A_982], %add3A_974 masked %eq3A_25 {strides = array<i32>} : memref<1040xf32, #tpu.memory_space<vmem>>, vector<16xf32>, vector<16xi1>
    }
    %scan3A_360 = arith.constant 16 : i32
    %mul3A_361 = arith.constant 512 : i32
    %mul3A_362 = arith.muli %add3A, %mul3A_361 : i32
    %mul3A_363 = arith.constant 2 : i32
    %mul3A_364 = arith.muli %mul3A_362, %mul3A_363 : i32
    "tpu.region"() ({
      %run_scoped3A = tpu.sem_alloc : memref<!tpu.dma_semaphore, #tpu.memory_space<semaphore_mem>>
      %dma_start3A_365 = arith.constant 0 : i32
      %dma_start3A_366 = tpu.memref_slice %arg12[%dma_start3A_365] : memref<1040xf32, #tpu.memory_space<vmem>> -> memref<1024xf32, #tpu.memory_space<vmem>>
      %dma_start3A_367 = tpu.memref_slice %arg6[%mul3A_364] : memref<32768xf32, #tpu.memory_space<hbm>> -> memref<1024xf32, #tpu.memory_space<hbm>>
      %dma_start3A_368 = tpu.memref_slice %arg6[%mul3A_364] : memref<32768xf32, #tpu.memory_space<hbm>> -> memref<1024xf32, #tpu.memory_space<hbm>>
      %dma_start3A_369 = arith.constant 0 : i32
      %dma_start3A_370 = tpu.memref_slice %arg12[%dma_start3A_369] : memref<1040xf32, #tpu.memory_space<vmem>> -> memref<1024xf32, #tpu.memory_space<vmem>>
      tpu.enqueue_dma source(%dma_start3A_370 : memref<1024xf32, #tpu.memory_space<vmem>>) target(%dma_start3A_368 : memref<1024xf32, #tpu.memory_space<hbm>>) target_semaphore(%run_scoped3A : memref<!tpu.dma_semaphore, #tpu.memory_space<semaphore_mem>>)
      %dma_wait3A_371 = arith.constant 0 : i32
      %dma_wait3A_372 = tpu.memref_slice %arg12[%dma_wait3A_371] : memref<1040xf32, #tpu.memory_space<vmem>> -> memref<1024xf32, #tpu.memory_space<vmem>>
      %dma_wait3A_373 = tpu.memref_slice %arg6[%mul3A_364] : memref<32768xf32, #tpu.memory_space<hbm>> -> memref<1024xf32, #tpu.memory_space<hbm>>
      %dma_wait3A_374 = tpu.memref_slice %arg6[%mul3A_364] : memref<32768xf32, #tpu.memory_space<hbm>> -> memref<1024xf32, #tpu.memory_space<hbm>>
      %dma_wait3A_375 = arith.constant 0 : i32
      %dma_wait3A_376 = tpu.memref_slice %arg12[%dma_wait3A_375] : memref<1040xf32, #tpu.memory_space<vmem>> -> memref<1024xf32, #tpu.memory_space<vmem>>
      tpu.wait_dma2 semaphore(%run_scoped3A : memref<!tpu.dma_semaphore, #tpu.memory_space<semaphore_mem>>) src(%dma_wait3A_376 : memref<1024xf32, #tpu.memory_space<vmem>>) dst(%dma_wait3A_374 : memref<1024xf32, #tpu.memory_space<hbm>>)
      tpu.yield
    }) : () -> ()
    return
  }
}

</mosaic_0001>

<sc_bundles>
// kernel: kernel.3.cloned.1.call-start
scs
__scs_entry_jumppad:
0x0: {  	(pc) =	sbr.rel $0x88, $3  }
0x1: {  	(tag) =	ssettag $0x0;
	lr =	simm.s32 $0x1  }
0x2: {  	[smem:$0x3F9D] =	sst lr;
	_ =	strace $0xD0000000  }
0x3: {  	_ = 	snop  }
0x4: {  	_ = 	snop  }
0x5: {  	_ = 	snop  }
0x6: {  	_ = 	snop  }
0x7: {  	_ = 	snop  }
__scs_overlays_trampoline_lowered:
0x8: {  	[smem:$0x3FAC] =	sst s0  }
0x9: {  	[smem:$0x3FAD] =	sst s1  }
0xa: {  	[smem:$0x3FAE] =	sst s2  }
0xb: {  	[smem:$0x3FAF] =	sst s3  }
0xc: {  	[smem:$0x3FB0] =	sst s4  }
0xd: {  	[smem:$0x3FB1] =	sst s5  }
0xe: {  	[smem:$0x3FB2] =	sst s6  }
0xf: {  	[smem:$0x3FB3] =	sst s7  }
0x10: {  	[smem:$0x3FB4] =	sst s8  }
0x11: {  	[smem:$0x3FB5] =	sst s9;
	s0 =	simm.s32 @!p0 $0x0  }
0x12: {  	s1 =	sld [smem:$0x3F9B];
	s0 =	simm.s32 @p0 $0x1  }
0x13: {  	[smem:$0x3FB6] =	sst s0;
	s0 =	simm.s32 @!p1 $0x0  }
0x14: {  	s2 =	sld [smem:$0x3F9A];
	s0 =	simm.s32 @p1 $0x1  }
0x15: {  	[smem:$0x3FB7] =	sst s0;
	s0 =	simm.s32 @!p2 $0x0  }
0x16: {  	s3 =	sld [smem:$0x3FDB];
	s0 =	simm.s32 @p2 $0x1  }
0x17: {  	s4 =	simm.s32 $0x1BF5;
	[smem:$0x3FB9] =	sst s0  }
0x18: {  	s0 =	sld [smem:$0x3F9C];
	_ =	swait.ge [sflag:s4], $0x0  }
0x19: {  	s7 =	sld [smem:$0x3F9D]  }
0x1a: {  	s8 =	sadd.s32 $0xFFFFE003, lr  }
0x1b: {  	s9 =	sadd.s32 $0xFFFFFEF7, lr;
	s5 =	simm.s32 $0xFFFFFFFF;
	p2 =	slt.u32 s8, $0xFFFFF086  }
0x1c: {  	p1 =	slt.u32 s9, $0xF7A;
	s5 =	simm.s32 @!p2 $0x0  }
0x1d: {  	s5 =	simm.s32 @p1 $0x1;
	p0 =	seq.s32 s7, s2  }
0x1e: {  	s7 =	smul.u32 @!p0 $0xF7A, s2;
	p2 =	seq.s32 @!p0 s5, $0x0  }
0x1f: {  	s9 =	smul.u32 $0xF7A, s1;
	s8 =	simm.s32 @!p0 $0x1BF5;
	p2 =	por !p2, p0  }
0x20: {  	[sflag:s8] =	ssyncset.s32 @!p0 $0xFFFFF086;
	s6 =	sadd.s32 @!p0 s3, s7;
	s7 =	simm.s32 @!p0 $0x108  }
0x21: {  	s3 =	sadd.s32 s3, s9;
	s6 =	sadd.s32 @!p0 $0x88, s6;
	s7 =	simm.s32 @p2 $0x1082  }
0x22: {  	[simem:s7], [sflag:s8] =	dma.local @!p0 [hbm:s6], $0xF7A  }
0x23: {  	s9 =	sor.u32 $0xD0000000, s2;
	s6 =	simm.s32 $0x108;
	_ =	swait.ge @!p0 [sflag:s8], $0x0  }
0x24: {  	s3 =	sadd.s32 $0x88, s3;
	s6 =	simm.s32 @!p1 $0x1082;
	[sflag:s4] =	ssyncset.s32 $0xFFFFF086  }
0x25: {  	[simem:s6], [sflag:s4] =	dma.local [hbm:s3], $0xF7A  }
0x26: {  	[smem:$0x3F9D] =	sst s1;
	(tag) =	ssettag s2;
	_ =	strace s9  }
0x27: {  	s1 =	sld [smem:$0x3FAD]  }
0x28: {  	s2 =	sld [smem:$0x3FAE]  }
0x29: {  	s4 =	sld [smem:$0x3FB0]  }
0x2a: {  	p0 =	seq.s32 s5, $0x0;
	s5 =	sld [smem:$0x3FB1]  }
0x2b: {  	s6 =	sld [smem:$0x3FB2]  }
0x2c: {  	s7 =	sld [smem:$0x3FB3]  }
0x2d: {  	s3 =	simm.s32 $0x108;
	s8 =	sld [smem:$0x3FB4]  }
0x2e: {  	s3 =	simm.s32 @!p0 $0x1082;
	s9 =	sld [smem:$0x3FB5]  }
0x2f: {  	lr =	sadd.s32 s0, s3;
	s0 =	sld [smem:$0x3FAC]  }
0x30: {  	s3 =	sld [smem:$0x3FAF]  }
0x31: {  	[smem:$0x3FB8] =	sst s10  }
0x32: {  	s10 =	sld [smem:$0x3FB6];
	_ =	sdelay $0x3  }
0x33: {  	p0 =	seq.s32 s10, $0x1;
	s10 =	sld [smem:$0x3FB8];
	_ =	sdelay $0x3  }
0x34: {  	[smem:$0x3FB8] =	sst s10  }
0x35: {  	s10 =	sld [smem:$0x3FB7];
	_ =	sdelay $0x3  }
0x36: {  	p1 =	seq.s32 s10, $0x1;
	s10 =	sld [smem:$0x3FB8];
	_ =	sdelay $0x3  }
0x37: {  	[smem:$0x3FB8] =	sst s10  }
0x38: {  	s10 =	sld [smem:$0x3FB9]  }
0x39: {  	_ = 	snop;
	(pc) =	sbr.ind lr, $3  }
0x3a: {  	_ = 	snop  }
0x3b: {  	_ = 	snop  }
0x3c: {  	p2 =	seq.s32 s10, $0x1;
	s10 =	sld [smem:$0x3FB8]  }
0x3d: {  	_ =	shalt  }
0x3e: {  	_ =	shalt  }
0x3f: {  	_ =	shalt  }
0x40: {  	_ =	shalt  }
0x41: {  	_ =	shalt  }
0x42: {  	_ =	shalt  }
0x43: {  	_ =	shalt  }
0x44: {  	_ =	shalt  }
0x45: {  	_ =	shalt  }
0x46: {  	_ =	shalt  }
0x47: {  	_ =	shalt  }
0x48: {  	_ =	shalt  }
0x49: {  	_ =	shalt  }
0x4a: {  	_ =	shalt  }
0x4b: {  	_ =	shalt  }
0x4c: {  	_ =	shalt  }
0x4d: {  	_ =	shalt  }
0x4e: {  	_ =	shalt  }
0x4f: {  	_ =	shalt  }
0x50: {  	_ =	shalt  }
0x51: {  	_ =	shalt  }
0x52: {  	_ =	shalt  }
0x53: {  	_ =	shalt  }
0x54: {  	_ =	shalt  }
0x55: {  	_ =	shalt  }
0x56: {  	_ =	shalt  }
0x57: {  	_ =	shalt  }
0x58: {  	_ =	shalt  }
0x59: {  	_ =	shalt  }
0x5a: {  	_ =	shalt  }
0x5b: {  	_ =	shalt  }
0x5c: {  	_ =	shalt  }
0x5d: {  	_ =	shalt  }
0x5e: {  	_ =	shalt  }
0x5f: {  	_ =	shalt  }
0x60: {  	_ =	shalt  }
0x61: {  	_ =	shalt  }
0x62: {  	_ =	shalt  }
0x63: {  	_ =	shalt  }
0x64: {  	_ =	shalt  }
0x65: {  	_ =	shalt  }
0x66: {  	_ =	shalt  }
0x67: {  	_ =	shalt  }
0x68: {  	_ =	shalt  }
0x69: {  	_ =	shalt  }
0x6a: {  	_ =	shalt  }
0x6b: {  	_ =	shalt  }
0x6c: {  	_ =	shalt  }
0x6d: {  	_ =	shalt  }
0x6e: {  	_ =	shalt  }
0x6f: {  	_ =	shalt  }
0x70: {  	_ =	shalt  }
0x71: {  	_ =	shalt  }
0x72: {  	_ =	shalt  }
0x73: {  	_ =	shalt  }
0x74: {  	_ =	shalt  }
0x75: {  	_ =	shalt  }
0x76: {  	_ =	shalt  }
0x77: {  	_ =	shalt  }
0x78: {  	_ =	shalt  }
0x79: {  	_ =	shalt  }
0x7a: {  	_ =	shalt  }
0x7b: {  	_ =	shalt  }
0x7c: {  	_ =	shalt  }
0x7d: {  	_ =	shalt  }
0x7e: {  	_ =	shalt  }
0x7f: {  	_ =	shalt  }
0x80: {  	_ =	shalt  }
0x81: {  	_ =	shalt  }
0x82: {  	_ =	shalt  }
0x83: {  	_ =	shalt  }
0x84: {  	_ =	shalt  }
0x85: {  	_ =	shalt  }
0x86: {  	_ =	shalt  }
0x87: {  	_ =	shalt  }
.Lfunc_end0:
.L_simem_size_0:
called_computation_lowered:
.L_overlay_start_0:
0x88: {  	s2 =	sld [smem:$0x3FD9]  }
0x89: {  	s3 =	sld [smem:$0x3FFE];
	_ =	sdelay $0x1  }
0x8a: {  	s1 =	srdreg.scid  }
0x8b: {  	s0 =	sand.u32 $0x1, s1  }
0x8c: {  	s17 =	sshll.u32 s0, $0xA;
	s2 =	sadd.s32 s3, s2  }
0x8d: {  	s2 =	sadd.s32 s2, s17  }
0x8e: {  	[smem:$0x3FC4] =	sst s2  }
0x8f: {  	_ = 	snop  }
0x90: {  	s2 =	sld [smem:$0x3FD0];
	(tm) =	ssettm $0x1  }
0x91: {  	s18 =	sld [smem:$0x3FFB];
	_ =	sdelay $0x3  }
0x92: {  	_ =	strace s18  }
0x93: {  	s3 =	sld [smem:$0x3FFC];
	_ =	sdelay $0x3  }
0x94: {  	_ =	strace s3  }
0x95: {  	s3 =	sld [smem:$0x3FFD];
	_ =	sdelay $0x3  }
0x96: {  	_ =	strace s3  }
0x97: {  	_ =	strace $0x8FFFFFFF  }
0x98: {  	s19 =	sld [smem:$0x3FDB];
	_ =	sdelay $0x1  }
0x99: {  	s4 =	simm.s32 $_scs_section_size  }
0x9a: {  	s5 =	simm.s32 $_size__tile_overlayer_lowered;
	s6 =	simm.s32 $_tile_overlayer_lowered  }
0x9b: {  	s22 =	simm.s32 $0x1BFF;
	s21 =	sshll.u32 s6, $0x1;
	s3 =	sadd.s32 s4, s19  }
0x9c: {  	s7 =	simm.s32 $0x0;
	s20 =	sshll.u32 s5, $0x1;
	s5 =	sadd.s32 s21, s3  }
0x9d: {  	[timem:s7], [sflag:s22] =	dma.local [hbm:s5], s20  }
0x9e: {  	_ =	swait.ge [sflag:s22], s20  }
0x9f: {  	s4 =	ssub.s32 $0x0, s20;
	[sflag:s22] =	ssyncset.done $0x0  }
0xa0: {  	[sflag:s22] =	ssyncadd.s32 s4;
	_ =	sdelay $0x1  }
0xa1: {  	s23 =	simm.s32 $0x1B8B  }
0xa2: {  	_ =	swait.ge [sflag:s23], $0x1  }
0xa3: {  	[sflag:s23] =	ssyncset.done $0x0  }
0xa4: {  	s25 =	simm.s32 $0x1B8E;
	s24 =	sld [smem:$0x3FFE];
	[sflag:s23] =	ssyncadd.s32 $0xFFFFFFFF  }
0xa5: {  	s26 =	simm.s32 $execute0_lowered;
	[smem:$0x3FD2] =	sst s25  }
0xa6: {  	s5 =	sshll.u32 s26, $0x1;
	_ =	strace $0x80000046;
	[dreg:$0x1] =	wrdreg $0xFFFFFFFF  }
0xa7: {  	s28 =	simm.s32 $_size_execute0_lowered;
	s3 =	sadd.s32 s3, s5;
	[dreg:$0x0] =	wrdreg $0x0  }
0xa8: {  	s5 =	sshll.u32 s28, $0x1;
	[dreg:$0x2] =	wrdreg s3  }
0xa9: {  	[dreg:$0x3] =	wrdreg s5  }
0xaa: {  	[dreg:$0x4] =	wrdreg $0xC0  }
0xab: {  	_ =	task [dreg:s7], $0x5FFFF  }
0xac: {  	[dreg:$0x1] =	wrdreg $0xFFFFFFFF  }
0xad: {  	[dreg:$0x0] =	wrdreg $0x60  }
0xae: {  	[dreg:$0x2] =	wrdreg s24  }
0xaf: {  	[dreg:$0x3] =	wrdreg s2  }
0xb0: {  	[dreg:$0x4] =	wrdreg $0x9  }
0xb1: {  	_ =	task.clear_ibuf [dreg:s7], $0x5FFFF;
	_ =	strace $0x90000046  }
0xb2: {  	s29 =	simm.s32 $0x9;
	_ =	strace $0x80000048  }
0xb3: {  	_ =	swait.ge [sflag:s29], $0x1  }
0xb4: {  	[sflag:s29] =	ssyncadd.s32 $0xFFFFFFFF  }
0xb5: {  	_ =	strace $0x90000048  }
0xb6: {  	_ =	sfence  }
0xb7: {  	s30 =	sld [smem:$0x0];
	_ =	sdelay $0x2  }
0xb8: {  	s31 =	sshll.u32 s1, $0xD;
	s1 =	sshrl.u32 s1, $0x2  }
0xb9: {  	s3 =	sand.u32 $0x4000, s31;
	s1 =	sadd.s32 s1, s30  }
0xba: {  	s0 =	sor.u32 s3, s0;
	s1 =	sshll.u32 s1, $0x11  }
0xbb: {  	s0 =	sor.u32 s1, s0  }
0xbc: {  	s0 =	sadd.s32 $0x8F2B, s0  }
0xbd: {  	[sflag:s0] =	ssyncadd.remote.s32 $0x1  }
0xbe: {  	_ =	sfence.sel $0xFFFF  }
0xbf: {  	[dreg:$0x0] =	wrdreg $0xFFFFFFFF;
	(pc) =	sbr.abs _section_cstart, $3  }
0xc0: {  	[dreg:$0x1] =	wrdreg $0xFFFFFFFF  }
0xc1: {  	_ =	task.clear_ibuf [dreg:s7], $0x2FFFF;
	_ =	strace $0x9FFFFFFF  }
0xc2: {  	(tm) =	ssettm $0x7FFFFFFF  }
0xc3: {  	_ =	shalt  }
tec
execute0_lowered:
.L_overlay_start_1:
0x0: {  	(tag) =	ssettag $0x1  }
0x1: {  	s0 =	srdreg.scid;
	s1 =	rddreg [dreg:$0x0]  }
0x2: {  	s2 =	stileid.u32;
	s3 =	rddreg [dreg:$0x1];
	s9 =	simm.s32 $0x3  }
0x3: {  	s12 =	simm.s32 $0x64;
	s13 =	simm.s32 $0x6800;
	s15 =	simm.s32 $0x7480  }
0x4: {  	s17 =	simm.s32 $0x8100;
	s19 =	simm.s32 $0x8D80;
	s21 =	simm.s32 $0x9A00  }
0x5: {  	s28 =	simm.s32 $0xBF80;
	s29 =	simm.s32 $0x1;
	s30 =	simm.s32 $0xCC00  }
0x6: {  	s31 =	simm.s32 $0xD880;
	s10 =	simm.s32 $0xFE00;
	s11 =	simm.s32 $0x10A80  }
0x7: {  	s14 =	simm.s32 $0x11700;
	s16 =	simm.s32 $0x12380;
	s18 =	simm.s32 $0x2  }
0x8: {  	s22 =	simm.s32 $0x0;
	s0 =	sand.u32 $0x1, s0;
	s2 =	sshll.u32 s2, $0x1  }
0x9: {  	s23 =	sadd.s32 $0x1AC00, s1;
	s4 =	sor.u32 s0, s2;
	s2 =	simm.s32 $0x0  }
0xa: {  	s24 =	sadd.s32 $0x1AA00, s1;
	s0 =	ssub.s32 $0x2, s0;
	[smem:$0x7FF] =	sst s2  }
0xb: {  	s5 =	smul.u32 $0xD00, s4;
	_ =	strace $0x80000047;
	[dreg:$0x3] =	wrdreg s23  }
0xc: {  	s7 =	sshrl.u32 s0, $0x1;
	s25 =	sshll.u32 s4, $0x7;
	[dreg:$0x4] =	wrdreg s24  }
0xd: {  	s0 =	ssub.s32 s0, s7;
	s23 =	simm.s32 $0xA680;
	s6 =	sadd.s32 s5, s1  }
0xe: {  	s5 =	sadd.s32 $0xF42E00, s1;
	s1 =	sadd.s32 s3, s25;
	s8 =	smax.u32 s0, $0x1  }
0xf: {  	s25 =	simm.s32 $0xB300;
	s26 =	sadd.s32 $0xA00, s6;
	[dreg:$0x6] =	wrdreg s1  }
0x10: {  	vm0 =	vcmask $0x3F3C;
	s0 =	simm.s32 $0xF180;
	s1 =	simm.s32 $0xE500;
	[dreg:$0x5] =	wrdreg s26  }
.LBB2_1:
0x11: {  	s3 =	rddreg [dreg:$0x5]  }
0x12: {  	[tilespmem:s2], [sflag:$0x3] =	stream.linear.gather [hbm4b:s3+s2], $0x6800, $0x38;
	[tilespmem:$0x13470] =	vst v63  }
0x13: {  	_ =	swait.ge [sflag:s9], $0x6800  }
0x14: {  	[sflag:s9] =	ssyncset.done $0x0  }
0x15: {  	s4 =	simm.s32 $0x13000;
	s7 =	rddreg [dreg:$0x3];
	[sflag:s9] =	ssyncadd.s32 $0xFFFF9800  }
0x16: {  	[tilespmem:s4], [sflag:$0x3] =	stream.linear.gather [hbm4b:s7+s2], $0x40, $0x38;
	[tilespmem:$0x13470] =	vst v63  }
0x17: {  	_ =	swait.ge [sflag:s9], $0x40  }
0x18: {  	[sflag:s9] =	ssyncset.done $0x0  }
0x19: {  	s24 =	simm.s32 $0x13040;
	s20 =	rddreg [dreg:$0x4];
	[sflag:s9] =	ssyncadd.s32 $0xFFFFFFC0  }
0x1a: {  	[tilespmem:s24], [sflag:$0x3] =	stream.linear.gather [hbm4b:s20+s2], $0x20, $0x38;
	[tilespmem:$0x13470] =	vst v63  }
0x1b: {  	_ =	swait.ge [sflag:s9], $0x20  }
0x1c: {  	[sflag:s9] =	ssyncset.done $0x0  }
0x1d: {  	[sflag:s9] =	ssyncadd.s32 $0xFFFFFFE0  }
0x1e: {  	v0 =	vld [tilespmem:$0x13000]  }
0x1f: {  	v1 =	vld [tilespmem:$0x13010]  }
0x20: {  	v2 =	vld [tilespmem:$0x13020]  }
0x21: {  	v3 =	vld [tilespmem:$0x13030]  }
0x22: {  	v5 =	vld [tilespmem:$0x13040]  }
0x23: {  	v4 =	vld [tilespmem:$0x13050];
	[tilespmem:s13], [sflag:$0x1] =	stream.indirect.gather [hbm4b:s5+s12], $0x20, s2, s12, $0xb8  }
0x24: {  	s26 =	simm.s32 $0x68  }
0x25: {  	[tilespmem:s15], [sflag:$0x1] =	stream.indirect.gather [hbm4b:s5+s12], $0x20, s26, s12, $0xb8;
	[tilespmem:$0x13470] =	vst v63  }
0x26: {  	s4 =	simm.s32 $0xD0  }
0x27: {  	[tilespmem:s17], [sflag:$0x1] =	stream.indirect.gather [hbm4b:s5+s12], $0x20, s4, s12, $0xb8;
	[tilespmem:$0x13470] =	vst v63  }
0x28: {  	s6 =	simm.s32 $0x138  }
0x29: {  	[tilespmem:s19], [sflag:$0x1] =	stream.indirect.gather [hbm4b:s5+s12], $0x20, s6, s12, $0xb8;
	[tilespmem:$0x13470] =	vst v63  }
0x2a: {  	s7 =	simm.s32 $0x1A0  }
0x2b: {  	[tilespmem:s21], [sflag:$0x1] =	stream.indirect.gather [hbm4b:s5+s12], $0x20, s7, s12, $0xb8;
	[tilespmem:$0x13470] =	vst v63  }
0x2c: {  	s20 =	simm.s32 $0x208  }
0x2d: {  	[tilespmem:s23], [sflag:$0x1] =	stream.indirect.gather [hbm4b:s5+s12], $0x20, s20, s12, $0xb8;
	[tilespmem:$0x13470] =	vst v63  }
0x2e: {  	s24 =	simm.s32 $0x270  }
0x2f: {  	[tilespmem:s25], [sflag:$0x1] =	stream.indirect.gather [hbm4b:s5+s12], $0x20, s24, s12, $0xb8;
	[tilespmem:$0x13470] =	vst v63  }
0x30: {  	s26 =	simm.s32 $0x2D8;
	s24 =	simm.s32 $0x0  }
0x31: {  	[tilespmem:s28], [sflag:$0x1] =	stream.indirect.gather [hbm4b:s5+s12], $0x20, s26, s12, $0xb8;
	[tilespmem:$0x13470] =	vst v63  }
.LBB2_2:
0x32: {  	_ =	swait.ge [sflag:s29], $0xC80  }
0x33: {  	[sflag:s29] =	ssyncset.done $0x0  }
0x34: {  	[sflag:s29] =	ssyncadd.s32 $0xFFFFF380  }
0x35: {  	_ =	swait.ge [sflag:s29], $0xC80  }
0x36: {  	[sflag:s29] =	ssyncset.done $0x0  }
0x37: {  	[sflag:s29] =	ssyncadd.s32 $0xFFFFF380  }
0x38: {  	_ =	swait.ge [sflag:s29], $0xC80  }
0x39: {  	[sflag:s29] =	ssyncset.done $0x0  }
0x3a: {  	[sflag:s29] =	ssyncadd.s32 $0xFFFFF380  }
0x3b: {  	_ =	swait.ge [sflag:s29], $0xC80  }
0x3c: {  	[sflag:s29] =	ssyncset.done $0x0  }
0x3d: {  	[sflag:s29] =	ssyncadd.s32 $0xFFFFF380  }
0x3e: {  	_ =	swait.ge [sflag:s29], $0xC80  }
0x3f: {  	[sflag:s29] =	ssyncset.done $0x0  }
0x40: {  	[sflag:s29] =	ssyncadd.s32 $0xFFFFF380  }
0x41: {  	_ =	swait.ge [sflag:s29], $0xC80  }
0x42: {  	[sflag:s29] =	ssyncset.done $0x0  }
0x43: {  	[sflag:s29] =	ssyncadd.s32 $0xFFFFF380  }
0x44: {  	_ =	swait.ge [sflag:s29], $0xC80  }
0x45: {  	[sflag:s29] =	ssyncset.done $0x0  }
0x46: {  	s26 =	sshllo.u32 s24, $0x1;
	[sflag:s29] =	ssyncadd.s32 $0xFFFFF380  }
0x47: {  	s3 =	smul.u32 $0xD00, s26;
	_ =	swait.ge [sflag:s29], $0xC80  }
0x48: {  	[sflag:s29] =	ssyncset.done $0x0  }
0x49: {  	s3 =	sshra.s32 s3, $0x2;
	[sflag:s29] =	ssyncadd.s32 $0xFFFFF380  }
0x4a: {  	[tilespmem:s30], [sflag:$0x2] =	stream.indirect.gather [hbm4b:s5+s12], $0x20, s3, s12, $0xb8;
	[tilespmem:$0x13470] =	vst v63  }
0x4b: {  	s4 =	sadd.s32 $0x68, s3  }
0x4c: {  	[tilespmem:s31], [sflag:$0x2] =	stream.indirect.gather [hbm4b:s5+s12], $0x20, s4, s12, $0xb8;
	[tilespmem:$0x13470] =	vst v63  }
0x4d: {  	s7 =	sadd.s32 $0xD0, s3  }
0x4e: {  	[tilespmem:s1], [sflag:$0x2] =	stream.indirect.gather [hbm4b:s5+s12], $0x20, s7, s12, $0xb8;
	[tilespmem:$0x13470] =	vst v63  }
0x4f: {  	s20 =	sadd.s32 $0x138, s3  }
0x50: {  	[tilespmem:s0], [sflag:$0x2] =	stream.indirect.gather [hbm4b:s5+s12], $0x20, s20, s12, $0xb8;
	[tilespmem:$0x13470] =	vst v63  }
0x51: {  	s6 =	sadd.s32 $0x1A0, s3  }
0x52: {  	[tilespmem:s10], [sflag:$0x2] =	stream.indirect.gather [hbm4b:s5+s12], $0x20, s6, s12, $0xb8;
	[tilespmem:$0x13470] =	vst v63  }
0x53: {  	s7 =	sadd.s32 $0x208, s3  }
0x54: {  	[tilespmem:s11], [sflag:$0x2] =	stream.indirect.gather [hbm4b:s5+s12], $0x20, s7, s12, $0xb8;
	[tilespmem:$0x13470] =	vst v63  }
0x55: {  	s20 =	sadd.s32 $0x270, s3  }
0x56: {  	[tilespmem:s14], [sflag:$0x2] =	stream.indirect.gather [hbm4b:s5+s12], $0x20, s20, s12, $0xb8;
	[tilespmem:$0x13470] =	vst v63  }
0x57: {  	s3 =	sadd.s32 $0x2D8, s3;
	s20 =	simm.s32 $0x6B20  }
0x58: {  	[tilespmem:s16], [sflag:$0x2] =	stream.indirect.gather [hbm4b:s5+s12], $0x20, s3, s12, $0xb8;
	[tilespmem:$0x13470] =	vst v63  }
0x59: {  	v6 =	vld [tilespmem:s20+$0xFFFFFD10]  }
0x5a: {  	v7 =	vld [tilespmem:s20+$0xFFFFFD00]  }
0x5b: {  	v8 =	vld [tilespmem:s20+$0xFFFFFCE0]  }
0x5c: {  	v9 =	vld [tilespmem:s20+$0xFFFFFCF0]  }
0x5d: {  	v10 =	vld [tilespmem:s20+$0xFFFFFD20]  }
0x5e: {  	v11 =	vld [tilespmem:s20+$0xFFFFFD30]  }
0x5f: {  	v12 =	vld [tilespmem:s20+$0xFFFFFD40]  }
0x60: {  	v13 =	vld [tilespmem:s20+$0xFFFFFD50]  }
0x61: {  	v36 =	vld [tilespmem:s20+$0xFFFFFD70];
	v7 =	vadd.f32 v7, v8;
	v6 =	vadd.f32 v6, v9  }
0x62: {  	v8 =	vld [tilespmem:s20+$0xFFFFFD60]  }
0x63: {  	v37 =	vld [tilespmem:s20+$0xFFFFFD80];
	v7 =	vadd.f32 v10, v7;
	v6 =	vadd.f32 v11, v6  }
0x64: {  	v38 =	vld [tilespmem:s20+$0xFFFFFD90]  }
0x65: {  	v39 =	vld [tilespmem:s20+$0xFFFFFDA0];
	v7 =	vadd.f32 v12, v7;
	v6 =	vadd.f32 v13, v6  }
0x66: {  	v40 =	vld [tilespmem:s20+$0xFFFFFDB0]  }
0x67: {  	v41 =	vld [tilespmem:s20+$0xFFFFFDD0];
	v7 =	vadd.f32 v8, v7;
	v6 =	vadd.f32 v36, v6  }
0x68: {  	v8 =	vld [tilespmem:s20+$0xFFFFFDC0]  }
0x69: {  	v42 =	vld [tilespmem:s20+$0xFFFFFDE0];
	v7 =	vadd.f32 v37, v7;
	v6 =	vadd.f32 v38, v6  }
0x6a: {  	v43 =	vld [tilespmem:s20+$0xFFFFFDF0]  }
0x6b: {  	v44 =	vld [tilespmem:s20+$0xFFFFFE00];
	v7 =	vadd.f32 v39, v7;
	v6 =	vadd.f32 v40, v6  }
0x6c: {  	v45 =	vld [tilespmem:s20+$0xFFFFFE10]  }
0x6d: {  	v46 =	vld [tilespmem:s20+$0xFFFFFE30];
	v7 =	vadd.f32 v8, v7;
	v6 =	vadd.f32 v41, v6  }
0x6e: {  	v8 =	vld [tilespmem:s20+$0xFFFFFE20]  }
0x6f: {  	v47 =	vld [tilespmem:s20+$0xFFFFFE40];
	v7 =	vadd.f32 v42, v7;
	v6 =	vadd.f32 v43, v6  }
0x70: {  	v48 =	vld [tilespmem:s20+$0xFFFFFE50]  }
0x71: {  	v49 =	vld [tilespmem:s20+$0xFFFFFE60];
	v7 =	vadd.f32 v44, v7;
	v6 =	vadd.f32 v45, v6  }
0x72: {  	v50 =	vld [tilespmem:s20+$0xFFFFFE70]  }
0x73: {  	v51 =	vld [tilespmem:s20+$0xFFFFFE90];
	v7 =	vadd.f32 v8, v7;
	v6 =	vadd.f32 v46, v6  }
0x74: {  	v8 =	vld [tilespmem:s20+$0xFFFFFE80]  }
0x75: {  	v52 =	vld [tilespmem:s20+$0xFFFFFEA0];
	v7 =	vadd.f32 v47, v7;
	v6 =	vadd.f32 v48, v6  }
0x76: {  	v53 =	vld [tilespmem:s20+$0xFFFFFEB0]  }
0x77: {  	v54 =	vld [tilespmem:s20+$0xFFFFFEC0];
	v7 =	vadd.f32 v49, v7;
	v6 =	vadd.f32 v50, v6  }
0x78: {  	v55 =	vld [tilespmem:s20+$0xFFFFFED0]  }
0x79: {  	v56 =	vld [tilespmem:s20+$0xFFFFFEF0];
	v7 =	vadd.f32 v8, v7;
	v6 =	vadd.f32 v51, v6  }
0x7a: {  	v8 =	vld [tilespmem:s20+$0xFFFFFEE0]  }
0x7b: {  	v57 =	vld [tilespmem:s20+$0xFFFFFF00];
	v7 =	vadd.f32 v52, v7;
	v6 =	vadd.f32 v53, v6  }
0x7c: {  	v58 =	vld [tilespmem:s20+$0xFFFFFF10]  }
0x7d: {  	v59 =	vld [tilespmem:s20+$0xFFFFFF20];
	v7 =	vadd.f32 v54, v7;
	v6 =	vadd.f32 v55, v6  }
0x7e: {  	v60 =	vld [tilespmem:s20+$0xFFFFFF30]  }
0x7f: {  	v61 =	vld [tilespmem:s20+$0xFFFFFF50];
	v7 =	vadd.f32 v8, v7;
	v6 =	vadd.f32 v56, v6  }
0x80: {  	v8 =	vld [tilespmem:s20+$0xFFFFFF40]  }
0x81: {  	v62 =	vld [tilespmem:s20+$0xFFFFFF60];
	v7 =	vadd.f32 v57, v7;
	v6 =	vadd.f32 v58, v6  }
0x82: {  	v63 =	vld [tilespmem:s20+$0xFFFFFF70]  }
0x83: {  	v16 =	vld [tilespmem:s20+$0xFFFFFF80];
	v7 =	vadd.f32 v59, v7;
	v6 =	vadd.f32 v60, v6  }
0x84: {  	v17 =	vld [tilespmem:s20+$0xFFFFFF90]  }
0x85: {  	v18 =	vld [tilespmem:s20+$0xFFFFFFB0];
	v7 =	vadd.f32 v8, v7;
	v6 =	vadd.f32 v61, v6  }
0x86: {  	v8 =	vld [tilespmem:s20+$0xFFFFFFA0]  }
0x87: {  	v19 =	vld [tilespmem:s20+$0xFFFFFFC0];
	v7 =	vadd.f32 v62, v7;
	v6 =	vadd.f32 v63, v6  }
0x88: {  	v20 =	vld [tilespmem:s20+$0xFFFFFFD0]  }
0x89: {  	v21 =	vld [tilespmem:s20+$0xFFFFFFE0];
	v7 =	vadd.f32 v16, v7;
	v6 =	vadd.f32 v17, v6  }
0x8a: {  	v22 =	vld [tilespmem:s20+$0xFFFFFFF0]  }
0x8b: {  	v23 =	vld [tilespmem:s20+$0x10];
	v7 =	vadd.f32 v8, v7;
	v6 =	vadd.f32 v18, v6  }
0x8c: {  	v8 =	vld [tilespmem:s20+$0x0]  }
0x8d: {  	v24 =	vld [tilespmem:s20+$0x20];
	v7 =	vadd.f32 v19, v7;
	v6 =	vadd.f32 v20, v6  }
0x8e: {  	v25 =	vld [tilespmem:s20+$0x30]  }
0x8f: {  	v26 =	vld [tilespmem:s20+$0x40];
	v7 =	vadd.f32 v21, v7;
	v6 =	vadd.f32 v22, v6  }
0x90: {  	v27 =	vld [tilespmem:s20+$0x50]  }
0x91: {  	v28 =	vld [tilespmem:s20+$0x70];
	v7 =	vadd.f32 v8, v7;
	v6 =	vadd.f32 v23, v6  }
0x92: {  	v8 =	vld [tilespmem:s20+$0x60]  }
0x93: {  	v29 =	vld [tilespmem:s20+$0x80];
	v7 =	vadd.f32 v24, v7;
	v6 =	vadd.f32 v25, v6  }
0x94: {  	v30 =	vld [tilespmem:s20+$0x90]  }
0x95: {  	v31 =	vld [tilespmem:s20+$0xA0];
	v7 =	vadd.f32 v26, v7;
	v6 =	vadd.f32 v27, v6  }
0x96: {  	v32 =	vld [tilespmem:s20+$0xB0]  }
0x97: {  	v33 =	vld [tilespmem:s20+$0xD0];
	v7 =	vadd.f32 v8, v7;
	v6 =	vadd.f32 v28, v6  }
0x98: {  	v8 =	vld [tilespmem:s20+$0xC0]  }
0x99: {  	v34 =	vld [tilespmem:s20+$0xE0];
	v7 =	vadd.f32 v29, v7;
	v6 =	vadd.f32 v30, v6  }
0x9a: {  	v35 =	vld [tilespmem:s20+$0xF0]  }
0x9b: {  	v36 =	vld [tilespmem:s20+$0x100];
	v7 =	vadd.f32 v31, v7;
	v6 =	vadd.f32 v32, v6  }
0x9c: {  	v37 =	vld [tilespmem:s20+$0x110]  }
0x9d: {  	v38 =	vld [tilespmem:s20+$0x130];
	v7 =	vadd.f32 v8, v7;
	v6 =	vadd.f32 v33, v6  }
0x9e: {  	v8 =	vld [tilespmem:s20+$0x120]  }
0x9f: {  	v39 =	vld [tilespmem:s20+$0x140];
	v7 =	vadd.f32 v34, v7;
	v6 =	vadd.f32 v35, v6  }
0xa0: {  	v40 =	vld [tilespmem:s20+$0x150]  }
0xa1: {  	v41 =	vld [tilespmem:s20+$0x160];
	v7 =	vadd.f32 v36, v7;
	v6 =	vadd.f32 v37, v6  }
0xa2: {  	v42 =	vld [tilespmem:s20+$0x170]  }
0xa3: {  	v43 =	vld [tilespmem:s20+$0x190];
	v7 =	vadd.f32 v8, v7;
	v6 =	vadd.f32 v38, v6  }
0xa4: {  	v8 =	vld [tilespmem:s20+$0x180]  }
0xa5: {  	v44 =	vld [tilespmem:s20+$0x1A0];
	v7 =	vadd.f32 v39, v7;
	v6 =	vadd.f32 v40, v6  }
0xa6: {  	v45 =	vld [tilespmem:s20+$0x1B0]  }
0xa7: {  	v46 =	vld [tilespmem:s20+$0x1C0];
	v7 =	vadd.f32 v41, v7;
	v6 =	vadd.f32 v42, v6  }
0xa8: {  	v47 =	vld [tilespmem:s20+$0x1D0]  }
0xa9: {  	v48 =	vld [tilespmem:s20+$0x1F0];
	v7 =	vadd.f32 v8, v7;
	v6 =	vadd.f32 v43, v6  }
0xaa: {  	v8 =	vld [tilespmem:s20+$0x1E0]  }
0xab: {  	v49 =	vld [tilespmem:s20+$0x200];
	v7 =	vadd.f32 v44, v7;
	v6 =	vadd.f32 v45, v6  }
0xac: {  	v50 =	vld [tilespmem:s20+$0x210]  }
0xad: {  	v51 =	vld [tilespmem:s20+$0x220];
	v7 =	vadd.f32 v46, v7;
	v6 =	vadd.f32 v47, v6  }
0xae: {  	v52 =	vld [tilespmem:s20+$0x230]  }
0xaf: {  	v53 =	vld [tilespmem:s20+$0x250];
	v7 =	vadd.f32 v8, v7;
	v6 =	vadd.f32 v48, v6  }
0xb0: {  	v8 =	vld [tilespmem:s20+$0x240]  }
0xb1: {  	v54 =	vld [tilespmem:s20+$0x260];
	v7 =	vadd.f32 v49, v7;
	v6 =	vadd.f32 v50, v6  }
0xb2: {  	v55 =	vld [tilespmem:s20+$0x270]  }
0xb3: {  	v56 =	vld [tilespmem:s20+$0x280];
	v7 =	vadd.f32 v51, v7;
	v6 =	vadd.f32 v52, v6  }
0xb4: {  	v57 =	vld [tilespmem:s20+$0x290]  }
0xb5: {  	v58 =	vld [tilespmem:s20+$0x2B0];
	v7 =	vadd.f32 v8, v7;
	v6 =	vadd.f32 v53, v6  }
0xb6: {  	v8 =	vld [tilespmem:s20+$0x2A0]  }
0xb7: {  	v59 =	vld [tilespmem:s20+$0x2C0];
	v7 =	vadd.f32 v54, v7;
	v6 =	vadd.f32 v55, v6  }
0xb8: {  	v60 =	vld [tilespmem:s20+$0x2D0]  }
0xb9: {  	v61 =	vld [tilespmem:s20+$0x2E0];
	v7 =	vadd.f32 v56, v7;
	v6 =	vadd.f32 v57, v6  }
0xba: {  	v62 =	vld [tilespmem:s20+$0x2F0]  }
0xbb: {  	v63 =	vld [tilespmem:s20+$0x310];
	v7 =	vadd.f32 v8, v7;
	v6 =	vadd.f32 v58, v6  }
0xbc: {  	v8 =	vld [tilespmem:s20+$0x300]  }
0xbd: {  	v7 =	vadd.f32 v59, v7;
	v6 =	vadd.f32 v60, v6;
	_ =	sdelay $0x1  }
0xbe: {  	v7 =	vadd.f32 v61, v7;
	v6 =	vadd.f32 v62, v6;
	_ =	sdelay $0x1  }
0xbf: {  	v7 =	vadd.f32 v8, v7;
	v6 =	vadd.f32 v63, v6;
	_ =	sdelay $0x1  }
0xc0: {  	v8 =	vmul.f32 v7, v0;
	v9 =	vmul.f32 v6, v1;
	_ =	sdelay $0x1  }
0xc1: {  	v8 =	vadd.f32 v9, v8;
	_ =	sdelay $0x1  }
0xc2: {  	(xrf2) =	vadd.scan.msk.f32 $0xffff, v8  }
0xc3: {  	v7 =	vmul.f32 v7, v2;
	v6 =	vmul.f32 v6, v3;
	_ =	sdelay $0x1  }
0xc4: {  	v6 =	vadd.f32 v6, v7;
	_ =	sdelay $0x1  }
0xc5: {  	(xrf2) =	vadd.scan.msk.f32 $0xffff, v6;
	_ =	sdelay $0x4  }
0xc6: {  	s6 =	sshll.u32 s24, $0x6;
	v6, _, _ =	vpop (xrf2)  }
0xc7: {  	s7 =	simm.s32 $0x0;
	s3 =	sand.u32 $0x3FFFFFC0, s6;
	v6 =	vadd.f32 v6, v5  }
0xc8: {  	s6 =	sand.u32 $0x18, s7;
	s3 =	sadd.s32 $0x13060, s3  }
0xc9: {  	s4 =	sand.u32 $0x6, s7;
	s6 =	sadd.s32 s6, s3  }
0xca: {  	s7 =	sadd.s32 s4, s6  }
0xcb: {  	s4 =	simm.s32 $0x2;
	[tilespmem:s7+$0x0] =	vst.msk vm0, v6;
	v6, _, _ =	vpop (xrf2)  }
.LBB2_3:
0xcc: {  	p0 =	sne.s32 s4, $0x1E  }
0xcd: {  	s20 =	sadd.s32 $0x640, s20;
	s6 =	smov.u32 s4;
	s4 =	sadd.s32 $0x2, s4  }
0xce: {  	v6 =	vadd.f32 v6, v4;
	_ =	sdelay $0x1  }
0xcf: {  	[tilespmem:s7+$0x1] =	vst.msk vm0, v6  }
0xd0: {  	v6 =	vld [tilespmem:s20+$0xFFFFFD10]  }
0xd1: {  	v7 =	vld [tilespmem:s20+$0xFFFFFD00]  }
0xd2: {  	v8 =	vld [tilespmem:s20+$0xFFFFFCE0]  }
0xd3: {  	v9 =	vld [tilespmem:s20+$0xFFFFFCF0]  }
0xd4: {  	v10 =	vld [tilespmem:s20+$0xFFFFFD20]  }
0xd5: {  	v11 =	vld [tilespmem:s20+$0xFFFFFD30]  }
0xd6: {  	v12 =	vld [tilespmem:s20+$0xFFFFFD40]  }
0xd7: {  	v7 =	vadd.f32 v7, v8;
	v8 =	vld [tilespmem:s20+$0xFFFFFD50]  }
0xd8: {  	v6 =	vadd.f32 v6, v9;
	v9 =	vld [tilespmem:s20+$0xFFFFFD60]  }
0xd9: {  	v7 =	vadd.f32 v10, v7;
	v10 =	vld [tilespmem:s20+$0xFFFFFD70]  }
0xda: {  	v6 =	vadd.f32 v11, v6;
	v11 =	vld [tilespmem:s20+$0xFFFFFD80]  }
0xdb: {  	v7 =	vadd.f32 v12, v7;
	v12 =	vld [tilespmem:s20+$0xFFFFFD90]  }
0xdc: {  	v6 =	vadd.f32 v8, v6;
	v8 =	vld [tilespmem:s20+$0xFFFFFDA0]  }
0xdd: {  	v7 =	vadd.f32 v9, v7;
	v9 =	vld [tilespmem:s20+$0xFFFFFDB0]  }
0xde: {  	v6 =	vadd.f32 v10, v6;
	v10 =	vld [tilespmem:s20+$0xFFFFFDC0]  }
0xdf: {  	v7 =	vadd.f32 v11, v7;
	v11 =	vld [tilespmem:s20+$0xFFFFFDD0]  }
0xe0: {  	v6 =	vadd.f32 v12, v6;
	v12 =	vld [tilespmem:s20+$0xFFFFFDE0]  }
0xe1: {  	v7 =	vadd.f32 v8, v7;
	v8 =	vld [tilespmem:s20+$0xFFFFFDF0]  }
0xe2: {  	v6 =	vadd.f32 v9, v6;
	v9 =	vld [tilespmem:s20+$0xFFFFFE00]  }
0xe3: {  	v7 =	vadd.f32 v10, v7;
	v10 =	vld [tilespmem:s20+$0xFFFFFE10]  }
0xe4: {  	v6 =	vadd.f32 v11, v6;
	v11 =	vld [tilespmem:s20+$0xFFFFFE20]  }
0xe5: {  	v7 =	vadd.f32 v12, v7;
	v12 =	vld [tilespmem:s20+$0xFFFFFE30]  }
0xe6: {  	v6 =	vadd.f32 v8, v6;
	v8 =	vld [tilespmem:s20+$0xFFFFFE40]  }
0xe7: {  	v7 =	vadd.f32 v9, v7;
	v9 =	vld [tilespmem:s20+$0xFFFFFE50]  }
0xe8: {  	v6 =	vadd.f32 v10, v6;
	v10 =	vld [tilespmem:s20+$0xFFFFFE60]  }
0xe9: {  	v7 =	vadd.f32 v11, v7;
	v11 =	vld [tilespmem:s20+$0xFFFFFE70]  }
0xea: {  	v6 =	vadd.f32 v12, v6;
	v12 =	vld [tilespmem:s20+$0xFFFFFE80]  }
0xeb: {  	v7 =	vadd.f32 v8, v7;
	v8 =	vld [tilespmem:s20+$0xFFFFFE90]  }
0xec: {  	v6 =	vadd.f32 v9, v6;
	v9 =	vld [tilespmem:s20+$0xFFFFFEA0]  }
0xed: {  	v7 =	vadd.f32 v10, v7;
	v10 =	vld [tilespmem:s20+$0xFFFFFEB0]  }
0xee: {  	v6 =	vadd.f32 v11, v6;
	v11 =	vld [tilespmem:s20+$0xFFFFFEC0]  }
0xef: {  	v7 =	vadd.f32 v12, v7;
	v12 =	vld [tilespmem:s20+$0xFFFFFED0]  }
0xf0: {  	v6 =	vadd.f32 v8, v6;
	v8 =	vld [tilespmem:s20+$0xFFFFFEE0]  }
0xf1: {  	v7 =	vadd.f32 v9, v7;
	v9 =	vld [tilespmem:s20+$0xFFFFFEF0]  }
0xf2: {  	v6 =	vadd.f32 v10, v6;
	v10 =	vld [tilespmem:s20+$0xFFFFFF00]  }
0xf3: {  	v7 =	vadd.f32 v11, v7;
	v11 =	vld [tilespmem:s20+$0xFFFFFF10]  }
0xf4: {  	v6 =	vadd.f32 v12, v6;
	v12 =	vld [tilespmem:s20+$0xFFFFFF20]  }
0xf5: {  	v7 =	vadd.f32 v8, v7;
	v8 =	vld [tilespmem:s20+$0xFFFFFF30]  }
0xf6: {  	v6 =	vadd.f32 v9, v6;
	v9 =	vld [tilespmem:s20+$0xFFFFFF40]  }
0xf7: {  	v7 =	vadd.f32 v10, v7;
	v10 =	vld [tilespmem:s20+$0xFFFFFF50]  }
0xf8: {  	v6 =	vadd.f32 v11, v6;
	v11 =	vld [tilespmem:s20+$0xFFFFFF60]  }
0xf9: {  	v7 =	vadd.f32 v12, v7;
	v12 =	vld [tilespmem:s20+$0xFFFFFF70]  }
0xfa: {  	v6 =	vadd.f32 v8, v6;
	v8 =	vld [tilespmem:s20+$0xFFFFFF80]  }
0xfb: {  	v7 =	vadd.f32 v9, v7;
	v9 =	vld [tilespmem:s20+$0xFFFFFF90]  }
0xfc: {  	v6 =	vadd.f32 v10, v6;
	v10 =	vld [tilespmem:s20+$0xFFFFFFA0]  }
0xfd: {  	v7 =	vadd.f32 v11, v7;
	v11 =	vld [tilespmem:s20+$0xFFFFFFB0]  }
0xfe: {  	v6 =	vadd.f32 v12, v6;
	v12 =	vld [tilespmem:s20+$0xFFFFFFC0]  }
0xff: {  	v7 =	vadd.f32 v8, v7;
	v8 =	vld [tilespmem:s20+$0xFFFFFFD0]  }
0x100: {  	v6 =	vadd.f32 v9, v6;
	v9 =	vld [tilespmem:s20+$0xFFFFFFE0]  }
0x101: {  	v7 =	vadd.f32 v10, v7;
	v10 =	vld [tilespmem:s20+$0xFFFFFFF0]  }
0x102: {  	v6 =	vadd.f32 v11, v6;
	v11 =	vld [tilespmem:s20+$0x0]  }
0x103: {  	v7 =	vadd.f32 v12, v7;
	v12 =	vld [tilespmem:s20+$0x10]  }
0x104: {  	v6 =	vadd.f32 v8, v6;
	v8 =	vld [tilespmem:s20+$0x20]  }
0x105: {  	v7 =	vadd.f32 v9, v7;
	v9 =	vld [tilespmem:s20+$0x30]  }
0x106: {  	v6 =	vadd.f32 v10, v6;
	v10 =	vld [tilespmem:s20+$0x40]  }
0x107: {  	v7 =	vadd.f32 v11, v7;
	v11 =	vld [tilespmem:s20+$0x50]  }
0x108: {  	v6 =	vadd.f32 v12, v6;
	v12 =	vld [tilespmem:s20+$0x60]  }
0x109: {  	v7 =	vadd.f32 v8, v7;
	v8 =	vld [tilespmem:s20+$0x70]  }
0x10a: {  	v6 =	vadd.f32 v9, v6;
	v9 =	vld [tilespmem:s20+$0x80]  }
0x10b: {  	v7 =	vadd.f32 v10, v7;
	v10 =	vld [tilespmem:s20+$0x90]  }
0x10c: {  	v6 =	vadd.f32 v11, v6;
	v11 =	vld [tilespmem:s20+$0xA0]  }
0x10d: {  	v7 =	vadd.f32 v12, v7;
	v12 =	vld [tilespmem:s20+$0xB0]  }
0x10e: {  	v6 =	vadd.f32 v8, v6;
	v8 =	vld [tilespmem:s20+$0xC0]  }
0x10f: {  	v7 =	vadd.f32 v9, v7;
	v9 =	vld [tilespmem:s20+$0xD0]  }
0x110: {  	v6 =	vadd.f32 v10, v6;
	v10 =	vld [tilespmem:s20+$0xE0]  }
0x111: {  	v7 =	vadd.f32 v11, v7;
	v11 =	vld [tilespmem:s20+$0xF0]  }
0x112: {  	v6 =	vadd.f32 v12, v6;
	v12 =	vld [tilespmem:s20+$0x100]  }
0x113: {  	v7 =	vadd.f32 v8, v7;
	v8 =	vld [tilespmem:s20+$0x110]  }
0x114: {  	v6 =	vadd.f32 v9, v6;
	v9 =	vld [tilespmem:s20+$0x120]  }
0x115: {  	v7 =	vadd.f32 v10, v7;
	v10 =	vld [tilespmem:s20+$0x130]  }
0x116: {  	v6 =	vadd.f32 v11, v6;
	v11 =	vld [tilespmem:s20+$0x140]  }
0x117: {  	v7 =	vadd.f32 v12, v7;
	v12 =	vld [tilespmem:s20+$0x150]  }
0x118: {  	v6 =	vadd.f32 v8, v6;
	v8 =	vld [tilespmem:s20+$0x160]  }
0x119: {  	v7 =	vadd.f32 v9, v7;
	v9 =	vld [tilespmem:s20+$0x170]  }
0x11a: {  	v6 =	vadd.f32 v10, v6;
	v10 =	vld [tilespmem:s20+$0x180]  }
0x11b: {  	v7 =	vadd.f32 v11, v7;
	v11 =	vld [tilespmem:s20+$0x190]  }
0x11c: {  	v6 =	vadd.f32 v12, v6;
	v12 =	vld [tilespmem:s20+$0x1A0]  }
0x11d: {  	v7 =	vadd.f32 v8, v7;
	v8 =	vld [tilespmem:s20+$0x1B0]  }
0x11e: {  	v6 =	vadd.f32 v9, v6;
	v9 =	vld [tilespmem:s20+$0x1C0]  }
0x11f: {  	v7 =	vadd.f32 v10, v7;
	v10 =	vld [tilespmem:s20+$0x1D0]  }
0x120: {  	v6 =	vadd.f32 v11, v6;
	v11 =	vld [tilespmem:s20+$0x1E0]  }
0x121: {  	v7 =	vadd.f32 v12, v7;
	v12 =	vld [tilespmem:s20+$0x1F0]  }
0x122: {  	v6 =	vadd.f32 v8, v6;
	v8 =	vld [tilespmem:s20+$0x200]  }
0x123: {  	v7 =	vadd.f32 v9, v7;
	v9 =	vld [tilespmem:s20+$0x210]  }
0x124: {  	v6 =	vadd.f32 v10, v6;
	v10 =	vld [tilespmem:s20+$0x220]  }
0x125: {  	v7 =	vadd.f32 v11, v7;
	v11 =	vld [tilespmem:s20+$0x230]  }
0x126: {  	v6 =	vadd.f32 v12, v6;
	v12 =	vld [tilespmem:s20+$0x240]  }
0x127: {  	v7 =	vadd.f32 v8, v7;
	v8 =	vld [tilespmem:s20+$0x250]  }
0x128: {  	v6 =	vadd.f32 v9, v6;
	v9 =	vld [tilespmem:s20+$0x260]  }
0x129: {  	v7 =	vadd.f32 v10, v7;
	v10 =	vld [tilespmem:s20+$0x270]  }
0x12a: {  	v6 =	vadd.f32 v11, v6;
	v11 =	vld [tilespmem:s20+$0x280]  }
0x12b: {  	v7 =	vadd.f32 v12, v7;
	v12 =	vld [tilespmem:s20+$0x290]  }
0x12c: {  	v6 =	vadd.f32 v8, v6;
	v8 =	vld [tilespmem:s20+$0x2A0]  }
0x12d: {  	v7 =	vadd.f32 v9, v7;
	v9 =	vld [tilespmem:s20+$0x2B0]  }
0x12e: {  	v6 =	vadd.f32 v10, v6;
	v10 =	vld [tilespmem:s20+$0x2C0]  }
0x12f: {  	v7 =	vadd.f32 v11, v7;
	v11 =	vld [tilespmem:s20+$0x2D0]  }
0x130: {  	v6 =	vadd.f32 v12, v6;
	v12 =	vld [tilespmem:s20+$0x2E0]  }
0x131: {  	v7 =	vadd.f32 v8, v7;
	v8 =	vld [tilespmem:s20+$0x2F0]  }
0x132: {  	v6 =	vadd.f32 v9, v6;
	v9 =	vld [tilespmem:s20+$0x300]  }
0x133: {  	v7 =	vadd.f32 v10, v7;
	v10 =	vld [tilespmem:s20+$0x310]  }
0x134: {  	v6 =	vadd.f32 v11, v6  }
0x135: {  	v7 =	vadd.f32 v12, v7  }
0x136: {  	v6 =	vadd.f32 v8, v6  }
0x137: {  	v7 =	vadd.f32 v9, v7  }
0x138: {  	v6 =	vadd.f32 v10, v6;
	_ =	sdelay $0x1  }
0x139: {  	v8 =	vmul.f32 v7, v0;
	v9 =	vmul.f32 v6, v1  }
0x13a: {  	v7 =	vmul.f32 v7, v2;
	v6 =	vmul.f32 v6, v3  }
0x13b: {  	v8 =	vadd.f32 v9, v8  }
0x13c: {  	v6 =	vadd.f32 v6, v7  }
0x13d: {  	(xrf2) =	vadd.scan.msk.f32 $0xffff, v8;
	_ =	sdelay $0x2  }
0x13e: {  	(xrf2) =	vadd.scan.msk.f32 $0xffff, v6;
	_ =	sdelay $0x5  }
.Ltmp0:
0x13f: {  	(pc) =	sbr.rel @p0 .LBB2_3-.Ltmp0, $4  }
0x140: {  	s7 =	sand.u32 $0x18, s6;
	v6, _, _ =	vpop (xrf2)  }
0x141: {  	s6 =	sand.u32 $0x6, s6;
	s7 =	sadd.s32 s7, s3;
	v7 =	vadd.f32 v6, v5  }
0x142: {  	s7 =	sadd.s32 s6, s7  }
0x143: {  	[tilespmem:s7+$0x0] =	vst.msk vm0, v7;
	v6, _, _ =	vpop (xrf2)  }
0x144: {  	v6 =	vadd.f32 v6, v4;
	_ =	sdelay $0x1  }
0x145: {  	[tilespmem:s7+$0x1] =	vst.msk vm0, v6  }
0x146: {  	_ =	swait.ge [sflag:s18], $0xC80  }
0x147: {  	[sflag:s18] =	ssyncset.done $0x0  }
0x148: {  	[sflag:s18] =	ssyncadd.s32 $0xFFFFF380  }
0x149: {  	_ =	swait.ge [sflag:s18], $0xC80  }
0x14a: {  	[sflag:s18] =	ssyncset.done $0x0  }
0x14b: {  	[sflag:s18] =	ssyncadd.s32 $0xFFFFF380  }
0x14c: {  	_ =	swait.ge [sflag:s18], $0xC80  }
0x14d: {  	[sflag:s18] =	ssyncset.done $0x0  }
0x14e: {  	[sflag:s18] =	ssyncadd.s32 $0xFFFFF380  }
0x14f: {  	_ =	swait.ge [sflag:s18], $0xC80  }
0x150: {  	[sflag:s18] =	ssyncset.done $0x0  }
0x151: {  	[sflag:s18] =	ssyncadd.s32 $0xFFFFF380  }
0x152: {  	_ =	swait.ge [sflag:s18], $0xC80  }
0x153: {  	[sflag:s18] =	ssyncset.done $0x0  }
0x154: {  	[sflag:s18] =	ssyncadd.s32 $0xFFFFF380  }
0x155: {  	_ =	swait.ge [sflag:s18], $0xC80  }
0x156: {  	[sflag:s18] =	ssyncset.done $0x0  }
0x157: {  	[sflag:s18] =	ssyncadd.s32 $0xFFFFF380  }
0x158: {  	_ =	swait.ge [sflag:s18], $0xC80  }
0x159: {  	[sflag:s18] =	ssyncset.done $0x0  }
0x15a: {  	s3 =	smul.u32 $0x1A00, s24;
	[sflag:s18] =	ssyncadd.s32 $0xFFFFF380  }
0x15b: {  	_ =	swait.ge [sflag:s18], $0xC80  }
0x15c: {  	s3 =	sshra.s32 s3, $0x2;
	[sflag:s18] =	ssyncset.done $0x0  }
0x15d: {  	s4 =	sadd.s32 $0x680, s3;
	[sflag:s18] =	ssyncadd.s32 $0xFFFFF380  }
0x15e: {  	[tilespmem:s13], [sflag:$0x1] =	stream.indirect.gather [hbm4b:s5+s12], $0x20, s4, s12, $0xb8;
	[tilespmem:$0x13470] =	vst v63  }
0x15f: {  	s7 =	sadd.s32 $0x6E8, s3  }
0x160: {  	[tilespmem:s15], [sflag:$0x1] =	stream.indirect.gather [hbm4b:s5+s12], $0x20, s7, s12, $0xb8;
	[tilespmem:$0x13470] =	vst v63  }
0x161: {  	s20 =	sadd.s32 $0x750, s3  }
0x162: {  	[tilespmem:s17], [sflag:$0x1] =	stream.indirect.gather [hbm4b:s5+s12], $0x20, s20, s12, $0xb8;
	[tilespmem:$0x13470] =	vst v63  }
0x163: {  	s6 =	sadd.s32 $0x7B8, s3  }
0x164: {  	[tilespmem:s19], [sflag:$0x1] =	stream.indirect.gather [hbm4b:s5+s12], $0x20, s6, s12, $0xb8;
	[tilespmem:$0x13470] =	vst v63  }
0x165: {  	s7 =	sadd.s32 $0x820, s3  }
0x166: {  	[tilespmem:s21], [sflag:$0x1] =	stream.indirect.gather [hbm4b:s5+s12], $0x20, s7, s12, $0xb8;
	[tilespmem:$0x13470] =	vst v63  }
0x167: {  	s20 =	sadd.s32 $0x888, s3  }
0x168: {  	[tilespmem:s23], [sflag:$0x1] =	stream.indirect.gather [hbm4b:s5+s12], $0x20, s20, s12, $0xb8;
	[tilespmem:$0x13470] =	vst v63  }
0x169: {  	s6 =	sadd.s32 $0x8F0, s3  }
0x16a: {  	[tilespmem:s25], [sflag:$0x1] =	stream.indirect.gather [hbm4b:s5+s12], $0x20, s6, s12, $0xb8;
	[tilespmem:$0x13470] =	vst v63  }
0x16b: {  	s3 =	sadd.s32 $0x958, s3;
	s20 =	simm.s32 $0xCF20  }
0x16c: {  	[tilespmem:s28], [sflag:$0x1] =	stream.indirect.gather [hbm4b:s5+s12], $0x20, s3, s12, $0xb8;
	[tilespmem:$0x13470] =	vst v63  }
0x16d: {  	v6 =	vld [tilespmem:s20+$0xFFFFFD10]  }
0x16e: {  	v7 =	vld [tilespmem:s20+$0xFFFFFD00]  }
0x16f: {  	v8 =	vld [tilespmem:s20+$0xFFFFFCE0]  }
0x170: {  	v9 =	vld [tilespmem:s20+$0xFFFFFCF0]  }
0x171: {  	v10 =	vld [tilespmem:s20+$0xFFFFFD20]  }
0x172: {  	v11 =	vld [tilespmem:s20+$0xFFFFFD30]  }
0x173: {  	v12 =	vld [tilespmem:s20+$0xFFFFFD40]  }
0x174: {  	v13 =	vld [tilespmem:s20+$0xFFFFFD50]  }
0x175: {  	v36 =	vld [tilespmem:s20+$0xFFFFFD70];
	v7 =	vadd.f32 v7, v8;
	v6 =	vadd.f32 v6, v9  }
0x176: {  	v8 =	vld [tilespmem:s20+$0xFFFFFD60]  }
0x177: {  	v37 =	vld [tilespmem:s20+$0xFFFFFD80];
	v7 =	vadd.f32 v10, v7;
	v6 =	vadd.f32 v11, v6  }
0x178: {  	v38 =	vld [tilespmem:s20+$0xFFFFFD90]  }
0x179: {  	v39 =	vld [tilespmem:s20+$0xFFFFFDA0];
	v7 =	vadd.f32 v12, v7;
	v6 =	vadd.f32 v13, v6  }
0x17a: {  	v40 =	vld [tilespmem:s20+$0xFFFFFDB0]  }
0x17b: {  	v41 =	vld [tilespmem:s20+$0xFFFFFDD0];
	v7 =	vadd.f32 v8, v7;
	v6 =	vadd.f32 v36, v6  }
0x17c: {  	v8 =	vld [tilespmem:s20+$0xFFFFFDC0]  }
0x17d: {  	v42 =	vld [tilespmem:s20+$0xFFFFFDE0];
	v7 =	vadd.f32 v37, v7;
	v6 =	vadd.f32 v38, v6  }
0x17e: {  	v43 =	vld [tilespmem:s20+$0xFFFFFDF0]  }
0x17f: {  	v44 =	vld [tilespmem:s20+$0xFFFFFE00];
	v7 =	vadd.f32 v39, v7;
	v6 =	vadd.f32 v40, v6  }
0x180: {  	v45 =	vld [tilespmem:s20+$0xFFFFFE10]  }
0x181: {  	v46 =	vld [tilespmem:s20+$0xFFFFFE30];
	v7 =	vadd.f32 v8, v7;
	v6 =	vadd.f32 v41, v6  }
0x182: {  	v8 =	vld [tilespmem:s20+$0xFFFFFE20]  }
0x183: {  	v47 =	vld [tilespmem:s20+$0xFFFFFE40];
	v7 =	vadd.f32 v42, v7;
	v6 =	vadd.f32 v43, v6  }
0x184: {  	v48 =	vld [tilespmem:s20+$0xFFFFFE50]  }
0x185: {  	v49 =	vld [tilespmem:s20+$0xFFFFFE60];
	v7 =	vadd.f32 v44, v7;
	v6 =	vadd.f32 v45, v6  }
0x186: {  	v50 =	vld [tilespmem:s20+$0xFFFFFE70]  }
0x187: {  	v51 =	vld [tilespmem:s20+$0xFFFFFE90];
	v7 =	vadd.f32 v8, v7;
	v6 =	vadd.f32 v46, v6  }
0x188: {  	v8 =	vld [tilespmem:s20+$0xFFFFFE80]  }
0x189: {  	v52 =	vld [tilespmem:s20+$0xFFFFFEA0];
	v7 =	vadd.f32 v47, v7;
	v6 =	vadd.f32 v48, v6  }
0x18a: {  	v53 =	vld [tilespmem:s20+$0xFFFFFEB0]  }
0x18b: {  	v54 =	vld [tilespmem:s20+$0xFFFFFEC0];
	v7 =	vadd.f32 v49, v7;
	v6 =	vadd.f32 v50, v6  }
0x18c: {  	v55 =	vld [tilespmem:s20+$0xFFFFFED0]  }
0x18d: {  	v56 =	vld [tilespmem:s20+$0xFFFFFEF0];
	v7 =	vadd.f32 v8, v7;
	v6 =	vadd.f32 v51, v6  }
0x18e: {  	v8 =	vld [tilespmem:s20+$0xFFFFFEE0]  }
0x18f: {  	v57 =	vld [tilespmem:s20+$0xFFFFFF00];
	v7 =	vadd.f32 v52, v7;
	v6 =	vadd.f32 v53, v6  }
0x190: {  	v58 =	vld [tilespmem:s20+$0xFFFFFF10]  }
0x191: {  	v59 =	vld [tilespmem:s20+$0xFFFFFF20];
	v7 =	vadd.f32 v54, v7;
	v6 =	vadd.f32 v55, v6  }
0x192: {  	v60 =	vld [tilespmem:s20+$0xFFFFFF30]  }
0x193: {  	v61 =	vld [tilespmem:s20+$0xFFFFFF50];
	v7 =	vadd.f32 v8, v7;
	v6 =	vadd.f32 v56, v6  }
0x194: {  	v8 =	vld [tilespmem:s20+$0xFFFFFF40]  }
0x195: {  	v62 =	vld [tilespmem:s20+$0xFFFFFF60];
	v7 =	vadd.f32 v57, v7;
	v6 =	vadd.f32 v58, v6  }
0x196: {  	v63 =	vld [tilespmem:s20+$0xFFFFFF70]  }
0x197: {  	v16 =	vld [tilespmem:s20+$0xFFFFFF80];
	v7 =	vadd.f32 v59, v7;
	v6 =	vadd.f32 v60, v6  }
0x198: {  	v17 =	vld [tilespmem:s20+$0xFFFFFF90]  }
0x199: {  	v18 =	vld [tilespmem:s20+$0xFFFFFFB0];
	v7 =	vadd.f32 v8, v7;
	v6 =	vadd.f32 v61, v6  }
0x19a: {  	v8 =	vld [tilespmem:s20+$0xFFFFFFA0]  }
0x19b: {  	v19 =	vld [tilespmem:s20+$0xFFFFFFC0];
	v7 =	vadd.f32 v62, v7;
	v6 =	vadd.f32 v63, v6  }
0x19c: {  	v20 =	vld [tilespmem:s20+$0xFFFFFFD0]  }
0x19d: {  	v21 =	vld [tilespmem:s20+$0xFFFFFFE0];
	v7 =	vadd.f32 v16, v7;
	v6 =	vadd.f32 v17, v6  }
0x19e: {  	v22 =	vld [tilespmem:s20+$0xFFFFFFF0]  }
0x19f: {  	v23 =	vld [tilespmem:s20+$0x10];
	v7 =	vadd.f32 v8, v7;
	v6 =	vadd.f32 v18, v6  }
0x1a0: {  	v8 =	vld [tilespmem:s20+$0x0]  }
0x1a1: {  	v24 =	vld [tilespmem:s20+$0x20];
	v7 =	vadd.f32 v19, v7;
	v6 =	vadd.f32 v20, v6  }
0x1a2: {  	v25 =	vld [tilespmem:s20+$0x30]  }
0x1a3: {  	v26 =	vld [tilespmem:s20+$0x40];
	v7 =	vadd.f32 v21, v7;
	v6 =	vadd.f32 v22, v6  }
0x1a4: {  	v27 =	vld [tilespmem:s20+$0x50]  }
0x1a5: {  	v28 =	vld [tilespmem:s20+$0x70];
	v7 =	vadd.f32 v8, v7;
	v6 =	vadd.f32 v23, v6  }
0x1a6: {  	v8 =	vld [tilespmem:s20+$0x60]  }
0x1a7: {  	v29 =	vld [tilespmem:s20+$0x80];
	v7 =	vadd.f32 v24, v7;
	v6 =	vadd.f32 v25, v6  }
0x1a8: {  	v30 =	vld [tilespmem:s20+$0x90]  }
0x1a9: {  	v31 =	vld [tilespmem:s20+$0xA0];
	v7 =	vadd.f32 v26, v7;
	v6 =	vadd.f32 v27, v6  }
0x1aa: {  	v32 =	vld [tilespmem:s20+$0xB0]  }
0x1ab: {  	v33 =	vld [tilespmem:s20+$0xD0];
	v7 =	vadd.f32 v8, v7;
	v6 =	vadd.f32 v28, v6  }
0x1ac: {  	v8 =	vld [tilespmem:s20+$0xC0]  }
0x1ad: {  	v34 =	vld [tilespmem:s20+$0xE0];
	v7 =	vadd.f32 v29, v7;
	v6 =	vadd.f32 v30, v6  }
0x1ae: {  	v35 =	vld [tilespmem:s20+$0xF0]  }
0x1af: {  	v36 =	vld [tilespmem:s20+$0x100];
	v7 =	vadd.f32 v31, v7;
	v6 =	vadd.f32 v32, v6  }
0x1b0: {  	v37 =	vld [tilespmem:s20+$0x110]  }
0x1b1: {  	v38 =	vld [tilespmem:s20+$0x130];
	v7 =	vadd.f32 v8, v7;
	v6 =	vadd.f32 v33, v6  }
0x1b2: {  	v8 =	vld [tilespmem:s20+$0x120]  }
0x1b3: {  	v39 =	vld [tilespmem:s20+$0x140];
	v7 =	vadd.f32 v34, v7;
	v6 =	vadd.f32 v35, v6  }
0x1b4: {  	v40 =	vld [tilespmem:s20+$0x150]  }
0x1b5: {  	v41 =	vld [tilespmem:s20+$0x160];
	v7 =	vadd.f32 v36, v7;
	v6 =	vadd.f32 v37, v6  }
0x1b6: {  	v42 =	vld [tilespmem:s20+$0x170]  }
0x1b7: {  	v43 =	vld [tilespmem:s20+$0x190];
	v7 =	vadd.f32 v8, v7;
	v6 =	vadd.f32 v38, v6  }
0x1b8: {  	v8 =	vld [tilespmem:s20+$0x180]  }
0x1b9: {  	v44 =	vld [tilespmem:s20+$0x1A0];
	v7 =	vadd.f32 v39, v7;
	v6 =	vadd.f32 v40, v6  }
0x1ba: {  	v45 =	vld [tilespmem:s20+$0x1B0]  }
0x1bb: {  	v46 =	vld [tilespmem:s20+$0x1C0];
	v7 =	vadd.f32 v41, v7;
	v6 =	vadd.f32 v42, v6  }
0x1bc: {  	v47 =	vld [tilespmem:s20+$0x1D0]  }
0x1bd: {  	v48 =	vld [tilespmem:s20+$0x1F0];
	v7 =	vadd.f32 v8, v7;
	v6 =	vadd.f32 v43, v6  }
0x1be: {  	v8 =	vld [tilespmem:s20+$0x1E0]  }
0x1bf: {  	v49 =	vld [tilespmem:s20+$0x200];
	v7 =	vadd.f32 v44, v7;
	v6 =	vadd.f32 v45, v6  }
0x1c0: {  	v50 =	vld [tilespmem:s20+$0x210]  }
0x1c1: {  	v51 =	vld [tilespmem:s20+$0x220];
	v7 =	vadd.f32 v46, v7;
	v6 =	vadd.f32 v47, v6  }
0x1c2: {  	v52 =	vld [tilespmem:s20+$0x230]  }
0x1c3: {  	v53 =	vld [tilespmem:s20+$0x250];
	v7 =	vadd.f32 v8, v7;
	v6 =	vadd.f32 v48, v6  }
0x1c4: {  	v8 =	vld [tilespmem:s20+$0x240]  }
0x1c5: {  	v54 =	vld [tilespmem:s20+$0x260];
	v7 =	vadd.f32 v49, v7;
	v6 =	vadd.f32 v50, v6  }
0x1c6: {  	v55 =	vld [tilespmem:s20+$0x270]  }
0x1c7: {  	v56 =	vld [tilespmem:s20+$0x280];
	v7 =	vadd.f32 v51, v7;
	v6 =	vadd.f32 v52, v6  }
0x1c8: {  	v57 =	vld [tilespmem:s20+$0x290]  }
0x1c9: {  	v58 =	vld [tilespmem:s20+$0x2B0];
	v7 =	vadd.f32 v8, v7;
	v6 =	vadd.f32 v53, v6  }
0x1ca: {  	v8 =	vld [tilespmem:s20+$0x2A0]  }
0x1cb: {  	v59 =	vld [tilespmem:s20+$0x2C0];
	v7 =	vadd.f32 v54, v7;
	v6 =	vadd.f32 v55, v6  }
0x1cc: {  	v60 =	vld [tilespmem:s20+$0x2D0]  }
0x1cd: {  	v61 =	vld [tilespmem:s20+$0x2E0];
	v7 =	vadd.f32 v56, v7;
	v6 =	vadd.f32 v57, v6  }
0x1ce: {  	v62 =	vld [tilespmem:s20+$0x2F0]  }
0x1cf: {  	v63 =	vld [tilespmem:s20+$0x310];
	v7 =	vadd.f32 v8, v7;
	v6 =	vadd.f32 v58, v6  }
0x1d0: {  	v8 =	vld [tilespmem:s20+$0x300]  }
0x1d1: {  	v7 =	vadd.f32 v59, v7;
	v6 =	vadd.f32 v60, v6;
	_ =	sdelay $0x1  }
0x1d2: {  	v7 =	vadd.f32 v61, v7;
	v6 =	vadd.f32 v62, v6;
	_ =	sdelay $0x1  }
0x1d3: {  	v7 =	vadd.f32 v8, v7;
	v6 =	vadd.f32 v63, v6;
	_ =	sdelay $0x1  }
0x1d4: {  	v8 =	vmul.f32 v7, v0;
	v9 =	vmul.f32 v6, v1;
	_ =	sdelay $0x1  }
0x1d5: {  	v8 =	vadd.f32 v9, v8;
	_ =	sdelay $0x1  }
0x1d6: {  	(xrf2) =	vadd.scan.msk.f32 $0xffff, v8  }
0x1d7: {  	v7 =	vmul.f32 v7, v2;
	v6 =	vmul.f32 v6, v3;
	_ =	sdelay $0x1  }
0x1d8: {  	v6 =	vadd.f32 v6, v7;
	_ =	sdelay $0x1  }
0x1d9: {  	(xrf2) =	vadd.scan.msk.f32 $0xffff, v6;
	_ =	sdelay $0x4  }
0x1da: {  	s7 =	sshll.u32 s26, $0x5;
	v6, _, _ =	vpop (xrf2)  }
0x1db: {  	s26 =	simm.s32 $0x0;
	s3 =	sand.u32 $0x3FFFFFE0, s7;
	v6 =	vadd.f32 v6, v5  }
0x1dc: {  	s6 =	sand.u32 $0x18, s26;
	s3 =	sadd.s32 $0x13060, s3  }
0x1dd: {  	s4 =	sand.u32 $0x6, s26;
	s6 =	sadd.s32 s6, s3  }
0x1de: {  	s26 =	sadd.s32 s4, s6  }
0x1df: {  	s4 =	simm.s32 $0x2;
	[tilespmem:s26+$0x0] =	vst.msk vm0, v6;
	v6, _, _ =	vpop (xrf2)  }
.LBB2_5:
0x1e0: {  	p0 =	sne.s32 s4, $0x1E  }
0x1e1: {  	s20 =	sadd.s32 $0x640, s20;
	s6 =	smov.u32 s4;
	s4 =	sadd.s32 $0x2, s4  }
0x1e2: {  	v6 =	vadd.f32 v6, v4;
	_ =	sdelay $0x1  }
0x1e3: {  	[tilespmem:s26+$0x1] =	vst.msk vm0, v6  }
0x1e4: {  	v6 =	vld [tilespmem:s20+$0xFFFFFD10]  }
0x1e5: {  	v7 =	vld [tilespmem:s20+$0xFFFFFD00]  }
0x1e6: {  	v8 =	vld [tilespmem:s20+$0xFFFFFCE0]  }
0x1e7: {  	v9 =	vld [tilespmem:s20+$0xFFFFFCF0]  }
0x1e8: {  	v10 =	vld [tilespmem:s20+$0xFFFFFD20]  }
0x1e9: {  	v11 =	vld [tilespmem:s20+$0xFFFFFD30]  }
0x1ea: {  	v12 =	vld [tilespmem:s20+$0xFFFFFD40]  }
0x1eb: {  	v7 =	vadd.f32 v7, v8;
	v8 =	vld [tilespmem:s20+$0xFFFFFD50]  }
0x1ec: {  	v6 =	vadd.f32 v6, v9;
	v9 =	vld [tilespmem:s20+$0xFFFFFD60]  }
0x1ed: {  	v7 =	vadd.f32 v10, v7;
	v10 =	vld [tilespmem:s20+$0xFFFFFD70]  }
0x1ee: {  	v6 =	vadd.f32 v11, v6;
	v11 =	vld [tilespmem:s20+$0xFFFFFD80]  }
0x1ef: {  	v7 =	vadd.f32 v12, v7;
	v12 =	vld [tilespmem:s20+$0xFFFFFD90]  }
0x1f0: {  	v6 =	vadd.f32 v8, v6;
	v8 =	vld [tilespmem:s20+$0xFFFFFDA0]  }
0x1f1: {  	v7 =	vadd.f32 v9, v7;
	v9 =	vld [tilespmem:s20+$0xFFFFFDB0]  }
0x1f2: {  	v6 =	vadd.f32 v10, v6;
	v10 =	vld [tilespmem:s20+$0xFFFFFDC0]  }
0x1f3: {  	v7 =	vadd.f32 v11, v7;
	v11 =	vld [tilespmem:s20+$0xFFFFFDD0]  }
0x1f4: {  	v6 =	vadd.f32 v12, v6;
	v12 =	vld [tilespmem:s20+$0xFFFFFDE0]  }
0x1f5: {  	v7 =	vadd.f32 v8, v7;
	v8 =	vld [tilespmem:s20+$0xFFFFFDF0]  }
0x1f6: {  	v6 =	vadd.f32 v9, v6;
	v9 =	vld [tilespmem:s20+$0xFFFFFE00]  }
0x1f7: {  	v7 =	vadd.f32 v10, v7;
	v10 =	vld [tilespmem:s20+$0xFFFFFE10]  }
0x1f8: {  	v6 =	vadd.f32 v11, v6;
	v11 =	vld [tilespmem:s20+$0xFFFFFE20]  }
0x1f9: {  	v7 =	vadd.f32 v12, v7;
	v12 =	vld [tilespmem:s20+$0xFFFFFE30]  }
0x1fa: {  	v6 =	vadd.f32 v8, v6;
	v8 =	vld [tilespmem:s20+$0xFFFFFE40]  }
0x1fb: {  	v7 =	vadd.f32 v9, v7;
	v9 =	vld [tilespmem:s20+$0xFFFFFE50]  }
0x1fc: {  	v6 =	vadd.f32 v10, v6;
	v10 =	vld [tilespmem:s20+$0xFFFFFE60]  }
0x1fd: {  	v7 =	vadd.f32 v11, v7;
	v11 =	vld [tilespmem:s20+$0xFFFFFE70]  }
0x1fe: {  	v6 =	vadd.f32 v12, v6;
	v12 =	vld [tilespmem:s20+$0xFFFFFE80]  }
0x1ff: {  	v7 =	vadd.f32 v8, v7;
	v8 =	vld [tilespmem:s20+$0xFFFFFE90]  }
0x200: {  	v6 =	vadd.f32 v9, v6;
	v9 =	vld [tilespmem:s20+$0xFFFFFEA0]  }
0x201: {  	v7 =	vadd.f32 v10, v7;
	v10 =	vld [tilespmem:s20+$0xFFFFFEB0]  }
0x202: {  	v6 =	vadd.f32 v11, v6;
	v11 =	vld [tilespmem:s20+$0xFFFFFEC0]  }
0x203: {  	v7 =	vadd.f32 v12, v7;
	v12 =	vld [tilespmem:s20+$0xFFFFFED0]  }
0x204: {  	v6 =	vadd.f32 v8, v6;
	v8 =	vld [tilespmem:s20+$0xFFFFFEE0]  }
0x205: {  	v7 =	vadd.f32 v9, v7;
	v9 =	vld [tilespmem:s20+$0xFFFFFEF0]  }
0x206: {  	v6 =	vadd.f32 v10, v6;
	v10 =	vld [tilespmem:s20+$0xFFFFFF00]  }
0x207: {  	v7 =	vadd.f32 v11, v7;
	v11 =	vld [tilespmem:s20+$0xFFFFFF10]  }
0x208: {  	v6 =	vadd.f32 v12, v6;
	v12 =	vld [tilespmem:s20+$0xFFFFFF20]  }
0x209: {  	v7 =	vadd.f32 v8, v7;
	v8 =	vld [tilespmem:s20+$0xFFFFFF30]  }
0x20a: {  	v6 =	vadd.f32 v9, v6;
	v9 =	vld [tilespmem:s20+$0xFFFFFF40]  }
0x20b: {  	v7 =	vadd.f32 v10, v7;
	v10 =	vld [tilespmem:s20+$0xFFFFFF50]  }
0x20c: {  	v6 =	vadd.f32 v11, v6;
	v11 =	vld [tilespmem:s20+$0xFFFFFF60]  }
0x20d: {  	v7 =	vadd.f32 v12, v7;
	v12 =	vld [tilespmem:s20+$0xFFFFFF70]  }
0x20e: {  	v6 =	vadd.f32 v8, v6;
	v8 =	vld [tilespmem:s20+$0xFFFFFF80]  }
0x20f: {  	v7 =	vadd.f32 v9, v7;
	v9 =	vld [tilespmem:s20+$0xFFFFFF90]  }
0x210: {  	v6 =	vadd.f32 v10, v6;
	v10 =	vld [tilespmem:s20+$0xFFFFFFA0]  }
0x211: {  	v7 =	vadd.f32 v11, v7;
	v11 =	vld [tilespmem:s20+$0xFFFFFFB0]  }
0x212: {  	v6 =	vadd.f32 v12, v6;
	v12 =	vld [tilespmem:s20+$0xFFFFFFC0]  }
0x213: {  	v7 =	vadd.f32 v8, v7;
	v8 =	vld [tilespmem:s20+$0xFFFFFFD0]  }
0x214: {  	v6 =	vadd.f32 v9, v6;
	v9 =	vld [tilespmem:s20+$0xFFFFFFE0]  }
0x215: {  	v7 =	vadd.f32 v10, v7;
	v10 =	vld [tilespmem:s20+$0xFFFFFFF0]  }
0x216: {  	v6 =	vadd.f32 v11, v6;
	v11 =	vld [tilespmem:s20+$0x0]  }
0x217: {  	v7 =	vadd.f32 v12, v7;
	v12 =	vld [tilespmem:s20+$0x10]  }
0x218: {  	v6 =	vadd.f32 v8, v6;
	v8 =	vld [tilespmem:s20+$0x20]  }
0x219: {  	v7 =	vadd.f32 v9, v7;
	v9 =	vld [tilespmem:s20+$0x30]  }
0x21a: {  	v6 =	vadd.f32 v10, v6;
	v10 =	vld [tilespmem:s20+$0x40]  }
0x21b: {  	v7 =	vadd.f32 v11, v7;
	v11 =	vld [tilespmem:s20+$0x50]  }
0x21c: {  	v6 =	vadd.f32 v12, v6;
	v12 =	vld [tilespmem:s20+$0x60]  }
0x21d: {  	v7 =	vadd.f32 v8, v7;
	v8 =	vld [tilespmem:s20+$0x70]  }
0x21e: {  	v6 =	vadd.f32 v9, v6;
	v9 =	vld [tilespmem:s20+$0x80]  }
0x21f: {  	v7 =	vadd.f32 v10, v7;
	v10 =	vld [tilespmem:s20+$0x90]  }
0x220: {  	v6 =	vadd.f32 v11, v6;
	v11 =	vld [tilespmem:s20+$0xA0]  }
0x221: {  	v7 =	vadd.f32 v12, v7;
	v12 =	vld [tilespmem:s20+$0xB0]  }
0x222: {  	v6 =	vadd.f32 v8, v6;
	v8 =	vld [tilespmem:s20+$0xC0]  }
0x223: {  	v7 =	vadd.f32 v9, v7;
	v9 =	vld [tilespmem:s20+$0xD0]  }
0x224: {  	v6 =	vadd.f32 v10, v6;
	v10 =	vld [tilespmem:s20+$0xE0]  }
0x225: {  	v7 =	vadd.f32 v11, v7;
	v11 =	vld [tilespmem:s20+$0xF0]  }
0x226: {  	v6 =	vadd.f32 v12, v6;
	v12 =	vld [tilespmem:s20+$0x100]  }
0x227: {  	v7 =	vadd.f32 v8, v7;
	v8 =	vld [tilespmem:s20+$0x110]  }
0x228: {  	v6 =	vadd.f32 v9, v6;
	v9 =	vld [tilespmem:s20+$0x120]  }
0x229: {  	v7 =	vadd.f32 v10, v7;
	v10 =	vld [tilespmem:s20+$0x130]  }
0x22a: {  	v6 =	vadd.f32 v11, v6;
	v11 =	vld [tilespmem:s20+$0x140]  }
0x22b: {  	v7 =	vadd.f32 v12, v7;
	v12 =	vld [tilespmem:s20+$0x150]  }
0x22c: {  	v6 =	vadd.f32 v8, v6;
	v8 =	vld [tilespmem:s20+$0x160]  }
0x22d: {  	v7 =	vadd.f32 v9, v7;
	v9 =	vld [tilespmem:s20+$0x170]  }
0x22e: {  	v6 =	vadd.f32 v10, v6;
	v10 =	vld [tilespmem:s20+$0x180]  }
0x22f: {  	v7 =	vadd.f32 v11, v7;
	v11 =	vld [tilespmem:s20+$0x190]  }
0x230: {  	v6 =	vadd.f32 v12, v6;
	v12 =	vld [tilespmem:s20+$0x1A0]  }
0x231: {  	v7 =	vadd.f32 v8, v7;
	v8 =	vld [tilespmem:s20+$0x1B0]  }
0x232: {  	v6 =	vadd.f32 v9, v6;
	v9 =	vld [tilespmem:s20+$0x1C0]  }
0x233: {  	v7 =	vadd.f32 v10, v7;
	v10 =	vld [tilespmem:s20+$0x1D0]  }
0x234: {  	v6 =	vadd.f32 v11, v6;
	v11 =	vld [tilespmem:s20+$0x1E0]  }
0x235: {  	v7 =	vadd.f32 v12, v7;
	v12 =	vld [tilespmem:s20+$0x1F0]  }
0x236: {  	v6 =	vadd.f32 v8, v6;
	v8 =	vld [tilespmem:s20+$0x200]  }
0x237: {  	v7 =	vadd.f32 v9, v7;
	v9 =	vld [tilespmem:s20+$0x210]  }
0x238: {  	v6 =	vadd.f32 v10, v6;
	v10 =	vld [tilespmem:s20+$0x220]  }
0x239: {  	v7 =	vadd.f32 v11, v7;
	v11 =	vld [tilespmem:s20+$0x230]  }
0x23a: {  	v6 =	vadd.f32 v12, v6;
	v12 =	vld [tilespmem:s20+$0x240]  }
0x23b: {  	v7 =	vadd.f32 v8, v7;
	v8 =	vld [tilespmem:s20+$0x250]  }
0x23c: {  	v6 =	vadd.f32 v9, v6;
	v9 =	vld [tilespmem:s20+$0x260]  }
0x23d: {  	v7 =	vadd.f32 v10, v7;
	v10 =	vld [tilespmem:s20+$0x270]  }
0x23e: {  	v6 =	vadd.f32 v11, v6;
	v11 =	vld [tilespmem:s20+$0x280]  }
0x23f: {  	v7 =	vadd.f32 v12, v7;
	v12 =	vld [tilespmem:s20+$0x290]  }
0x240: {  	v6 =	vadd.f32 v8, v6;
	v8 =	vld [tilespmem:s20+$0x2A0]  }
0x241: {  	v7 =	vadd.f32 v9, v7;
	v9 =	vld [tilespmem:s20+$0x2B0]  }
0x242: {  	v6 =	vadd.f32 v10, v6;
	v10 =	vld [tilespmem:s20+$0x2C0]  }
0x243: {  	v7 =	vadd.f32 v11, v7;
	v11 =	vld [tilespmem:s20+$0x2D0]  }
0x244: {  	v6 =	vadd.f32 v12, v6;
	v12 =	vld [tilespmem:s20+$0x2E0]  }
0x245: {  	v7 =	vadd.f32 v8, v7;
	v8 =	vld [tilespmem:s20+$0x2F0]  }
0x246: {  	v6 =	vadd.f32 v9, v6;
	v9 =	vld [tilespmem:s20+$0x300]  }
0x247: {  	v7 =	vadd.f32 v10, v7;
	v10 =	vld [tilespmem:s20+$0x310]  }
0x248: {  	v6 =	vadd.f32 v11, v6  }
0x249: {  	v7 =	vadd.f32 v12, v7  }
0x24a: {  	v6 =	vadd.f32 v8, v6  }
0x24b: {  	v7 =	vadd.f32 v9, v7  }
0x24c: {  	v6 =	vadd.f32 v10, v6;
	_ =	sdelay $0x1  }
0x24d: {  	v8 =	vmul.f32 v7, v0;
	v9 =	vmul.f32 v6, v1  }
0x24e: {  	v7 =	vmul.f32 v7, v2;
	v6 =	vmul.f32 v6, v3  }
0x24f: {  	v8 =	vadd.f32 v9, v8  }
0x250: {  	v6 =	vadd.f32 v6, v7  }
0x251: {  	(xrf2) =	vadd.scan.msk.f32 $0xffff, v8;
	_ =	sdelay $0x2  }
0x252: {  	(xrf2) =	vadd.scan.msk.f32 $0xffff, v6;
	_ =	sdelay $0x5  }
.Ltmp1:
0x253: {  	(pc) =	sbr.rel @p0 .LBB2_5-.Ltmp1, $4  }
0x254: {  	s7 =	sand.u32 $0x18, s6;
	v6, _, _ =	vpop (xrf2)  }
0x255: {  	s6 =	sand.u32 $0x6, s6;
	s7 =	sadd.s32 s7, s3;
	v7 =	vadd.f32 v6, v5  }
0x256: {  	s26 =	sadd.s32 s6, s7  }
0x257: {  	[tilespmem:s26+$0x0] =	vst.msk vm0, v7;
	v6, _, _ =	vpop (xrf2)  }
0x258: {  	s24 =	sadd.s32 $0x1, s24  }
0x259: {  	p0 =	sne.s32 s24, $0xF  }
.Ltmp2:
0x25a: {  	_ = 	snop;
	(pc) =	sbr.rel @p0 .LBB2_2-.Ltmp2, $3  }
0x25b: {  	_ = 	snop  }
0x25c: {  	v6 =	vadd.f32 v6, v4;
	_ =	sdelay $0x1  }
0x25d: {  	[tilespmem:s26+$0x1] =	vst.msk vm0, v6  }
0x25e: {  	_ =	swait.ge [sflag:s29], $0xC80  }
0x25f: {  	[sflag:s29] =	ssyncset.done $0x0  }
0x260: {  	[sflag:s29] =	ssyncadd.s32 $0xFFFFF380  }
0x261: {  	_ =	swait.ge [sflag:s29], $0xC80  }
0x262: {  	[sflag:s29] =	ssyncset.done $0x0  }
0x263: {  	[sflag:s29] =	ssyncadd.s32 $0xFFFFF380  }
0x264: {  	_ =	swait.ge [sflag:s29], $0xC80  }
0x265: {  	[sflag:s29] =	ssyncset.done $0x0  }
0x266: {  	[sflag:s29] =	ssyncadd.s32 $0xFFFFF380  }
0x267: {  	_ =	swait.ge [sflag:s29], $0xC80  }
0x268: {  	[sflag:s29] =	ssyncset.done $0x0  }
0x269: {  	[sflag:s29] =	ssyncadd.s32 $0xFFFFF380  }
0x26a: {  	_ =	swait.ge [sflag:s29], $0xC80  }
0x26b: {  	[sflag:s29] =	ssyncset.done $0x0  }
0x26c: {  	[sflag:s29] =	ssyncadd.s32 $0xFFFFF380  }
0x26d: {  	_ =	swait.ge [sflag:s29], $0xC80  }
0x26e: {  	[sflag:s29] =	ssyncset.done $0x0  }
0x26f: {  	[sflag:s29] =	ssyncadd.s32 $0xFFFFF380  }
0x270: {  	_ =	swait.ge [sflag:s29], $0xC80  }
0x271: {  	[sflag:s29] =	ssyncset.done $0x0  }
0x272: {  	[sflag:s29] =	ssyncadd.s32 $0xFFFFF380  }
0x273: {  	_ =	swait.ge [sflag:s29], $0xC80  }
0x274: {  	[sflag:s29] =	ssyncset.done $0x0  }
0x275: {  	s3 =	simm.s32 $0x64C0;
	[sflag:s29] =	ssyncadd.s32 $0xFFFFF380  }
0x276: {  	[tilespmem:s30], [sflag:$0x2] =	stream.indirect.gather [hbm4b:s5+s12], $0x20, s3, s12, $0xb8;
	[tilespmem:$0x13470] =	vst v63  }
0x277: {  	s24 =	simm.s32 $0x6528  }
0x278: {  	[tilespmem:s31], [sflag:$0x2] =	stream.indirect.gather [hbm4b:s5+s12], $0x20, s24, s12, $0xb8;
	[tilespmem:$0x13470] =	vst v63  }
0x279: {  	s26 =	simm.s32 $0x6590  }
0x27a: {  	[tilespmem:s1], [sflag:$0x2] =	stream.indirect.gather [hbm4b:s5+s12], $0x20, s26, s12, $0xb8;
	[tilespmem:$0x13470] =	vst v63  }
0x27b: {  	s4 =	simm.s32 $0x65F8  }
0x27c: {  	[tilespmem:s0], [sflag:$0x2] =	stream.indirect.gather [hbm4b:s5+s12], $0x20, s4, s12, $0xb8;
	[tilespmem:$0x13470] =	vst v63  }
0x27d: {  	s6 =	simm.s32 $0x6660  }
0x27e: {  	[tilespmem:s10], [sflag:$0x2] =	stream.indirect.gather [hbm4b:s5+s12], $0x20, s6, s12, $0xb8;
	[tilespmem:$0x13470] =	vst v63  }
0x27f: {  	s7 =	simm.s32 $0x66C8  }
0x280: {  	[tilespmem:s11], [sflag:$0x2] =	stream.indirect.gather [hbm4b:s5+s12], $0x20, s7, s12, $0xb8;
	[tilespmem:$0x13470] =	vst v63  }
0x281: {  	s20 =	simm.s32 $0x6730  }
0x282: {  	[tilespmem:s14], [sflag:$0x2] =	stream.indirect.gather [hbm4b:s5+s12], $0x20, s20, s12, $0xb8;
	[tilespmem:$0x13470] =	vst v63  }
0x283: {  	s24 =	simm.s32 $0x6798;
	s20 =	simm.s32 $0x6B20  }
0x284: {  	[tilespmem:s16], [sflag:$0x2] =	stream.indirect.gather [hbm4b:s5+s12], $0x20, s24, s12, $0xb8;
	[tilespmem:$0x13470] =	vst v63  }
0x285: {  	v6 =	vld [tilespmem:s20+$0xFFFFFD10]  }
0x286: {  	v7 =	vld [tilespmem:s20+$0xFFFFFD00]  }
0x287: {  	v8 =	vld [tilespmem:s20+$0xFFFFFCE0]  }
0x288: {  	v9 =	vld [tilespmem:s20+$0xFFFFFCF0]  }
0x289: {  	v10 =	vld [tilespmem:s20+$0xFFFFFD20]  }
0x28a: {  	v11 =	vld [tilespmem:s20+$0xFFFFFD30]  }
0x28b: {  	v12 =	vld [tilespmem:s20+$0xFFFFFD40]  }
0x28c: {  	v13 =	vld [tilespmem:s20+$0xFFFFFD50]  }
0x28d: {  	v36 =	vld [tilespmem:s20+$0xFFFFFD70];
	v7 =	vadd.f32 v7, v8;
	v6 =	vadd.f32 v6, v9  }
0x28e: {  	v8 =	vld [tilespmem:s20+$0xFFFFFD60]  }
0x28f: {  	v37 =	vld [tilespmem:s20+$0xFFFFFD80];
	v7 =	vadd.f32 v10, v7;
	v6 =	vadd.f32 v11, v6  }
0x290: {  	v38 =	vld [tilespmem:s20+$0xFFFFFD90]  }
0x291: {  	v39 =	vld [tilespmem:s20+$0xFFFFFDA0];
	v7 =	vadd.f32 v12, v7;
	v6 =	vadd.f32 v13, v6  }
0x292: {  	v40 =	vld [tilespmem:s20+$0xFFFFFDB0]  }
0x293: {  	v41 =	vld [tilespmem:s20+$0xFFFFFDD0];
	v7 =	vadd.f32 v8, v7;
	v6 =	vadd.f32 v36, v6  }
0x294: {  	v8 =	vld [tilespmem:s20+$0xFFFFFDC0]  }
0x295: {  	v42 =	vld [tilespmem:s20+$0xFFFFFDE0];
	v7 =	vadd.f32 v37, v7;
	v6 =	vadd.f32 v38, v6  }
0x296: {  	v43 =	vld [tilespmem:s20+$0xFFFFFDF0]  }
0x297: {  	v44 =	vld [tilespmem:s20+$0xFFFFFE00];
	v7 =	vadd.f32 v39, v7;
	v6 =	vadd.f32 v40, v6  }
0x298: {  	v45 =	vld [tilespmem:s20+$0xFFFFFE10]  }
0x299: {  	v46 =	vld [tilespmem:s20+$0xFFFFFE30];
	v7 =	vadd.f32 v8, v7;
	v6 =	vadd.f32 v41, v6  }
0x29a: {  	v8 =	vld [tilespmem:s20+$0xFFFFFE20]  }
0x29b: {  	v47 =	vld [tilespmem:s20+$0xFFFFFE40];
	v7 =	vadd.f32 v42, v7;
	v6 =	vadd.f32 v43, v6  }
0x29c: {  	v48 =	vld [tilespmem:s20+$0xFFFFFE50]  }
0x29d: {  	v49 =	vld [tilespmem:s20+$0xFFFFFE60];
	v7 =	vadd.f32 v44, v7;
	v6 =	vadd.f32 v45, v6  }
0x29e: {  	v50 =	vld [tilespmem:s20+$0xFFFFFE70]  }
0x29f: {  	v51 =	vld [tilespmem:s20+$0xFFFFFE90];
	v7 =	vadd.f32 v8, v7;
	v6 =	vadd.f32 v46, v6  }
0x2a0: {  	v8 =	vld [tilespmem:s20+$0xFFFFFE80]  }
0x2a1: {  	v52 =	vld [tilespmem:s20+$0xFFFFFEA0];
	v7 =	vadd.f32 v47, v7;
	v6 =	vadd.f32 v48, v6  }
0x2a2: {  	v53 =	vld [tilespmem:s20+$0xFFFFFEB0]  }
0x2a3: {  	v54 =	vld [tilespmem:s20+$0xFFFFFEC0];
	v7 =	vadd.f32 v49, v7;
	v6 =	vadd.f32 v50, v6  }
0x2a4: {  	v55 =	vld [tilespmem:s20+$0xFFFFFED0]  }
0x2a5: {  	v56 =	vld [tilespmem:s20+$0xFFFFFEF0];
	v7 =	vadd.f32 v8, v7;
	v6 =	vadd.f32 v51, v6  }
0x2a6: {  	v8 =	vld [tilespmem:s20+$0xFFFFFEE0]  }
0x2a7: {  	v57 =	vld [tilespmem:s20+$0xFFFFFF00];
	v7 =	vadd.f32 v52, v7;
	v6 =	vadd.f32 v53, v6  }
0x2a8: {  	v58 =	vld [tilespmem:s20+$0xFFFFFF10]  }
0x2a9: {  	v59 =	vld [tilespmem:s20+$0xFFFFFF20];
	v7 =	vadd.f32 v54, v7;
	v6 =	vadd.f32 v55, v6  }
0x2aa: {  	v60 =	vld [tilespmem:s20+$0xFFFFFF30]  }
0x2ab: {  	v61 =	vld [tilespmem:s20+$0xFFFFFF50];
	v7 =	vadd.f32 v8, v7;
	v6 =	vadd.f32 v56, v6  }
0x2ac: {  	v8 =	vld [tilespmem:s20+$0xFFFFFF40]  }
0x2ad: {  	v62 =	vld [tilespmem:s20+$0xFFFFFF60];
	v7 =	vadd.f32 v57, v7;
	v6 =	vadd.f32 v58, v6  }
0x2ae: {  	v63 =	vld [tilespmem:s20+$0xFFFFFF70]  }
0x2af: {  	v16 =	vld [tilespmem:s20+$0xFFFFFF80];
	v7 =	vadd.f32 v59, v7;
	v6 =	vadd.f32 v60, v6  }
0x2b0: {  	v17 =	vld [tilespmem:s20+$0xFFFFFF90]  }
0x2b1: {  	v18 =	vld [tilespmem:s20+$0xFFFFFFB0];
	v7 =	vadd.f32 v8, v7;
	v6 =	vadd.f32 v61, v6  }
0x2b2: {  	v8 =	vld [tilespmem:s20+$0xFFFFFFA0]  }
0x2b3: {  	v19 =	vld [tilespmem:s20+$0xFFFFFFC0];
	v7 =	vadd.f32 v62, v7;
	v6 =	vadd.f32 v63, v6  }
0x2b4: {  	v20 =	vld [tilespmem:s20+$0xFFFFFFD0]  }
0x2b5: {  	v21 =	vld [tilespmem:s20+$0xFFFFFFE0];
	v7 =	vadd.f32 v16, v7;
	v6 =	vadd.f32 v17, v6  }
0x2b6: {  	v22 =	vld [tilespmem:s20+$0xFFFFFFF0]  }
0x2b7: {  	v23 =	vld [tilespmem:s20+$0x10];
	v7 =	vadd.f32 v8, v7;
	v6 =	vadd.f32 v18, v6  }
0x2b8: {  	v8 =	vld [tilespmem:s20+$0x0]  }
0x2b9: {  	v24 =	vld [tilespmem:s20+$0x20];
	v7 =	vadd.f32 v19, v7;
	v6 =	vadd.f32 v20, v6  }
0x2ba: {  	v25 =	vld [tilespmem:s20+$0x30]  }
0x2bb: {  	v26 =	vld [tilespmem:s20+$0x40];
	v7 =	vadd.f32 v21, v7;
	v6 =	vadd.f32 v22, v6  }
0x2bc: {  	v27 =	vld [tilespmem:s20+$0x50]  }
0x2bd: {  	v28 =	vld [tilespmem:s20+$0x70];
	v7 =	vadd.f32 v8, v7;
	v6 =	vadd.f32 v23, v6  }
0x2be: {  	v8 =	vld [tilespmem:s20+$0x60]  }
0x2bf: {  	v29 =	vld [tilespmem:s20+$0x80];
	v7 =	vadd.f32 v24, v7;
	v6 =	vadd.f32 v25, v6  }
0x2c0: {  	v30 =	vld [tilespmem:s20+$0x90]  }
0x2c1: {  	v31 =	vld [tilespmem:s20+$0xA0];
	v7 =	vadd.f32 v26, v7;
	v6 =	vadd.f32 v27, v6  }
0x2c2: {  	v32 =	vld [tilespmem:s20+$0xB0]  }
0x2c3: {  	v33 =	vld [tilespmem:s20+$0xD0];
	v7 =	vadd.f32 v8, v7;
	v6 =	vadd.f32 v28, v6  }
0x2c4: {  	v8 =	vld [tilespmem:s20+$0xC0]  }
0x2c5: {  	v34 =	vld [tilespmem:s20+$0xE0];
	v7 =	vadd.f32 v29, v7;
	v6 =	vadd.f32 v30, v6  }
0x2c6: {  	v35 =	vld [tilespmem:s20+$0xF0]  }
0x2c7: {  	v36 =	vld [tilespmem:s20+$0x100];
	v7 =	vadd.f32 v31, v7;
	v6 =	vadd.f32 v32, v6  }
0x2c8: {  	v37 =	vld [tilespmem:s20+$0x110]  }
0x2c9: {  	v38 =	vld [tilespmem:s20+$0x130];
	v7 =	vadd.f32 v8, v7;
	v6 =	vadd.f32 v33, v6  }
0x2ca: {  	v8 =	vld [tilespmem:s20+$0x120]  }
0x2cb: {  	v39 =	vld [tilespmem:s20+$0x140];
	v7 =	vadd.f32 v34, v7;
	v6 =	vadd.f32 v35, v6  }
0x2cc: {  	v40 =	vld [tilespmem:s20+$0x150]  }
0x2cd: {  	v41 =	vld [tilespmem:s20+$0x160];
	v7 =	vadd.f32 v36, v7;
	v6 =	vadd.f32 v37, v6  }
0x2ce: {  	v42 =	vld [tilespmem:s20+$0x170]  }
0x2cf: {  	v43 =	vld [tilespmem:s20+$0x190];
	v7 =	vadd.f32 v8, v7;
	v6 =	vadd.f32 v38, v6  }
0x2d0: {  	v8 =	vld [tilespmem:s20+$0x180]  }
0x2d1: {  	v44 =	vld [tilespmem:s20+$0x1A0];
	v7 =	vadd.f32 v39, v7;
	v6 =	vadd.f32 v40, v6  }
0x2d2: {  	v45 =	vld [tilespmem:s20+$0x1B0]  }
0x2d3: {  	v46 =	vld [tilespmem:s20+$0x1C0];
	v7 =	vadd.f32 v41, v7;
	v6 =	vadd.f32 v42, v6  }
0x2d4: {  	v47 =	vld [tilespmem:s20+$0x1D0]  }
0x2d5: {  	v48 =	vld [tilespmem:s20+$0x1F0];
	v7 =	vadd.f32 v8, v7;
	v6 =	vadd.f32 v43, v6  }
0x2d6: {  	v8 =	vld [tilespmem:s20+$0x1E0]  }
0x2d7: {  	v49 =	vld [tilespmem:s20+$0x200];
	v7 =	vadd.f32 v44, v7;
	v6 =	vadd.f32 v45, v6  }
0x2d8: {  	v50 =	vld [tilespmem:s20+$0x210]  }
0x2d9: {  	v51 =	vld [tilespmem:s20+$0x220];
	v7 =	vadd.f32 v46, v7;
	v6 =	vadd.f32 v47, v6  }
0x2da: {  	v52 =	vld [tilespmem:s20+$0x230]  }
0x2db: {  	v53 =	vld [tilespmem:s20+$0x250];
	v7 =	vadd.f32 v8, v7;
	v6 =	vadd.f32 v48, v6  }
0x2dc: {  	v8 =	vld [tilespmem:s20+$0x240]  }
0x2dd: {  	v54 =	vld [tilespmem:s20+$0x260];
	v7 =	vadd.f32 v49, v7;
	v6 =	vadd.f32 v50, v6  }
0x2de: {  	v55 =	vld [tilespmem:s20+$0x270]  }
0x2df: {  	v56 =	vld [tilespmem:s20+$0x280];
	v7 =	vadd.f32 v51, v7;
	v6 =	vadd.f32 v52, v6  }
0x2e0: {  	v57 =	vld [tilespmem:s20+$0x290]  }
0x2e1: {  	v58 =	vld [tilespmem:s20+$0x2B0];
	v7 =	vadd.f32 v8, v7;
	v6 =	vadd.f32 v53, v6  }
0x2e2: {  	v8 =	vld [tilespmem:s20+$0x2A0]  }
0x2e3: {  	v59 =	vld [tilespmem:s20+$0x2C0];
	v7 =	vadd.f32 v54, v7;
	v6 =	vadd.f32 v55, v6  }
0x2e4: {  	v60 =	vld [tilespmem:s20+$0x2D0]  }
0x2e5: {  	v61 =	vld [tilespmem:s20+$0x2E0];
	v7 =	vadd.f32 v56, v7;
	v6 =	vadd.f32 v57, v6  }
0x2e6: {  	v62 =	vld [tilespmem:s20+$0x2F0]  }
0x2e7: {  	v63 =	vld [tilespmem:s20+$0x310];
	v7 =	vadd.f32 v8, v7;
	v6 =	vadd.f32 v58, v6  }
0x2e8: {  	v8 =	vld [tilespmem:s20+$0x300]  }
0x2e9: {  	v7 =	vadd.f32 v59, v7;
	v6 =	vadd.f32 v60, v6;
	_ =	sdelay $0x1  }
0x2ea: {  	v7 =	vadd.f32 v61, v7;
	v6 =	vadd.f32 v62, v6;
	_ =	sdelay $0x1  }
0x2eb: {  	v7 =	vadd.f32 v8, v7;
	v6 =	vadd.f32 v63, v6;
	_ =	sdelay $0x1  }
0x2ec: {  	v8 =	vmul.f32 v7, v0;
	v9 =	vmul.f32 v6, v1;
	_ =	sdelay $0x1  }
0x2ed: {  	v8 =	vadd.f32 v9, v8;
	_ =	sdelay $0x1  }
0x2ee: {  	(xrf2) =	vadd.scan.msk.f32 $0xffff, v8  }
0x2ef: {  	v7 =	vmul.f32 v7, v2;
	v6 =	vmul.f32 v6, v3;
	_ =	sdelay $0x1  }
0x2f0: {  	v6 =	vadd.f32 v6, v7;
	_ =	sdelay $0x1  }
0x2f1: {  	(xrf2) =	vadd.scan.msk.f32 $0xffff, v6;
	_ =	sdelay $0x4  }
0x2f2: {  	v6, _, _ =	vpop (xrf2)  }
0x2f3: {  	v6 =	vadd.f32 v6, v5  }
0x2f4: {  	s26 =	simm.s32 $0x0  }
0x2f5: {  	s3 =	sand.u32 $0x1E, s26  }
0x2f6: {  	s4 =	sor.u32 $0x13420, s3  }
0x2f7: {  	s3 =	simm.s32 $0x13421;
	s24 =	simm.s32 $0x2;
	[tilespmem:s4+$0x0] =	vst.msk vm0, v6;
	s4 =	simm.s32 $0x13421;
	v6, _, _ =	vpop (xrf2)  }
.LBB2_8:
0x2f8: {  	p0 =	sne.s32 s24, $0x1E;
	s3 =	sadd.s32 $0x2, s3;
	s20 =	sadd.s32 $0x640, s20  }
0x2f9: {  	v6 =	vadd.f32 v6, v4;
	s6 =	smov.u32 s24;
	s24 =	sadd.s32 $0x2, s24;
	_ =	sdelay $0x1  }
0x2fa: {  	[tilespmem:s4+$0x0] =	vst.msk vm0, v6;
	s4 =	smov.u32 s3  }
0x2fb: {  	v6 =	vld [tilespmem:s20+$0xFFFFFD10]  }
0x2fc: {  	v7 =	vld [tilespmem:s20+$0xFFFFFD00]  }
0x2fd: {  	v8 =	vld [tilespmem:s20+$0xFFFFFCE0]  }
0x2fe: {  	v9 =	vld [tilespmem:s20+$0xFFFFFCF0]  }
0x2ff: {  	v10 =	vld [tilespmem:s20+$0xFFFFFD20]  }
0x300: {  	v11 =	vld [tilespmem:s20+$0xFFFFFD30]  }
0x301: {  	v12 =	vld [tilespmem:s20+$0xFFFFFD40]  }
0x302: {  	v7 =	vadd.f32 v7, v8;
	v8 =	vld [tilespmem:s20+$0xFFFFFD50]  }
0x303: {  	v6 =	vadd.f32 v6, v9;
	v9 =	vld [tilespmem:s20+$0xFFFFFD60]  }
0x304: {  	v7 =	vadd.f32 v10, v7;
	v10 =	vld [tilespmem:s20+$0xFFFFFD70]  }
0x305: {  	v6 =	vadd.f32 v11, v6;
	v11 =	vld [tilespmem:s20+$0xFFFFFD80]  }
0x306: {  	v7 =	vadd.f32 v12, v7;
	v12 =	vld [tilespmem:s20+$0xFFFFFD90]  }
0x307: {  	v6 =	vadd.f32 v8, v6;
	v8 =	vld [tilespmem:s20+$0xFFFFFDA0]  }
0x308: {  	v7 =	vadd.f32 v9, v7;
	v9 =	vld [tilespmem:s20+$0xFFFFFDB0]  }
0x309: {  	v6 =	vadd.f32 v10, v6;
	v10 =	vld [tilespmem:s20+$0xFFFFFDC0]  }
0x30a: {  	v7 =	vadd.f32 v11, v7;
	v11 =	vld [tilespmem:s20+$0xFFFFFDD0]  }
0x30b: {  	v6 =	vadd.f32 v12, v6;
	v12 =	vld [tilespmem:s20+$0xFFFFFDE0]  }
0x30c: {  	v7 =	vadd.f32 v8, v7;
	v8 =	vld [tilespmem:s20+$0xFFFFFDF0]  }
0x30d: {  	v6 =	vadd.f32 v9, v6;
	v9 =	vld [tilespmem:s20+$0xFFFFFE00]  }
0x30e: {  	v7 =	vadd.f32 v10, v7;
	v10 =	vld [tilespmem:s20+$0xFFFFFE10]  }
0x30f: {  	v6 =	vadd.f32 v11, v6;
	v11 =	vld [tilespmem:s20+$0xFFFFFE20]  }
0x310: {  	v7 =	vadd.f32 v12, v7;
	v12 =	vld [tilespmem:s20+$0xFFFFFE30]  }
0x311: {  	v6 =	vadd.f32 v8, v6;
	v8 =	vld [tilespmem:s20+$0xFFFFFE40]  }
0x312: {  	v7 =	vadd.f32 v9, v7;
	v9 =	vld [tilespmem:s20+$0xFFFFFE50]  }
0x313: {  	v6 =	vadd.f32 v10, v6;
	v10 =	vld [tilespmem:s20+$0xFFFFFE60]  }
0x314: {  	v7 =	vadd.f32 v11, v7;
	v11 =	vld [tilespmem:s20+$0xFFFFFE70]  }
0x315: {  	v6 =	vadd.f32 v12, v6;
	v12 =	vld [tilespmem:s20+$0xFFFFFE80]  }
0x316: {  	v7 =	vadd.f32 v8, v7;
	v8 =	vld [tilespmem:s20+$0xFFFFFE90]  }
0x317: {  	v6 =	vadd.f32 v9, v6;
	v9 =	vld [tilespmem:s20+$0xFFFFFEA0]  }
0x318: {  	v7 =	vadd.f32 v10, v7;
	v10 =	vld [tilespmem:s20+$0xFFFFFEB0]  }
0x319: {  	v6 =	vadd.f32 v11, v6;
	v11 =	vld [tilespmem:s20+$0xFFFFFEC0]  }
0x31a: {  	v7 =	vadd.f32 v12, v7;
	v12 =	vld [tilespmem:s20+$0xFFFFFED0]  }
0x31b: {  	v6 =	vadd.f32 v8, v6;
	v8 =	vld [tilespmem:s20+$0xFFFFFEE0]  }
0x31c: {  	v7 =	vadd.f32 v9, v7;
	v9 =	vld [tilespmem:s20+$0xFFFFFEF0]  }
0x31d: {  	v6 =	vadd.f32 v10, v6;
	v10 =	vld [tilespmem:s20+$0xFFFFFF00]  }
0x31e: {  	v7 =	vadd.f32 v11, v7;
	v11 =	vld [tilespmem:s20+$0xFFFFFF10]  }
0x31f: {  	v6 =	vadd.f32 v12, v6;
	v12 =	vld [tilespmem:s20+$0xFFFFFF20]  }
0x320: {  	v7 =	vadd.f32 v8, v7;
	v8 =	vld [tilespmem:s20+$0xFFFFFF30]  }
0x321: {  	v6 =	vadd.f32 v9, v6;
	v9 =	vld [tilespmem:s20+$0xFFFFFF40]  }
0x322: {  	v7 =	vadd.f32 v10, v7;
	v10 =	vld [tilespmem:s20+$0xFFFFFF50]  }
0x323: {  	v6 =	vadd.f32 v11, v6;
	v11 =	vld [tilespmem:s20+$0xFFFFFF60]  }
0x324: {  	v7 =	vadd.f32 v12, v7;
	v12 =	vld [tilespmem:s20+$0xFFFFFF70]  }
0x325: {  	v6 =	vadd.f32 v8, v6;
	v8 =	vld [tilespmem:s20+$0xFFFFFF80]  }
0x326: {  	v7 =	vadd.f32 v9, v7;
	v9 =	vld [tilespmem:s20+$0xFFFFFF90]  }
0x327: {  	v6 =	vadd.f32 v10, v6;
	v10 =	vld [tilespmem:s20+$0xFFFFFFA0]  }
0x328: {  	v7 =	vadd.f32 v11, v7;
	v11 =	vld [tilespmem:s20+$0xFFFFFFB0]  }
0x329: {  	v6 =	vadd.f32 v12, v6;
	v12 =	vld [tilespmem:s20+$0xFFFFFFC0]  }
0x32a: {  	v7 =	vadd.f32 v8, v7;
	v8 =	vld [tilespmem:s20+$0xFFFFFFD0]  }
0x32b: {  	v6 =	vadd.f32 v9, v6;
	v9 =	vld [tilespmem:s20+$0xFFFFFFE0]  }
0x32c: {  	v7 =	vadd.f32 v10, v7;
	v10 =	vld [tilespmem:s20+$0xFFFFFFF0]  }
0x32d: {  	v6 =	vadd.f32 v11, v6;
	v11 =	vld [tilespmem:s20+$0x0]  }
0x32e: {  	v7 =	vadd.f32 v12, v7;
	v12 =	vld [tilespmem:s20+$0x10]  }
0x32f: {  	v6 =	vadd.f32 v8, v6;
	v8 =	vld [tilespmem:s20+$0x20]  }
0x330: {  	v7 =	vadd.f32 v9, v7;
	v9 =	vld [tilespmem:s20+$0x30]  }
0x331: {  	v6 =	vadd.f32 v10, v6;
	v10 =	vld [tilespmem:s20+$0x40]  }
0x332: {  	v7 =	vadd.f32 v11, v7;
	v11 =	vld [tilespmem:s20+$0x50]  }
0x333: {  	v6 =	vadd.f32 v12, v6;
	v12 =	vld [tilespmem:s20+$0x60]  }
0x334: {  	v7 =	vadd.f32 v8, v7;
	v8 =	vld [tilespmem:s20+$0x70]  }
0x335: {  	v6 =	vadd.f32 v9, v6;
	v9 =	vld [tilespmem:s20+$0x80]  }
0x336: {  	v7 =	vadd.f32 v10, v7;
	v10 =	vld [tilespmem:s20+$0x90]  }
0x337: {  	v6 =	vadd.f32 v11, v6;
	v11 =	vld [tilespmem:s20+$0xA0]  }
0x338: {  	v7 =	vadd.f32 v12, v7;
	v12 =	vld [tilespmem:s20+$0xB0]  }
0x339: {  	v6 =	vadd.f32 v8, v6;
	v8 =	vld [tilespmem:s20+$0xC0]  }
0x33a: {  	v7 =	vadd.f32 v9, v7;
	v9 =	vld [tilespmem:s20+$0xD0]  }
0x33b: {  	v6 =	vadd.f32 v10, v6;
	v10 =	vld [tilespmem:s20+$0xE0]  }
0x33c: {  	v7 =	vadd.f32 v11, v7;
	v11 =	vld [tilespmem:s20+$0xF0]  }
0x33d: {  	v6 =	vadd.f32 v12, v6;
	v12 =	vld [tilespmem:s20+$0x100]  }
0x33e: {  	v7 =	vadd.f32 v8, v7;
	v8 =	vld [tilespmem:s20+$0x110]  }
0x33f: {  	v6 =	vadd.f32 v9, v6;
	v9 =	vld [tilespmem:s20+$0x120]  }
0x340: {  	v7 =	vadd.f32 v10, v7;
	v10 =	vld [tilespmem:s20+$0x130]  }
0x341: {  	v6 =	vadd.f32 v11, v6;
	v11 =	vld [tilespmem:s20+$0x140]  }
0x342: {  	v7 =	vadd.f32 v12, v7;
	v12 =	vld [tilespmem:s20+$0x150]  }
0x343: {  	v6 =	vadd.f32 v8, v6;
	v8 =	vld [tilespmem:s20+$0x160]  }
0x344: {  	v7 =	vadd.f32 v9, v7;
	v9 =	vld [tilespmem:s20+$0x170]  }
0x345: {  	v6 =	vadd.f32 v10, v6;
	v10 =	vld [tilespmem:s20+$0x180]  }
0x346: {  	v7 =	vadd.f32 v11, v7;
	v11 =	vld [tilespmem:s20+$0x190]  }
0x347: {  	v6 =	vadd.f32 v12, v6;
	v12 =	vld [tilespmem:s20+$0x1A0]  }
0x348: {  	v7 =	vadd.f32 v8, v7;
	v8 =	vld [tilespmem:s20+$0x1B0]  }
0x349: {  	v6 =	vadd.f32 v9, v6;
	v9 =	vld [tilespmem:s20+$0x1C0]  }
0x34a: {  	v7 =	vadd.f32 v10, v7;
	v10 =	vld [tilespmem:s20+$0x1D0]  }
0x34b: {  	v6 =	vadd.f32 v11, v6;
	v11 =	vld [tilespmem:s20+$0x1E0]  }
0x34c: {  	v7 =	vadd.f32 v12, v7;
	v12 =	vld [tilespmem:s20+$0x1F0]  }
0x34d: {  	v6 =	vadd.f32 v8, v6;
	v8 =	vld [tilespmem:s20+$0x200]  }
0x34e: {  	v7 =	vadd.f32 v9, v7;
	v9 =	vld [tilespmem:s20+$0x210]  }
0x34f: {  	v6 =	vadd.f32 v10, v6;
	v10 =	vld [tilespmem:s20+$0x220]  }
0x350: {  	v7 =	vadd.f32 v11, v7;
	v11 =	vld [tilespmem:s20+$0x230]  }
0x351: {  	v6 =	vadd.f32 v12, v6;
	v12 =	vld [tilespmem:s20+$0x240]  }
0x352: {  	v7 =	vadd.f32 v8, v7;
	v8 =	vld [tilespmem:s20+$0x250]  }
0x353: {  	v6 =	vadd.f32 v9, v6;
	v9 =	vld [tilespmem:s20+$0x260]  }
0x354: {  	v7 =	vadd.f32 v10, v7;
	v10 =	vld [tilespmem:s20+$0x270]  }
0x355: {  	v6 =	vadd.f32 v11, v6;
	v11 =	vld [tilespmem:s20+$0x280]  }
0x356: {  	v7 =	vadd.f32 v12, v7;
	v12 =	vld [tilespmem:s20+$0x290]  }
0x357: {  	v6 =	vadd.f32 v8, v6;
	v8 =	vld [tilespmem:s20+$0x2A0]  }
0x358: {  	v7 =	vadd.f32 v9, v7;
	v9 =	vld [tilespmem:s20+$0x2B0]  }
0x359: {  	v6 =	vadd.f32 v10, v6;
	v10 =	vld [tilespmem:s20+$0x2C0]  }
0x35a: {  	v7 =	vadd.f32 v11, v7;
	v11 =	vld [tilespmem:s20+$0x2D0]  }
0x35b: {  	v6 =	vadd.f32 v12, v6;
	v12 =	vld [tilespmem:s20+$0x2E0]  }
0x35c: {  	v7 =	vadd.f32 v8, v7;
	v8 =	vld [tilespmem:s20+$0x2F0]  }
0x35d: {  	v6 =	vadd.f32 v9, v6;
	v9 =	vld [tilespmem:s20+$0x300]  }
0x35e: {  	v7 =	vadd.f32 v10, v7;
	v10 =	vld [tilespmem:s20+$0x310]  }
0x35f: {  	v6 =	vadd.f32 v11, v6  }
0x360: {  	v7 =	vadd.f32 v12, v7  }
0x361: {  	v6 =	vadd.f32 v8, v6  }
0x362: {  	v7 =	vadd.f32 v9, v7  }
0x363: {  	v6 =	vadd.f32 v10, v6;
	_ =	sdelay $0x1  }
0x364: {  	v8 =	vmul.f32 v7, v0;
	v9 =	vmul.f32 v6, v1  }
0x365: {  	v7 =	vmul.f32 v7, v2;
	v6 =	vmul.f32 v6, v3  }
0x366: {  	v8 =	vadd.f32 v9, v8  }
0x367: {  	v6 =	vadd.f32 v6, v7  }
0x368: {  	(xrf2) =	vadd.scan.msk.f32 $0xffff, v8;
	_ =	sdelay $0x2  }
0x369: {  	(xrf2) =	vadd.scan.msk.f32 $0xffff, v6;
	_ =	sdelay $0x5  }
.Ltmp3:
0x36a: {  	(pc) =	sbr.rel @p0 .LBB2_8-.Ltmp3, $4  }
0x36b: {  	v6, _, _ =	vpop (xrf2)  }
0x36c: {  	s6 =	sand.u32 $0x1E, s6;
	v7 =	vadd.f32 v6, v5  }
0x36d: {  	s6 =	sor.u32 $0x13420, s6  }
0x36e: {  	[tilespmem:s6+$0x0] =	vst.msk vm0, v7;
	v6, _, _ =	vpop (xrf2)  }
0x36f: {  	v6 =	vadd.f32 v6, v4;
	_ =	sdelay $0x1  }
0x370: {  	[tilespmem:s4+$0x0] =	vst.msk vm0, v6  }
0x371: {  	_ =	swait.ge [sflag:s18], $0xC80  }
0x372: {  	[sflag:s18] =	ssyncset.done $0x0  }
0x373: {  	[sflag:s18] =	ssyncadd.s32 $0xFFFFF380  }
0x374: {  	_ =	swait.ge [sflag:s18], $0xC80  }
0x375: {  	[sflag:s18] =	ssyncset.done $0x0  }
0x376: {  	[sflag:s18] =	ssyncadd.s32 $0xFFFFF380  }
0x377: {  	_ =	swait.ge [sflag:s18], $0xC80  }
0x378: {  	[sflag:s18] =	ssyncset.done $0x0  }
0x379: {  	[sflag:s18] =	ssyncadd.s32 $0xFFFFF380  }
0x37a: {  	_ =	swait.ge [sflag:s18], $0xC80  }
0x37b: {  	[sflag:s18] =	ssyncset.done $0x0  }
0x37c: {  	[sflag:s18] =	ssyncadd.s32 $0xFFFFF380  }
0x37d: {  	_ =	swait.ge [sflag:s18], $0xC80  }
0x37e: {  	[sflag:s18] =	ssyncset.done $0x0  }
0x37f: {  	[sflag:s18] =	ssyncadd.s32 $0xFFFFF380  }
0x380: {  	_ =	swait.ge [sflag:s18], $0xC80  }
0x381: {  	[sflag:s18] =	ssyncset.done $0x0  }
0x382: {  	[sflag:s18] =	ssyncadd.s32 $0xFFFFF380  }
0x383: {  	_ =	swait.ge [sflag:s18], $0xC80  }
0x384: {  	[sflag:s18] =	ssyncset.done $0x0  }
0x385: {  	[sflag:s18] =	ssyncadd.s32 $0xFFFFF380  }
0x386: {  	_ =	swait.ge [sflag:s18], $0xC80  }
0x387: {  	[sflag:s18] =	ssyncset.done $0x0  }
0x388: {  	s20 =	simm.s32 $0xCF20;
	[sflag:s18] =	ssyncadd.s32 $0xFFFFF380  }
0x389: {  	v6 =	vld [tilespmem:s20+$0xFFFFFD10]  }
0x38a: {  	v7 =	vld [tilespmem:s20+$0xFFFFFD00]  }
0x38b: {  	v8 =	vld [tilespmem:s20+$0xFFFFFCE0]  }
0x38c: {  	v9 =	vld [tilespmem:s20+$0xFFFFFCF0]  }
0x38d: {  	v10 =	vld [tilespmem:s20+$0xFFFFFD20]  }
0x38e: {  	v11 =	vld [tilespmem:s20+$0xFFFFFD30]  }
0x38f: {  	v12 =	vld [tilespmem:s20+$0xFFFFFD40]  }
0x390: {  	v13 =	vld [tilespmem:s20+$0xFFFFFD50]  }
0x391: {  	v36 =	vld [tilespmem:s20+$0xFFFFFD70];
	v7 =	vadd.f32 v7, v8;
	v6 =	vadd.f32 v6, v9  }
0x392: {  	v8 =	vld [tilespmem:s20+$0xFFFFFD60]  }
0x393: {  	v37 =	vld [tilespmem:s20+$0xFFFFFD80];
	v7 =	vadd.f32 v10, v7;
	v6 =	vadd.f32 v11, v6  }
0x394: {  	v38 =	vld [tilespmem:s20+$0xFFFFFD90]  }
0x395: {  	v39 =	vld [tilespmem:s20+$0xFFFFFDA0];
	v7 =	vadd.f32 v12, v7;
	v6 =	vadd.f32 v13, v6  }
0x396: {  	v40 =	vld [tilespmem:s20+$0xFFFFFDB0]  }
0x397: {  	v41 =	vld [tilespmem:s20+$0xFFFFFDD0];
	v7 =	vadd.f32 v8, v7;
	v6 =	vadd.f32 v36, v6  }
0x398: {  	v8 =	vld [tilespmem:s20+$0xFFFFFDC0]  }
0x399: {  	v42 =	vld [tilespmem:s20+$0xFFFFFDE0];
	v7 =	vadd.f32 v37, v7;
	v6 =	vadd.f32 v38, v6  }
0x39a: {  	v43 =	vld [tilespmem:s20+$0xFFFFFDF0]  }
0x39b: {  	v44 =	vld [tilespmem:s20+$0xFFFFFE00];
	v7 =	vadd.f32 v39, v7;
	v6 =	vadd.f32 v40, v6  }
0x39c: {  	v45 =	vld [tilespmem:s20+$0xFFFFFE10]  }
0x39d: {  	v46 =	vld [tilespmem:s20+$0xFFFFFE30];
	v7 =	vadd.f32 v8, v7;
	v6 =	vadd.f32 v41, v6  }
0x39e: {  	v8 =	vld [tilespmem:s20+$0xFFFFFE20]  }
0x39f: {  	v47 =	vld [tilespmem:s20+$0xFFFFFE40];
	v7 =	vadd.f32 v42, v7;
	v6 =	vadd.f32 v43, v6  }
0x3a0: {  	v48 =	vld [tilespmem:s20+$0xFFFFFE50]  }
0x3a1: {  	v49 =	vld [tilespmem:s20+$0xFFFFFE60];
	v7 =	vadd.f32 v44, v7;
	v6 =	vadd.f32 v45, v6  }
0x3a2: {  	v50 =	vld [tilespmem:s20+$0xFFFFFE70]  }
0x3a3: {  	v51 =	vld [tilespmem:s20+$0xFFFFFE90];
	v7 =	vadd.f32 v8, v7;
	v6 =	vadd.f32 v46, v6  }
0x3a4: {  	v8 =	vld [tilespmem:s20+$0xFFFFFE80]  }
0x3a5: {  	v52 =	vld [tilespmem:s20+$0xFFFFFEA0];
	v7 =	vadd.f32 v47, v7;
	v6 =	vadd.f32 v48, v6  }
0x3a6: {  	v53 =	vld [tilespmem:s20+$0xFFFFFEB0]  }
0x3a7: {  	v54 =	vld [tilespmem:s20+$0xFFFFFEC0];
	v7 =	vadd.f32 v49, v7;
	v6 =	vadd.f32 v50, v6  }
0x3a8: {  	v55 =	vld [tilespmem:s20+$0xFFFFFED0]  }
0x3a9: {  	v56 =	vld [tilespmem:s20+$0xFFFFFEF0];
	v7 =	vadd.f32 v8, v7;
	v6 =	vadd.f32 v51, v6  }
0x3aa: {  	v8 =	vld [tilespmem:s20+$0xFFFFFEE0]  }
0x3ab: {  	v57 =	vld [tilespmem:s20+$0xFFFFFF00];
	v7 =	vadd.f32 v52, v7;
	v6 =	vadd.f32 v53, v6  }
0x3ac: {  	v58 =	vld [tilespmem:s20+$0xFFFFFF10]  }
0x3ad: {  	v59 =	vld [tilespmem:s20+$0xFFFFFF20];
	v7 =	vadd.f32 v54, v7;
	v6 =	vadd.f32 v55, v6  }
0x3ae: {  	v60 =	vld [tilespmem:s20+$0xFFFFFF30]  }
0x3af: {  	v61 =	vld [tilespmem:s20+$0xFFFFFF50];
	v7 =	vadd.f32 v8, v7;
	v6 =	vadd.f32 v56, v6  }
0x3b0: {  	v8 =	vld [tilespmem:s20+$0xFFFFFF40]  }
0x3b1: {  	v62 =	vld [tilespmem:s20+$0xFFFFFF60];
	v7 =	vadd.f32 v57, v7;
	v6 =	vadd.f32 v58, v6  }
0x3b2: {  	v63 =	vld [tilespmem:s20+$0xFFFFFF70]  }
0x3b3: {  	v16 =	vld [tilespmem:s20+$0xFFFFFF80];
	v7 =	vadd.f32 v59, v7;
	v6 =	vadd.f32 v60, v6  }
0x3b4: {  	v17 =	vld [tilespmem:s20+$0xFFFFFF90]  }
0x3b5: {  	v18 =	vld [tilespmem:s20+$0xFFFFFFB0];
	v7 =	vadd.f32 v8, v7;
	v6 =	vadd.f32 v61, v6  }
0x3b6: {  	v8 =	vld [tilespmem:s20+$0xFFFFFFA0]  }
0x3b7: {  	v19 =	vld [tilespmem:s20+$0xFFFFFFC0];
	v7 =	vadd.f32 v62, v7;
	v6 =	vadd.f32 v63, v6  }
0x3b8: {  	v20 =	vld [tilespmem:s20+$0xFFFFFFD0]  }
0x3b9: {  	v21 =	vld [tilespmem:s20+$0xFFFFFFE0];
	v7 =	vadd.f32 v16, v7;
	v6 =	vadd.f32 v17, v6  }
0x3ba: {  	v22 =	vld [tilespmem:s20+$0xFFFFFFF0]  }
0x3bb: {  	v23 =	vld [tilespmem:s20+$0x10];
	v7 =	vadd.f32 v8, v7;
	v6 =	vadd.f32 v18, v6  }
0x3bc: {  	v8 =	vld [tilespmem:s20+$0x0]  }
0x3bd: {  	v24 =	vld [tilespmem:s20+$0x20];
	v7 =	vadd.f32 v19, v7;
	v6 =	vadd.f32 v20, v6  }
0x3be: {  	v25 =	vld [tilespmem:s20+$0x30]  }
0x3bf: {  	v26 =	vld [tilespmem:s20+$0x40];
	v7 =	vadd.f32 v21, v7;
	v6 =	vadd.f32 v22, v6  }
0x3c0: {  	v27 =	vld [tilespmem:s20+$0x50]  }
0x3c1: {  	v28 =	vld [tilespmem:s20+$0x70];
	v7 =	vadd.f32 v8, v7;
	v6 =	vadd.f32 v23, v6  }
0x3c2: {  	v8 =	vld [tilespmem:s20+$0x60]  }
0x3c3: {  	v29 =	vld [tilespmem:s20+$0x80];
	v7 =	vadd.f32 v24, v7;
	v6 =	vadd.f32 v25, v6  }
0x3c4: {  	v30 =	vld [tilespmem:s20+$0x90]  }
0x3c5: {  	v31 =	vld [tilespmem:s20+$0xA0];
	v7 =	vadd.f32 v26, v7;
	v6 =	vadd.f32 v27, v6  }
0x3c6: {  	v32 =	vld [tilespmem:s20+$0xB0]  }
0x3c7: {  	v33 =	vld [tilespmem:s20+$0xD0];
	v7 =	vadd.f32 v8, v7;
	v6 =	vadd.f32 v28, v6  }
0x3c8: {  	v8 =	vld [tilespmem:s20+$0xC0]  }
0x3c9: {  	v34 =	vld [tilespmem:s20+$0xE0];
	v7 =	vadd.f32 v29, v7;
	v6 =	vadd.f32 v30, v6  }
0x3ca: {  	v35 =	vld [tilespmem:s20+$0xF0]  }
0x3cb: {  	v36 =	vld [tilespmem:s20+$0x100];
	v7 =	vadd.f32 v31, v7;
	v6 =	vadd.f32 v32, v6  }
0x3cc: {  	v37 =	vld [tilespmem:s20+$0x110]  }
0x3cd: {  	v38 =	vld [tilespmem:s20+$0x130];
	v7 =	vadd.f32 v8, v7;
	v6 =	vadd.f32 v33, v6  }
0x3ce: {  	v8 =	vld [tilespmem:s20+$0x120]  }
0x3cf: {  	v39 =	vld [tilespmem:s20+$0x140];
	v7 =	vadd.f32 v34, v7;
	v6 =	vadd.f32 v35, v6  }
0x3d0: {  	v40 =	vld [tilespmem:s20+$0x150]  }
0x3d1: {  	v41 =	vld [tilespmem:s20+$0x160];
	v7 =	vadd.f32 v36, v7;
	v6 =	vadd.f32 v37, v6  }
0x3d2: {  	v42 =	vld [tilespmem:s20+$0x170]  }
0x3d3: {  	v43 =	vld [tilespmem:s20+$0x190];
	v7 =	vadd.f32 v8, v7;
	v6 =	vadd.f32 v38, v6  }
0x3d4: {  	v8 =	vld [tilespmem:s20+$0x180]  }
0x3d5: {  	v44 =	vld [tilespmem:s20+$0x1A0];
	v7 =	vadd.f32 v39, v7;
	v6 =	vadd.f32 v40, v6  }
0x3d6: {  	v45 =	vld [tilespmem:s20+$0x1B0]  }
0x3d7: {  	v46 =	vld [tilespmem:s20+$0x1C0];
	v7 =	vadd.f32 v41, v7;
	v6 =	vadd.f32 v42, v6  }
0x3d8: {  	v47 =	vld [tilespmem:s20+$0x1D0]  }
0x3d9: {  	v48 =	vld [tilespmem:s20+$0x1F0];
	v7 =	vadd.f32 v8, v7;
	v6 =	vadd.f32 v43, v6  }
0x3da: {  	v8 =	vld [tilespmem:s20+$0x1E0]  }
0x3db: {  	v49 =	vld [tilespmem:s20+$0x200];
	v7 =	vadd.f32 v44, v7;
	v6 =	vadd.f32 v45, v6  }
0x3dc: {  	v50 =	vld [tilespmem:s20+$0x210]  }
0x3dd: {  	v51 =	vld [tilespmem:s20+$0x220];
	v7 =	vadd.f32 v46, v7;
	v6 =	vadd.f32 v47, v6  }
0x3de: {  	v52 =	vld [tilespmem:s20+$0x230]  }
0x3df: {  	v53 =	vld [tilespmem:s20+$0x250];
	v7 =	vadd.f32 v8, v7;
	v6 =	vadd.f32 v48, v6  }
0x3e0: {  	v8 =	vld [tilespmem:s20+$0x240]  }
0x3e1: {  	v54 =	vld [tilespmem:s20+$0x260];
	v7 =	vadd.f32 v49, v7;
	v6 =	vadd.f32 v50, v6  }
0x3e2: {  	v55 =	vld [tilespmem:s20+$0x270]  }
0x3e3: {  	v56 =	vld [tilespmem:s20+$0x280];
	v7 =	vadd.f32 v51, v7;
	v6 =	vadd.f32 v52, v6  }
0x3e4: {  	v57 =	vld [tilespmem:s20+$0x290]  }
0x3e5: {  	v58 =	vld [tilespmem:s20+$0x2B0];
	v7 =	vadd.f32 v8, v7;
	v6 =	vadd.f32 v53, v6  }
0x3e6: {  	v8 =	vld [tilespmem:s20+$0x2A0]  }
0x3e7: {  	v59 =	vld [tilespmem:s20+$0x2C0];
	v7 =	vadd.f32 v54, v7;
	v6 =	vadd.f32 v55, v6  }
0x3e8: {  	v60 =	vld [tilespmem:s20+$0x2D0]  }
0x3e9: {  	v61 =	vld [tilespmem:s20+$0x2E0];
	v7 =	vadd.f32 v56, v7;
	v6 =	vadd.f32 v57, v6  }
0x3ea: {  	v62 =	vld [tilespmem:s20+$0x2F0]  }
0x3eb: {  	v63 =	vld [tilespmem:s20+$0x310];
	v7 =	vadd.f32 v8, v7;
	v6 =	vadd.f32 v58, v6  }
0x3ec: {  	v8 =	vld [tilespmem:s20+$0x300]  }
0x3ed: {  	v7 =	vadd.f32 v59, v7;
	v6 =	vadd.f32 v60, v6;
	_ =	sdelay $0x1  }
0x3ee: {  	v7 =	vadd.f32 v61, v7;
	v6 =	vadd.f32 v62, v6;
	_ =	sdelay $0x1  }
0x3ef: {  	v7 =	vadd.f32 v8, v7;
	v6 =	vadd.f32 v63, v6;
	_ =	sdelay $0x1  }
0x3f0: {  	v8 =	vmul.f32 v7, v0;
	v9 =	vmul.f32 v6, v1;
	_ =	sdelay $0x1  }
0x3f1: {  	v8 =	vadd.f32 v9, v8;
	_ =	sdelay $0x1  }
0x3f2: {  	(xrf2) =	vadd.scan.msk.f32 $0xffff, v8  }
0x3f3: {  	v7 =	vmul.f32 v7, v2;
	v6 =	vmul.f32 v6, v3;
	_ =	sdelay $0x1  }
0x3f4: {  	v6 =	vadd.f32 v6, v7;
	_ =	sdelay $0x1  }
0x3f5: {  	(xrf2) =	vadd.scan.msk.f32 $0xffff, v6;
	_ =	sdelay $0x4  }
0x3f6: {  	v6, _, _ =	vpop (xrf2)  }
0x3f7: {  	v6 =	vadd.f32 v6, v5  }
0x3f8: {  	s3 =	simm.s32 $0x0  }
0x3f9: {  	s3 =	sand.u32 $0x1E, s3  }
0x3fa: {  	s26 =	sor.u32 $0x13440, s3  }
0x3fb: {  	s24 =	simm.s32 $0x2;
	s3 =	simm.s32 $0x13441;
	s4 =	simm.s32 $0x13441;
	[tilespmem:s26+$0x0] =	vst.msk vm0, v6;
	v6, _, _ =	vpop (xrf2)  }
.LBB2_10:
0x3fc: {  	p0 =	sne.s32 s24, $0x1E;
	s3 =	sadd.s32 $0x2, s3;
	s20 =	sadd.s32 $0x640, s20  }
0x3fd: {  	v6 =	vadd.f32 v6, v4;
	s6 =	smov.u32 s24;
	s24 =	sadd.s32 $0x2, s24;
	_ =	sdelay $0x1  }
0x3fe: {  	[tilespmem:s4+$0x0] =	vst.msk vm0, v6;
	s4 =	smov.u32 s3  }
0x3ff: {  	v6 =	vld [tilespmem:s20+$0xFFFFFD10]  }
0x400: {  	v7 =	vld [tilespmem:s20+$0xFFFFFD00]  }
0x401: {  	v8 =	vld [tilespmem:s20+$0xFFFFFCE0]  }
0x402: {  	v9 =	vld [tilespmem:s20+$0xFFFFFCF0]  }
0x403: {  	v10 =	vld [tilespmem:s20+$0xFFFFFD20]  }
0x404: {  	v11 =	vld [tilespmem:s20+$0xFFFFFD30]  }
0x405: {  	v12 =	vld [tilespmem:s20+$0xFFFFFD40]  }
0x406: {  	v7 =	vadd.f32 v7, v8;
	v8 =	vld [tilespmem:s20+$0xFFFFFD50]  }
0x407: {  	v6 =	vadd.f32 v6, v9;
	v9 =	vld [tilespmem:s20+$0xFFFFFD60]  }
0x408: {  	v7 =	vadd.f32 v10, v7;
	v10 =	vld [tilespmem:s20+$0xFFFFFD70]  }
0x409: {  	v6 =	vadd.f32 v11, v6;
	v11 =	vld [tilespmem:s20+$0xFFFFFD80]  }
0x40a: {  	v7 =	vadd.f32 v12, v7;
	v12 =	vld [tilespmem:s20+$0xFFFFFD90]  }
0x40b: {  	v6 =	vadd.f32 v8, v6;
	v8 =	vld [tilespmem:s20+$0xFFFFFDA0]  }
0x40c: {  	v7 =	vadd.f32 v9, v7;
	v9 =	vld [tilespmem:s20+$0xFFFFFDB0]  }
0x40d: {  	v6 =	vadd.f32 v10, v6;
	v10 =	vld [tilespmem:s20+$0xFFFFFDC0]  }
0x40e: {  	v7 =	vadd.f32 v11, v7;
	v11 =	vld [tilespmem:s20+$0xFFFFFDD0]  }
0x40f: {  	v6 =	vadd.f32 v12, v6;
	v12 =	vld [tilespmem:s20+$0xFFFFFDE0]  }
0x410: {  	v7 =	vadd.f32 v8, v7;
	v8 =	vld [tilespmem:s20+$0xFFFFFDF0]  }
0x411: {  	v6 =	vadd.f32 v9, v6;
	v9 =	vld [tilespmem:s20+$0xFFFFFE00]  }
0x412: {  	v7 =	vadd.f32 v10, v7;
	v10 =	vld [tilespmem:s20+$0xFFFFFE10]  }
0x413: {  	v6 =	vadd.f32 v11, v6;
	v11 =	vld [tilespmem:s20+$0xFFFFFE20]  }
0x414: {  	v7 =	vadd.f32 v12, v7;
	v12 =	vld [tilespmem:s20+$0xFFFFFE30]  }
0x415: {  	v6 =	vadd.f32 v8, v6;
	v8 =	vld [tilespmem:s20+$0xFFFFFE40]  }
0x416: {  	v7 =	vadd.f32 v9, v7;
	v9 =	vld [tilespmem:s20+$0xFFFFFE50]  }
0x417: {  	v6 =	vadd.f32 v10, v6;
	v10 =	vld [tilespmem:s20+$0xFFFFFE60]  }
0x418: {  	v7 =	vadd.f32 v11, v7;
	v11 =	vld [tilespmem:s20+$0xFFFFFE70]  }
0x419: {  	v6 =	vadd.f32 v12, v6;
	v12 =	vld [tilespmem:s20+$0xFFFFFE80]  }
0x41a: {  	v7 =	vadd.f32 v8, v7;
	v8 =	vld [tilespmem:s20+$0xFFFFFE90]  }
0x41b: {  	v6 =	vadd.f32 v9, v6;
	v9 =	vld [tilespmem:s20+$0xFFFFFEA0]  }
0x41c: {  	v7 =	vadd.f32 v10, v7;
	v10 =	vld [tilespmem:s20+$0xFFFFFEB0]  }
0x41d: {  	v6 =	vadd.f32 v11, v6;
	v11 =	vld [tilespmem:s20+$0xFFFFFEC0]  }
0x41e: {  	v7 =	vadd.f32 v12, v7;
	v12 =	vld [tilespmem:s20+$0xFFFFFED0]  }
0x41f: {  	v6 =	vadd.f32 v8, v6;
	v8 =	vld [tilespmem:s20+$0xFFFFFEE0]  }
0x420: {  	v7 =	vadd.f32 v9, v7;
	v9 =	vld [tilespmem:s20+$0xFFFFFEF0]  }
0x421: {  	v6 =	vadd.f32 v10, v6;
	v10 =	vld [tilespmem:s20+$0xFFFFFF00]  }
0x422: {  	v7 =	vadd.f32 v11, v7;
	v11 =	vld [tilespmem:s20+$0xFFFFFF10]  }
0x423: {  	v6 =	vadd.f32 v12, v6;
	v12 =	vld [tilespmem:s20+$0xFFFFFF20]  }
0x424: {  	v7 =	vadd.f32 v8, v7;
	v8 =	vld [tilespmem:s20+$0xFFFFFF30]  }
0x425: {  	v6 =	vadd.f32 v9, v6;
	v9 =	vld [tilespmem:s20+$0xFFFFFF40]  }
0x426: {  	v7 =	vadd.f32 v10, v7;
	v10 =	vld [tilespmem:s20+$0xFFFFFF50]  }
0x427: {  	v6 =	vadd.f32 v11, v6;
	v11 =	vld [tilespmem:s20+$0xFFFFFF60]  }
0x428: {  	v7 =	vadd.f32 v12, v7;
	v12 =	vld [tilespmem:s20+$0xFFFFFF70]  }
0x429: {  	v6 =	vadd.f32 v8, v6;
	v8 =	vld [tilespmem:s20+$0xFFFFFF80]  }
0x42a: {  	v7 =	vadd.f32 v9, v7;
	v9 =	vld [tilespmem:s20+$0xFFFFFF90]  }
0x42b: {  	v6 =	vadd.f32 v10, v6;
	v10 =	vld [tilespmem:s20+$0xFFFFFFA0]  }
0x42c: {  	v7 =	vadd.f32 v11, v7;
	v11 =	vld [tilespmem:s20+$0xFFFFFFB0]  }
0x42d: {  	v6 =	vadd.f32 v12, v6;
	v12 =	vld [tilespmem:s20+$0xFFFFFFC0]  }
0x42e: {  	v7 =	vadd.f32 v8, v7;
	v8 =	vld [tilespmem:s20+$0xFFFFFFD0]  }
0x42f: {  	v6 =	vadd.f32 v9, v6;
	v9 =	vld [tilespmem:s20+$0xFFFFFFE0]  }
0x430: {  	v7 =	vadd.f32 v10, v7;
	v10 =	vld [tilespmem:s20+$0xFFFFFFF0]  }
0x431: {  	v6 =	vadd.f32 v11, v6;
	v11 =	vld [tilespmem:s20+$0x0]  }
0x432: {  	v7 =	vadd.f32 v12, v7;
	v12 =	vld [tilespmem:s20+$0x10]  }
0x433: {  	v6 =	vadd.f32 v8, v6;
	v8 =	vld [tilespmem:s20+$0x20]  }
0x434: {  	v7 =	vadd.f32 v9, v7;
	v9 =	vld [tilespmem:s20+$0x30]  }
0x435: {  	v6 =	vadd.f32 v10, v6;
	v10 =	vld [tilespmem:s20+$0x40]  }
0x436: {  	v7 =	vadd.f32 v11, v7;
	v11 =	vld [tilespmem:s20+$0x50]  }
0x437: {  	v6 =	vadd.f32 v12, v6;
	v12 =	vld [tilespmem:s20+$0x60]  }
0x438: {  	v7 =	vadd.f32 v8, v7;
	v8 =	vld [tilespmem:s20+$0x70]  }
0x439: {  	v6 =	vadd.f32 v9, v6;
	v9 =	vld [tilespmem:s20+$0x80]  }
0x43a: {  	v7 =	vadd.f32 v10, v7;
	v10 =	vld [tilespmem:s20+$0x90]  }
0x43b: {  	v6 =	vadd.f32 v11, v6;
	v11 =	vld [tilespmem:s20+$0xA0]  }
0x43c: {  	v7 =	vadd.f32 v12, v7;
	v12 =	vld [tilespmem:s20+$0xB0]  }
0x43d: {  	v6 =	vadd.f32 v8, v6;
	v8 =	vld [tilespmem:s20+$0xC0]  }
0x43e: {  	v7 =	vadd.f32 v9, v7;
	v9 =	vld [tilespmem:s20+$0xD0]  }
0x43f: {  	v6 =	vadd.f32 v10, v6;
	v10 =	vld [tilespmem:s20+$0xE0]  }
0x440: {  	v7 =	vadd.f32 v11, v7;
	v11 =	vld [tilespmem:s20+$0xF0]  }
0x441: {  	v6 =	vadd.f32 v12, v6;
	v12 =	vld [tilespmem:s20+$0x100]  }
0x442: {  	v7 =	vadd.f32 v8, v7;
	v8 =	vld [tilespmem:s20+$0x110]  }
0x443: {  	v6 =	vadd.f32 v9, v6;
	v9 =	vld [tilespmem:s20+$0x120]  }
0x444: {  	v7 =	vadd.f32 v10, v7;
	v10 =	vld [tilespmem:s20+$0x130]  }
0x445: {  	v6 =	vadd.f32 v11, v6;
	v11 =	vld [tilespmem:s20+$0x140]  }
0x446: {  	v7 =	vadd.f32 v12, v7;
	v12 =	vld [tilespmem:s20+$0x150]  }
0x447: {  	v6 =	vadd.f32 v8, v6;
	v8 =	vld [tilespmem:s20+$0x160]  }
0x448: {  	v7 =	vadd.f32 v9, v7;
	v9 =	vld [tilespmem:s20+$0x170]  }
0x449: {  	v6 =	vadd.f32 v10, v6;
	v10 =	vld [tilespmem:s20+$0x180]  }
0x44a: {  	v7 =	vadd.f32 v11, v7;
	v11 =	vld [tilespmem:s20+$0x190]  }
0x44b: {  	v6 =	vadd.f32 v12, v6;
	v12 =	vld [tilespmem:s20+$0x1A0]  }
0x44c: {  	v7 =	vadd.f32 v8, v7;
	v8 =	vld [tilespmem:s20+$0x1B0]  }
0x44d: {  	v6 =	vadd.f32 v9, v6;
	v9 =	vld [tilespmem:s20+$0x1C0]  }
0x44e: {  	v7 =	vadd.f32 v10, v7;
	v10 =	vld [tilespmem:s20+$0x1D0]  }
0x44f: {  	v6 =	vadd.f32 v11, v6;
	v11 =	vld [tilespmem:s20+$0x1E0]  }
0x450: {  	v7 =	vadd.f32 v12, v7;
	v12 =	vld [tilespmem:s20+$0x1F0]  }
0x451: {  	v6 =	vadd.f32 v8, v6;
	v8 =	vld [tilespmem:s20+$0x200]  }
0x452: {  	v7 =	vadd.f32 v9, v7;
	v9 =	vld [tilespmem:s20+$0x210]  }
0x453: {  	v6 =	vadd.f32 v10, v6;
	v10 =	vld [tilespmem:s20+$0x220]  }
0x454: {  	v7 =	vadd.f32 v11, v7;
	v11 =	vld [tilespmem:s20+$0x230]  }
0x455: {  	v6 =	vadd.f32 v12, v6;
	v12 =	vld [tilespmem:s20+$0x240]  }
0x456: {  	v7 =	vadd.f32 v8, v7;
	v8 =	vld [tilespmem:s20+$0x250]  }
0x457: {  	v6 =	vadd.f32 v9, v6;
	v9 =	vld [tilespmem:s20+$0x260]  }
0x458: {  	v7 =	vadd.f32 v10, v7;
	v10 =	vld [tilespmem:s20+$0x270]  }
0x459: {  	v6 =	vadd.f32 v11, v6;
	v11 =	vld [tilespmem:s20+$0x280]  }
0x45a: {  	v7 =	vadd.f32 v12, v7;
	v12 =	vld [tilespmem:s20+$0x290]  }
0x45b: {  	v6 =	vadd.f32 v8, v6;
	v8 =	vld [tilespmem:s20+$0x2A0]  }
0x45c: {  	v7 =	vadd.f32 v9, v7;
	v9 =	vld [tilespmem:s20+$0x2B0]  }
0x45d: {  	v6 =	vadd.f32 v10, v6;
	v10 =	vld [tilespmem:s20+$0x2C0]  }
0x45e: {  	v7 =	vadd.f32 v11, v7;
	v11 =	vld [tilespmem:s20+$0x2D0]  }
0x45f: {  	v6 =	vadd.f32 v12, v6;
	v12 =	vld [tilespmem:s20+$0x2E0]  }
0x460: {  	v7 =	vadd.f32 v8, v7;
	v8 =	vld [tilespmem:s20+$0x2F0]  }
0x461: {  	v6 =	vadd.f32 v9, v6;
	v9 =	vld [tilespmem:s20+$0x300]  }
0x462: {  	v7 =	vadd.f32 v10, v7;
	v10 =	vld [tilespmem:s20+$0x310]  }
0x463: {  	v6 =	vadd.f32 v11, v6  }
0x464: {  	v7 =	vadd.f32 v12, v7  }
0x465: {  	v6 =	vadd.f32 v8, v6  }
0x466: {  	v7 =	vadd.f32 v9, v7  }
0x467: {  	v6 =	vadd.f32 v10, v6;
	_ =	sdelay $0x1  }
0x468: {  	v8 =	vmul.f32 v7, v0;
	v9 =	vmul.f32 v6, v1  }
0x469: {  	v7 =	vmul.f32 v7, v2;
	v6 =	vmul.f32 v6, v3  }
0x46a: {  	v8 =	vadd.f32 v9, v8  }
0x46b: {  	v6 =	vadd.f32 v6, v7  }
0x46c: {  	(xrf2) =	vadd.scan.msk.f32 $0xffff, v8;
	_ =	sdelay $0x2  }
0x46d: {  	(xrf2) =	vadd.scan.msk.f32 $0xffff, v6;
	_ =	sdelay $0x5  }
.Ltmp4:
0x46e: {  	(pc) =	sbr.rel @p0 .LBB2_10-.Ltmp4, $4  }
0x46f: {  	v6, _, _ =	vpop (xrf2)  }
0x470: {  	s6 =	sand.u32 $0x1E, s6;
	v7 =	vadd.f32 v6, v5  }
0x471: {  	s6 =	sor.u32 $0x13440, s6  }
0x472: {  	[tilespmem:s6+$0x0] =	vst.msk vm0, v7;
	v6, _, _ =	vpop (xrf2)  }
0x473: {  	v0 =	vadd.f32 v6, v4;
	s22 =	sadd.s32 $0x1, s22  }
0x474: {  	p0 =	sne.s32 s22, s8  }
.Ltmp5:
0x475: {  	s3 =	rddreg [dreg:$0x6];
	s26 =	simm.s32 $0x13060;
	[tilespmem:s4+$0x0] =	vst.msk vm0, v0;
	(pc) =	sbr.rel @p0 .LBB2_1-.Ltmp5, $4  }
0x476: {  	[hbm4b:s3+s2] =	stream.linear.scatter [tilespmem:s26], [sflag:$0x3], $0x400, $0x38;
	[tilespmem:$0x13470] =	vst v63  }
0x477: {  	_ =	swait.ge [sflag:s9], $0x400  }
0x478: {  	[sflag:s9] =	ssyncset.done $0x0  }
0x479: {  	[sflag:s9] =	ssyncadd.s32 $0xFFFFFC00  }
0x47a: {  	_ =	sfence.sel $0x180000  }
0x47b: {  	[bflag:$0x0] =	sbarrier.arrive $0xFFFF  }
0x47c: {  	_ =	strace $0x90000047  }
0x47d: {  	s0 =	stileid.u32;
	[bflag:$0x2] =	sbarrier.arrive $0xFFFF  }
0x47e: {  	p0 =	sne.s32 s0, $0x0;
	s0 =	rddreg [dreg:$0x2]  }
0x47f: {  	s0 =	sadd.s32 @!p0 $0x100000, s0  }
0x480: {  	[sflag:s0] =	ssyncadd.tile.s32 @!p0 $0x1;
	_ =	shalt  }
.Lfunc_end2:
_tile_overlayer_lowered:
.L_overlay_start_2:
0x481: {  	(tag) =	ssettag $0x2  }
0x482: {  	s0 =	rddreg [dreg:$0x0];
	s2 =	stileid.u32  }
0x483: {  	s1 =	rddreg [dreg:$0x1];
	p0 =	sne.s32 s2, $0x0  }
0x484: {  	s3 =	rddreg [dreg:$0x2];
	[bflag:$0x3] =	sbarrier.arrive $0xFFFF;
	s2 =	simm.s32 @!p0 $0x1C03  }
0x485: {  	[timem:s3], [sflag:s2] =	dma.local @!p0 [hbm:s0], s1  }
0x486: {  	s0 =	simm.s32 @!p0 $0x3  }
0x487: {  	_ =	swait.ge @!p0 [sflag:s0], s1  }
0x488: {  	s1 =	ssub.s32 @!p0 $0x0, s1;
	[sflag:s0] =	ssyncset.done @!p0 $0x0  }
0x489: {  	[sflag:s0] =	ssyncadd.s32 @!p0 s1  }
0x48a: {  	[bflag:$0x3] =	sbarrier.arrive $0xFFFF  }
0x48b: {  	_ =	shalt  }

</sc_bundles>
